<compile_context>
chip_gen: v7x
topology: tpu7x:2x2x1
jax: 0.10.2.dev20260603
libtpu: 0.0.44.dev20260713+nightly
codegen_flags: <defaults>
</compile_context>

<pallas_src>
import functools

import jax
import jax.numpy as jnp
from jax import lax
from jax.experimental import pallas as pl
from jax.experimental.pallas import tpu as pltpu
from jax.experimental.pallas import tpu_sc as plsc

B = 16384
V = 1000000
D = 64
DP = 128
NEG = 5

NC = 2
NS = 16
L = 16
NW = NC * NS
NB = B // NW
CH = 16
NCHUNK = NB // CH
KD = D // L


def _sc_scores():
    mesh = plsc.VectorSubcoreMesh(
        core_axis_name="c", subcore_axis_name="s", num_cores=NC, num_subcores=NS
    )

    @functools.partial(
        pl.kernel,
        mesh=mesh,
        compiler_params=pltpu.CompilerParams(needs_layout_passes=False),
        out_type=[
            jax.ShapeDtypeStruct((B,), jnp.float32),
            jax.ShapeDtypeStruct((B * NEG,), jnp.float32),
        ],
        scratch_types=[
            pltpu.VMEM((NB,), jnp.int32),
            pltpu.VMEM((NB,), jnp.int32),
            pltpu.VMEM((NB * NEG,), jnp.int32),
            pltpu.VMEM((CH, DP), jnp.float32),
            pltpu.VMEM((CH, DP), jnp.float32),
            pltpu.VMEM((CH * NEG, DP), jnp.float32),
            pltpu.VMEM((NB,), jnp.float32),
            pltpu.VMEM((NB * NEG,), jnp.float32),
            pltpu.SemaphoreType.DMA,
            pltpu.SemaphoreType.DMA,
            pltpu.SemaphoreType.DMA,
        ],
    )
    def body(pos_w_hbm, pos_v_hbm, neg_hbm, wp_hbm, vp_hbm,
             pos_out_hbm, neg_out_hbm,
             idx_w, idx_v, idx_n, rows_w, rows_v, rows_n,
             pos_buf, neg_buf, sem_w, sem_v, sem_n):
        wid = lax.axis_index("s") * NC + lax.axis_index("c")
        base = wid * NB
        nbase = wid * NB * NEG

        pltpu.sync_copy(pos_w_hbm.at[pl.ds(base, NB)], idx_w)
        pltpu.sync_copy(pos_v_hbm.at[pl.ds(base, NB)], idx_v)
        pltpu.sync_copy(neg_hbm.at[pl.ds(nbase, NB * NEG)], idx_n)

        lane = lax.iota(jnp.int32, 16)

        def chunk(c, _):
            gw = pltpu.async_copy(
                wp_hbm.at[idx_w.at[pl.ds(c * CH, CH)]], rows_w, sem_w)
            gv = pltpu.async_copy(
                vp_hbm.at[idx_v.at[pl.ds(c * CH, CH)]], rows_v, sem_v)
            gn = pltpu.async_copy(
                vp_hbm.at[idx_n.at[pl.ds(c * CH * NEG, CH * NEG)]],
                rows_n, sem_n)
            gw.wait()
            gv.wait()
            gn.wait()

            accp = jnp.zeros((16,), jnp.float32)
            accn = [jnp.zeros((16,), jnp.float32) for _ in range(NEG)]
            for b in range(CH):
                vv = [rows_v[b, pl.ds(k * L, L)] for k in range(KD)]
                p = rows_w[b, pl.ds(0, L)] * vv[0]
                for k in range(1, KD):
                    p = p + rows_w[b, pl.ds(k * L, L)] * vv[k]
                accp = jnp.where(lane == b, jnp.sum(p), accp)
                for n in range(NEG):
                    r = b * NEG + n
                    q = rows_n[r, pl.ds(0, L)] * vv[0]
                    for k in range(1, KD):
                        q = q + rows_n[r, pl.ds(k * L, L)] * vv[k]
                    accn[n] = jnp.where(lane == b, jnp.sum(q), accn[n])

            pos_buf[pl.ds(c * CH, CH)] = accp
            for n in range(NEG):
                neg_buf[pl.ds(n * NB + c * CH, CH)] = accn[n]
            return 0

        lax.fori_loop(0, NCHUNK, chunk, 0)

        pltpu.sync_copy(pos_buf, pos_out_hbm.at[pl.ds(base, NB)])
        pltpu.sync_copy(neg_buf, neg_out_hbm.at[pl.ds(nbase, NB * NEG)])

    return body


_SC_SCORES = _sc_scores()


def _tc_transpad_body(x_ref, o_ref):
    t = x_ref[...].T
    o_ref[:, :D] = t
    o_ref[:, D:] = jnp.zeros_like(t)


def _tc_transpad(tT):
    CB = 4096
    return pl.pallas_call(
        _tc_transpad_body,
        grid=(pl.cdiv(V, CB),),
        in_specs=[pl.BlockSpec((D, CB), lambda c: (0, c))],
        out_specs=pl.BlockSpec((CB, DP), lambda c: (c, 0)),
        out_shape=jax.ShapeDtypeStruct((V, DP), jnp.float32),
    )(tT)


def _tc_loss_body(p_ref, n_ref, o_ref):
    p = p_ref[...]
    n = -n_ref[...]
    lsp = jnp.minimum(p, 0.0) - jnp.log1p(jnp.exp(-jnp.abs(p)))
    lsn = jnp.minimum(n, 0.0) - jnp.log1p(jnp.exp(-jnp.abs(n)))
    o_ref[0, 0] = -(jnp.sum(lsp) + jnp.sum(lsn))


def kernel(pos_w, pos_v, neg_v, w_emb, v_emb):
    pos_w = pos_w.astype(jnp.int32)
    pos_v = pos_v.astype(jnp.int32)
    neg_flat = neg_v.reshape(-1).astype(jnp.int32)
    wp = jnp.pad(w_emb, ((0, 0), (0, DP - D)))
    vp = _tc_transpad(v_emb.T)

    pos_raw, neg_raw = _SC_SCORES(pos_w, pos_v, neg_flat, wp, vp)

    loss = pl.pallas_call(
        _tc_loss_body,
        out_shape=jax.ShapeDtypeStruct((1, 1), jnp.float32),
        out_specs=pl.BlockSpec(memory_space=pltpu.SMEM),
    )(pos_raw.reshape(B // 128, 128), neg_raw.reshape(B * NEG // 128, 128))
    return loss[0, 0]

# --- scband reference (transcript-rebuilt; emitter-appended) ---
"""Pipeline reference for scband-skip-gram-model-63196148793608 (READ-ONLY COPY).

The authoritative reference and input builder live on the scoring server;
editing this copy changes nothing except your own understanding.
"""

import jax, jax.numpy as jnp
import numpy as np

B = 16384
V = 1000000
D = 64
NEG = 5

def setup_inputs(seed: int = 0) -> dict:
    key = jax.random.key(seed)
    k1, k2, k3, k4, k5 = jax.random.split(key, 5)
    pos_w = jax.random.randint(k1, (B,), 0, V)
    pos_v = jax.random.randint(k2, (B,), 0, V)
    neg_v = jax.random.randint(k3, (B, NEG), 0, V)
    init_range = 0.5 / D
    w_emb = jax.random.uniform(k4, (V, D), minval=-init_range, maxval=init_range, dtype=jnp.float32)
    # torch init is zeros for v_embeddings; use small uniform so numerics/grads are nontrivial
    v_emb = jax.random.uniform(k5, (V, D), minval=-init_range, maxval=init_range, dtype=jnp.float32)
    return {"pos_w": pos_w, "pos_v": pos_v, "neg_v": neg_v, "w_emb": w_emb, "v_emb": v_emb}

def reference(pos_w, pos_v, neg_v, w_emb, v_emb):
    # gather embeddings (SparseCore-style lookups)
    emb_w = jnp.take(w_emb, pos_w, axis=0)          # [B, D]
    emb_v = jnp.take(v_emb, pos_v, axis=0)          # [B, D]
    neg_emb_v = jnp.take(v_emb, neg_v, axis=0)      # [B, NEG, D]
    # positive score
    score = jnp.sum(emb_w * emb_v, axis=1)          # [B]
    score = jax.nn.log_sigmoid(score)
    # negative score: bmm([B,NEG,D], [B,D,1]) -> [B,NEG]
    neg_score = jnp.einsum('bnd,bd->bn', neg_emb_v, emb_v)
    neg_score = jax.nn.log_sigmoid(-1.0 * neg_score)
    loss = -1.0 * (jnp.sum(score) + jnp.sum(neg_score))
    return loss

if __name__ == "__main__":
    import jax
    _d = setup_inputs()
    print(jax.jit(kernel)(*tuple(_d.values())))

</pallas_src>

<mosaic_0001>
#map = affine_map<(d0, d1) -> (0)>
#map1 = affine_map<(d0, d1) -> (0, 0)>
module attributes {stable_mosaic.version = 14 : i64} {
  func.func @body(%arg0: i32, %arg1: i32, %arg2: memref<16384xi32, #tpu.memory_space<hbm>>, %arg3: memref<16384xi32, #tpu.memory_space<hbm>>, %arg4: memref<81920xi32, #tpu.memory_space<hbm>>, %arg5: memref<1000000x128xf32, #tpu.memory_space<hbm>>, %arg6: memref<1000000x128xf32, #tpu.memory_space<hbm>>, %arg7: memref<16384xf32, #tpu.memory_space<hbm>>, %arg8: memref<81920xf32, #tpu.memory_space<hbm>>, %arg9: memref<512xi32, #tpu.memory_space<vmem>>, %arg10: memref<512xi32, #tpu.memory_space<vmem>>, %arg11: memref<2560xi32, #tpu.memory_space<vmem>>, %arg12: memref<16x128xf32, #tpu.memory_space<vmem>>, %arg13: memref<16x128xf32, #tpu.memory_space<vmem>>, %arg14: memref<80x128xf32, #tpu.memory_space<vmem>>, %arg15: memref<512xf32, #tpu.memory_space<vmem>>, %arg16: memref<2560xf32, #tpu.memory_space<vmem>>, %arg17: memref<!tpu.dma_semaphore, #tpu.memory_space<semaphore_mem>>, %arg18: memref<!tpu.dma_semaphore, #tpu.memory_space<semaphore_mem>>, %arg19: memref<!tpu.dma_semaphore, #tpu.memory_space<semaphore_mem>>) attributes {dimension_semantics = [#tpu.dimension_semantics<core_parallel>, #tpu.dimension_semantics<subcore_parallel>], iteration_bounds = array<i64: 2, 16>, scalar_prefetch = 0 : i64, scratch_operands = 11 : i64, tpu.core_type = #tpu.core_type<sc_vector_subcore>, window_params = [{transform_indices = #map}, {transform_indices = #map}, {transform_indices = #map}, {transform_indices = #map1}, {transform_indices = #map1}, {transform_indices = #map}, {transform_indices = #map}]} {
    %mul3A = arith.constant 2 : i32
    %mul3A_0 = arith.muli %arg1, %mul3A : i32
    %add3A = arith.addi %mul3A_0, %arg0 : i32
    %mul3A_1 = arith.constant 512 : i32
    %mul3A_2 = arith.muli %add3A, %mul3A_1 : i32
    %mul3A_3 = arith.constant 512 : i32
    %mul3A_4 = arith.muli %add3A, %mul3A_3 : i32
    %mul3A_5 = arith.constant 5 : i32
    %mul3A_6 = arith.muli %mul3A_4, %mul3A_5 : i32
    "tpu.region"() ({
      %run_scoped3A = tpu.sem_alloc : memref<!tpu.dma_semaphore, #tpu.memory_space<semaphore_mem>>
      %dma_start3A = tpu.memref_slice %arg2[%mul3A_2] : memref<16384xi32, #tpu.memory_space<hbm>> -> memref<512xi32, #tpu.memory_space<hbm>>
      %dma_start3A_13 = tpu.memref_slice %arg2[%mul3A_2] : memref<16384xi32, #tpu.memory_space<hbm>> -> memref<512xi32, #tpu.memory_space<hbm>>
      tpu.enqueue_dma source(%dma_start3A_13 : memref<512xi32, #tpu.memory_space<hbm>>) target(%arg9 : memref<512xi32, #tpu.memory_space<vmem>>) target_semaphore(%run_scoped3A : memref<!tpu.dma_semaphore, #tpu.memory_space<semaphore_mem>>)
      %dma_wait3A = tpu.memref_slice %arg2[%mul3A_2] : memref<16384xi32, #tpu.memory_space<hbm>> -> memref<512xi32, #tpu.memory_space<hbm>>
      %dma_wait3A_14 = tpu.memref_slice %arg2[%mul3A_2] : memref<16384xi32, #tpu.memory_space<hbm>> -> memref<512xi32, #tpu.memory_space<hbm>>
      tpu.wait_dma2 semaphore(%run_scoped3A : memref<!tpu.dma_semaphore, #tpu.memory_space<semaphore_mem>>) src(%dma_wait3A_14 : memref<512xi32, #tpu.memory_space<hbm>>) dst(%arg9 : memref<512xi32, #tpu.memory_space<vmem>>)
      tpu.yield
    }) : () -> ()
    "tpu.region"() ({
      %run_scoped3A = tpu.sem_alloc : memref<!tpu.dma_semaphore, #tpu.memory_space<semaphore_mem>>
      %dma_start3A = tpu.memref_slice %arg3[%mul3A_2] : memref<16384xi32, #tpu.memory_space<hbm>> -> memref<512xi32, #tpu.memory_space<hbm>>
      %dma_start3A_13 = tpu.memref_slice %arg3[%mul3A_2] : memref<16384xi32, #tpu.memory_space<hbm>> -> memref<512xi32, #tpu.memory_space<hbm>>
      tpu.enqueue_dma source(%dma_start3A_13 : memref<512xi32, #tpu.memory_space<hbm>>) target(%arg10 : memref<512xi32, #tpu.memory_space<vmem>>) target_semaphore(%run_scoped3A : memref<!tpu.dma_semaphore, #tpu.memory_space<semaphore_mem>>)
      %dma_wait3A = tpu.memref_slice %arg3[%mul3A_2] : memref<16384xi32, #tpu.memory_space<hbm>> -> memref<512xi32, #tpu.memory_space<hbm>>
      %dma_wait3A_14 = tpu.memref_slice %arg3[%mul3A_2] : memref<16384xi32, #tpu.memory_space<hbm>> -> memref<512xi32, #tpu.memory_space<hbm>>
      tpu.wait_dma2 semaphore(%run_scoped3A : memref<!tpu.dma_semaphore, #tpu.memory_space<semaphore_mem>>) src(%dma_wait3A_14 : memref<512xi32, #tpu.memory_space<hbm>>) dst(%arg10 : memref<512xi32, #tpu.memory_space<vmem>>)
      tpu.yield
    }) : () -> ()
    "tpu.region"() ({
      %run_scoped3A = tpu.sem_alloc : memref<!tpu.dma_semaphore, #tpu.memory_space<semaphore_mem>>
      %dma_start3A = tpu.memref_slice %arg4[%mul3A_6] : memref<81920xi32, #tpu.memory_space<hbm>> -> memref<2560xi32, #tpu.memory_space<hbm>>
      %dma_start3A_13 = tpu.memref_slice %arg4[%mul3A_6] : memref<81920xi32, #tpu.memory_space<hbm>> -> memref<2560xi32, #tpu.memory_space<hbm>>
      tpu.enqueue_dma source(%dma_start3A_13 : memref<2560xi32, #tpu.memory_space<hbm>>) target(%arg11 : memref<2560xi32, #tpu.memory_space<vmem>>) target_semaphore(%run_scoped3A : memref<!tpu.dma_semaphore, #tpu.memory_space<semaphore_mem>>)
      %dma_wait3A = tpu.memref_slice %arg4[%mul3A_6] : memref<81920xi32, #tpu.memory_space<hbm>> -> memref<2560xi32, #tpu.memory_space<hbm>>
      %dma_wait3A_14 = tpu.memref_slice %arg4[%mul3A_6] : memref<81920xi32, #tpu.memory_space<hbm>> -> memref<2560xi32, #tpu.memory_space<hbm>>
      tpu.wait_dma2 semaphore(%run_scoped3A : memref<!tpu.dma_semaphore, #tpu.memory_space<semaphore_mem>>) src(%dma_wait3A_14 : memref<2560xi32, #tpu.memory_space<hbm>>) dst(%arg11 : memref<2560xi32, #tpu.memory_space<vmem>>)
      tpu.yield
    }) : () -> ()
    %iota3A = tpu.iota {dimensions = array<i32: 0>} : vector<16xi32>
    %scan3A = arith.constant 0 : i32
    %scan3A_7 = arith.constant 0 : i32
    %scan3A_8 = arith.constant 32 : i32
    %scan3A_9 = arith.addi %scan3A_7, %scan3A_8 : i32
    %scan3A_10 = arith.constant 1 : i32
    %scan3A_11 = scf.for %scan3A_13 = %scan3A_7 to %scan3A_9 step %scan3A_10 iter_args(%scan3A_14 = %scan3A) -> (i32)  : i32 {
      %mul3A_15 = arith.constant 16 : i32
      %mul3A_16 = arith.muli %scan3A_13, %mul3A_15 : i32
      %dma_start3A = tpu.memref_slice %arg9[%mul3A_16] : memref<512xi32, #tpu.memory_space<vmem>> -> memref<16xi32, #tpu.memory_space<vmem>>
      %dma_start3A_17 = arith.constant 0 : i32
      %dma_start3A_18 = arith.constant 0 : i32
      %dma_start3A_19 = tpu.memref_slice %arg5[%dma_start3A_17, %dma_start3A_18] : memref<1000000x128xf32, #tpu.memory_space<hbm>> -> memref<1000000x128xf32, #tpu.memory_space<hbm>>
      tpu.enqueue_indirect_dma source(%dma_start3A_19 : memref<1000000x128xf32, #tpu.memory_space<hbm>>) target(%arg12 : memref<16x128xf32, #tpu.memory_space<vmem>>) offsets(%dma_start3A : memref<16xi32, #tpu.memory_space<vmem>>) semaphore(%arg17 : memref<!tpu.dma_semaphore, #tpu.memory_space<semaphore_mem>>)
      %mul3A_20 = arith.constant 16 : i32
      %mul3A_21 = arith.muli %scan3A_13, %mul3A_20 : i32
      %dma_start3A_22 = tpu.memref_slice %arg10[%mul3A_21] : memref<512xi32, #tpu.memory_space<vmem>> -> memref<16xi32, #tpu.memory_space<vmem>>
      %dma_start3A_23 = arith.constant 0 : i32
      %dma_start3A_24 = arith.constant 0 : i32
      %dma_start3A_25 = tpu.memref_slice %arg6[%dma_start3A_23, %dma_start3A_24] : memref<1000000x128xf32, #tpu.memory_space<hbm>> -> memref<1000000x128xf32, #tpu.memory_space<hbm>>
      tpu.enqueue_indirect_dma source(%dma_start3A_25 : memref<1000000x128xf32, #tpu.memory_space<hbm>>) target(%arg13 : memref<16x128xf32, #tpu.memory_space<vmem>>) offsets(%dma_start3A_22 : memref<16xi32, #tpu.memory_space<vmem>>) semaphore(%arg18 : memref<!tpu.dma_semaphore, #tpu.memory_space<semaphore_mem>>)
      %mul3A_26 = arith.constant 16 : i32
      %mul3A_27 = arith.muli %scan3A_13, %mul3A_26 : i32
      %mul3A_28 = arith.constant 5 : i32
      %mul3A_29 = arith.muli %mul3A_27, %mul3A_28 : i32
      %dma_start3A_30 = tpu.memref_slice %arg11[%mul3A_29] : memref<2560xi32, #tpu.memory_space<vmem>> -> memref<80xi32, #tpu.memory_space<vmem>>
      %dma_start3A_31 = arith.constant 0 : i32
      %dma_start3A_32 = arith.constant 0 : i32
      %dma_start3A_33 = tpu.memref_slice %arg6[%dma_start3A_31, %dma_start3A_32] : memref<1000000x128xf32, #tpu.memory_space<hbm>> -> memref<1000000x128xf32, #tpu.memory_space<hbm>>
      tpu.enqueue_indirect_dma source(%dma_start3A_33 : memref<1000000x128xf32, #tpu.memory_space<hbm>>) target(%arg14 : memref<80x128xf32, #tpu.memory_space<vmem>>) offsets(%dma_start3A_30 : memref<80xi32, #tpu.memory_space<vmem>>) semaphore(%arg19 : memref<!tpu.dma_semaphore, #tpu.memory_space<semaphore_mem>>)
      %dma_wait3A = tpu.memref_slice %arg9[%mul3A_16] : memref<512xi32, #tpu.memory_space<vmem>> -> memref<16xi32, #tpu.memory_space<vmem>>
      %dma_wait3A_34 = arith.constant 0 : i32
      %dma_wait3A_35 = arith.constant 0 : i32
      %dma_wait3A_36 = tpu.memref_slice %arg5[%dma_wait3A_34, %dma_wait3A_35] : memref<1000000x128xf32, #tpu.memory_space<hbm>> -> memref<1000000x128xf32, #tpu.memory_space<hbm>>
      tpu.wait_indirect_dma semaphore(%arg17 : memref<!tpu.dma_semaphore, #tpu.memory_space<semaphore_mem>>) src(%dma_wait3A_36 : memref<1000000x128xf32, #tpu.memory_space<hbm>>) dst(%arg12 : memref<16x128xf32, #tpu.memory_space<vmem>>)
      %dma_wait3A_37 = tpu.memref_slice %arg10[%mul3A_21] : memref<512xi32, #tpu.memory_space<vmem>> -> memref<16xi32, #tpu.memory_space<vmem>>
      %dma_wait3A_38 = arith.constant 0 : i32
      %dma_wait3A_39 = arith.constant 0 : i32
      %dma_wait3A_40 = tpu.memref_slice %arg6[%dma_wait3A_38, %dma_wait3A_39] : memref<1000000x128xf32, #tpu.memory_space<hbm>> -> memref<1000000x128xf32, #tpu.memory_space<hbm>>
      tpu.wait_indirect_dma semaphore(%arg18 : memref<!tpu.dma_semaphore, #tpu.memory_space<semaphore_mem>>) src(%dma_wait3A_40 : memref<1000000x128xf32, #tpu.memory_space<hbm>>) dst(%arg13 : memref<16x128xf32, #tpu.memory_space<vmem>>)
      %dma_wait3A_41 = tpu.memref_slice %arg11[%mul3A_29] : memref<2560xi32, #tpu.memory_space<vmem>> -> memref<80xi32, #tpu.memory_space<vmem>>
      %dma_wait3A_42 = arith.constant 0 : i32
      %dma_wait3A_43 = arith.constant 0 : i32
      %dma_wait3A_44 = tpu.memref_slice %arg6[%dma_wait3A_42, %dma_wait3A_43] : memref<1000000x128xf32, #tpu.memory_space<hbm>> -> memref<1000000x128xf32, #tpu.memory_space<hbm>>
      tpu.wait_indirect_dma semaphore(%arg19 : memref<!tpu.dma_semaphore, #tpu.memory_space<semaphore_mem>>) src(%dma_wait3A_44 : memref<1000000x128xf32, #tpu.memory_space<hbm>>) dst(%arg14 : memref<80x128xf32, #tpu.memory_space<vmem>>)
      %broadcast_in_dim3A = arith.constant 0.000000e+00 : f32
      %broadcast_in_dim3A_45 = vector.broadcast %broadcast_in_dim3A : f32 to vector<16xf32>
      %broadcast_in_dim3A_46 = arith.constant 0.000000e+00 : f32
      %broadcast_in_dim3A_47 = vector.broadcast %broadcast_in_dim3A_46 : f32 to vector<16xf32>
      %broadcast_in_dim3A_48 = arith.constant 0.000000e+00 : f32
      %broadcast_in_dim3A_49 = vector.broadcast %broadcast_in_dim3A_48 : f32 to vector<16xf32>
      %broadcast_in_dim3A_50 = arith.constant 0.000000e+00 : f32
      %broadcast_in_dim3A_51 = vector.broadcast %broadcast_in_dim3A_50 : f32 to vector<16xf32>
      %broadcast_in_dim3A_52 = arith.constant 0.000000e+00 : f32
      %broadcast_in_dim3A_53 = vector.broadcast %broadcast_in_dim3A_52 : f32 to vector<16xf32>
      %broadcast_in_dim3A_54 = arith.constant 0.000000e+00 : f32
      %broadcast_in_dim3A_55 = vector.broadcast %broadcast_in_dim3A_54 : f32 to vector<16xf32>
      %get3A = arith.constant 0 : i32
      %get3A_56 = arith.index_cast %get3A : i32 to index
      %get3A_57 = arith.constant 0 : index
      %get3A_58 = tpu.vector_load %arg13[%get3A_56, %get3A_57] {strides = array<i32>} : memref<16x128xf32, #tpu.memory_space<vmem>>, vector<16xf32>,
      %get3A_59 = arith.constant 0 : i32
      %get3A_60 = arith.index_cast %get3A_59 : i32 to index
      %get3A_61 = arith.constant 16 : index
      %get3A_62 = tpu.vector_load %arg13[%get3A_60, %get3A_61] {strides = array<i32>} : memref<16x128xf32, #tpu.memory_space<vmem>>, vector<16xf32>,
      %get3A_63 = arith.constant 0 : i32
      %get3A_64 = arith.index_cast %get3A_63 : i32 to index
      %get3A_65 = arith.constant 32 : index
      %get3A_66 = tpu.vector_load %arg13[%get3A_64, %get3A_65] {strides = array<i32>} : memref<16x128xf32, #tpu.memory_space<vmem>>, vector<16xf32>,
      %get3A_67 = arith.constant 0 : i32
      %get3A_68 = arith.index_cast %get3A_67 : i32 to index
      %get3A_69 = arith.constant 48 : index
      %get3A_70 = tpu.vector_load %arg13[%get3A_68, %get3A_69] {strides = array<i32>} : memref<16x128xf32, #tpu.memory_space<vmem>>, vector<16xf32>,
      %get3A_71 = arith.constant 0 : i32
      %get3A_72 = arith.index_cast %get3A_71 : i32 to index
      %get3A_73 = arith.constant 0 : index
      %get3A_74 = tpu.vector_load %arg12[%get3A_72, %get3A_73] {strides = array<i32>} : memref<16x128xf32, #tpu.memory_space<vmem>>, vector<16xf32>,
      %mul3A_75 = arith.mulf %get3A_74, %get3A_58 : vector<16xf32>
      %get3A_76 = arith.constant 0 : i32
      %get3A_77 = arith.index_cast %get3A_76 : i32 to index
      %get3A_78 = arith.constant 16 : index
      %get3A_79 = tpu.vector_load %arg12[%get3A_77, %get3A_78] {strides = array<i32>} : memref<16x128xf32, #tpu.memory_space<vmem>>, vector<16xf32>,
      %mul3A_80 = arith.mulf %get3A_79, %get3A_62 : vector<16xf32>
      %add3A_81 = arith.addf %mul3A_75, %mul3A_80 : vector<16xf32>
      %get3A_82 = arith.constant 0 : i32
      %get3A_83 = arith.index_cast %get3A_82 : i32 to index
      %get3A_84 = arith.constant 32 : index
      %get3A_85 = tpu.vector_load %arg12[%get3A_83, %get3A_84] {strides = array<i32>} : memref<16x128xf32, #tpu.memory_space<vmem>>, vector<16xf32>,
      %mul3A_86 = arith.mulf %get3A_85, %get3A_66 : vector<16xf32>
      %add3A_87 = arith.addf %add3A_81, %mul3A_86 : vector<16xf32>
      %get3A_88 = arith.constant 0 : i32
      %get3A_89 = arith.index_cast %get3A_88 : i32 to index
      %get3A_90 = arith.constant 48 : index
      %get3A_91 = tpu.vector_load %arg12[%get3A_89, %get3A_90] {strides = array<i32>} : memref<16x128xf32, #tpu.memory_space<vmem>>, vector<16xf32>,
      %mul3A_92 = arith.mulf %get3A_91, %get3A_70 : vector<16xf32>
      %add3A_93 = arith.addf %add3A_87, %mul3A_92 : vector<16xf32>
      %eq3A = arith.constant 0 : i32
      %eq3A_94 = vector.broadcast %eq3A : i32 to vector<16xi32>
      %eq3A_95 = arith.cmpi eq, %iota3A, %eq3A_94 : vector<16xi32>
      %reduce_sum3A = arith.constant true
      %reduce_sum3A_96 = vector.broadcast %reduce_sum3A : i1 to vector<16xi1>
      %reduce_sum3A_97 = tpu.scan <sum>, %add3A_93 masked %reduce_sum3A_96 : vector<16xf32>, vector<16xi1> -> vector<16xf32>
      %reduce_sum3A_98 = vector.extract %reduce_sum3A_97[15] : f32 from vector<16xf32>
      %broadcast_in_dim3A_99 = vector.broadcast %reduce_sum3A_98 : f32 to vector<16xf32>
      %select_n3A = arith.select %eq3A_95, %broadcast_in_dim3A_99, %broadcast_in_dim3A_45 : vector<16xi1>, vector<16xf32>
      %get3A_100 = arith.constant 0 : i32
      %get3A_101 = arith.index_cast %get3A_100 : i32 to index
      %get3A_102 = arith.constant 0 : index
      %get3A_103 = tpu.vector_load %arg14[%get3A_101, %get3A_102] {strides = array<i32>} : memref<80x128xf32, #tpu.memory_space<vmem>>, vector<16xf32>,
      %mul3A_104 = arith.mulf %get3A_103, %get3A_58 : vector<16xf32>
      %get3A_105 = arith.constant 0 : i32
      %get3A_106 = arith.index_cast %get3A_105 : i32 to index
      %get3A_107 = arith.constant 16 : index
      %get3A_108 = tpu.vector_load %arg14[%get3A_106, %get3A_107] {strides = array<i32>} : memref<80x128xf32, #tpu.memory_space<vmem>>, vector<16xf32>,
      %mul3A_109 = arith.mulf %get3A_108, %get3A_62 : vector<16xf32>
      %add3A_110 = arith.addf %mul3A_104, %mul3A_109 : vector<16xf32>
      %get3A_111 = arith.constant 0 : i32
      %get3A_112 = arith.index_cast %get3A_111 : i32 to index
      %get3A_113 = arith.constant 32 : index
      %get3A_114 = tpu.vector_load %arg14[%get3A_112, %get3A_113] {strides = array<i32>} : memref<80x128xf32, #tpu.memory_space<vmem>>, vector<16xf32>,
      %mul3A_115 = arith.mulf %get3A_114, %get3A_66 : vector<16xf32>
      %add3A_116 = arith.addf %add3A_110, %mul3A_115 : vector<16xf32>
      %get3A_117 = arith.constant 0 : i32
      %get3A_118 = arith.index_cast %get3A_117 : i32 to index
      %get3A_119 = arith.constant 48 : index
      %get3A_120 = tpu.vector_load %arg14[%get3A_118, %get3A_119] {strides = array<i32>} : memref<80x128xf32, #tpu.memory_space<vmem>>, vector<16xf32>,
      %mul3A_121 = arith.mulf %get3A_120, %get3A_70 : vector<16xf32>
      %add3A_122 = arith.addf %add3A_116, %mul3A_121 : vector<16xf32>
      %eq3A_123 = arith.constant 0 : i32
      %eq3A_124 = vector.broadcast %eq3A_123 : i32 to vector<16xi32>
      %eq3A_125 = arith.cmpi eq, %iota3A, %eq3A_124 : vector<16xi32>
      %reduce_sum3A_126 = arith.constant true
      %reduce_sum3A_127 = vector.broadcast %reduce_sum3A_126 : i1 to vector<16xi1>
      %reduce_sum3A_128 = tpu.scan <sum>, %add3A_122 masked %reduce_sum3A_127 : vector<16xf32>, vector<16xi1> -> vector<16xf32>
      %reduce_sum3A_129 = vector.extract %reduce_sum3A_128[15] : f32 from vector<16xf32>
      %broadcast_in_dim3A_130 = vector.broadcast %reduce_sum3A_129 : f32 to vector<16xf32>
      %select_n3A_131 = arith.select %eq3A_125, %broadcast_in_dim3A_130, %broadcast_in_dim3A_47 : vector<16xi1>, vector<16xf32>
      %get3A_132 = arith.constant 1 : i32
      %get3A_133 = arith.index_cast %get3A_132 : i32 to index
      %get3A_134 = arith.constant 0 : index
      %get3A_135 = tpu.vector_load %arg14[%get3A_133, %get3A_134] {strides = array<i32>} : memref<80x128xf32, #tpu.memory_space<vmem>>, vector<16xf32>,
      %mul3A_136 = arith.mulf %get3A_135, %get3A_58 : vector<16xf32>
      %get3A_137 = arith.constant 1 : i32
      %get3A_138 = arith.index_cast %get3A_137 : i32 to index
      %get3A_139 = arith.constant 16 : index
      %get3A_140 = tpu.vector_load %arg14[%get3A_138, %get3A_139] {strides = array<i32>} : memref<80x128xf32, #tpu.memory_space<vmem>>, vector<16xf32>,
      %mul3A_141 = arith.mulf %get3A_140, %get3A_62 : vector<16xf32>
      %add3A_142 = arith.addf %mul3A_136, %mul3A_141 : vector<16xf32>
      %get3A_143 = arith.constant 1 : i32
      %get3A_144 = arith.index_cast %get3A_143 : i32 to index
      %get3A_145 = arith.constant 32 : index
      %get3A_146 = tpu.vector_load %arg14[%get3A_144, %get3A_145] {strides = array<i32>} : memref<80x128xf32, #tpu.memory_space<vmem>>, vector<16xf32>,
      %mul3A_147 = arith.mulf %get3A_146, %get3A_66 : vector<16xf32>
      %add3A_148 = arith.addf %add3A_142, %mul3A_147 : vector<16xf32>
      %get3A_149 = arith.constant 1 : i32
      %get3A_150 = arith.index_cast %get3A_149 : i32 to index
      %get3A_151 = arith.constant 48 : index
      %get3A_152 = tpu.vector_load %arg14[%get3A_150, %get3A_151] {strides = array<i32>} : memref<80x128xf32, #tpu.memory_space<vmem>>, vector<16xf32>,
      %mul3A_153 = arith.mulf %get3A_152, %get3A_70 : vector<16xf32>
      %add3A_154 = arith.addf %add3A_148, %mul3A_153 : vector<16xf32>
      %eq3A_155 = arith.constant 0 : i32
      %eq3A_156 = vector.broadcast %eq3A_155 : i32 to vector<16xi32>
      %eq3A_157 = arith.cmpi eq, %iota3A, %eq3A_156 : vector<16xi32>
      %reduce_sum3A_158 = arith.constant true
      %reduce_sum3A_159 = vector.broadcast %reduce_sum3A_158 : i1 to vector<16xi1>
      %reduce_sum3A_160 = tpu.scan <sum>, %add3A_154 masked %reduce_sum3A_159 : vector<16xf32>, vector<16xi1> -> vector<16xf32>
      %reduce_sum3A_161 = vector.extract %reduce_sum3A_160[15] : f32 from vector<16xf32>
      %broadcast_in_dim3A_162 = vector.broadcast %reduce_sum3A_161 : f32 to vector<16xf32>
      %select_n3A_163 = arith.select %eq3A_157, %broadcast_in_dim3A_162, %broadcast_in_dim3A_49 : vector<16xi1>, vector<16xf32>
      %get3A_164 = arith.constant 2 : i32
      %get3A_165 = arith.index_cast %get3A_164 : i32 to index
      %get3A_166 = arith.constant 0 : index
      %get3A_167 = tpu.vector_load %arg14[%get3A_165, %get3A_166] {strides = array<i32>} : memref<80x128xf32, #tpu.memory_space<vmem>>, vector<16xf32>,
      %mul3A_168 = arith.mulf %get3A_167, %get3A_58 : vector<16xf32>
      %get3A_169 = arith.constant 2 : i32
      %get3A_170 = arith.index_cast %get3A_169 : i32 to index
      %get3A_171 = arith.constant 16 : index
      %get3A_172 = tpu.vector_load %arg14[%get3A_170, %get3A_171] {strides = array<i32>} : memref<80x128xf32, #tpu.memory_space<vmem>>, vector<16xf32>,
      %mul3A_173 = arith.mulf %get3A_172, %get3A_62 : vector<16xf32>
      %add3A_174 = arith.addf %mul3A_168, %mul3A_173 : vector<16xf32>
      %get3A_175 = arith.constant 2 : i32
      %get3A_176 = arith.index_cast %get3A_175 : i32 to index
      %get3A_177 = arith.constant 32 : index
      %get3A_178 = tpu.vector_load %arg14[%get3A_176, %get3A_177] {strides = array<i32>} : memref<80x128xf32, #tpu.memory_space<vmem>>, vector<16xf32>,
      %mul3A_179 = arith.mulf %get3A_178, %get3A_66 : vector<16xf32>
      %add3A_180 = arith.addf %add3A_174, %mul3A_179 : vector<16xf32>
      %get3A_181 = arith.constant 2 : i32
      %get3A_182 = arith.index_cast %get3A_181 : i32 to index
      %get3A_183 = arith.constant 48 : index
      %get3A_184 = tpu.vector_load %arg14[%get3A_182, %get3A_183] {strides = array<i32>} : memref<80x128xf32, #tpu.memory_space<vmem>>, vector<16xf32>,
      %mul3A_185 = arith.mulf %get3A_184, %get3A_70 : vector<16xf32>
      %add3A_186 = arith.addf %add3A_180, %mul3A_185 : vector<16xf32>
      %eq3A_187 = arith.constant 0 : i32
      %eq3A_188 = vector.broadcast %eq3A_187 : i32 to vector<16xi32>
      %eq3A_189 = arith.cmpi eq, %iota3A, %eq3A_188 : vector<16xi32>
      %reduce_sum3A_190 = arith.constant true
      %reduce_sum3A_191 = vector.broadcast %reduce_sum3A_190 : i1 to vector<16xi1>
      %reduce_sum3A_192 = tpu.scan <sum>, %add3A_186 masked %reduce_sum3A_191 : vector<16xf32>, vector<16xi1> -> vector<16xf32>
      %reduce_sum3A_193 = vector.extract %reduce_sum3A_192[15] : f32 from vector<16xf32>
      %broadcast_in_dim3A_194 = vector.broadcast %reduce_sum3A_193 : f32 to vector<16xf32>
      %select_n3A_195 = arith.select %eq3A_189, %broadcast_in_dim3A_194, %broadcast_in_dim3A_51 : vector<16xi1>, vector<16xf32>
      %get3A_196 = arith.constant 3 : i32
      %get3A_197 = arith.index_cast %get3A_196 : i32 to index
      %get3A_198 = arith.constant 0 : index
      %get3A_199 = tpu.vector_load %arg14[%get3A_197, %get3A_198] {strides = array<i32>} : memref<80x128xf32, #tpu.memory_space<vmem>>, vector<16xf32>,
      %mul3A_200 = arith.mulf %get3A_199, %get3A_58 : vector<16xf32>
      %get3A_201 = arith.constant 3 : i32
      %get3A_202 = arith.index_cast %get3A_201 : i32 to index
      %get3A_203 = arith.constant 16 : index
      %get3A_204 = tpu.vector_load %arg14[%get3A_202, %get3A_203] {strides = array<i32>} : memref<80x128xf32, #tpu.memory_space<vmem>>, vector<16xf32>,
      %mul3A_205 = arith.mulf %get3A_204, %get3A_62 : vector<16xf32>
      %add3A_206 = arith.addf %mul3A_200, %mul3A_205 : vector<16xf32>
      %get3A_207 = arith.constant 3 : i32
      %get3A_208 = arith.index_cast %get3A_207 : i32 to index
      %get3A_209 = arith.constant 32 : index
      %get3A_210 = tpu.vector_load %arg14[%get3A_208, %get3A_209] {strides = array<i32>} : memref<80x128xf32, #tpu.memory_space<vmem>>, vector<16xf32>,
      %mul3A_211 = arith.mulf %get3A_210, %get3A_66 : vector<16xf32>
      %add3A_212 = arith.addf %add3A_206, %mul3A_211 : vector<16xf32>
      %get3A_213 = arith.constant 3 : i32
      %get3A_214 = arith.index_cast %get3A_213 : i32 to index
      %get3A_215 = arith.constant 48 : index
      %get3A_216 = tpu.vector_load %arg14[%get3A_214, %get3A_215] {strides = array<i32>} : memref<80x128xf32, #tpu.memory_space<vmem>>, vector<16xf32>,
      %mul3A_217 = arith.mulf %get3A_216, %get3A_70 : vector<16xf32>
      %add3A_218 = arith.addf %add3A_212, %mul3A_217 : vector<16xf32>
      %eq3A_219 = arith.constant 0 : i32
      %eq3A_220 = vector.broadcast %eq3A_219 : i32 to vector<16xi32>
      %eq3A_221 = arith.cmpi eq, %iota3A, %eq3A_220 : vector<16xi32>
      %reduce_sum3A_222 = arith.constant true
      %reduce_sum3A_223 = vector.broadcast %reduce_sum3A_222 : i1 to vector<16xi1>
      %reduce_sum3A_224 = tpu.scan <sum>, %add3A_218 masked %reduce_sum3A_223 : vector<16xf32>, vector<16xi1> -> vector<16xf32>
      %reduce_sum3A_225 = vector.extract %reduce_sum3A_224[15] : f32 from vector<16xf32>
      %broadcast_in_dim3A_226 = vector.broadcast %reduce_sum3A_225 : f32 to vector<16xf32>
      %select_n3A_227 = arith.select %eq3A_221, %broadcast_in_dim3A_226, %broadcast_in_dim3A_53 : vector<16xi1>, vector<16xf32>
      %get3A_228 = arith.constant 4 : i32
      %get3A_229 = arith.index_cast %get3A_228 : i32 to index
      %get3A_230 = arith.constant 0 : index
      %get3A_231 = tpu.vector_load %arg14[%get3A_229, %get3A_230] {strides = array<i32>} : memref<80x128xf32, #tpu.memory_space<vmem>>, vector<16xf32>,
      %mul3A_232 = arith.mulf %get3A_231, %get3A_58 : vector<16xf32>
      %get3A_233 = arith.constant 4 : i32
      %get3A_234 = arith.index_cast %get3A_233 : i32 to index
      %get3A_235 = arith.constant 16 : index
      %get3A_236 = tpu.vector_load %arg14[%get3A_234, %get3A_235] {strides = array<i32>} : memref<80x128xf32, #tpu.memory_space<vmem>>, vector<16xf32>,
      %mul3A_237 = arith.mulf %get3A_236, %get3A_62 : vector<16xf32>
      %add3A_238 = arith.addf %mul3A_232, %mul3A_237 : vector<16xf32>
      %get3A_239 = arith.constant 4 : i32
      %get3A_240 = arith.index_cast %get3A_239 : i32 to index
      %get3A_241 = arith.constant 32 : index
      %get3A_242 = tpu.vector_load %arg14[%get3A_240, %get3A_241] {strides = array<i32>} : memref<80x128xf32, #tpu.memory_space<vmem>>, vector<16xf32>,
      %mul3A_243 = arith.mulf %get3A_242, %get3A_66 : vector<16xf32>
      %add3A_244 = arith.addf %add3A_238, %mul3A_243 : vector<16xf32>
      %get3A_245 = arith.constant 4 : i32
      %get3A_246 = arith.index_cast %get3A_245 : i32 to index
      %get3A_247 = arith.constant 48 : index
      %get3A_248 = tpu.vector_load %arg14[%get3A_246, %get3A_247] {strides = array<i32>} : memref<80x128xf32, #tpu.memory_space<vmem>>, vector<16xf32>,
      %mul3A_249 = arith.mulf %get3A_248, %get3A_70 : vector<16xf32>
      %add3A_250 = arith.addf %add3A_244, %mul3A_249 : vector<16xf32>
      %eq3A_251 = arith.constant 0 : i32
      %eq3A_252 = vector.broadcast %eq3A_251 : i32 to vector<16xi32>
      %eq3A_253 = arith.cmpi eq, %iota3A, %eq3A_252 : vector<16xi32>
      %reduce_sum3A_254 = arith.constant true
      %reduce_sum3A_255 = vector.broadcast %reduce_sum3A_254 : i1 to vector<16xi1>
      %reduce_sum3A_256 = tpu.scan <sum>, %add3A_250 masked %reduce_sum3A_255 : vector<16xf32>, vector<16xi1> -> vector<16xf32>
      %reduce_sum3A_257 = vector.extract %reduce_sum3A_256[15] : f32 from vector<16xf32>
      %broadcast_in_dim3A_258 = vector.broadcast %reduce_sum3A_257 : f32 to vector<16xf32>
      %select_n3A_259 = arith.select %eq3A_253, %broadcast_in_dim3A_258, %broadcast_in_dim3A_55 : vector<16xi1>, vector<16xf32>
      %get3A_260 = arith.constant 1 : i32
      %get3A_261 = arith.index_cast %get3A_260 : i32 to index
      %get3A_262 = arith.constant 0 : index
      %get3A_263 = tpu.vector_load %arg13[%get3A_261, %get3A_262] {strides = array<i32>} : memref<16x128xf32, #tpu.memory_space<vmem>>, vector<16xf32>,
      %get3A_264 = arith.constant 1 : i32
      %get3A_265 = arith.index_cast %get3A_264 : i32 to index
      %get3A_266 = arith.constant 16 : index
      %get3A_267 = tpu.vector_load %arg13[%get3A_265, %get3A_266] {strides = array<i32>} : memref<16x128xf32, #tpu.memory_space<vmem>>, vector<16xf32>,
      %get3A_268 = arith.constant 1 : i32
      %get3A_269 = arith.index_cast %get3A_268 : i32 to index
      %get3A_270 = arith.constant 32 : index
      %get3A_271 = tpu.vector_load %arg13[%get3A_269, %get3A_270] {strides = array<i32>} : memref<16x128xf32, #tpu.memory_space<vmem>>, vector<16xf32>,
      %get3A_272 = arith.constant 1 : i32
      %get3A_273 = arith.index_cast %get3A_272 : i32 to index
      %get3A_274 = arith.constant 48 : index
      %get3A_275 = tpu.vector_load %arg13[%get3A_273, %get3A_274] {strides = array<i32>} : memref<16x128xf32, #tpu.memory_space<vmem>>, vector<16xf32>,
      %get3A_276 = arith.constant 1 : i32
      %get3A_277 = arith.index_cast %get3A_276 : i32 to index
      %get3A_278 = arith.constant 0 : index
      %get3A_279 = tpu.vector_load %arg12[%get3A_277, %get3A_278] {strides = array<i32>} : memref<16x128xf32, #tpu.memory_space<vmem>>, vector<16xf32>,
      %mul3A_280 = arith.mulf %get3A_279, %get3A_263 : vector<16xf32>
      %get3A_281 = arith.constant 1 : i32
      %get3A_282 = arith.index_cast %get3A_281 : i32 to index
      %get3A_283 = arith.constant 16 : index
      %get3A_284 = tpu.vector_load %arg12[%get3A_282, %get3A_283] {strides = array<i32>} : memref<16x128xf32, #tpu.memory_space<vmem>>, vector<16xf32>,
      %mul3A_285 = arith.mulf %get3A_284, %get3A_267 : vector<16xf32>
      %add3A_286 = arith.addf %mul3A_280, %mul3A_285 : vector<16xf32>
      %get3A_287 = arith.constant 1 : i32
      %get3A_288 = arith.index_cast %get3A_287 : i32 to index
      %get3A_289 = arith.constant 32 : index
      %get3A_290 = tpu.vector_load %arg12[%get3A_288, %get3A_289] {strides = array<i32>} : memref<16x128xf32, #tpu.memory_space<vmem>>, vector<16xf32>,
      %mul3A_291 = arith.mulf %get3A_290, %get3A_271 : vector<16xf32>
      %add3A_292 = arith.addf %add3A_286, %mul3A_291 : vector<16xf32>
      %get3A_293 = arith.constant 1 : i32
      %get3A_294 = arith.index_cast %get3A_293 : i32 to index
      %get3A_295 = arith.constant 48 : index
      %get3A_296 = tpu.vector_load %arg12[%get3A_294, %get3A_295] {strides = array<i32>} : memref<16x128xf32, #tpu.memory_space<vmem>>, vector<16xf32>,
      %mul3A_297 = arith.mulf %get3A_296, %get3A_275 : vector<16xf32>
      %add3A_298 = arith.addf %add3A_292, %mul3A_297 : vector<16xf32>
      %eq3A_299 = arith.constant 1 : i32
      %eq3A_300 = vector.broadcast %eq3A_299 : i32 to vector<16xi32>
      %eq3A_301 = arith.cmpi eq, %iota3A, %eq3A_300 : vector<16xi32>
      %reduce_sum3A_302 = arith.constant true
      %reduce_sum3A_303 = vector.broadcast %reduce_sum3A_302 : i1 to vector<16xi1>
      %reduce_sum3A_304 = tpu.scan <sum>, %add3A_298 masked %reduce_sum3A_303 : vector<16xf32>, vector<16xi1> -> vector<16xf32>
      %reduce_sum3A_305 = vector.extract %reduce_sum3A_304[15] : f32 from vector<16xf32>
      %broadcast_in_dim3A_306 = vector.broadcast %reduce_sum3A_305 : f32 to vector<16xf32>
      %select_n3A_307 = arith.select %eq3A_301, %broadcast_in_dim3A_306, %select_n3A : vector<16xi1>, vector<16xf32>
      %get3A_308 = arith.constant 5 : i32
      %get3A_309 = arith.index_cast %get3A_308 : i32 to index
      %get3A_310 = arith.constant 0 : index
      %get3A_311 = tpu.vector_load %arg14[%get3A_309, %get3A_310] {strides = array<i32>} : memref<80x128xf32, #tpu.memory_space<vmem>>, vector<16xf32>,
      %mul3A_312 = arith.mulf %get3A_311, %get3A_263 : vector<16xf32>
      %get3A_313 = arith.constant 5 : i32
      %get3A_314 = arith.index_cast %get3A_313 : i32 to index
      %get3A_315 = arith.constant 16 : index
      %get3A_316 = tpu.vector_load %arg14[%get3A_314, %get3A_315] {strides = array<i32>} : memref<80x128xf32, #tpu.memory_space<vmem>>, vector<16xf32>,
      %mul3A_317 = arith.mulf %get3A_316, %get3A_267 : vector<16xf32>
      %add3A_318 = arith.addf %mul3A_312, %mul3A_317 : vector<16xf32>
      %get3A_319 = arith.constant 5 : i32
      %get3A_320 = arith.index_cast %get3A_319 : i32 to index
      %get3A_321 = arith.constant 32 : index
      %get3A_322 = tpu.vector_load %arg14[%get3A_320, %get3A_321] {strides = array<i32>} : memref<80x128xf32, #tpu.memory_space<vmem>>, vector<16xf32>,
      %mul3A_323 = arith.mulf %get3A_322, %get3A_271 : vector<16xf32>
      %add3A_324 = arith.addf %add3A_318, %mul3A_323 : vector<16xf32>
      %get3A_325 = arith.constant 5 : i32
      %get3A_326 = arith.index_cast %get3A_325 : i32 to index
      %get3A_327 = arith.constant 48 : index
      %get3A_328 = tpu.vector_load %arg14[%get3A_326, %get3A_327] {strides = array<i32>} : memref<80x128xf32, #tpu.memory_space<vmem>>, vector<16xf32>,
      %mul3A_329 = arith.mulf %get3A_328, %get3A_275 : vector<16xf32>
      %add3A_330 = arith.addf %add3A_324, %mul3A_329 : vector<16xf32>
      %eq3A_331 = arith.constant 1 : i32
      %eq3A_332 = vector.broadcast %eq3A_331 : i32 to vector<16xi32>
      %eq3A_333 = arith.cmpi eq, %iota3A, %eq3A_332 : vector<16xi32>
      %reduce_sum3A_334 = arith.constant true
      %reduce_sum3A_335 = vector.broadcast %reduce_sum3A_334 : i1 to vector<16xi1>
      %reduce_sum3A_336 = tpu.scan <sum>, %add3A_330 masked %reduce_sum3A_335 : vector<16xf32>, vector<16xi1> -> vector<16xf32>
      %reduce_sum3A_337 = vector.extract %reduce_sum3A_336[15] : f32 from vector<16xf32>
      %broadcast_in_dim3A_338 = vector.broadcast %reduce_sum3A_337 : f32 to vector<16xf32>
      %select_n3A_339 = arith.select %eq3A_333, %broadcast_in_dim3A_338, %select_n3A_131 : vector<16xi1>, vector<16xf32>
      %get3A_340 = arith.constant 6 : i32
      %get3A_341 = arith.index_cast %get3A_340 : i32 to index
      %get3A_342 = arith.constant 0 : index
      %get3A_343 = tpu.vector_load %arg14[%get3A_341, %get3A_342] {strides = array<i32>} : memref<80x128xf32, #tpu.memory_space<vmem>>, vector<16xf32>,
      %mul3A_344 = arith.mulf %get3A_343, %get3A_263 : vector<16xf32>
      %get3A_345 = arith.constant 6 : i32
      %get3A_346 = arith.index_cast %get3A_345 : i32 to index
      %get3A_347 = arith.constant 16 : index
      %get3A_348 = tpu.vector_load %arg14[%get3A_346, %get3A_347] {strides = array<i32>} : memref<80x128xf32, #tpu.memory_space<vmem>>, vector<16xf32>,
      %mul3A_349 = arith.mulf %get3A_348, %get3A_267 : vector<16xf32>
      %add3A_350 = arith.addf %mul3A_344, %mul3A_349 : vector<16xf32>
      %get3A_351 = arith.constant 6 : i32
      %get3A_352 = arith.index_cast %get3A_351 : i32 to index
      %get3A_353 = arith.constant 32 : index
      %get3A_354 = tpu.vector_load %arg14[%get3A_352, %get3A_353] {strides = array<i32>} : memref<80x128xf32, #tpu.memory_space<vmem>>, vector<16xf32>,
      %mul3A_355 = arith.mulf %get3A_354, %get3A_271 : vector<16xf32>
      %add3A_356 = arith.addf %add3A_350, %mul3A_355 : vector<16xf32>
      %get3A_357 = arith.constant 6 : i32
      %get3A_358 = arith.index_cast %get3A_357 : i32 to index
      %get3A_359 = arith.constant 48 : index
      %get3A_360 = tpu.vector_load %arg14[%get3A_358, %get3A_359] {strides = array<i32>} : memref<80x128xf32, #tpu.memory_space<vmem>>, vector<16xf32>,
      %mul3A_361 = arith.mulf %get3A_360, %get3A_275 : vector<16xf32>
      %add3A_362 = arith.addf %add3A_356, %mul3A_361 : vector<16xf32>
      %eq3A_363 = arith.constant 1 : i32
      %eq3A_364 = vector.broadcast %eq3A_363 : i32 to vector<16xi32>
      %eq3A_365 = arith.cmpi eq, %iota3A, %eq3A_364 : vector<16xi32>
      %reduce_sum3A_366 = arith.constant true
      %reduce_sum3A_367 = vector.broadcast %reduce_sum3A_366 : i1 to vector<16xi1>
      %reduce_sum3A_368 = tpu.scan <sum>, %add3A_362 masked %reduce_sum3A_367 : vector<16xf32>, vector<16xi1> -> vector<16xf32>
      %reduce_sum3A_369 = vector.extract %reduce_sum3A_368[15] : f32 from vector<16xf32>
      %broadcast_in_dim3A_370 = vector.broadcast %reduce_sum3A_369 : f32 to vector<16xf32>
      %select_n3A_371 = arith.select %eq3A_365, %broadcast_in_dim3A_370, %select_n3A_163 : vector<16xi1>, vector<16xf32>
      %get3A_372 = arith.constant 7 : i32
      %get3A_373 = arith.index_cast %get3A_372 : i32 to index
      %get3A_374 = arith.constant 0 : index
      %get3A_375 = tpu.vector_load %arg14[%get3A_373, %get3A_374] {strides = array<i32>} : memref<80x128xf32, #tpu.memory_space<vmem>>, vector<16xf32>,
      %mul3A_376 = arith.mulf %get3A_375, %get3A_263 : vector<16xf32>
      %get3A_377 = arith.constant 7 : i32
      %get3A_378 = arith.index_cast %get3A_377 : i32 to index
      %get3A_379 = arith.constant 16 : index
      %get3A_380 = tpu.vector_load %arg14[%get3A_378, %get3A_379] {strides = array<i32>} : memref<80x128xf32, #tpu.memory_space<vmem>>, vector<16xf32>,
      %mul3A_381 = arith.mulf %get3A_380, %get3A_267 : vector<16xf32>
      %add3A_382 = arith.addf %mul3A_376, %mul3A_381 : vector<16xf32>
      %get3A_383 = arith.constant 7 : i32
      %get3A_384 = arith.index_cast %get3A_383 : i32 to index
      %get3A_385 = arith.constant 32 : index
      %get3A_386 = tpu.vector_load %arg14[%get3A_384, %get3A_385] {strides = array<i32>} : memref<80x128xf32, #tpu.memory_space<vmem>>, vector<16xf32>,
      %mul3A_387 = arith.mulf %get3A_386, %get3A_271 : vector<16xf32>
      %add3A_388 = arith.addf %add3A_382, %mul3A_387 : vector<16xf32>
      %get3A_389 = arith.constant 7 : i32
      %get3A_390 = arith.index_cast %get3A_389 : i32 to index
      %get3A_391 = arith.constant 48 : index
      %get3A_392 = tpu.vector_load %arg14[%get3A_390, %get3A_391] {strides = array<i32>} : memref<80x128xf32, #tpu.memory_space<vmem>>, vector<16xf32>,
      %mul3A_393 = arith.mulf %get3A_392, %get3A_275 : vector<16xf32>
      %add3A_394 = arith.addf %add3A_388, %mul3A_393 : vector<16xf32>
      %eq3A_395 = arith.constant 1 : i32
      %eq3A_396 = vector.broadcast %eq3A_395 : i32 to vector<16xi32>
      %eq3A_397 = arith.cmpi eq, %iota3A, %eq3A_396 : vector<16xi32>
      %reduce_sum3A_398 = arith.constant true
      %reduce_sum3A_399 = vector.broadcast %reduce_sum3A_398 : i1 to vector<16xi1>
      %reduce_sum3A_400 = tpu.scan <sum>, %add3A_394 masked %reduce_sum3A_399 : vector<16xf32>, vector<16xi1> -> vector<16xf32>
      %reduce_sum3A_401 = vector.extract %reduce_sum3A_400[15] : f32 from vector<16xf32>
      %broadcast_in_dim3A_402 = vector.broadcast %reduce_sum3A_401 : f32 to vector<16xf32>
      %select_n3A_403 = arith.select %eq3A_397, %broadcast_in_dim3A_402, %select_n3A_195 : vector<16xi1>, vector<16xf32>
      %get3A_404 = arith.constant 8 : i32
      %get3A_405 = arith.index_cast %get3A_404 : i32 to index
      %get3A_406 = arith.constant 0 : index
      %get3A_407 = tpu.vector_load %arg14[%get3A_405, %get3A_406] {strides = array<i32>} : memref<80x128xf32, #tpu.memory_space<vmem>>, vector<16xf32>,
      %mul3A_408 = arith.mulf %get3A_407, %get3A_263 : vector<16xf32>
      %get3A_409 = arith.constant 8 : i32
      %get3A_410 = arith.index_cast %get3A_409 : i32 to index
      %get3A_411 = arith.constant 16 : index
      %get3A_412 = tpu.vector_load %arg14[%get3A_410, %get3A_411] {strides = array<i32>} : memref<80x128xf32, #tpu.memory_space<vmem>>, vector<16xf32>,
      %mul3A_413 = arith.mulf %get3A_412, %get3A_267 : vector<16xf32>
      %add3A_414 = arith.addf %mul3A_408, %mul3A_413 : vector<16xf32>
      %get3A_415 = arith.constant 8 : i32
      %get3A_416 = arith.index_cast %get3A_415 : i32 to index
      %get3A_417 = arith.constant 32 : index
      %get3A_418 = tpu.vector_load %arg14[%get3A_416, %get3A_417] {strides = array<i32>} : memref<80x128xf32, #tpu.memory_space<vmem>>, vector<16xf32>,
      %mul3A_419 = arith.mulf %get3A_418, %get3A_271 : vector<16xf32>
      %add3A_420 = arith.addf %add3A_414, %mul3A_419 : vector<16xf32>
      %get3A_421 = arith.constant 8 : i32
      %get3A_422 = arith.index_cast %get3A_421 : i32 to index
      %get3A_423 = arith.constant 48 : index
      %get3A_424 = tpu.vector_load %arg14[%get3A_422, %get3A_423] {strides = array<i32>} : memref<80x128xf32, #tpu.memory_space<vmem>>, vector<16xf32>,
      %mul3A_425 = arith.mulf %get3A_424, %get3A_275 : vector<16xf32>
      %add3A_426 = arith.addf %add3A_420, %mul3A_425 : vector<16xf32>
      %eq3A_427 = arith.constant 1 : i32
      %eq3A_428 = vector.broadcast %eq3A_427 : i32 to vector<16xi32>
      %eq3A_429 = arith.cmpi eq, %iota3A, %eq3A_428 : vector<16xi32>
      %reduce_sum3A_430 = arith.constant true
      %reduce_sum3A_431 = vector.broadcast %reduce_sum3A_430 : i1 to vector<16xi1>
      %reduce_sum3A_432 = tpu.scan <sum>, %add3A_426 masked %reduce_sum3A_431 : vector<16xf32>, vector<16xi1> -> vector<16xf32>
      %reduce_sum3A_433 = vector.extract %reduce_sum3A_432[15] : f32 from vector<16xf32>
      %broadcast_in_dim3A_434 = vector.broadcast %reduce_sum3A_433 : f32 to vector<16xf32>
      %select_n3A_435 = arith.select %eq3A_429, %broadcast_in_dim3A_434, %select_n3A_227 : vector<16xi1>, vector<16xf32>
      %get3A_436 = arith.constant 9 : i32
      %get3A_437 = arith.index_cast %get3A_436 : i32 to index
      %get3A_438 = arith.constant 0 : index
      %get3A_439 = tpu.vector_load %arg14[%get3A_437, %get3A_438] {strides = array<i32>} : memref<80x128xf32, #tpu.memory_space<vmem>>, vector<16xf32>,
      %mul3A_440 = arith.mulf %get3A_439, %get3A_263 : vector<16xf32>
      %get3A_441 = arith.constant 9 : i32
      %get3A_442 = arith.index_cast %get3A_441 : i32 to index
      %get3A_443 = arith.constant 16 : index
      %get3A_444 = tpu.vector_load %arg14[%get3A_442, %get3A_443] {strides = array<i32>} : memref<80x128xf32, #tpu.memory_space<vmem>>, vector<16xf32>,
      %mul3A_445 = arith.mulf %get3A_444, %get3A_267 : vector<16xf32>
      %add3A_446 = arith.addf %mul3A_440, %mul3A_445 : vector<16xf32>
      %get3A_447 = arith.constant 9 : i32
      %get3A_448 = arith.index_cast %get3A_447 : i32 to index
      %get3A_449 = arith.constant 32 : index
      %get3A_450 = tpu.vector_load %arg14[%get3A_448, %get3A_449] {strides = array<i32>} : memref<80x128xf32, #tpu.memory_space<vmem>>, vector<16xf32>,
      %mul3A_451 = arith.mulf %get3A_450, %get3A_271 : vector<16xf32>
      %add3A_452 = arith.addf %add3A_446, %mul3A_451 : vector<16xf32>
      %get3A_453 = arith.constant 9 : i32
      %get3A_454 = arith.index_cast %get3A_453 : i32 to index
      %get3A_455 = arith.constant 48 : index
      %get3A_456 = tpu.vector_load %arg14[%get3A_454, %get3A_455] {strides = array<i32>} : memref<80x128xf32, #tpu.memory_space<vmem>>, vector<16xf32>,
      %mul3A_457 = arith.mulf %get3A_456, %get3A_275 : vector<16xf32>
      %add3A_458 = arith.addf %add3A_452, %mul3A_457 : vector<16xf32>
      %eq3A_459 = arith.constant 1 : i32
      %eq3A_460 = vector.broadcast %eq3A_459 : i32 to vector<16xi32>
      %eq3A_461 = arith.cmpi eq, %iota3A, %eq3A_460 : vector<16xi32>
      %reduce_sum3A_462 = arith.constant true
      %reduce_sum3A_463 = vector.broadcast %reduce_sum3A_462 : i1 to vector<16xi1>
      %reduce_sum3A_464 = tpu.scan <sum>, %add3A_458 masked %reduce_sum3A_463 : vector<16xf32>, vector<16xi1> -> vector<16xf32>
      %reduce_sum3A_465 = vector.extract %reduce_sum3A_464[15] : f32 from vector<16xf32>
      %broadcast_in_dim3A_466 = vector.broadcast %reduce_sum3A_465 : f32 to vector<16xf32>
      %select_n3A_467 = arith.select %eq3A_461, %broadcast_in_dim3A_466, %select_n3A_259 : vector<16xi1>, vector<16xf32>
      %get3A_468 = arith.constant 2 : i32
      %get3A_469 = arith.index_cast %get3A_468 : i32 to index
      %get3A_470 = arith.constant 0 : index
      %get3A_471 = tpu.vector_load %arg13[%get3A_469, %get3A_470] {strides = array<i32>} : memref<16x128xf32, #tpu.memory_space<vmem>>, vector<16xf32>,
      %get3A_472 = arith.constant 2 : i32
      %get3A_473 = arith.index_cast %get3A_472 : i32 to index
      %get3A_474 = arith.constant 16 : index
      %get3A_475 = tpu.vector_load %arg13[%get3A_473, %get3A_474] {strides = array<i32>} : memref<16x128xf32, #tpu.memory_space<vmem>>, vector<16xf32>,
      %get3A_476 = arith.constant 2 : i32
      %get3A_477 = arith.index_cast %get3A_476 : i32 to index
      %get3A_478 = arith.constant 32 : index
      %get3A_479 = tpu.vector_load %arg13[%get3A_477, %get3A_478] {strides = array<i32>} : memref<16x128xf32, #tpu.memory_space<vmem>>, vector<16xf32>,
      %get3A_480 = arith.constant 2 : i32
      %get3A_481 = arith.index_cast %get3A_480 : i32 to index
      %get3A_482 = arith.constant 48 : index
      %get3A_483 = tpu.vector_load %arg13[%get3A_481, %get3A_482] {strides = array<i32>} : memref<16x128xf32, #tpu.memory_space<vmem>>, vector<16xf32>,
      %get3A_484 = arith.constant 2 : i32
      %get3A_485 = arith.index_cast %get3A_484 : i32 to index
      %get3A_486 = arith.constant 0 : index
      %get3A_487 = tpu.vector_load %arg12[%get3A_485, %get3A_486] {strides = array<i32>} : memref<16x128xf32, #tpu.memory_space<vmem>>, vector<16xf32>,
      %mul3A_488 = arith.mulf %get3A_487, %get3A_471 : vector<16xf32>
      %get3A_489 = arith.constant 2 : i32
      %get3A_490 = arith.index_cast %get3A_489 : i32 to index
      %get3A_491 = arith.constant 16 : index
      %get3A_492 = tpu.vector_load %arg12[%get3A_490, %get3A_491] {strides = array<i32>} : memref<16x128xf32, #tpu.memory_space<vmem>>, vector<16xf32>,
      %mul3A_493 = arith.mulf %get3A_492, %get3A_475 : vector<16xf32>
      %add3A_494 = arith.addf %mul3A_488, %mul3A_493 : vector<16xf32>
      %get3A_495 = arith.constant 2 : i32
      %get3A_496 = arith.index_cast %get3A_495 : i32 to index
      %get3A_497 = arith.constant 32 : index
      %get3A_498 = tpu.vector_load %arg12[%get3A_496, %get3A_497] {strides = array<i32>} : memref<16x128xf32, #tpu.memory_space<vmem>>, vector<16xf32>,
      %mul3A_499 = arith.mulf %get3A_498, %get3A_479 : vector<16xf32>
      %add3A_500 = arith.addf %add3A_494, %mul3A_499 : vector<16xf32>
      %get3A_501 = arith.constant 2 : i32
      %get3A_502 = arith.index_cast %get3A_501 : i32 to index
      %get3A_503 = arith.constant 48 : index
      %get3A_504 = tpu.vector_load %arg12[%get3A_502, %get3A_503] {strides = array<i32>} : memref<16x128xf32, #tpu.memory_space<vmem>>, vector<16xf32>,
      %mul3A_505 = arith.mulf %get3A_504, %get3A_483 : vector<16xf32>
      %add3A_506 = arith.addf %add3A_500, %mul3A_505 : vector<16xf32>
      %eq3A_507 = arith.constant 2 : i32
      %eq3A_508 = vector.broadcast %eq3A_507 : i32 to vector<16xi32>
      %eq3A_509 = arith.cmpi eq, %iota3A, %eq3A_508 : vector<16xi32>
      %reduce_sum3A_510 = arith.constant true
      %reduce_sum3A_511 = vector.broadcast %reduce_sum3A_510 : i1 to vector<16xi1>
      %reduce_sum3A_512 = tpu.scan <sum>, %add3A_506 masked %reduce_sum3A_511 : vector<16xf32>, vector<16xi1> -> vector<16xf32>
      %reduce_sum3A_513 = vector.extract %reduce_sum3A_512[15] : f32 from vector<16xf32>
      %broadcast_in_dim3A_514 = vector.broadcast %reduce_sum3A_513 : f32 to vector<16xf32>
      %select_n3A_515 = arith.select %eq3A_509, %broadcast_in_dim3A_514, %select_n3A_307 : vector<16xi1>, vector<16xf32>
      %get3A_516 = arith.constant 10 : i32
      %get3A_517 = arith.index_cast %get3A_516 : i32 to index
      %get3A_518 = arith.constant 0 : index
      %get3A_519 = tpu.vector_load %arg14[%get3A_517, %get3A_518] {strides = array<i32>} : memref<80x128xf32, #tpu.memory_space<vmem>>, vector<16xf32>,
      %mul3A_520 = arith.mulf %get3A_519, %get3A_471 : vector<16xf32>
      %get3A_521 = arith.constant 10 : i32
      %get3A_522 = arith.index_cast %get3A_521 : i32 to index
      %get3A_523 = arith.constant 16 : index
      %get3A_524 = tpu.vector_load %arg14[%get3A_522, %get3A_523] {strides = array<i32>} : memref<80x128xf32, #tpu.memory_space<vmem>>, vector<16xf32>,
      %mul3A_525 = arith.mulf %get3A_524, %get3A_475 : vector<16xf32>
      %add3A_526 = arith.addf %mul3A_520, %mul3A_525 : vector<16xf32>
      %get3A_527 = arith.constant 10 : i32
      %get3A_528 = arith.index_cast %get3A_527 : i32 to index
      %get3A_529 = arith.constant 32 : index
      %get3A_530 = tpu.vector_load %arg14[%get3A_528, %get3A_529] {strides = array<i32>} : memref<80x128xf32, #tpu.memory_space<vmem>>, vector<16xf32>,
      %mul3A_531 = arith.mulf %get3A_530, %get3A_479 : vector<16xf32>
      %add3A_532 = arith.addf %add3A_526, %mul3A_531 : vector<16xf32>
      %get3A_533 = arith.constant 10 : i32
      %get3A_534 = arith.index_cast %get3A_533 : i32 to index
      %get3A_535 = arith.constant 48 : index
      %get3A_536 = tpu.vector_load %arg14[%get3A_534, %get3A_535] {strides = array<i32>} : memref<80x128xf32, #tpu.memory_space<vmem>>, vector<16xf32>,
      %mul3A_537 = arith.mulf %get3A_536, %get3A_483 : vector<16xf32>
      %add3A_538 = arith.addf %add3A_532, %mul3A_537 : vector<16xf32>
      %eq3A_539 = arith.constant 2 : i32
      %eq3A_540 = vector.broadcast %eq3A_539 : i32 to vector<16xi32>
      %eq3A_541 = arith.cmpi eq, %iota3A, %eq3A_540 : vector<16xi32>
      %reduce_sum3A_542 = arith.constant true
      %reduce_sum3A_543 = vector.broadcast %reduce_sum3A_542 : i1 to vector<16xi1>
      %reduce_sum3A_544 = tpu.scan <sum>, %add3A_538 masked %reduce_sum3A_543 : vector<16xf32>, vector<16xi1> -> vector<16xf32>
      %reduce_sum3A_545 = vector.extract %reduce_sum3A_544[15] : f32 from vector<16xf32>
      %broadcast_in_dim3A_546 = vector.broadcast %reduce_sum3A_545 : f32 to vector<16xf32>
      %select_n3A_547 = arith.select %eq3A_541, %broadcast_in_dim3A_546, %select_n3A_339 : vector<16xi1>, vector<16xf32>
      %get3A_548 = arith.constant 11 : i32
      %get3A_549 = arith.index_cast %get3A_548 : i32 to index
      %get3A_550 = arith.constant 0 : index
      %get3A_551 = tpu.vector_load %arg14[%get3A_549, %get3A_550] {strides = array<i32>} : memref<80x128xf32, #tpu.memory_space<vmem>>, vector<16xf32>,
      %mul3A_552 = arith.mulf %get3A_551, %get3A_471 : vector<16xf32>
      %get3A_553 = arith.constant 11 : i32
      %get3A_554 = arith.index_cast %get3A_553 : i32 to index
      %get3A_555 = arith.constant 16 : index
      %get3A_556 = tpu.vector_load %arg14[%get3A_554, %get3A_555] {strides = array<i32>} : memref<80x128xf32, #tpu.memory_space<vmem>>, vector<16xf32>,
      %mul3A_557 = arith.mulf %get3A_556, %get3A_475 : vector<16xf32>
      %add3A_558 = arith.addf %mul3A_552, %mul3A_557 : vector<16xf32>
      %get3A_559 = arith.constant 11 : i32
      %get3A_560 = arith.index_cast %get3A_559 : i32 to index
      %get3A_561 = arith.constant 32 : index
      %get3A_562 = tpu.vector_load %arg14[%get3A_560, %get3A_561] {strides = array<i32>} : memref<80x128xf32, #tpu.memory_space<vmem>>, vector<16xf32>,
      %mul3A_563 = arith.mulf %get3A_562, %get3A_479 : vector<16xf32>
      %add3A_564 = arith.addf %add3A_558, %mul3A_563 : vector<16xf32>
      %get3A_565 = arith.constant 11 : i32
      %get3A_566 = arith.index_cast %get3A_565 : i32 to index
      %get3A_567 = arith.constant 48 : index
      %get3A_568 = tpu.vector_load %arg14[%get3A_566, %get3A_567] {strides = array<i32>} : memref<80x128xf32, #tpu.memory_space<vmem>>, vector<16xf32>,
      %mul3A_569 = arith.mulf %get3A_568, %get3A_483 : vector<16xf32>
      %add3A_570 = arith.addf %add3A_564, %mul3A_569 : vector<16xf32>
      %eq3A_571 = arith.constant 2 : i32
      %eq3A_572 = vector.broadcast %eq3A_571 : i32 to vector<16xi32>
      %eq3A_573 = arith.cmpi eq, %iota3A, %eq3A_572 : vector<16xi32>
      %reduce_sum3A_574 = arith.constant true
      %reduce_sum3A_575 = vector.broadcast %reduce_sum3A_574 : i1 to vector<16xi1>
      %reduce_sum3A_576 = tpu.scan <sum>, %add3A_570 masked %reduce_sum3A_575 : vector<16xf32>, vector<16xi1> -> vector<16xf32>
      %reduce_sum3A_577 = vector.extract %reduce_sum3A_576[15] : f32 from vector<16xf32>
      %broadcast_in_dim3A_578 = vector.broadcast %reduce_sum3A_577 : f32 to vector<16xf32>
      %select_n3A_579 = arith.select %eq3A_573, %broadcast_in_dim3A_578, %select_n3A_371 : vector<16xi1>, vector<16xf32>
      %get3A_580 = arith.constant 12 : i32
      %get3A_581 = arith.index_cast %get3A_580 : i32 to index
      %get3A_582 = arith.constant 0 : index
      %get3A_583 = tpu.vector_load %arg14[%get3A_581, %get3A_582] {strides = array<i32>} : memref<80x128xf32, #tpu.memory_space<vmem>>, vector<16xf32>,
      %mul3A_584 = arith.mulf %get3A_583, %get3A_471 : vector<16xf32>
      %get3A_585 = arith.constant 12 : i32
      %get3A_586 = arith.index_cast %get3A_585 : i32 to index
      %get3A_587 = arith.constant 16 : index
      %get3A_588 = tpu.vector_load %arg14[%get3A_586, %get3A_587] {strides = array<i32>} : memref<80x128xf32, #tpu.memory_space<vmem>>, vector<16xf32>,
      %mul3A_589 = arith.mulf %get3A_588, %get3A_475 : vector<16xf32>
      %add3A_590 = arith.addf %mul3A_584, %mul3A_589 : vector<16xf32>
      %get3A_591 = arith.constant 12 : i32
      %get3A_592 = arith.index_cast %get3A_591 : i32 to index
      %get3A_593 = arith.constant 32 : index
      %get3A_594 = tpu.vector_load %arg14[%get3A_592, %get3A_593] {strides = array<i32>} : memref<80x128xf32, #tpu.memory_space<vmem>>, vector<16xf32>,
      %mul3A_595 = arith.mulf %get3A_594, %get3A_479 : vector<16xf32>
      %add3A_596 = arith.addf %add3A_590, %mul3A_595 : vector<16xf32>
      %get3A_597 = arith.constant 12 : i32
      %get3A_598 = arith.index_cast %get3A_597 : i32 to index
      %get3A_599 = arith.constant 48 : index
      %get3A_600 = tpu.vector_load %arg14[%get3A_598, %get3A_599] {strides = array<i32>} : memref<80x128xf32, #tpu.memory_space<vmem>>, vector<16xf32>,
      %mul3A_601 = arith.mulf %get3A_600, %get3A_483 : vector<16xf32>
      %add3A_602 = arith.addf %add3A_596, %mul3A_601 : vector<16xf32>
      %eq3A_603 = arith.constant 2 : i32
      %eq3A_604 = vector.broadcast %eq3A_603 : i32 to vector<16xi32>
      %eq3A_605 = arith.cmpi eq, %iota3A, %eq3A_604 : vector<16xi32>
      %reduce_sum3A_606 = arith.constant true
      %reduce_sum3A_607 = vector.broadcast %reduce_sum3A_606 : i1 to vector<16xi1>
      %reduce_sum3A_608 = tpu.scan <sum>, %add3A_602 masked %reduce_sum3A_607 : vector<16xf32>, vector<16xi1> -> vector<16xf32>
      %reduce_sum3A_609 = vector.extract %reduce_sum3A_608[15] : f32 from vector<16xf32>
      %broadcast_in_dim3A_610 = vector.broadcast %reduce_sum3A_609 : f32 to vector<16xf32>
      %select_n3A_611 = arith.select %eq3A_605, %broadcast_in_dim3A_610, %select_n3A_403 : vector<16xi1>, vector<16xf32>
      %get3A_612 = arith.constant 13 : i32
      %get3A_613 = arith.index_cast %get3A_612 : i32 to index
      %get3A_614 = arith.constant 0 : index
      %get3A_615 = tpu.vector_load %arg14[%get3A_613, %get3A_614] {strides = array<i32>} : memref<80x128xf32, #tpu.memory_space<vmem>>, vector<16xf32>,
      %mul3A_616 = arith.mulf %get3A_615, %get3A_471 : vector<16xf32>
      %get3A_617 = arith.constant 13 : i32
      %get3A_618 = arith.index_cast %get3A_617 : i32 to index
      %get3A_619 = arith.constant 16 : index
      %get3A_620 = tpu.vector_load %arg14[%get3A_618, %get3A_619] {strides = array<i32>} : memref<80x128xf32, #tpu.memory_space<vmem>>, vector<16xf32>,
      %mul3A_621 = arith.mulf %get3A_620, %get3A_475 : vector<16xf32>
      %add3A_622 = arith.addf %mul3A_616, %mul3A_621 : vector<16xf32>
      %get3A_623 = arith.constant 13 : i32
      %get3A_624 = arith.index_cast %get3A_623 : i32 to index
      %get3A_625 = arith.constant 32 : index
      %get3A_626 = tpu.vector_load %arg14[%get3A_624, %get3A_625] {strides = array<i32>} : memref<80x128xf32, #tpu.memory_space<vmem>>, vector<16xf32>,
      %mul3A_627 = arith.mulf %get3A_626, %get3A_479 : vector<16xf32>
      %add3A_628 = arith.addf %add3A_622, %mul3A_627 : vector<16xf32>
      %get3A_629 = arith.constant 13 : i32
      %get3A_630 = arith.index_cast %get3A_629 : i32 to index
      %get3A_631 = arith.constant 48 : index
      %get3A_632 = tpu.vector_load %arg14[%get3A_630, %get3A_631] {strides = array<i32>} : memref<80x128xf32, #tpu.memory_space<vmem>>, vector<16xf32>,
      %mul3A_633 = arith.mulf %get3A_632, %get3A_483 : vector<16xf32>
      %add3A_634 = arith.addf %add3A_628, %mul3A_633 : vector<16xf32>
      %eq3A_635 = arith.constant 2 : i32
      %eq3A_636 = vector.broadcast %eq3A_635 : i32 to vector<16xi32>
      %eq3A_637 = arith.cmpi eq, %iota3A, %eq3A_636 : vector<16xi32>
      %reduce_sum3A_638 = arith.constant true
      %reduce_sum3A_639 = vector.broadcast %reduce_sum3A_638 : i1 to vector<16xi1>
      %reduce_sum3A_640 = tpu.scan <sum>, %add3A_634 masked %reduce_sum3A_639 : vector<16xf32>, vector<16xi1> -> vector<16xf32>
      %reduce_sum3A_641 = vector.extract %reduce_sum3A_640[15] : f32 from vector<16xf32>
      %broadcast_in_dim3A_642 = vector.broadcast %reduce_sum3A_641 : f32 to vector<16xf32>
      %select_n3A_643 = arith.select %eq3A_637, %broadcast_in_dim3A_642, %select_n3A_435 : vector<16xi1>, vector<16xf32>
      %get3A_644 = arith.constant 14 : i32
      %get3A_645 = arith.index_cast %get3A_644 : i32 to index
      %get3A_646 = arith.constant 0 : index
      %get3A_647 = tpu.vector_load %arg14[%get3A_645, %get3A_646] {strides = array<i32>} : memref<80x128xf32, #tpu.memory_space<vmem>>, vector<16xf32>,
      %mul3A_648 = arith.mulf %get3A_647, %get3A_471 : vector<16xf32>
      %get3A_649 = arith.constant 14 : i32
      %get3A_650 = arith.index_cast %get3A_649 : i32 to index
      %get3A_651 = arith.constant 16 : index
      %get3A_652 = tpu.vector_load %arg14[%get3A_650, %get3A_651] {strides = array<i32>} : memref<80x128xf32, #tpu.memory_space<vmem>>, vector<16xf32>,
      %mul3A_653 = arith.mulf %get3A_652, %get3A_475 : vector<16xf32>
      %add3A_654 = arith.addf %mul3A_648, %mul3A_653 : vector<16xf32>
      %get3A_655 = arith.constant 14 : i32
      %get3A_656 = arith.index_cast %get3A_655 : i32 to index
      %get3A_657 = arith.constant 32 : index
      %get3A_658 = tpu.vector_load %arg14[%get3A_656, %get3A_657] {strides = array<i32>} : memref<80x128xf32, #tpu.memory_space<vmem>>, vector<16xf32>,
      %mul3A_659 = arith.mulf %get3A_658, %get3A_479 : vector<16xf32>
      %add3A_660 = arith.addf %add3A_654, %mul3A_659 : vector<16xf32>
      %get3A_661 = arith.constant 14 : i32
      %get3A_662 = arith.index_cast %get3A_661 : i32 to index
      %get3A_663 = arith.constant 48 : index
      %get3A_664 = tpu.vector_load %arg14[%get3A_662, %get3A_663] {strides = array<i32>} : memref<80x128xf32, #tpu.memory_space<vmem>>, vector<16xf32>,
      %mul3A_665 = arith.mulf %get3A_664, %get3A_483 : vector<16xf32>
      %add3A_666 = arith.addf %add3A_660, %mul3A_665 : vector<16xf32>
      %eq3A_667 = arith.constant 2 : i32
      %eq3A_668 = vector.broadcast %eq3A_667 : i32 to vector<16xi32>
      %eq3A_669 = arith.cmpi eq, %iota3A, %eq3A_668 : vector<16xi32>
      %reduce_sum3A_670 = arith.constant true
      %reduce_sum3A_671 = vector.broadcast %reduce_sum3A_670 : i1 to vector<16xi1>
      %reduce_sum3A_672 = tpu.scan <sum>, %add3A_666 masked %reduce_sum3A_671 : vector<16xf32>, vector<16xi1> -> vector<16xf32>
      %reduce_sum3A_673 = vector.extract %reduce_sum3A_672[15] : f32 from vector<16xf32>
      %broadcast_in_dim3A_674 = vector.broadcast %reduce_sum3A_673 : f32 to vector<16xf32>
      %select_n3A_675 = arith.select %eq3A_669, %broadcast_in_dim3A_674, %select_n3A_467 : vector<16xi1>, vector<16xf32>
      %get3A_676 = arith.constant 3 : i32
      %get3A_677 = arith.index_cast %get3A_676 : i32 to index
      %get3A_678 = arith.constant 0 : index
      %get3A_679 = tpu.vector_load %arg13[%get3A_677, %get3A_678] {strides = array<i32>} : memref<16x128xf32, #tpu.memory_space<vmem>>, vector<16xf32>,
      %get3A_680 = arith.constant 3 : i32
      %get3A_681 = arith.index_cast %get3A_680 : i32 to index
      %get3A_682 = arith.constant 16 : index
      %get3A_683 = tpu.vector_load %arg13[%get3A_681, %get3A_682] {strides = array<i32>} : memref<16x128xf32, #tpu.memory_space<vmem>>, vector<16xf32>,
      %get3A_684 = arith.constant 3 : i32
      %get3A_685 = arith.index_cast %get3A_684 : i32 to index
      %get3A_686 = arith.constant 32 : index
      %get3A_687 = tpu.vector_load %arg13[%get3A_685, %get3A_686] {strides = array<i32>} : memref<16x128xf32, #tpu.memory_space<vmem>>, vector<16xf32>,
      %get3A_688 = arith.constant 3 : i32
      %get3A_689 = arith.index_cast %get3A_688 : i32 to index
      %get3A_690 = arith.constant 48 : index
      %get3A_691 = tpu.vector_load %arg13[%get3A_689, %get3A_690] {strides = array<i32>} : memref<16x128xf32, #tpu.memory_space<vmem>>, vector<16xf32>,
      %get3A_692 = arith.constant 3 : i32
      %get3A_693 = arith.index_cast %get3A_692 : i32 to index
      %get3A_694 = arith.constant 0 : index
      %get3A_695 = tpu.vector_load %arg12[%get3A_693, %get3A_694] {strides = array<i32>} : memref<16x128xf32, #tpu.memory_space<vmem>>, vector<16xf32>,
      %mul3A_696 = arith.mulf %get3A_695, %get3A_679 : vector<16xf32>
      %get3A_697 = arith.constant 3 : i32
      %get3A_698 = arith.index_cast %get3A_697 : i32 to index
      %get3A_699 = arith.constant 16 : index
      %get3A_700 = tpu.vector_load %arg12[%get3A_698, %get3A_699] {strides = array<i32>} : memref<16x128xf32, #tpu.memory_space<vmem>>, vector<16xf32>,
      %mul3A_701 = arith.mulf %get3A_700, %get3A_683 : vector<16xf32>
      %add3A_702 = arith.addf %mul3A_696, %mul3A_701 : vector<16xf32>
      %get3A_703 = arith.constant 3 : i32
      %get3A_704 = arith.index_cast %get3A_703 : i32 to index
      %get3A_705 = arith.constant 32 : index
      %get3A_706 = tpu.vector_load %arg12[%get3A_704, %get3A_705] {strides = array<i32>} : memref<16x128xf32, #tpu.memory_space<vmem>>, vector<16xf32>,
      %mul3A_707 = arith.mulf %get3A_706, %get3A_687 : vector<16xf32>
      %add3A_708 = arith.addf %add3A_702, %mul3A_707 : vector<16xf32>
      %get3A_709 = arith.constant 3 : i32
      %get3A_710 = arith.index_cast %get3A_709 : i32 to index
      %get3A_711 = arith.constant 48 : index
      %get3A_712 = tpu.vector_load %arg12[%get3A_710, %get3A_711] {strides = array<i32>} : memref<16x128xf32, #tpu.memory_space<vmem>>, vector<16xf32>,
      %mul3A_713 = arith.mulf %get3A_712, %get3A_691 : vector<16xf32>
      %add3A_714 = arith.addf %add3A_708, %mul3A_713 : vector<16xf32>
      %eq3A_715 = arith.constant 3 : i32
      %eq3A_716 = vector.broadcast %eq3A_715 : i32 to vector<16xi32>
      %eq3A_717 = arith.cmpi eq, %iota3A, %eq3A_716 : vector<16xi32>
      %reduce_sum3A_718 = arith.constant true
      %reduce_sum3A_719 = vector.broadcast %reduce_sum3A_718 : i1 to vector<16xi1>
      %reduce_sum3A_720 = tpu.scan <sum>, %add3A_714 masked %reduce_sum3A_719 : vector<16xf32>, vector<16xi1> -> vector<16xf32>
      %reduce_sum3A_721 = vector.extract %reduce_sum3A_720[15] : f32 from vector<16xf32>
      %broadcast_in_dim3A_722 = vector.broadcast %reduce_sum3A_721 : f32 to vector<16xf32>
      %select_n3A_723 = arith.select %eq3A_717, %broadcast_in_dim3A_722, %select_n3A_515 : vector<16xi1>, vector<16xf32>
      %get3A_724 = arith.constant 15 : i32
      %get3A_725 = arith.index_cast %get3A_724 : i32 to index
      %get3A_726 = arith.constant 0 : index
      %get3A_727 = tpu.vector_load %arg14[%get3A_725, %get3A_726] {strides = array<i32>} : memref<80x128xf32, #tpu.memory_space<vmem>>, vector<16xf32>,
      %mul3A_728 = arith.mulf %get3A_727, %get3A_679 : vector<16xf32>
      %get3A_729 = arith.constant 15 : i32
      %get3A_730 = arith.index_cast %get3A_729 : i32 to index
      %get3A_731 = arith.constant 16 : index
      %get3A_732 = tpu.vector_load %arg14[%get3A_730, %get3A_731] {strides = array<i32>} : memref<80x128xf32, #tpu.memory_space<vmem>>, vector<16xf32>,
      %mul3A_733 = arith.mulf %get3A_732, %get3A_683 : vector<16xf32>
      %add3A_734 = arith.addf %mul3A_728, %mul3A_733 : vector<16xf32>
      %get3A_735 = arith.constant 15 : i32
      %get3A_736 = arith.index_cast %get3A_735 : i32 to index
      %get3A_737 = arith.constant 32 : index
      %get3A_738 = tpu.vector_load %arg14[%get3A_736, %get3A_737] {strides = array<i32>} : memref<80x128xf32, #tpu.memory_space<vmem>>, vector<16xf32>,
      %mul3A_739 = arith.mulf %get3A_738, %get3A_687 : vector<16xf32>
      %add3A_740 = arith.addf %add3A_734, %mul3A_739 : vector<16xf32>
      %get3A_741 = arith.constant 15 : i32
      %get3A_742 = arith.index_cast %get3A_741 : i32 to index
      %get3A_743 = arith.constant 48 : index
      %get3A_744 = tpu.vector_load %arg14[%get3A_742, %get3A_743] {strides = array<i32>} : memref<80x128xf32, #tpu.memory_space<vmem>>, vector<16xf32>,
      %mul3A_745 = arith.mulf %get3A_744, %get3A_691 : vector<16xf32>
      %add3A_746 = arith.addf %add3A_740, %mul3A_745 : vector<16xf32>
      %eq3A_747 = arith.constant 3 : i32
      %eq3A_748 = vector.broadcast %eq3A_747 : i32 to vector<16xi32>
      %eq3A_749 = arith.cmpi eq, %iota3A, %eq3A_748 : vector<16xi32>
      %reduce_sum3A_750 = arith.constant true
      %reduce_sum3A_751 = vector.broadcast %reduce_sum3A_750 : i1 to vector<16xi1>
      %reduce_sum3A_752 = tpu.scan <sum>, %add3A_746 masked %reduce_sum3A_751 : vector<16xf32>, vector<16xi1> -> vector<16xf32>
      %reduce_sum3A_753 = vector.extract %reduce_sum3A_752[15] : f32 from vector<16xf32>
      %broadcast_in_dim3A_754 = vector.broadcast %reduce_sum3A_753 : f32 to vector<16xf32>
      %select_n3A_755 = arith.select %eq3A_749, %broadcast_in_dim3A_754, %select_n3A_547 : vector<16xi1>, vector<16xf32>
      %get3A_756 = arith.constant 16 : i32
      %get3A_757 = arith.index_cast %get3A_756 : i32 to index
      %get3A_758 = arith.constant 0 : index
      %get3A_759 = tpu.vector_load %arg14[%get3A_757, %get3A_758] {strides = array<i32>} : memref<80x128xf32, #tpu.memory_space<vmem>>, vector<16xf32>,
      %mul3A_760 = arith.mulf %get3A_759, %get3A_679 : vector<16xf32>
      %get3A_761 = arith.constant 16 : i32
      %get3A_762 = arith.index_cast %get3A_761 : i32 to index
      %get3A_763 = arith.constant 16 : index
      %get3A_764 = tpu.vector_load %arg14[%get3A_762, %get3A_763] {strides = array<i32>} : memref<80x128xf32, #tpu.memory_space<vmem>>, vector<16xf32>,
      %mul3A_765 = arith.mulf %get3A_764, %get3A_683 : vector<16xf32>
      %add3A_766 = arith.addf %mul3A_760, %mul3A_765 : vector<16xf32>
      %get3A_767 = arith.constant 16 : i32
      %get3A_768 = arith.index_cast %get3A_767 : i32 to index
      %get3A_769 = arith.constant 32 : index
      %get3A_770 = tpu.vector_load %arg14[%get3A_768, %get3A_769] {strides = array<i32>} : memref<80x128xf32, #tpu.memory_space<vmem>>, vector<16xf32>,
      %mul3A_771 = arith.mulf %get3A_770, %get3A_687 : vector<16xf32>
      %add3A_772 = arith.addf %add3A_766, %mul3A_771 : vector<16xf32>
      %get3A_773 = arith.constant 16 : i32
      %get3A_774 = arith.index_cast %get3A_773 : i32 to index
      %get3A_775 = arith.constant 48 : index
      %get3A_776 = tpu.vector_load %arg14[%get3A_774, %get3A_775] {strides = array<i32>} : memref<80x128xf32, #tpu.memory_space<vmem>>, vector<16xf32>,
      %mul3A_777 = arith.mulf %get3A_776, %get3A_691 : vector<16xf32>
      %add3A_778 = arith.addf %add3A_772, %mul3A_777 : vector<16xf32>
      %eq3A_779 = arith.constant 3 : i32
      %eq3A_780 = vector.broadcast %eq3A_779 : i32 to vector<16xi32>
      %eq3A_781 = arith.cmpi eq, %iota3A, %eq3A_780 : vector<16xi32>
      %reduce_sum3A_782 = arith.constant true
      %reduce_sum3A_783 = vector.broadcast %reduce_sum3A_782 : i1 to vector<16xi1>
      %reduce_sum3A_784 = tpu.scan <sum>, %add3A_778 masked %reduce_sum3A_783 : vector<16xf32>, vector<16xi1> -> vector<16xf32>
      %reduce_sum3A_785 = vector.extract %reduce_sum3A_784[15] : f32 from vector<16xf32>
      %broadcast_in_dim3A_786 = vector.broadcast %reduce_sum3A_785 : f32 to vector<16xf32>
      %select_n3A_787 = arith.select %eq3A_781, %broadcast_in_dim3A_786, %select_n3A_579 : vector<16xi1>, vector<16xf32>
      %get3A_788 = arith.constant 17 : i32
      %get3A_789 = arith.index_cast %get3A_788 : i32 to index
      %get3A_790 = arith.constant 0 : index
      %get3A_791 = tpu.vector_load %arg14[%get3A_789, %get3A_790] {strides = array<i32>} : memref<80x128xf32, #tpu.memory_space<vmem>>, vector<16xf32>,
      %mul3A_792 = arith.mulf %get3A_791, %get3A_679 : vector<16xf32>
      %get3A_793 = arith.constant 17 : i32
      %get3A_794 = arith.index_cast %get3A_793 : i32 to index
      %get3A_795 = arith.constant 16 : index
      %get3A_796 = tpu.vector_load %arg14[%get3A_794, %get3A_795] {strides = array<i32>} : memref<80x128xf32, #tpu.memory_space<vmem>>, vector<16xf32>,
      %mul3A_797 = arith.mulf %get3A_796, %get3A_683 : vector<16xf32>
      %add3A_798 = arith.addf %mul3A_792, %mul3A_797 : vector<16xf32>
      %get3A_799 = arith.constant 17 : i32
      %get3A_800 = arith.index_cast %get3A_799 : i32 to index
      %get3A_801 = arith.constant 32 : index
      %get3A_802 = tpu.vector_load %arg14[%get3A_800, %get3A_801] {strides = array<i32>} : memref<80x128xf32, #tpu.memory_space<vmem>>, vector<16xf32>,
      %mul3A_803 = arith.mulf %get3A_802, %get3A_687 : vector<16xf32>
      %add3A_804 = arith.addf %add3A_798, %mul3A_803 : vector<16xf32>
      %get3A_805 = arith.constant 17 : i32
      %get3A_806 = arith.index_cast %get3A_805 : i32 to index
      %get3A_807 = arith.constant 48 : index
      %get3A_808 = tpu.vector_load %arg14[%get3A_806, %get3A_807] {strides = array<i32>} : memref<80x128xf32, #tpu.memory_space<vmem>>, vector<16xf32>,
      %mul3A_809 = arith.mulf %get3A_808, %get3A_691 : vector<16xf32>
      %add3A_810 = arith.addf %add3A_804, %mul3A_809 : vector<16xf32>
      %eq3A_811 = arith.constant 3 : i32
      %eq3A_812 = vector.broadcast %eq3A_811 : i32 to vector<16xi32>
      %eq3A_813 = arith.cmpi eq, %iota3A, %eq3A_812 : vector<16xi32>
      %reduce_sum3A_814 = arith.constant true
      %reduce_sum3A_815 = vector.broadcast %reduce_sum3A_814 : i1 to vector<16xi1>
      %reduce_sum3A_816 = tpu.scan <sum>, %add3A_810 masked %reduce_sum3A_815 : vector<16xf32>, vector<16xi1> -> vector<16xf32>
      %reduce_sum3A_817 = vector.extract %reduce_sum3A_816[15] : f32 from vector<16xf32>
      %broadcast_in_dim3A_818 = vector.broadcast %reduce_sum3A_817 : f32 to vector<16xf32>
      %select_n3A_819 = arith.select %eq3A_813, %broadcast_in_dim3A_818, %select_n3A_611 : vector<16xi1>, vector<16xf32>
      %get3A_820 = arith.constant 18 : i32
      %get3A_821 = arith.index_cast %get3A_820 : i32 to index
      %get3A_822 = arith.constant 0 : index
      %get3A_823 = tpu.vector_load %arg14[%get3A_821, %get3A_822] {strides = array<i32>} : memref<80x128xf32, #tpu.memory_space<vmem>>, vector<16xf32>,
      %mul3A_824 = arith.mulf %get3A_823, %get3A_679 : vector<16xf32>
      %get3A_825 = arith.constant 18 : i32
      %get3A_826 = arith.index_cast %get3A_825 : i32 to index
      %get3A_827 = arith.constant 16 : index
      %get3A_828 = tpu.vector_load %arg14[%get3A_826, %get3A_827] {strides = array<i32>} : memref<80x128xf32, #tpu.memory_space<vmem>>, vector<16xf32>,
      %mul3A_829 = arith.mulf %get3A_828, %get3A_683 : vector<16xf32>
      %add3A_830 = arith.addf %mul3A_824, %mul3A_829 : vector<16xf32>
      %get3A_831 = arith.constant 18 : i32
      %get3A_832 = arith.index_cast %get3A_831 : i32 to index
      %get3A_833 = arith.constant 32 : index
      %get3A_834 = tpu.vector_load %arg14[%get3A_832, %get3A_833] {strides = array<i32>} : memref<80x128xf32, #tpu.memory_space<vmem>>, vector<16xf32>,
      %mul3A_835 = arith.mulf %get3A_834, %get3A_687 : vector<16xf32>
      %add3A_836 = arith.addf %add3A_830, %mul3A_835 : vector<16xf32>
      %get3A_837 = arith.constant 18 : i32
      %get3A_838 = arith.index_cast %get3A_837 : i32 to index
      %get3A_839 = arith.constant 48 : index
      %get3A_840 = tpu.vector_load %arg14[%get3A_838, %get3A_839] {strides = array<i32>} : memref<80x128xf32, #tpu.memory_space<vmem>>, vector<16xf32>,
      %mul3A_841 = arith.mulf %get3A_840, %get3A_691 : vector<16xf32>
      %add3A_842 = arith.addf %add3A_836, %mul3A_841 : vector<16xf32>
      %eq3A_843 = arith.constant 3 : i32
      %eq3A_844 = vector.broadcast %eq3A_843 : i32 to vector<16xi32>
      %eq3A_845 = arith.cmpi eq, %iota3A, %eq3A_844 : vector<16xi32>
      %reduce_sum3A_846 = arith.constant true
      %reduce_sum3A_847 = vector.broadcast %reduce_sum3A_846 : i1 to vector<16xi1>
      %reduce_sum3A_848 = tpu.scan <sum>, %add3A_842 masked %reduce_sum3A_847 : vector<16xf32>, vector<16xi1> -> vector<16xf32>
      %reduce_sum3A_849 = vector.extract %reduce_sum3A_848[15] : f32 from vector<16xf32>
      %broadcast_in_dim3A_850 = vector.broadcast %reduce_sum3A_849 : f32 to vector<16xf32>
      %select_n3A_851 = arith.select %eq3A_845, %broadcast_in_dim3A_850, %select_n3A_643 : vector<16xi1>, vector<16xf32>
      %get3A_852 = arith.constant 19 : i32
      %get3A_853 = arith.index_cast %get3A_852 : i32 to index
      %get3A_854 = arith.constant 0 : index
      %get3A_855 = tpu.vector_load %arg14[%get3A_853, %get3A_854] {strides = array<i32>} : memref<80x128xf32, #tpu.memory_space<vmem>>, vector<16xf32>,
      %mul3A_856 = arith.mulf %get3A_855, %get3A_679 : vector<16xf32>
      %get3A_857 = arith.constant 19 : i32
      %get3A_858 = arith.index_cast %get3A_857 : i32 to index
      %get3A_859 = arith.constant 16 : index
      %get3A_860 = tpu.vector_load %arg14[%get3A_858, %get3A_859] {strides = array<i32>} : memref<80x128xf32, #tpu.memory_space<vmem>>, vector<16xf32>,
      %mul3A_861 = arith.mulf %get3A_860, %get3A_683 : vector<16xf32>
      %add3A_862 = arith.addf %mul3A_856, %mul3A_861 : vector<16xf32>
      %get3A_863 = arith.constant 19 : i32
      %get3A_864 = arith.index_cast %get3A_863 : i32 to index
      %get3A_865 = arith.constant 32 : index
      %get3A_866 = tpu.vector_load %arg14[%get3A_864, %get3A_865] {strides = array<i32>} : memref<80x128xf32, #tpu.memory_space<vmem>>, vector<16xf32>,
      %mul3A_867 = arith.mulf %get3A_866, %get3A_687 : vector<16xf32>
      %add3A_868 = arith.addf %add3A_862, %mul3A_867 : vector<16xf32>
      %get3A_869 = arith.constant 19 : i32
      %get3A_870 = arith.index_cast %get3A_869 : i32 to index
      %get3A_871 = arith.constant 48 : index
      %get3A_872 = tpu.vector_load %arg14[%get3A_870, %get3A_871] {strides = array<i32>} : memref<80x128xf32, #tpu.memory_space<vmem>>, vector<16xf32>,
      %mul3A_873 = arith.mulf %get3A_872, %get3A_691 : vector<16xf32>
      %add3A_874 = arith.addf %add3A_868, %mul3A_873 : vector<16xf32>
      %eq3A_875 = arith.constant 3 : i32
      %eq3A_876 = vector.broadcast %eq3A_875 : i32 to vector<16xi32>
      %eq3A_877 = arith.cmpi eq, %iota3A, %eq3A_876 : vector<16xi32>
      %reduce_sum3A_878 = arith.constant true
      %reduce_sum3A_879 = vector.broadcast %reduce_sum3A_878 : i1 to vector<16xi1>
      %reduce_sum3A_880 = tpu.scan <sum>, %add3A_874 masked %reduce_sum3A_879 : vector<16xf32>, vector<16xi1> -> vector<16xf32>
      %reduce_sum3A_881 = vector.extract %reduce_sum3A_880[15] : f32 from vector<16xf32>
      %broadcast_in_dim3A_882 = vector.broadcast %reduce_sum3A_881 : f32 to vector<16xf32>
      %select_n3A_883 = arith.select %eq3A_877, %broadcast_in_dim3A_882, %select_n3A_675 : vector<16xi1>, vector<16xf32>
      %get3A_884 = arith.constant 4 : i32
      %get3A_885 = arith.index_cast %get3A_884 : i32 to index
      %get3A_886 = arith.constant 0 : index
      %get3A_887 = tpu.vector_load %arg13[%get3A_885, %get3A_886] {strides = array<i32>} : memref<16x128xf32, #tpu.memory_space<vmem>>, vector<16xf32>,
      %get3A_888 = arith.constant 4 : i32
      %get3A_889 = arith.index_cast %get3A_888 : i32 to index
      %get3A_890 = arith.constant 16 : index
      %get3A_891 = tpu.vector_load %arg13[%get3A_889, %get3A_890] {strides = array<i32>} : memref<16x128xf32, #tpu.memory_space<vmem>>, vector<16xf32>,
      %get3A_892 = arith.constant 4 : i32
      %get3A_893 = arith.index_cast %get3A_892 : i32 to index
      %get3A_894 = arith.constant 32 : index
      %get3A_895 = tpu.vector_load %arg13[%get3A_893, %get3A_894] {strides = array<i32>} : memref<16x128xf32, #tpu.memory_space<vmem>>, vector<16xf32>,
      %get3A_896 = arith.constant 4 : i32
      %get3A_897 = arith.index_cast %get3A_896 : i32 to index
      %get3A_898 = arith.constant 48 : index
      %get3A_899 = tpu.vector_load %arg13[%get3A_897, %get3A_898] {strides = array<i32>} : memref<16x128xf32, #tpu.memory_space<vmem>>, vector<16xf32>,
      %get3A_900 = arith.constant 4 : i32
      %get3A_901 = arith.index_cast %get3A_900 : i32 to index
      %get3A_902 = arith.constant 0 : index
      %get3A_903 = tpu.vector_load %arg12[%get3A_901, %get3A_902] {strides = array<i32>} : memref<16x128xf32, #tpu.memory_space<vmem>>, vector<16xf32>,
      %mul3A_904 = arith.mulf %get3A_903, %get3A_887 : vector<16xf32>
      %get3A_905 = arith.constant 4 : i32
      %get3A_906 = arith.index_cast %get3A_905 : i32 to index
      %get3A_907 = arith.constant 16 : index
      %get3A_908 = tpu.vector_load %arg12[%get3A_906, %get3A_907] {strides = array<i32>} : memref<16x128xf32, #tpu.memory_space<vmem>>, vector<16xf32>,
      %mul3A_909 = arith.mulf %get3A_908, %get3A_891 : vector<16xf32>
      %add3A_910 = arith.addf %mul3A_904, %mul3A_909 : vector<16xf32>
      %get3A_911 = arith.constant 4 : i32
      %get3A_912 = arith.index_cast %get3A_911 : i32 to index
      %get3A_913 = arith.constant 32 : index
      %get3A_914 = tpu.vector_load %arg12[%get3A_912, %get3A_913] {strides = array<i32>} : memref<16x128xf32, #tpu.memory_space<vmem>>, vector<16xf32>,
      %mul3A_915 = arith.mulf %get3A_914, %get3A_895 : vector<16xf32>
      %add3A_916 = arith.addf %add3A_910, %mul3A_915 : vector<16xf32>
      %get3A_917 = arith.constant 4 : i32
      %get3A_918 = arith.index_cast %get3A_917 : i32 to index
      %get3A_919 = arith.constant 48 : index
      %get3A_920 = tpu.vector_load %arg12[%get3A_918, %get3A_919] {strides = array<i32>} : memref<16x128xf32, #tpu.memory_space<vmem>>, vector<16xf32>,
      %mul3A_921 = arith.mulf %get3A_920, %get3A_899 : vector<16xf32>
      %add3A_922 = arith.addf %add3A_916, %mul3A_921 : vector<16xf32>
      %eq3A_923 = arith.constant 4 : i32
      %eq3A_924 = vector.broadcast %eq3A_923 : i32 to vector<16xi32>
      %eq3A_925 = arith.cmpi eq, %iota3A, %eq3A_924 : vector<16xi32>
      %reduce_sum3A_926 = arith.constant true
      %reduce_sum3A_927 = vector.broadcast %reduce_sum3A_926 : i1 to vector<16xi1>
      %reduce_sum3A_928 = tpu.scan <sum>, %add3A_922 masked %reduce_sum3A_927 : vector<16xf32>, vector<16xi1> -> vector<16xf32>
      %reduce_sum3A_929 = vector.extract %reduce_sum3A_928[15] : f32 from vector<16xf32>
      %broadcast_in_dim3A_930 = vector.broadcast %reduce_sum3A_929 : f32 to vector<16xf32>
      %select_n3A_931 = arith.select %eq3A_925, %broadcast_in_dim3A_930, %select_n3A_723 : vector<16xi1>, vector<16xf32>
      %get3A_932 = arith.constant 20 : i32
      %get3A_933 = arith.index_cast %get3A_932 : i32 to index
      %get3A_934 = arith.constant 0 : index
      %get3A_935 = tpu.vector_load %arg14[%get3A_933, %get3A_934] {strides = array<i32>} : memref<80x128xf32, #tpu.memory_space<vmem>>, vector<16xf32>,
      %mul3A_936 = arith.mulf %get3A_935, %get3A_887 : vector<16xf32>
      %get3A_937 = arith.constant 20 : i32
      %get3A_938 = arith.index_cast %get3A_937 : i32 to index
      %get3A_939 = arith.constant 16 : index
      %get3A_940 = tpu.vector_load %arg14[%get3A_938, %get3A_939] {strides = array<i32>} : memref<80x128xf32, #tpu.memory_space<vmem>>, vector<16xf32>,
      %mul3A_941 = arith.mulf %get3A_940, %get3A_891 : vector<16xf32>
      %add3A_942 = arith.addf %mul3A_936, %mul3A_941 : vector<16xf32>
      %get3A_943 = arith.constant 20 : i32
      %get3A_944 = arith.index_cast %get3A_943 : i32 to index
      %get3A_945 = arith.constant 32 : index
      %get3A_946 = tpu.vector_load %arg14[%get3A_944, %get3A_945] {strides = array<i32>} : memref<80x128xf32, #tpu.memory_space<vmem>>, vector<16xf32>,
      %mul3A_947 = arith.mulf %get3A_946, %get3A_895 : vector<16xf32>
      %add3A_948 = arith.addf %add3A_942, %mul3A_947 : vector<16xf32>
      %get3A_949 = arith.constant 20 : i32
      %get3A_950 = arith.index_cast %get3A_949 : i32 to index
      %get3A_951 = arith.constant 48 : index
      %get3A_952 = tpu.vector_load %arg14[%get3A_950, %get3A_951] {strides = array<i32>} : memref<80x128xf32, #tpu.memory_space<vmem>>, vector<16xf32>,
      %mul3A_953 = arith.mulf %get3A_952, %get3A_899 : vector<16xf32>
      %add3A_954 = arith.addf %add3A_948, %mul3A_953 : vector<16xf32>
      %eq3A_955 = arith.constant 4 : i32
      %eq3A_956 = vector.broadcast %eq3A_955 : i32 to vector<16xi32>
      %eq3A_957 = arith.cmpi eq, %iota3A, %eq3A_956 : vector<16xi32>
      %reduce_sum3A_958 = arith.constant true
      %reduce_sum3A_959 = vector.broadcast %reduce_sum3A_958 : i1 to vector<16xi1>
      %reduce_sum3A_960 = tpu.scan <sum>, %add3A_954 masked %reduce_sum3A_959 : vector<16xf32>, vector<16xi1> -> vector<16xf32>
      %reduce_sum3A_961 = vector.extract %reduce_sum3A_960[15] : f32 from vector<16xf32>
      %broadcast_in_dim3A_962 = vector.broadcast %reduce_sum3A_961 : f32 to vector<16xf32>
      %select_n3A_963 = arith.select %eq3A_957, %broadcast_in_dim3A_962, %select_n3A_755 : vector<16xi1>, vector<16xf32>
      %get3A_964 = arith.constant 21 : i32
      %get3A_965 = arith.index_cast %get3A_964 : i32 to index
      %get3A_966 = arith.constant 0 : index
      %get3A_967 = tpu.vector_load %arg14[%get3A_965, %get3A_966] {strides = array<i32>} : memref<80x128xf32, #tpu.memory_space<vmem>>, vector<16xf32>,
      %mul3A_968 = arith.mulf %get3A_967, %get3A_887 : vector<16xf32>
      %get3A_969 = arith.constant 21 : i32
      %get3A_970 = arith.index_cast %get3A_969 : i32 to index
      %get3A_971 = arith.constant 16 : index
      %get3A_972 = tpu.vector_load %arg14[%get3A_970, %get3A_971] {strides = array<i32>} : memref<80x128xf32, #tpu.memory_space<vmem>>, vector<16xf32>,
      %mul3A_973 = arith.mulf %get3A_972, %get3A_891 : vector<16xf32>
      %add3A_974 = arith.addf %mul3A_968, %mul3A_973 : vector<16xf32>
      %get3A_975 = arith.constant 21 : i32
      %get3A_976 = arith.index_cast %get3A_975 : i32 to index
      %get3A_977 = arith.constant 32 : index
      %get3A_978 = tpu.vector_load %arg14[%get3A_976, %get3A_977] {strides = array<i32>} : memref<80x128xf32, #tpu.memory_space<vmem>>, vector<16xf32>,
      %mul3A_979 = arith.mulf %get3A_978, %get3A_895 : vector<16xf32>
      %add3A_980 = arith.addf %add3A_974, %mul3A_979 : vector<16xf32>
      %get3A_981 = arith.constant 21 : i32
      %get3A_982 = arith.index_cast %get3A_981 : i32 to index
      %get3A_983 = arith.constant 48 : index
      %get3A_984 = tpu.vector_load %arg14[%get3A_982, %get3A_983] {strides = array<i32>} : memref<80x128xf32, #tpu.memory_space<vmem>>, vector<16xf32>,
      %mul3A_985 = arith.mulf %get3A_984, %get3A_899 : vector<16xf32>
      %add3A_986 = arith.addf %add3A_980, %mul3A_985 : vector<16xf32>
      %eq3A_987 = arith.constant 4 : i32
      %eq3A_988 = vector.broadcast %eq3A_987 : i32 to vector<16xi32>
      %eq3A_989 = arith.cmpi eq, %iota3A, %eq3A_988 : vector<16xi32>
      %reduce_sum3A_990 = arith.constant true
      %reduce_sum3A_991 = vector.broadcast %reduce_sum3A_990 : i1 to vector<16xi1>
      %reduce_sum3A_992 = tpu.scan <sum>, %add3A_986 masked %reduce_sum3A_991 : vector<16xf32>, vector<16xi1> -> vector<16xf32>
      %reduce_sum3A_993 = vector.extract %reduce_sum3A_992[15] : f32 from vector<16xf32>
      %broadcast_in_dim3A_994 = vector.broadcast %reduce_sum3A_993 : f32 to vector<16xf32>
      %select_n3A_995 = arith.select %eq3A_989, %broadcast_in_dim3A_994, %select_n3A_787 : vector<16xi1>, vector<16xf32>
      %get3A_996 = arith.constant 22 : i32
      %get3A_997 = arith.index_cast %get3A_996 : i32 to index
      %get3A_998 = arith.constant 0 : index
      %get3A_999 = tpu.vector_load %arg14[%get3A_997, %get3A_998] {strides = array<i32>} : memref<80x128xf32, #tpu.memory_space<vmem>>, vector<16xf32>,
      %mul3A_1000 = arith.mulf %get3A_999, %get3A_887 : vector<16xf32>
      %get3A_1001 = arith.constant 22 : i32
      %get3A_1002 = arith.index_cast %get3A_1001 : i32 to index
      %get3A_1003 = arith.constant 16 : index
      %get3A_1004 = tpu.vector_load %arg14[%get3A_1002, %get3A_1003] {strides = array<i32>} : memref<80x128xf32, #tpu.memory_space<vmem>>, vector<16xf32>,
      %mul3A_1005 = arith.mulf %get3A_1004, %get3A_891 : vector<16xf32>
      %add3A_1006 = arith.addf %mul3A_1000, %mul3A_1005 : vector<16xf32>
      %get3A_1007 = arith.constant 22 : i32
      %get3A_1008 = arith.index_cast %get3A_1007 : i32 to index
      %get3A_1009 = arith.constant 32 : index
      %get3A_1010 = tpu.vector_load %arg14[%get3A_1008, %get3A_1009] {strides = array<i32>} : memref<80x128xf32, #tpu.memory_space<vmem>>, vector<16xf32>,
      %mul3A_1011 = arith.mulf %get3A_1010, %get3A_895 : vector<16xf32>
      %add3A_1012 = arith.addf %add3A_1006, %mul3A_1011 : vector<16xf32>
      %get3A_1013 = arith.constant 22 : i32
      %get3A_1014 = arith.index_cast %get3A_1013 : i32 to index
      %get3A_1015 = arith.constant 48 : index
      %get3A_1016 = tpu.vector_load %arg14[%get3A_1014, %get3A_1015] {strides = array<i32>} : memref<80x128xf32, #tpu.memory_space<vmem>>, vector<16xf32>,
      %mul3A_1017 = arith.mulf %get3A_1016, %get3A_899 : vector<16xf32>
      %add3A_1018 = arith.addf %add3A_1012, %mul3A_1017 : vector<16xf32>
      %eq3A_1019 = arith.constant 4 : i32
      %eq3A_1020 = vector.broadcast %eq3A_1019 : i32 to vector<16xi32>
      %eq3A_1021 = arith.cmpi eq, %iota3A, %eq3A_1020 : vector<16xi32>
      %reduce_sum3A_1022 = arith.constant true
      %reduce_sum3A_1023 = vector.broadcast %reduce_sum3A_1022 : i1 to vector<16xi1>
      %reduce_sum3A_1024 = tpu.scan <sum>, %add3A_1018 masked %reduce_sum3A_1023 : vector<16xf32>, vector<16xi1> -> vector<16xf32>
      %reduce_sum3A_1025 = vector.extract %reduce_sum3A_1024[15] : f32 from vector<16xf32>
      %broadcast_in_dim3A_1026 = vector.broadcast %reduce_sum3A_1025 : f32 to vector<16xf32>
      %select_n3A_1027 = arith.select %eq3A_1021, %broadcast_in_dim3A_1026, %select_n3A_819 : vector<16xi1>, vector<16xf32>
      %get3A_1028 = arith.constant 23 : i32
      %get3A_1029 = arith.index_cast %get3A_1028 : i32 to index
      %get3A_1030 = arith.constant 0 : index
      %get3A_1031 = tpu.vector_load %arg14[%get3A_1029, %get3A_1030] {strides = array<i32>} : memref<80x128xf32, #tpu.memory_space<vmem>>, vector<16xf32>,
      %mul3A_1032 = arith.mulf %get3A_1031, %get3A_887 : vector<16xf32>
      %get3A_1033 = arith.constant 23 : i32
      %get3A_1034 = arith.index_cast %get3A_1033 : i32 to index
      %get3A_1035 = arith.constant 16 : index
      %get3A_1036 = tpu.vector_load %arg14[%get3A_1034, %get3A_1035] {strides = array<i32>} : memref<80x128xf32, #tpu.memory_space<vmem>>, vector<16xf32>,
      %mul3A_1037 = arith.mulf %get3A_1036, %get3A_891 : vector<16xf32>
      %add3A_1038 = arith.addf %mul3A_1032, %mul3A_1037 : vector<16xf32>
      %get3A_1039 = arith.constant 23 : i32
      %get3A_1040 = arith.index_cast %get3A_1039 : i32 to index
      %get3A_1041 = arith.constant 32 : index
      %get3A_1042 = tpu.vector_load %arg14[%get3A_1040, %get3A_1041] {strides = array<i32>} : memref<80x128xf32, #tpu.memory_space<vmem>>, vector<16xf32>,
      %mul3A_1043 = arith.mulf %get3A_1042, %get3A_895 : vector<16xf32>
      %add3A_1044 = arith.addf %add3A_1038, %mul3A_1043 : vector<16xf32>
      %get3A_1045 = arith.constant 23 : i32
      %get3A_1046 = arith.index_cast %get3A_1045 : i32 to index
      %get3A_1047 = arith.constant 48 : index
      %get3A_1048 = tpu.vector_load %arg14[%get3A_1046, %get3A_1047] {strides = array<i32>} : memref<80x128xf32, #tpu.memory_space<vmem>>, vector<16xf32>,
      %mul3A_1049 = arith.mulf %get3A_1048, %get3A_899 : vector<16xf32>
      %add3A_1050 = arith.addf %add3A_1044, %mul3A_1049 : vector<16xf32>
      %eq3A_1051 = arith.constant 4 : i32
      %eq3A_1052 = vector.broadcast %eq3A_1051 : i32 to vector<16xi32>
      %eq3A_1053 = arith.cmpi eq, %iota3A, %eq3A_1052 : vector<16xi32>
      %reduce_sum3A_1054 = arith.constant true
      %reduce_sum3A_1055 = vector.broadcast %reduce_sum3A_1054 : i1 to vector<16xi1>
      %reduce_sum3A_1056 = tpu.scan <sum>, %add3A_1050 masked %reduce_sum3A_1055 : vector<16xf32>, vector<16xi1> -> vector<16xf32>
      %reduce_sum3A_1057 = vector.extract %reduce_sum3A_1056[15] : f32 from vector<16xf32>
      %broadcast_in_dim3A_1058 = vector.broadcast %reduce_sum3A_1057 : f32 to vector<16xf32>
      %select_n3A_1059 = arith.select %eq3A_1053, %broadcast_in_dim3A_1058, %select_n3A_851 : vector<16xi1>, vector<16xf32>
      %get3A_1060 = arith.constant 24 : i32
      %get3A_1061 = arith.index_cast %get3A_1060 : i32 to index
      %get3A_1062 = arith.constant 0 : index
      %get3A_1063 = tpu.vector_load %arg14[%get3A_1061, %get3A_1062] {strides = array<i32>} : memref<80x128xf32, #tpu.memory_space<vmem>>, vector<16xf32>,
      %mul3A_1064 = arith.mulf %get3A_1063, %get3A_887 : vector<16xf32>
      %get3A_1065 = arith.constant 24 : i32
      %get3A_1066 = arith.index_cast %get3A_1065 : i32 to index
      %get3A_1067 = arith.constant 16 : index
      %get3A_1068 = tpu.vector_load %arg14[%get3A_1066, %get3A_1067] {strides = array<i32>} : memref<80x128xf32, #tpu.memory_space<vmem>>, vector<16xf32>,
      %mul3A_1069 = arith.mulf %get3A_1068, %get3A_891 : vector<16xf32>
      %add3A_1070 = arith.addf %mul3A_1064, %mul3A_1069 : vector<16xf32>
      %get3A_1071 = arith.constant 24 : i32
      %get3A_1072 = arith.index_cast %get3A_1071 : i32 to index
      %get3A_1073 = arith.constant 32 : index
      %get3A_1074 = tpu.vector_load %arg14[%get3A_1072, %get3A_1073] {strides = array<i32>} : memref<80x128xf32, #tpu.memory_space<vmem>>, vector<16xf32>,
      %mul3A_1075 = arith.mulf %get3A_1074, %get3A_895 : vector<16xf32>
      %add3A_1076 = arith.addf %add3A_1070, %mul3A_1075 : vector<16xf32>
      %get3A_1077 = arith.constant 24 : i32
      %get3A_1078 = arith.index_cast %get3A_1077 : i32 to index
      %get3A_1079 = arith.constant 48 : index
      %get3A_1080 = tpu.vector_load %arg14[%get3A_1078, %get3A_1079] {strides = array<i32>} : memref<80x128xf32, #tpu.memory_space<vmem>>, vector<16xf32>,
      %mul3A_1081 = arith.mulf %get3A_1080, %get3A_899 : vector<16xf32>
      %add3A_1082 = arith.addf %add3A_1076, %mul3A_1081 : vector<16xf32>
      %eq3A_1083 = arith.constant 4 : i32
      %eq3A_1084 = vector.broadcast %eq3A_1083 : i32 to vector<16xi32>
      %eq3A_1085 = arith.cmpi eq, %iota3A, %eq3A_1084 : vector<16xi32>
      %reduce_sum3A_1086 = arith.constant true
      %reduce_sum3A_1087 = vector.broadcast %reduce_sum3A_1086 : i1 to vector<16xi1>
      %reduce_sum3A_1088 = tpu.scan <sum>, %add3A_1082 masked %reduce_sum3A_1087 : vector<16xf32>, vector<16xi1> -> vector<16xf32>
      %reduce_sum3A_1089 = vector.extract %reduce_sum3A_1088[15] : f32 from vector<16xf32>
      %broadcast_in_dim3A_1090 = vector.broadcast %reduce_sum3A_1089 : f32 to vector<16xf32>
      %select_n3A_1091 = arith.select %eq3A_1085, %broadcast_in_dim3A_1090, %select_n3A_883 : vector<16xi1>, vector<16xf32>
      %get3A_1092 = arith.constant 5 : i32
      %get3A_1093 = arith.index_cast %get3A_1092 : i32 to index
      %get3A_1094 = arith.constant 0 : index
      %get3A_1095 = tpu.vector_load %arg13[%get3A_1093, %get3A_1094] {strides = array<i32>} : memref<16x128xf32, #tpu.memory_space<vmem>>, vector<16xf32>,
      %get3A_1096 = arith.constant 5 : i32
      %get3A_1097 = arith.index_cast %get3A_1096 : i32 to index
      %get3A_1098 = arith.constant 16 : index
      %get3A_1099 = tpu.vector_load %arg13[%get3A_1097, %get3A_1098] {strides = array<i32>} : memref<16x128xf32, #tpu.memory_space<vmem>>, vector<16xf32>,
      %get3A_1100 = arith.constant 5 : i32
      %get3A_1101 = arith.index_cast %get3A_1100 : i32 to index
      %get3A_1102 = arith.constant 32 : index
      %get3A_1103 = tpu.vector_load %arg13[%get3A_1101, %get3A_1102] {strides = array<i32>} : memref<16x128xf32, #tpu.memory_space<vmem>>, vector<16xf32>,
      %get3A_1104 = arith.constant 5 : i32
      %get3A_1105 = arith.index_cast %get3A_1104 : i32 to index
      %get3A_1106 = arith.constant 48 : index
      %get3A_1107 = tpu.vector_load %arg13[%get3A_1105, %get3A_1106] {strides = array<i32>} : memref<16x128xf32, #tpu.memory_space<vmem>>, vector<16xf32>,
      %get3A_1108 = arith.constant 5 : i32
      %get3A_1109 = arith.index_cast %get3A_1108 : i32 to index
      %get3A_1110 = arith.constant 0 : index
      %get3A_1111 = tpu.vector_load %arg12[%get3A_1109, %get3A_1110] {strides = array<i32>} : memref<16x128xf32, #tpu.memory_space<vmem>>, vector<16xf32>,
      %mul3A_1112 = arith.mulf %get3A_1111, %get3A_1095 : vector<16xf32>
      %get3A_1113 = arith.constant 5 : i32
      %get3A_1114 = arith.index_cast %get3A_1113 : i32 to index
      %get3A_1115 = arith.constant 16 : index
      %get3A_1116 = tpu.vector_load %arg12[%get3A_1114, %get3A_1115] {strides = array<i32>} : memref<16x128xf32, #tpu.memory_space<vmem>>, vector<16xf32>,
      %mul3A_1117 = arith.mulf %get3A_1116, %get3A_1099 : vector<16xf32>
      %add3A_1118 = arith.addf %mul3A_1112, %mul3A_1117 : vector<16xf32>
      %get3A_1119 = arith.constant 5 : i32
      %get3A_1120 = arith.index_cast %get3A_1119 : i32 to index
      %get3A_1121 = arith.constant 32 : index
      %get3A_1122 = tpu.vector_load %arg12[%get3A_1120, %get3A_1121] {strides = array<i32>} : memref<16x128xf32, #tpu.memory_space<vmem>>, vector<16xf32>,
      %mul3A_1123 = arith.mulf %get3A_1122, %get3A_1103 : vector<16xf32>
      %add3A_1124 = arith.addf %add3A_1118, %mul3A_1123 : vector<16xf32>
      %get3A_1125 = arith.constant 5 : i32
      %get3A_1126 = arith.index_cast %get3A_1125 : i32 to index
      %get3A_1127 = arith.constant 48 : index
      %get3A_1128 = tpu.vector_load %arg12[%get3A_1126, %get3A_1127] {strides = array<i32>} : memref<16x128xf32, #tpu.memory_space<vmem>>, vector<16xf32>,
      %mul3A_1129 = arith.mulf %get3A_1128, %get3A_1107 : vector<16xf32>
      %add3A_1130 = arith.addf %add3A_1124, %mul3A_1129 : vector<16xf32>
      %eq3A_1131 = arith.constant 5 : i32
      %eq3A_1132 = vector.broadcast %eq3A_1131 : i32 to vector<16xi32>
      %eq3A_1133 = arith.cmpi eq, %iota3A, %eq3A_1132 : vector<16xi32>
      %reduce_sum3A_1134 = arith.constant true
      %reduce_sum3A_1135 = vector.broadcast %reduce_sum3A_1134 : i1 to vector<16xi1>
      %reduce_sum3A_1136 = tpu.scan <sum>, %add3A_1130 masked %reduce_sum3A_1135 : vector<16xf32>, vector<16xi1> -> vector<16xf32>
      %reduce_sum3A_1137 = vector.extract %reduce_sum3A_1136[15] : f32 from vector<16xf32>
      %broadcast_in_dim3A_1138 = vector.broadcast %reduce_sum3A_1137 : f32 to vector<16xf32>
      %select_n3A_1139 = arith.select %eq3A_1133, %broadcast_in_dim3A_1138, %select_n3A_931 : vector<16xi1>, vector<16xf32>
      %get3A_1140 = arith.constant 25 : i32
      %get3A_1141 = arith.index_cast %get3A_1140 : i32 to index
      %get3A_1142 = arith.constant 0 : index
      %get3A_1143 = tpu.vector_load %arg14[%get3A_1141, %get3A_1142] {strides = array<i32>} : memref<80x128xf32, #tpu.memory_space<vmem>>, vector<16xf32>,
      %mul3A_1144 = arith.mulf %get3A_1143, %get3A_1095 : vector<16xf32>
      %get3A_1145 = arith.constant 25 : i32
      %get3A_1146 = arith.index_cast %get3A_1145 : i32 to index
      %get3A_1147 = arith.constant 16 : index
      %get3A_1148 = tpu.vector_load %arg14[%get3A_1146, %get3A_1147] {strides = array<i32>} : memref<80x128xf32, #tpu.memory_space<vmem>>, vector<16xf32>,
      %mul3A_1149 = arith.mulf %get3A_1148, %get3A_1099 : vector<16xf32>
      %add3A_1150 = arith.addf %mul3A_1144, %mul3A_1149 : vector<16xf32>
      %get3A_1151 = arith.constant 25 : i32
      %get3A_1152 = arith.index_cast %get3A_1151 : i32 to index
      %get3A_1153 = arith.constant 32 : index
      %get3A_1154 = tpu.vector_load %arg14[%get3A_1152, %get3A_1153] {strides = array<i32>} : memref<80x128xf32, #tpu.memory_space<vmem>>, vector<16xf32>,
      %mul3A_1155 = arith.mulf %get3A_1154, %get3A_1103 : vector<16xf32>
      %add3A_1156 = arith.addf %add3A_1150, %mul3A_1155 : vector<16xf32>
      %get3A_1157 = arith.constant 25 : i32
      %get3A_1158 = arith.index_cast %get3A_1157 : i32 to index
      %get3A_1159 = arith.constant 48 : index
      %get3A_1160 = tpu.vector_load %arg14[%get3A_1158, %get3A_1159] {strides = array<i32>} : memref<80x128xf32, #tpu.memory_space<vmem>>, vector<16xf32>,
      %mul3A_1161 = arith.mulf %get3A_1160, %get3A_1107 : vector<16xf32>
      %add3A_1162 = arith.addf %add3A_1156, %mul3A_1161 : vector<16xf32>
      %eq3A_1163 = arith.constant 5 : i32
      %eq3A_1164 = vector.broadcast %eq3A_1163 : i32 to vector<16xi32>
      %eq3A_1165 = arith.cmpi eq, %iota3A, %eq3A_1164 : vector<16xi32>
      %reduce_sum3A_1166 = arith.constant true
      %reduce_sum3A_1167 = vector.broadcast %reduce_sum3A_1166 : i1 to vector<16xi1>
      %reduce_sum3A_1168 = tpu.scan <sum>, %add3A_1162 masked %reduce_sum3A_1167 : vector<16xf32>, vector<16xi1> -> vector<16xf32>
      %reduce_sum3A_1169 = vector.extract %reduce_sum3A_1168[15] : f32 from vector<16xf32>
      %broadcast_in_dim3A_1170 = vector.broadcast %reduce_sum3A_1169 : f32 to vector<16xf32>
      %select_n3A_1171 = arith.select %eq3A_1165, %broadcast_in_dim3A_1170, %select_n3A_963 : vector<16xi1>, vector<16xf32>
      %get3A_1172 = arith.constant 26 : i32
      %get3A_1173 = arith.index_cast %get3A_1172 : i32 to index
      %get3A_1174 = arith.constant 0 : index
      %get3A_1175 = tpu.vector_load %arg14[%get3A_1173, %get3A_1174] {strides = array<i32>} : memref<80x128xf32, #tpu.memory_space<vmem>>, vector<16xf32>,
      %mul3A_1176 = arith.mulf %get3A_1175, %get3A_1095 : vector<16xf32>
      %get3A_1177 = arith.constant 26 : i32
      %get3A_1178 = arith.index_cast %get3A_1177 : i32 to index
      %get3A_1179 = arith.constant 16 : index
      %get3A_1180 = tpu.vector_load %arg14[%get3A_1178, %get3A_1179] {strides = array<i32>} : memref<80x128xf32, #tpu.memory_space<vmem>>, vector<16xf32>,
      %mul3A_1181 = arith.mulf %get3A_1180, %get3A_1099 : vector<16xf32>
      %add3A_1182 = arith.addf %mul3A_1176, %mul3A_1181 : vector<16xf32>
      %get3A_1183 = arith.constant 26 : i32
      %get3A_1184 = arith.index_cast %get3A_1183 : i32 to index
      %get3A_1185 = arith.constant 32 : index
      %get3A_1186 = tpu.vector_load %arg14[%get3A_1184, %get3A_1185] {strides = array<i32>} : memref<80x128xf32, #tpu.memory_space<vmem>>, vector<16xf32>,
      %mul3A_1187 = arith.mulf %get3A_1186, %get3A_1103 : vector<16xf32>
      %add3A_1188 = arith.addf %add3A_1182, %mul3A_1187 : vector<16xf32>
      %get3A_1189 = arith.constant 26 : i32
      %get3A_1190 = arith.index_cast %get3A_1189 : i32 to index
      %get3A_1191 = arith.constant 48 : index
      %get3A_1192 = tpu.vector_load %arg14[%get3A_1190, %get3A_1191] {strides = array<i32>} : memref<80x128xf32, #tpu.memory_space<vmem>>, vector<16xf32>,
      %mul3A_1193 = arith.mulf %get3A_1192, %get3A_1107 : vector<16xf32>
      %add3A_1194 = arith.addf %add3A_1188, %mul3A_1193 : vector<16xf32>
      %eq3A_1195 = arith.constant 5 : i32
      %eq3A_1196 = vector.broadcast %eq3A_1195 : i32 to vector<16xi32>
      %eq3A_1197 = arith.cmpi eq, %iota3A, %eq3A_1196 : vector<16xi32>
      %reduce_sum3A_1198 = arith.constant true
      %reduce_sum3A_1199 = vector.broadcast %reduce_sum3A_1198 : i1 to vector<16xi1>
      %reduce_sum3A_1200 = tpu.scan <sum>, %add3A_1194 masked %reduce_sum3A_1199 : vector<16xf32>, vector<16xi1> -> vector<16xf32>
      %reduce_sum3A_1201 = vector.extract %reduce_sum3A_1200[15] : f32 from vector<16xf32>
      %broadcast_in_dim3A_1202 = vector.broadcast %reduce_sum3A_1201 : f32 to vector<16xf32>
      %select_n3A_1203 = arith.select %eq3A_1197, %broadcast_in_dim3A_1202, %select_n3A_995 : vector<16xi1>, vector<16xf32>
      %get3A_1204 = arith.constant 27 : i32
      %get3A_1205 = arith.index_cast %get3A_1204 : i32 to index
      %get3A_1206 = arith.constant 0 : index
      %get3A_1207 = tpu.vector_load %arg14[%get3A_1205, %get3A_1206] {strides = array<i32>} : memref<80x128xf32, #tpu.memory_space<vmem>>, vector<16xf32>,
      %mul3A_1208 = arith.mulf %get3A_1207, %get3A_1095 : vector<16xf32>
      %get3A_1209 = arith.constant 27 : i32
      %get3A_1210 = arith.index_cast %get3A_1209 : i32 to index
      %get3A_1211 = arith.constant 16 : index
      %get3A_1212 = tpu.vector_load %arg14[%get3A_1210, %get3A_1211] {strides = array<i32>} : memref<80x128xf32, #tpu.memory_space<vmem>>, vector<16xf32>,
      %mul3A_1213 = arith.mulf %get3A_1212, %get3A_1099 : vector<16xf32>
      %add3A_1214 = arith.addf %mul3A_1208, %mul3A_1213 : vector<16xf32>
      %get3A_1215 = arith.constant 27 : i32
      %get3A_1216 = arith.index_cast %get3A_1215 : i32 to index
      %get3A_1217 = arith.constant 32 : index
      %get3A_1218 = tpu.vector_load %arg14[%get3A_1216, %get3A_1217] {strides = array<i32>} : memref<80x128xf32, #tpu.memory_space<vmem>>, vector<16xf32>,
      %mul3A_1219 = arith.mulf %get3A_1218, %get3A_1103 : vector<16xf32>
      %add3A_1220 = arith.addf %add3A_1214, %mul3A_1219 : vector<16xf32>
      %get3A_1221 = arith.constant 27 : i32
      %get3A_1222 = arith.index_cast %get3A_1221 : i32 to index
      %get3A_1223 = arith.constant 48 : index
      %get3A_1224 = tpu.vector_load %arg14[%get3A_1222, %get3A_1223] {strides = array<i32>} : memref<80x128xf32, #tpu.memory_space<vmem>>, vector<16xf32>,
      %mul3A_1225 = arith.mulf %get3A_1224, %get3A_1107 : vector<16xf32>
      %add3A_1226 = arith.addf %add3A_1220, %mul3A_1225 : vector<16xf32>
      %eq3A_1227 = arith.constant 5 : i32
      %eq3A_1228 = vector.broadcast %eq3A_1227 : i32 to vector<16xi32>
      %eq3A_1229 = arith.cmpi eq, %iota3A, %eq3A_1228 : vector<16xi32>
      %reduce_sum3A_1230 = arith.constant true
      %reduce_sum3A_1231 = vector.broadcast %reduce_sum3A_1230 : i1 to vector<16xi1>
      %reduce_sum3A_1232 = tpu.scan <sum>, %add3A_1226 masked %reduce_sum3A_1231 : vector<16xf32>, vector<16xi1> -> vector<16xf32>
      %reduce_sum3A_1233 = vector.extract %reduce_sum3A_1232[15] : f32 from vector<16xf32>
      %broadcast_in_dim3A_1234 = vector.broadcast %reduce_sum3A_1233 : f32 to vector<16xf32>
      %select_n3A_1235 = arith.select %eq3A_1229, %broadcast_in_dim3A_1234, %select_n3A_1027 : vector<16xi1>, vector<16xf32>
      %get3A_1236 = arith.constant 28 : i32
      %get3A_1237 = arith.index_cast %get3A_1236 : i32 to index
      %get3A_1238 = arith.constant 0 : index
      %get3A_1239 = tpu.vector_load %arg14[%get3A_1237, %get3A_1238] {strides = array<i32>} : memref<80x128xf32, #tpu.memory_space<vmem>>, vector<16xf32>,
      %mul3A_1240 = arith.mulf %get3A_1239, %get3A_1095 : vector<16xf32>
      %get3A_1241 = arith.constant 28 : i32
      %get3A_1242 = arith.index_cast %get3A_1241 : i32 to index
      %get3A_1243 = arith.constant 16 : index
      %get3A_1244 = tpu.vector_load %arg14[%get3A_1242, %get3A_1243] {strides = array<i32>} : memref<80x128xf32, #tpu.memory_space<vmem>>, vector<16xf32>,
      %mul3A_1245 = arith.mulf %get3A_1244, %get3A_1099 : vector<16xf32>
      %add3A_1246 = arith.addf %mul3A_1240, %mul3A_1245 : vector<16xf32>
      %get3A_1247 = arith.constant 28 : i32
      %get3A_1248 = arith.index_cast %get3A_1247 : i32 to index
      %get3A_1249 = arith.constant 32 : index
      %get3A_1250 = tpu.vector_load %arg14[%get3A_1248, %get3A_1249] {strides = array<i32>} : memref<80x128xf32, #tpu.memory_space<vmem>>, vector<16xf32>,
      %mul3A_1251 = arith.mulf %get3A_1250, %get3A_1103 : vector<16xf32>
      %add3A_1252 = arith.addf %add3A_1246, %mul3A_1251 : vector<16xf32>
      %get3A_1253 = arith.constant 28 : i32
      %get3A_1254 = arith.index_cast %get3A_1253 : i32 to index
      %get3A_1255 = arith.constant 48 : index
      %get3A_1256 = tpu.vector_load %arg14[%get3A_1254, %get3A_1255] {strides = array<i32>} : memref<80x128xf32, #tpu.memory_space<vmem>>, vector<16xf32>,
      %mul3A_1257 = arith.mulf %get3A_1256, %get3A_1107 : vector<16xf32>
      %add3A_1258 = arith.addf %add3A_1252, %mul3A_1257 : vector<16xf32>
      %eq3A_1259 = arith.constant 5 : i32
      %eq3A_1260 = vector.broadcast %eq3A_1259 : i32 to vector<16xi32>
      %eq3A_1261 = arith.cmpi eq, %iota3A, %eq3A_1260 : vector<16xi32>
      %reduce_sum3A_1262 = arith.constant true
      %reduce_sum3A_1263 = vector.broadcast %reduce_sum3A_1262 : i1 to vector<16xi1>
      %reduce_sum3A_1264 = tpu.scan <sum>, %add3A_1258 masked %reduce_sum3A_1263 : vector<16xf32>, vector<16xi1> -> vector<16xf32>
      %reduce_sum3A_1265 = vector.extract %reduce_sum3A_1264[15] : f32 from vector<16xf32>
      %broadcast_in_dim3A_1266 = vector.broadcast %reduce_sum3A_1265 : f32 to vector<16xf32>
      %select_n3A_1267 = arith.select %eq3A_1261, %broadcast_in_dim3A_1266, %select_n3A_1059 : vector<16xi1>, vector<16xf32>
      %get3A_1268 = arith.constant 29 : i32
      %get3A_1269 = arith.index_cast %get3A_1268 : i32 to index
      %get3A_1270 = arith.constant 0 : index
      %get3A_1271 = tpu.vector_load %arg14[%get3A_1269, %get3A_1270] {strides = array<i32>} : memref<80x128xf32, #tpu.memory_space<vmem>>, vector<16xf32>,
      %mul3A_1272 = arith.mulf %get3A_1271, %get3A_1095 : vector<16xf32>
      %get3A_1273 = arith.constant 29 : i32
      %get3A_1274 = arith.index_cast %get3A_1273 : i32 to index
      %get3A_1275 = arith.constant 16 : index
      %get3A_1276 = tpu.vector_load %arg14[%get3A_1274, %get3A_1275] {strides = array<i32>} : memref<80x128xf32, #tpu.memory_space<vmem>>, vector<16xf32>,
      %mul3A_1277 = arith.mulf %get3A_1276, %get3A_1099 : vector<16xf32>
      %add3A_1278 = arith.addf %mul3A_1272, %mul3A_1277 : vector<16xf32>
      %get3A_1279 = arith.constant 29 : i32
      %get3A_1280 = arith.index_cast %get3A_1279 : i32 to index
      %get3A_1281 = arith.constant 32 : index
      %get3A_1282 = tpu.vector_load %arg14[%get3A_1280, %get3A_1281] {strides = array<i32>} : memref<80x128xf32, #tpu.memory_space<vmem>>, vector<16xf32>,
      %mul3A_1283 = arith.mulf %get3A_1282, %get3A_1103 : vector<16xf32>
      %add3A_1284 = arith.addf %add3A_1278, %mul3A_1283 : vector<16xf32>
      %get3A_1285 = arith.constant 29 : i32
      %get3A_1286 = arith.index_cast %get3A_1285 : i32 to index
      %get3A_1287 = arith.constant 48 : index
      %get3A_1288 = tpu.vector_load %arg14[%get3A_1286, %get3A_1287] {strides = array<i32>} : memref<80x128xf32, #tpu.memory_space<vmem>>, vector<16xf32>,
      %mul3A_1289 = arith.mulf %get3A_1288, %get3A_1107 : vector<16xf32>
      %add3A_1290 = arith.addf %add3A_1284, %mul3A_1289 : vector<16xf32>
      %eq3A_1291 = arith.constant 5 : i32
      %eq3A_1292 = vector.broadcast %eq3A_1291 : i32 to vector<16xi32>
      %eq3A_1293 = arith.cmpi eq, %iota3A, %eq3A_1292 : vector<16xi32>
      %reduce_sum3A_1294 = arith.constant true
      %reduce_sum3A_1295 = vector.broadcast %reduce_sum3A_1294 : i1 to vector<16xi1>
      %reduce_sum3A_1296 = tpu.scan <sum>, %add3A_1290 masked %reduce_sum3A_1295 : vector<16xf32>, vector<16xi1> -> vector<16xf32>
      %reduce_sum3A_1297 = vector.extract %reduce_sum3A_1296[15] : f32 from vector<16xf32>
      %broadcast_in_dim3A_1298 = vector.broadcast %reduce_sum3A_1297 : f32 to vector<16xf32>
      %select_n3A_1299 = arith.select %eq3A_1293, %broadcast_in_dim3A_1298, %select_n3A_1091 : vector<16xi1>, vector<16xf32>
      %get3A_1300 = arith.constant 6 : i32
      %get3A_1301 = arith.index_cast %get3A_1300 : i32 to index
      %get3A_1302 = arith.constant 0 : index
      %get3A_1303 = tpu.vector_load %arg13[%get3A_1301, %get3A_1302] {strides = array<i32>} : memref<16x128xf32, #tpu.memory_space<vmem>>, vector<16xf32>,
      %get3A_1304 = arith.constant 6 : i32
      %get3A_1305 = arith.index_cast %get3A_1304 : i32 to index
      %get3A_1306 = arith.constant 16 : index
      %get3A_1307 = tpu.vector_load %arg13[%get3A_1305, %get3A_1306] {strides = array<i32>} : memref<16x128xf32, #tpu.memory_space<vmem>>, vector<16xf32>,
      %get3A_1308 = arith.constant 6 : i32
      %get3A_1309 = arith.index_cast %get3A_1308 : i32 to index
      %get3A_1310 = arith.constant 32 : index
      %get3A_1311 = tpu.vector_load %arg13[%get3A_1309, %get3A_1310] {strides = array<i32>} : memref<16x128xf32, #tpu.memory_space<vmem>>, vector<16xf32>,
      %get3A_1312 = arith.constant 6 : i32
      %get3A_1313 = arith.index_cast %get3A_1312 : i32 to index
      %get3A_1314 = arith.constant 48 : index
      %get3A_1315 = tpu.vector_load %arg13[%get3A_1313, %get3A_1314] {strides = array<i32>} : memref<16x128xf32, #tpu.memory_space<vmem>>, vector<16xf32>,
      %get3A_1316 = arith.constant 6 : i32
      %get3A_1317 = arith.index_cast %get3A_1316 : i32 to index
      %get3A_1318 = arith.constant 0 : index
      %get3A_1319 = tpu.vector_load %arg12[%get3A_1317, %get3A_1318] {strides = array<i32>} : memref<16x128xf32, #tpu.memory_space<vmem>>, vector<16xf32>,
      %mul3A_1320 = arith.mulf %get3A_1319, %get3A_1303 : vector<16xf32>
      %get3A_1321 = arith.constant 6 : i32
      %get3A_1322 = arith.index_cast %get3A_1321 : i32 to index
      %get3A_1323 = arith.constant 16 : index
      %get3A_1324 = tpu.vector_load %arg12[%get3A_1322, %get3A_1323] {strides = array<i32>} : memref<16x128xf32, #tpu.memory_space<vmem>>, vector<16xf32>,
      %mul3A_1325 = arith.mulf %get3A_1324, %get3A_1307 : vector<16xf32>
      %add3A_1326 = arith.addf %mul3A_1320, %mul3A_1325 : vector<16xf32>
      %get3A_1327 = arith.constant 6 : i32
      %get3A_1328 = arith.index_cast %get3A_1327 : i32 to index
      %get3A_1329 = arith.constant 32 : index
      %get3A_1330 = tpu.vector_load %arg12[%get3A_1328, %get3A_1329] {strides = array<i32>} : memref<16x128xf32, #tpu.memory_space<vmem>>, vector<16xf32>,
      %mul3A_1331 = arith.mulf %get3A_1330, %get3A_1311 : vector<16xf32>
      %add3A_1332 = arith.addf %add3A_1326, %mul3A_1331 : vector<16xf32>
      %get3A_1333 = arith.constant 6 : i32
      %get3A_1334 = arith.index_cast %get3A_1333 : i32 to index
      %get3A_1335 = arith.constant 48 : index
      %get3A_1336 = tpu.vector_load %arg12[%get3A_1334, %get3A_1335] {strides = array<i32>} : memref<16x128xf32, #tpu.memory_space<vmem>>, vector<16xf32>,
      %mul3A_1337 = arith.mulf %get3A_1336, %get3A_1315 : vector<16xf32>
      %add3A_1338 = arith.addf %add3A_1332, %mul3A_1337 : vector<16xf32>
      %eq3A_1339 = arith.constant 6 : i32
      %eq3A_1340 = vector.broadcast %eq3A_1339 : i32 to vector<16xi32>
      %eq3A_1341 = arith.cmpi eq, %iota3A, %eq3A_1340 : vector<16xi32>
      %reduce_sum3A_1342 = arith.constant true
      %reduce_sum3A_1343 = vector.broadcast %reduce_sum3A_1342 : i1 to vector<16xi1>
      %reduce_sum3A_1344 = tpu.scan <sum>, %add3A_1338 masked %reduce_sum3A_1343 : vector<16xf32>, vector<16xi1> -> vector<16xf32>
      %reduce_sum3A_1345 = vector.extract %reduce_sum3A_1344[15] : f32 from vector<16xf32>
      %broadcast_in_dim3A_1346 = vector.broadcast %reduce_sum3A_1345 : f32 to vector<16xf32>
      %select_n3A_1347 = arith.select %eq3A_1341, %broadcast_in_dim3A_1346, %select_n3A_1139 : vector<16xi1>, vector<16xf32>
      %get3A_1348 = arith.constant 30 : i32
      %get3A_1349 = arith.index_cast %get3A_1348 : i32 to index
      %get3A_1350 = arith.constant 0 : index
      %get3A_1351 = tpu.vector_load %arg14[%get3A_1349, %get3A_1350] {strides = array<i32>} : memref<80x128xf32, #tpu.memory_space<vmem>>, vector<16xf32>,
      %mul3A_1352 = arith.mulf %get3A_1351, %get3A_1303 : vector<16xf32>
      %get3A_1353 = arith.constant 30 : i32
      %get3A_1354 = arith.index_cast %get3A_1353 : i32 to index
      %get3A_1355 = arith.constant 16 : index
      %get3A_1356 = tpu.vector_load %arg14[%get3A_1354, %get3A_1355] {strides = array<i32>} : memref<80x128xf32, #tpu.memory_space<vmem>>, vector<16xf32>,
      %mul3A_1357 = arith.mulf %get3A_1356, %get3A_1307 : vector<16xf32>
      %add3A_1358 = arith.addf %mul3A_1352, %mul3A_1357 : vector<16xf32>
      %get3A_1359 = arith.constant 30 : i32
      %get3A_1360 = arith.index_cast %get3A_1359 : i32 to index
      %get3A_1361 = arith.constant 32 : index
      %get3A_1362 = tpu.vector_load %arg14[%get3A_1360, %get3A_1361] {strides = array<i32>} : memref<80x128xf32, #tpu.memory_space<vmem>>, vector<16xf32>,
      %mul3A_1363 = arith.mulf %get3A_1362, %get3A_1311 : vector<16xf32>
      %add3A_1364 = arith.addf %add3A_1358, %mul3A_1363 : vector<16xf32>
      %get3A_1365 = arith.constant 30 : i32
      %get3A_1366 = arith.index_cast %get3A_1365 : i32 to index
      %get3A_1367 = arith.constant 48 : index
      %get3A_1368 = tpu.vector_load %arg14[%get3A_1366, %get3A_1367] {strides = array<i32>} : memref<80x128xf32, #tpu.memory_space<vmem>>, vector<16xf32>,
      %mul3A_1369 = arith.mulf %get3A_1368, %get3A_1315 : vector<16xf32>
      %add3A_1370 = arith.addf %add3A_1364, %mul3A_1369 : vector<16xf32>
      %eq3A_1371 = arith.constant 6 : i32
      %eq3A_1372 = vector.broadcast %eq3A_1371 : i32 to vector<16xi32>
      %eq3A_1373 = arith.cmpi eq, %iota3A, %eq3A_1372 : vector<16xi32>
      %reduce_sum3A_1374 = arith.constant true
      %reduce_sum3A_1375 = vector.broadcast %reduce_sum3A_1374 : i1 to vector<16xi1>
      %reduce_sum3A_1376 = tpu.scan <sum>, %add3A_1370 masked %reduce_sum3A_1375 : vector<16xf32>, vector<16xi1> -> vector<16xf32>
      %reduce_sum3A_1377 = vector.extract %reduce_sum3A_1376[15] : f32 from vector<16xf32>
      %broadcast_in_dim3A_1378 = vector.broadcast %reduce_sum3A_1377 : f32 to vector<16xf32>
      %select_n3A_1379 = arith.select %eq3A_1373, %broadcast_in_dim3A_1378, %select_n3A_1171 : vector<16xi1>, vector<16xf32>
      %get3A_1380 = arith.constant 31 : i32
      %get3A_1381 = arith.index_cast %get3A_1380 : i32 to index
      %get3A_1382 = arith.constant 0 : index
      %get3A_1383 = tpu.vector_load %arg14[%get3A_1381, %get3A_1382] {strides = array<i32>} : memref<80x128xf32, #tpu.memory_space<vmem>>, vector<16xf32>,
      %mul3A_1384 = arith.mulf %get3A_1383, %get3A_1303 : vector<16xf32>
      %get3A_1385 = arith.constant 31 : i32
      %get3A_1386 = arith.index_cast %get3A_1385 : i32 to index
      %get3A_1387 = arith.constant 16 : index
      %get3A_1388 = tpu.vector_load %arg14[%get3A_1386, %get3A_1387] {strides = array<i32>} : memref<80x128xf32, #tpu.memory_space<vmem>>, vector<16xf32>,
      %mul3A_1389 = arith.mulf %get3A_1388, %get3A_1307 : vector<16xf32>
      %add3A_1390 = arith.addf %mul3A_1384, %mul3A_1389 : vector<16xf32>
      %get3A_1391 = arith.constant 31 : i32
      %get3A_1392 = arith.index_cast %get3A_1391 : i32 to index
      %get3A_1393 = arith.constant 32 : index
      %get3A_1394 = tpu.vector_load %arg14[%get3A_1392, %get3A_1393] {strides = array<i32>} : memref<80x128xf32, #tpu.memory_space<vmem>>, vector<16xf32>,
      %mul3A_1395 = arith.mulf %get3A_1394, %get3A_1311 : vector<16xf32>
      %add3A_1396 = arith.addf %add3A_1390, %mul3A_1395 : vector<16xf32>
      %get3A_1397 = arith.constant 31 : i32
      %get3A_1398 = arith.index_cast %get3A_1397 : i32 to index
      %get3A_1399 = arith.constant 48 : index
      %get3A_1400 = tpu.vector_load %arg14[%get3A_1398, %get3A_1399] {strides = array<i32>} : memref<80x128xf32, #tpu.memory_space<vmem>>, vector<16xf32>,
      %mul3A_1401 = arith.mulf %get3A_1400, %get3A_1315 : vector<16xf32>
      %add3A_1402 = arith.addf %add3A_1396, %mul3A_1401 : vector<16xf32>
      %eq3A_1403 = arith.constant 6 : i32
      %eq3A_1404 = vector.broadcast %eq3A_1403 : i32 to vector<16xi32>
      %eq3A_1405 = arith.cmpi eq, %iota3A, %eq3A_1404 : vector<16xi32>
      %reduce_sum3A_1406 = arith.constant true
      %reduce_sum3A_1407 = vector.broadcast %reduce_sum3A_1406 : i1 to vector<16xi1>
      %reduce_sum3A_1408 = tpu.scan <sum>, %add3A_1402 masked %reduce_sum3A_1407 : vector<16xf32>, vector<16xi1> -> vector<16xf32>
      %reduce_sum3A_1409 = vector.extract %reduce_sum3A_1408[15] : f32 from vector<16xf32>
      %broadcast_in_dim3A_1410 = vector.broadcast %reduce_sum3A_1409 : f32 to vector<16xf32>
      %select_n3A_1411 = arith.select %eq3A_1405, %broadcast_in_dim3A_1410, %select_n3A_1203 : vector<16xi1>, vector<16xf32>
      %get3A_1412 = arith.constant 32 : i32
      %get3A_1413 = arith.index_cast %get3A_1412 : i32 to index
      %get3A_1414 = arith.constant 0 : index
      %get3A_1415 = tpu.vector_load %arg14[%get3A_1413, %get3A_1414] {strides = array<i32>} : memref<80x128xf32, #tpu.memory_space<vmem>>, vector<16xf32>,
      %mul3A_1416 = arith.mulf %get3A_1415, %get3A_1303 : vector<16xf32>
      %get3A_1417 = arith.constant 32 : i32
      %get3A_1418 = arith.index_cast %get3A_1417 : i32 to index
      %get3A_1419 = arith.constant 16 : index
      %get3A_1420 = tpu.vector_load %arg14[%get3A_1418, %get3A_1419] {strides = array<i32>} : memref<80x128xf32, #tpu.memory_space<vmem>>, vector<16xf32>,
      %mul3A_1421 = arith.mulf %get3A_1420, %get3A_1307 : vector<16xf32>
      %add3A_1422 = arith.addf %mul3A_1416, %mul3A_1421 : vector<16xf32>
      %get3A_1423 = arith.constant 32 : i32
      %get3A_1424 = arith.index_cast %get3A_1423 : i32 to index
      %get3A_1425 = arith.constant 32 : index
      %get3A_1426 = tpu.vector_load %arg14[%get3A_1424, %get3A_1425] {strides = array<i32>} : memref<80x128xf32, #tpu.memory_space<vmem>>, vector<16xf32>,
      %mul3A_1427 = arith.mulf %get3A_1426, %get3A_1311 : vector<16xf32>
      %add3A_1428 = arith.addf %add3A_1422, %mul3A_1427 : vector<16xf32>
      %get3A_1429 = arith.constant 32 : i32
      %get3A_1430 = arith.index_cast %get3A_1429 : i32 to index
      %get3A_1431 = arith.constant 48 : index
      %get3A_1432 = tpu.vector_load %arg14[%get3A_1430, %get3A_1431] {strides = array<i32>} : memref<80x128xf32, #tpu.memory_space<vmem>>, vector<16xf32>,
      %mul3A_1433 = arith.mulf %get3A_1432, %get3A_1315 : vector<16xf32>
      %add3A_1434 = arith.addf %add3A_1428, %mul3A_1433 : vector<16xf32>
      %eq3A_1435 = arith.constant 6 : i32
      %eq3A_1436 = vector.broadcast %eq3A_1435 : i32 to vector<16xi32>
      %eq3A_1437 = arith.cmpi eq, %iota3A, %eq3A_1436 : vector<16xi32>
      %reduce_sum3A_1438 = arith.constant true
      %reduce_sum3A_1439 = vector.broadcast %reduce_sum3A_1438 : i1 to vector<16xi1>
      %reduce_sum3A_1440 = tpu.scan <sum>, %add3A_1434 masked %reduce_sum3A_1439 : vector<16xf32>, vector<16xi1> -> vector<16xf32>
      %reduce_sum3A_1441 = vector.extract %reduce_sum3A_1440[15] : f32 from vector<16xf32>
      %broadcast_in_dim3A_1442 = vector.broadcast %reduce_sum3A_1441 : f32 to vector<16xf32>
      %select_n3A_1443 = arith.select %eq3A_1437, %broadcast_in_dim3A_1442, %select_n3A_1235 : vector<16xi1>, vector<16xf32>
      %get3A_1444 = arith.constant 33 : i32
      %get3A_1445 = arith.index_cast %get3A_1444 : i32 to index
      %get3A_1446 = arith.constant 0 : index
      %get3A_1447 = tpu.vector_load %arg14[%get3A_1445, %get3A_1446] {strides = array<i32>} : memref<80x128xf32, #tpu.memory_space<vmem>>, vector<16xf32>,
      %mul3A_1448 = arith.mulf %get3A_1447, %get3A_1303 : vector<16xf32>
      %get3A_1449 = arith.constant 33 : i32
      %get3A_1450 = arith.index_cast %get3A_1449 : i32 to index
      %get3A_1451 = arith.constant 16 : index
      %get3A_1452 = tpu.vector_load %arg14[%get3A_1450, %get3A_1451] {strides = array<i32>} : memref<80x128xf32, #tpu.memory_space<vmem>>, vector<16xf32>,
      %mul3A_1453 = arith.mulf %get3A_1452, %get3A_1307 : vector<16xf32>
      %add3A_1454 = arith.addf %mul3A_1448, %mul3A_1453 : vector<16xf32>
      %get3A_1455 = arith.constant 33 : i32
      %get3A_1456 = arith.index_cast %get3A_1455 : i32 to index
      %get3A_1457 = arith.constant 32 : index
      %get3A_1458 = tpu.vector_load %arg14[%get3A_1456, %get3A_1457] {strides = array<i32>} : memref<80x128xf32, #tpu.memory_space<vmem>>, vector<16xf32>,
      %mul3A_1459 = arith.mulf %get3A_1458, %get3A_1311 : vector<16xf32>
      %add3A_1460 = arith.addf %add3A_1454, %mul3A_1459 : vector<16xf32>
      %get3A_1461 = arith.constant 33 : i32
      %get3A_1462 = arith.index_cast %get3A_1461 : i32 to index
      %get3A_1463 = arith.constant 48 : index
      %get3A_1464 = tpu.vector_load %arg14[%get3A_1462, %get3A_1463] {strides = array<i32>} : memref<80x128xf32, #tpu.memory_space<vmem>>, vector<16xf32>,
      %mul3A_1465 = arith.mulf %get3A_1464, %get3A_1315 : vector<16xf32>
      %add3A_1466 = arith.addf %add3A_1460, %mul3A_1465 : vector<16xf32>
      %eq3A_1467 = arith.constant 6 : i32
      %eq3A_1468 = vector.broadcast %eq3A_1467 : i32 to vector<16xi32>
      %eq3A_1469 = arith.cmpi eq, %iota3A, %eq3A_1468 : vector<16xi32>
      %reduce_sum3A_1470 = arith.constant true
      %reduce_sum3A_1471 = vector.broadcast %reduce_sum3A_1470 : i1 to vector<16xi1>
      %reduce_sum3A_1472 = tpu.scan <sum>, %add3A_1466 masked %reduce_sum3A_1471 : vector<16xf32>, vector<16xi1> -> vector<16xf32>
      %reduce_sum3A_1473 = vector.extract %reduce_sum3A_1472[15] : f32 from vector<16xf32>
      %broadcast_in_dim3A_1474 = vector.broadcast %reduce_sum3A_1473 : f32 to vector<16xf32>
      %select_n3A_1475 = arith.select %eq3A_1469, %broadcast_in_dim3A_1474, %select_n3A_1267 : vector<16xi1>, vector<16xf32>
      %get3A_1476 = arith.constant 34 : i32
      %get3A_1477 = arith.index_cast %get3A_1476 : i32 to index
      %get3A_1478 = arith.constant 0 : index
      %get3A_1479 = tpu.vector_load %arg14[%get3A_1477, %get3A_1478] {strides = array<i32>} : memref<80x128xf32, #tpu.memory_space<vmem>>, vector<16xf32>,
      %mul3A_1480 = arith.mulf %get3A_1479, %get3A_1303 : vector<16xf32>
      %get3A_1481 = arith.constant 34 : i32
      %get3A_1482 = arith.index_cast %get3A_1481 : i32 to index
      %get3A_1483 = arith.constant 16 : index
      %get3A_1484 = tpu.vector_load %arg14[%get3A_1482, %get3A_1483] {strides = array<i32>} : memref<80x128xf32, #tpu.memory_space<vmem>>, vector<16xf32>,
      %mul3A_1485 = arith.mulf %get3A_1484, %get3A_1307 : vector<16xf32>
      %add3A_1486 = arith.addf %mul3A_1480, %mul3A_1485 : vector<16xf32>
      %get3A_1487 = arith.constant 34 : i32
      %get3A_1488 = arith.index_cast %get3A_1487 : i32 to index
      %get3A_1489 = arith.constant 32 : index
      %get3A_1490 = tpu.vector_load %arg14[%get3A_1488, %get3A_1489] {strides = array<i32>} : memref<80x128xf32, #tpu.memory_space<vmem>>, vector<16xf32>,
      %mul3A_1491 = arith.mulf %get3A_1490, %get3A_1311 : vector<16xf32>
      %add3A_1492 = arith.addf %add3A_1486, %mul3A_1491 : vector<16xf32>
      %get3A_1493 = arith.constant 34 : i32
      %get3A_1494 = arith.index_cast %get3A_1493 : i32 to index
      %get3A_1495 = arith.constant 48 : index
      %get3A_1496 = tpu.vector_load %arg14[%get3A_1494, %get3A_1495] {strides = array<i32>} : memref<80x128xf32, #tpu.memory_space<vmem>>, vector<16xf32>,
      %mul3A_1497 = arith.mulf %get3A_1496, %get3A_1315 : vector<16xf32>
      %add3A_1498 = arith.addf %add3A_1492, %mul3A_1497 : vector<16xf32>
      %eq3A_1499 = arith.constant 6 : i32
      %eq3A_1500 = vector.broadcast %eq3A_1499 : i32 to vector<16xi32>
      %eq3A_1501 = arith.cmpi eq, %iota3A, %eq3A_1500 : vector<16xi32>
      %reduce_sum3A_1502 = arith.constant true
      %reduce_sum3A_1503 = vector.broadcast %reduce_sum3A_1502 : i1 to vector<16xi1>
      %reduce_sum3A_1504 = tpu.scan <sum>, %add3A_1498 masked %reduce_sum3A_1503 : vector<16xf32>, vector<16xi1> -> vector<16xf32>
      %reduce_sum3A_1505 = vector.extract %reduce_sum3A_1504[15] : f32 from vector<16xf32>
      %broadcast_in_dim3A_1506 = vector.broadcast %reduce_sum3A_1505 : f32 to vector<16xf32>
      %select_n3A_1507 = arith.select %eq3A_1501, %broadcast_in_dim3A_1506, %select_n3A_1299 : vector<16xi1>, vector<16xf32>
      %get3A_1508 = arith.constant 7 : i32
      %get3A_1509 = arith.index_cast %get3A_1508 : i32 to index
      %get3A_1510 = arith.constant 0 : index
      %get3A_1511 = tpu.vector_load %arg13[%get3A_1509, %get3A_1510] {strides = array<i32>} : memref<16x128xf32, #tpu.memory_space<vmem>>, vector<16xf32>,
      %get3A_1512 = arith.constant 7 : i32
      %get3A_1513 = arith.index_cast %get3A_1512 : i32 to index
      %get3A_1514 = arith.constant 16 : index
      %get3A_1515 = tpu.vector_load %arg13[%get3A_1513, %get3A_1514] {strides = array<i32>} : memref<16x128xf32, #tpu.memory_space<vmem>>, vector<16xf32>,
      %get3A_1516 = arith.constant 7 : i32
      %get3A_1517 = arith.index_cast %get3A_1516 : i32 to index
      %get3A_1518 = arith.constant 32 : index
      %get3A_1519 = tpu.vector_load %arg13[%get3A_1517, %get3A_1518] {strides = array<i32>} : memref<16x128xf32, #tpu.memory_space<vmem>>, vector<16xf32>,
      %get3A_1520 = arith.constant 7 : i32
      %get3A_1521 = arith.index_cast %get3A_1520 : i32 to index
      %get3A_1522 = arith.constant 48 : index
      %get3A_1523 = tpu.vector_load %arg13[%get3A_1521, %get3A_1522] {strides = array<i32>} : memref<16x128xf32, #tpu.memory_space<vmem>>, vector<16xf32>,
      %get3A_1524 = arith.constant 7 : i32
      %get3A_1525 = arith.index_cast %get3A_1524 : i32 to index
      %get3A_1526 = arith.constant 0 : index
      %get3A_1527 = tpu.vector_load %arg12[%get3A_1525, %get3A_1526] {strides = array<i32>} : memref<16x128xf32, #tpu.memory_space<vmem>>, vector<16xf32>,
      %mul3A_1528 = arith.mulf %get3A_1527, %get3A_1511 : vector<16xf32>
      %get3A_1529 = arith.constant 7 : i32
      %get3A_1530 = arith.index_cast %get3A_1529 : i32 to index
      %get3A_1531 = arith.constant 16 : index
      %get3A_1532 = tpu.vector_load %arg12[%get3A_1530, %get3A_1531] {strides = array<i32>} : memref<16x128xf32, #tpu.memory_space<vmem>>, vector<16xf32>,
      %mul3A_1533 = arith.mulf %get3A_1532, %get3A_1515 : vector<16xf32>
      %add3A_1534 = arith.addf %mul3A_1528, %mul3A_1533 : vector<16xf32>
      %get3A_1535 = arith.constant 7 : i32
      %get3A_1536 = arith.index_cast %get3A_1535 : i32 to index
      %get3A_1537 = arith.constant 32 : index
      %get3A_1538 = tpu.vector_load %arg12[%get3A_1536, %get3A_1537] {strides = array<i32>} : memref<16x128xf32, #tpu.memory_space<vmem>>, vector<16xf32>,
      %mul3A_1539 = arith.mulf %get3A_1538, %get3A_1519 : vector<16xf32>
      %add3A_1540 = arith.addf %add3A_1534, %mul3A_1539 : vector<16xf32>
      %get3A_1541 = arith.constant 7 : i32
      %get3A_1542 = arith.index_cast %get3A_1541 : i32 to index
      %get3A_1543 = arith.constant 48 : index
      %get3A_1544 = tpu.vector_load %arg12[%get3A_1542, %get3A_1543] {strides = array<i32>} : memref<16x128xf32, #tpu.memory_space<vmem>>, vector<16xf32>,
      %mul3A_1545 = arith.mulf %get3A_1544, %get3A_1523 : vector<16xf32>
      %add3A_1546 = arith.addf %add3A_1540, %mul3A_1545 : vector<16xf32>
      %eq3A_1547 = arith.constant 7 : i32
      %eq3A_1548 = vector.broadcast %eq3A_1547 : i32 to vector<16xi32>
      %eq3A_1549 = arith.cmpi eq, %iota3A, %eq3A_1548 : vector<16xi32>
      %reduce_sum3A_1550 = arith.constant true
      %reduce_sum3A_1551 = vector.broadcast %reduce_sum3A_1550 : i1 to vector<16xi1>
      %reduce_sum3A_1552 = tpu.scan <sum>, %add3A_1546 masked %reduce_sum3A_1551 : vector<16xf32>, vector<16xi1> -> vector<16xf32>
      %reduce_sum3A_1553 = vector.extract %reduce_sum3A_1552[15] : f32 from vector<16xf32>
      %broadcast_in_dim3A_1554 = vector.broadcast %reduce_sum3A_1553 : f32 to vector<16xf32>
      %select_n3A_1555 = arith.select %eq3A_1549, %broadcast_in_dim3A_1554, %select_n3A_1347 : vector<16xi1>, vector<16xf32>
      %get3A_1556 = arith.constant 35 : i32
      %get3A_1557 = arith.index_cast %get3A_1556 : i32 to index
      %get3A_1558 = arith.constant 0 : index
      %get3A_1559 = tpu.vector_load %arg14[%get3A_1557, %get3A_1558] {strides = array<i32>} : memref<80x128xf32, #tpu.memory_space<vmem>>, vector<16xf32>,
      %mul3A_1560 = arith.mulf %get3A_1559, %get3A_1511 : vector<16xf32>
      %get3A_1561 = arith.constant 35 : i32
      %get3A_1562 = arith.index_cast %get3A_1561 : i32 to index
      %get3A_1563 = arith.constant 16 : index
      %get3A_1564 = tpu.vector_load %arg14[%get3A_1562, %get3A_1563] {strides = array<i32>} : memref<80x128xf32, #tpu.memory_space<vmem>>, vector<16xf32>,
      %mul3A_1565 = arith.mulf %get3A_1564, %get3A_1515 : vector<16xf32>
      %add3A_1566 = arith.addf %mul3A_1560, %mul3A_1565 : vector<16xf32>
      %get3A_1567 = arith.constant 35 : i32
      %get3A_1568 = arith.index_cast %get3A_1567 : i32 to index
      %get3A_1569 = arith.constant 32 : index
      %get3A_1570 = tpu.vector_load %arg14[%get3A_1568, %get3A_1569] {strides = array<i32>} : memref<80x128xf32, #tpu.memory_space<vmem>>, vector<16xf32>,
      %mul3A_1571 = arith.mulf %get3A_1570, %get3A_1519 : vector<16xf32>
      %add3A_1572 = arith.addf %add3A_1566, %mul3A_1571 : vector<16xf32>
      %get3A_1573 = arith.constant 35 : i32
      %get3A_1574 = arith.index_cast %get3A_1573 : i32 to index
      %get3A_1575 = arith.constant 48 : index
      %get3A_1576 = tpu.vector_load %arg14[%get3A_1574, %get3A_1575] {strides = array<i32>} : memref<80x128xf32, #tpu.memory_space<vmem>>, vector<16xf32>,
      %mul3A_1577 = arith.mulf %get3A_1576, %get3A_1523 : vector<16xf32>
      %add3A_1578 = arith.addf %add3A_1572, %mul3A_1577 : vector<16xf32>
      %eq3A_1579 = arith.constant 7 : i32
      %eq3A_1580 = vector.broadcast %eq3A_1579 : i32 to vector<16xi32>
      %eq3A_1581 = arith.cmpi eq, %iota3A, %eq3A_1580 : vector<16xi32>
      %reduce_sum3A_1582 = arith.constant true
      %reduce_sum3A_1583 = vector.broadcast %reduce_sum3A_1582 : i1 to vector<16xi1>
      %reduce_sum3A_1584 = tpu.scan <sum>, %add3A_1578 masked %reduce_sum3A_1583 : vector<16xf32>, vector<16xi1> -> vector<16xf32>
      %reduce_sum3A_1585 = vector.extract %reduce_sum3A_1584[15] : f32 from vector<16xf32>
      %broadcast_in_dim3A_1586 = vector.broadcast %reduce_sum3A_1585 : f32 to vector<16xf32>
      %select_n3A_1587 = arith.select %eq3A_1581, %broadcast_in_dim3A_1586, %select_n3A_1379 : vector<16xi1>, vector<16xf32>
      %get3A_1588 = arith.constant 36 : i32
      %get3A_1589 = arith.index_cast %get3A_1588 : i32 to index
      %get3A_1590 = arith.constant 0 : index
      %get3A_1591 = tpu.vector_load %arg14[%get3A_1589, %get3A_1590] {strides = array<i32>} : memref<80x128xf32, #tpu.memory_space<vmem>>, vector<16xf32>,
      %mul3A_1592 = arith.mulf %get3A_1591, %get3A_1511 : vector<16xf32>
      %get3A_1593 = arith.constant 36 : i32
      %get3A_1594 = arith.index_cast %get3A_1593 : i32 to index
      %get3A_1595 = arith.constant 16 : index
      %get3A_1596 = tpu.vector_load %arg14[%get3A_1594, %get3A_1595] {strides = array<i32>} : memref<80x128xf32, #tpu.memory_space<vmem>>, vector<16xf32>,
      %mul3A_1597 = arith.mulf %get3A_1596, %get3A_1515 : vector<16xf32>
      %add3A_1598 = arith.addf %mul3A_1592, %mul3A_1597 : vector<16xf32>
      %get3A_1599 = arith.constant 36 : i32
      %get3A_1600 = arith.index_cast %get3A_1599 : i32 to index
      %get3A_1601 = arith.constant 32 : index
      %get3A_1602 = tpu.vector_load %arg14[%get3A_1600, %get3A_1601] {strides = array<i32>} : memref<80x128xf32, #tpu.memory_space<vmem>>, vector<16xf32>,
      %mul3A_1603 = arith.mulf %get3A_1602, %get3A_1519 : vector<16xf32>
      %add3A_1604 = arith.addf %add3A_1598, %mul3A_1603 : vector<16xf32>
      %get3A_1605 = arith.constant 36 : i32
      %get3A_1606 = arith.index_cast %get3A_1605 : i32 to index
      %get3A_1607 = arith.constant 48 : index
      %get3A_1608 = tpu.vector_load %arg14[%get3A_1606, %get3A_1607] {strides = array<i32>} : memref<80x128xf32, #tpu.memory_space<vmem>>, vector<16xf32>,
      %mul3A_1609 = arith.mulf %get3A_1608, %get3A_1523 : vector<16xf32>
      %add3A_1610 = arith.addf %add3A_1604, %mul3A_1609 : vector<16xf32>
      %eq3A_1611 = arith.constant 7 : i32
      %eq3A_1612 = vector.broadcast %eq3A_1611 : i32 to vector<16xi32>
      %eq3A_1613 = arith.cmpi eq, %iota3A, %eq3A_1612 : vector<16xi32>
      %reduce_sum3A_1614 = arith.constant true
      %reduce_sum3A_1615 = vector.broadcast %reduce_sum3A_1614 : i1 to vector<16xi1>
      %reduce_sum3A_1616 = tpu.scan <sum>, %add3A_1610 masked %reduce_sum3A_1615 : vector<16xf32>, vector<16xi1> -> vector<16xf32>
      %reduce_sum3A_1617 = vector.extract %reduce_sum3A_1616[15] : f32 from vector<16xf32>
      %broadcast_in_dim3A_1618 = vector.broadcast %reduce_sum3A_1617 : f32 to vector<16xf32>
      %select_n3A_1619 = arith.select %eq3A_1613, %broadcast_in_dim3A_1618, %select_n3A_1411 : vector<16xi1>, vector<16xf32>
      %get3A_1620 = arith.constant 37 : i32
      %get3A_1621 = arith.index_cast %get3A_1620 : i32 to index
      %get3A_1622 = arith.constant 0 : index
      %get3A_1623 = tpu.vector_load %arg14[%get3A_1621, %get3A_1622] {strides = array<i32>} : memref<80x128xf32, #tpu.memory_space<vmem>>, vector<16xf32>,
      %mul3A_1624 = arith.mulf %get3A_1623, %get3A_1511 : vector<16xf32>
      %get3A_1625 = arith.constant 37 : i32
      %get3A_1626 = arith.index_cast %get3A_1625 : i32 to index
      %get3A_1627 = arith.constant 16 : index
      %get3A_1628 = tpu.vector_load %arg14[%get3A_1626, %get3A_1627] {strides = array<i32>} : memref<80x128xf32, #tpu.memory_space<vmem>>, vector<16xf32>,
      %mul3A_1629 = arith.mulf %get3A_1628, %get3A_1515 : vector<16xf32>
      %add3A_1630 = arith.addf %mul3A_1624, %mul3A_1629 : vector<16xf32>
      %get3A_1631 = arith.constant 37 : i32
      %get3A_1632 = arith.index_cast %get3A_1631 : i32 to index
      %get3A_1633 = arith.constant 32 : index
      %get3A_1634 = tpu.vector_load %arg14[%get3A_1632, %get3A_1633] {strides = array<i32>} : memref<80x128xf32, #tpu.memory_space<vmem>>, vector<16xf32>,
      %mul3A_1635 = arith.mulf %get3A_1634, %get3A_1519 : vector<16xf32>
      %add3A_1636 = arith.addf %add3A_1630, %mul3A_1635 : vector<16xf32>
      %get3A_1637 = arith.constant 37 : i32
      %get3A_1638 = arith.index_cast %get3A_1637 : i32 to index
      %get3A_1639 = arith.constant 48 : index
      %get3A_1640 = tpu.vector_load %arg14[%get3A_1638, %get3A_1639] {strides = array<i32>} : memref<80x128xf32, #tpu.memory_space<vmem>>, vector<16xf32>,
      %mul3A_1641 = arith.mulf %get3A_1640, %get3A_1523 : vector<16xf32>
      %add3A_1642 = arith.addf %add3A_1636, %mul3A_1641 : vector<16xf32>
      %eq3A_1643 = arith.constant 7 : i32
      %eq3A_1644 = vector.broadcast %eq3A_1643 : i32 to vector<16xi32>
      %eq3A_1645 = arith.cmpi eq, %iota3A, %eq3A_1644 : vector<16xi32>
      %reduce_sum3A_1646 = arith.constant true
      %reduce_sum3A_1647 = vector.broadcast %reduce_sum3A_1646 : i1 to vector<16xi1>
      %reduce_sum3A_1648 = tpu.scan <sum>, %add3A_1642 masked %reduce_sum3A_1647 : vector<16xf32>, vector<16xi1> -> vector<16xf32>
      %reduce_sum3A_1649 = vector.extract %reduce_sum3A_1648[15] : f32 from vector<16xf32>
      %broadcast_in_dim3A_1650 = vector.broadcast %reduce_sum3A_1649 : f32 to vector<16xf32>
      %select_n3A_1651 = arith.select %eq3A_1645, %broadcast_in_dim3A_1650, %select_n3A_1443 : vector<16xi1>, vector<16xf32>
      %get3A_1652 = arith.constant 38 : i32
      %get3A_1653 = arith.index_cast %get3A_1652 : i32 to index
      %get3A_1654 = arith.constant 0 : index
      %get3A_1655 = tpu.vector_load %arg14[%get3A_1653, %get3A_1654] {strides = array<i32>} : memref<80x128xf32, #tpu.memory_space<vmem>>, vector<16xf32>,
      %mul3A_1656 = arith.mulf %get3A_1655, %get3A_1511 : vector<16xf32>
      %get3A_1657 = arith.constant 38 : i32
      %get3A_1658 = arith.index_cast %get3A_1657 : i32 to index
      %get3A_1659 = arith.constant 16 : index
      %get3A_1660 = tpu.vector_load %arg14[%get3A_1658, %get3A_1659] {strides = array<i32>} : memref<80x128xf32, #tpu.memory_space<vmem>>, vector<16xf32>,
      %mul3A_1661 = arith.mulf %get3A_1660, %get3A_1515 : vector<16xf32>
      %add3A_1662 = arith.addf %mul3A_1656, %mul3A_1661 : vector<16xf32>
      %get3A_1663 = arith.constant 38 : i32
      %get3A_1664 = arith.index_cast %get3A_1663 : i32 to index
      %get3A_1665 = arith.constant 32 : index
      %get3A_1666 = tpu.vector_load %arg14[%get3A_1664, %get3A_1665] {strides = array<i32>} : memref<80x128xf32, #tpu.memory_space<vmem>>, vector<16xf32>,
      %mul3A_1667 = arith.mulf %get3A_1666, %get3A_1519 : vector<16xf32>
      %add3A_1668 = arith.addf %add3A_1662, %mul3A_1667 : vector<16xf32>
      %get3A_1669 = arith.constant 38 : i32
      %get3A_1670 = arith.index_cast %get3A_1669 : i32 to index
      %get3A_1671 = arith.constant 48 : index
      %get3A_1672 = tpu.vector_load %arg14[%get3A_1670, %get3A_1671] {strides = array<i32>} : memref<80x128xf32, #tpu.memory_space<vmem>>, vector<16xf32>,
      %mul3A_1673 = arith.mulf %get3A_1672, %get3A_1523 : vector<16xf32>
      %add3A_1674 = arith.addf %add3A_1668, %mul3A_1673 : vector<16xf32>
      %eq3A_1675 = arith.constant 7 : i32
      %eq3A_1676 = vector.broadcast %eq3A_1675 : i32 to vector<16xi32>
      %eq3A_1677 = arith.cmpi eq, %iota3A, %eq3A_1676 : vector<16xi32>
      %reduce_sum3A_1678 = arith.constant true
      %reduce_sum3A_1679 = vector.broadcast %reduce_sum3A_1678 : i1 to vector<16xi1>
      %reduce_sum3A_1680 = tpu.scan <sum>, %add3A_1674 masked %reduce_sum3A_1679 : vector<16xf32>, vector<16xi1> -> vector<16xf32>
      %reduce_sum3A_1681 = vector.extract %reduce_sum3A_1680[15] : f32 from vector<16xf32>
      %broadcast_in_dim3A_1682 = vector.broadcast %reduce_sum3A_1681 : f32 to vector<16xf32>
      %select_n3A_1683 = arith.select %eq3A_1677, %broadcast_in_dim3A_1682, %select_n3A_1475 : vector<16xi1>, vector<16xf32>
      %get3A_1684 = arith.constant 39 : i32
      %get3A_1685 = arith.index_cast %get3A_1684 : i32 to index
      %get3A_1686 = arith.constant 0 : index
      %get3A_1687 = tpu.vector_load %arg14[%get3A_1685, %get3A_1686] {strides = array<i32>} : memref<80x128xf32, #tpu.memory_space<vmem>>, vector<16xf32>,
      %mul3A_1688 = arith.mulf %get3A_1687, %get3A_1511 : vector<16xf32>
      %get3A_1689 = arith.constant 39 : i32
      %get3A_1690 = arith.index_cast %get3A_1689 : i32 to index
      %get3A_1691 = arith.constant 16 : index
      %get3A_1692 = tpu.vector_load %arg14[%get3A_1690, %get3A_1691] {strides = array<i32>} : memref<80x128xf32, #tpu.memory_space<vmem>>, vector<16xf32>,
      %mul3A_1693 = arith.mulf %get3A_1692, %get3A_1515 : vector<16xf32>
      %add3A_1694 = arith.addf %mul3A_1688, %mul3A_1693 : vector<16xf32>
      %get3A_1695 = arith.constant 39 : i32
      %get3A_1696 = arith.index_cast %get3A_1695 : i32 to index
      %get3A_1697 = arith.constant 32 : index
      %get3A_1698 = tpu.vector_load %arg14[%get3A_1696, %get3A_1697] {strides = array<i32>} : memref<80x128xf32, #tpu.memory_space<vmem>>, vector<16xf32>,
      %mul3A_1699 = arith.mulf %get3A_1698, %get3A_1519 : vector<16xf32>
      %add3A_1700 = arith.addf %add3A_1694, %mul3A_1699 : vector<16xf32>
      %get3A_1701 = arith.constant 39 : i32
      %get3A_1702 = arith.index_cast %get3A_1701 : i32 to index
      %get3A_1703 = arith.constant 48 : index
      %get3A_1704 = tpu.vector_load %arg14[%get3A_1702, %get3A_1703] {strides = array<i32>} : memref<80x128xf32, #tpu.memory_space<vmem>>, vector<16xf32>,
      %mul3A_1705 = arith.mulf %get3A_1704, %get3A_1523 : vector<16xf32>
      %add3A_1706 = arith.addf %add3A_1700, %mul3A_1705 : vector<16xf32>
      %eq3A_1707 = arith.constant 7 : i32
      %eq3A_1708 = vector.broadcast %eq3A_1707 : i32 to vector<16xi32>
      %eq3A_1709 = arith.cmpi eq, %iota3A, %eq3A_1708 : vector<16xi32>
      %reduce_sum3A_1710 = arith.constant true
      %reduce_sum3A_1711 = vector.broadcast %reduce_sum3A_1710 : i1 to vector<16xi1>
      %reduce_sum3A_1712 = tpu.scan <sum>, %add3A_1706 masked %reduce_sum3A_1711 : vector<16xf32>, vector<16xi1> -> vector<16xf32>
      %reduce_sum3A_1713 = vector.extract %reduce_sum3A_1712[15] : f32 from vector<16xf32>
      %broadcast_in_dim3A_1714 = vector.broadcast %reduce_sum3A_1713 : f32 to vector<16xf32>
      %select_n3A_1715 = arith.select %eq3A_1709, %broadcast_in_dim3A_1714, %select_n3A_1507 : vector<16xi1>, vector<16xf32>
      %get3A_1716 = arith.constant 8 : i32
      %get3A_1717 = arith.index_cast %get3A_1716 : i32 to index
      %get3A_1718 = arith.constant 0 : index
      %get3A_1719 = tpu.vector_load %arg13[%get3A_1717, %get3A_1718] {strides = array<i32>} : memref<16x128xf32, #tpu.memory_space<vmem>>, vector<16xf32>,
      %get3A_1720 = arith.constant 8 : i32
      %get3A_1721 = arith.index_cast %get3A_1720 : i32 to index
      %get3A_1722 = arith.constant 16 : index
      %get3A_1723 = tpu.vector_load %arg13[%get3A_1721, %get3A_1722] {strides = array<i32>} : memref<16x128xf32, #tpu.memory_space<vmem>>, vector<16xf32>,
      %get3A_1724 = arith.constant 8 : i32
      %get3A_1725 = arith.index_cast %get3A_1724 : i32 to index
      %get3A_1726 = arith.constant 32 : index
      %get3A_1727 = tpu.vector_load %arg13[%get3A_1725, %get3A_1726] {strides = array<i32>} : memref<16x128xf32, #tpu.memory_space<vmem>>, vector<16xf32>,
      %get3A_1728 = arith.constant 8 : i32
      %get3A_1729 = arith.index_cast %get3A_1728 : i32 to index
      %get3A_1730 = arith.constant 48 : index
      %get3A_1731 = tpu.vector_load %arg13[%get3A_1729, %get3A_1730] {strides = array<i32>} : memref<16x128xf32, #tpu.memory_space<vmem>>, vector<16xf32>,
      %get3A_1732 = arith.constant 8 : i32
      %get3A_1733 = arith.index_cast %get3A_1732 : i32 to index
      %get3A_1734 = arith.constant 0 : index
      %get3A_1735 = tpu.vector_load %arg12[%get3A_1733, %get3A_1734] {strides = array<i32>} : memref<16x128xf32, #tpu.memory_space<vmem>>, vector<16xf32>,
      %mul3A_1736 = arith.mulf %get3A_1735, %get3A_1719 : vector<16xf32>
      %get3A_1737 = arith.constant 8 : i32
      %get3A_1738 = arith.index_cast %get3A_1737 : i32 to index
      %get3A_1739 = arith.constant 16 : index
      %get3A_1740 = tpu.vector_load %arg12[%get3A_1738, %get3A_1739] {strides = array<i32>} : memref<16x128xf32, #tpu.memory_space<vmem>>, vector<16xf32>,
      %mul3A_1741 = arith.mulf %get3A_1740, %get3A_1723 : vector<16xf32>
      %add3A_1742 = arith.addf %mul3A_1736, %mul3A_1741 : vector<16xf32>
      %get3A_1743 = arith.constant 8 : i32
      %get3A_1744 = arith.index_cast %get3A_1743 : i32 to index
      %get3A_1745 = arith.constant 32 : index
      %get3A_1746 = tpu.vector_load %arg12[%get3A_1744, %get3A_1745] {strides = array<i32>} : memref<16x128xf32, #tpu.memory_space<vmem>>, vector<16xf32>,
      %mul3A_1747 = arith.mulf %get3A_1746, %get3A_1727 : vector<16xf32>
      %add3A_1748 = arith.addf %add3A_1742, %mul3A_1747 : vector<16xf32>
      %get3A_1749 = arith.constant 8 : i32
      %get3A_1750 = arith.index_cast %get3A_1749 : i32 to index
      %get3A_1751 = arith.constant 48 : index
      %get3A_1752 = tpu.vector_load %arg12[%get3A_1750, %get3A_1751] {strides = array<i32>} : memref<16x128xf32, #tpu.memory_space<vmem>>, vector<16xf32>,
      %mul3A_1753 = arith.mulf %get3A_1752, %get3A_1731 : vector<16xf32>
      %add3A_1754 = arith.addf %add3A_1748, %mul3A_1753 : vector<16xf32>
      %eq3A_1755 = arith.constant 8 : i32
      %eq3A_1756 = vector.broadcast %eq3A_1755 : i32 to vector<16xi32>
      %eq3A_1757 = arith.cmpi eq, %iota3A, %eq3A_1756 : vector<16xi32>
      %reduce_sum3A_1758 = arith.constant true
      %reduce_sum3A_1759 = vector.broadcast %reduce_sum3A_1758 : i1 to vector<16xi1>
      %reduce_sum3A_1760 = tpu.scan <sum>, %add3A_1754 masked %reduce_sum3A_1759 : vector<16xf32>, vector<16xi1> -> vector<16xf32>
      %reduce_sum3A_1761 = vector.extract %reduce_sum3A_1760[15] : f32 from vector<16xf32>
      %broadcast_in_dim3A_1762 = vector.broadcast %reduce_sum3A_1761 : f32 to vector<16xf32>
      %select_n3A_1763 = arith.select %eq3A_1757, %broadcast_in_dim3A_1762, %select_n3A_1555 : vector<16xi1>, vector<16xf32>
      %get3A_1764 = arith.constant 40 : i32
      %get3A_1765 = arith.index_cast %get3A_1764 : i32 to index
      %get3A_1766 = arith.constant 0 : index
      %get3A_1767 = tpu.vector_load %arg14[%get3A_1765, %get3A_1766] {strides = array<i32>} : memref<80x128xf32, #tpu.memory_space<vmem>>, vector<16xf32>,
      %mul3A_1768 = arith.mulf %get3A_1767, %get3A_1719 : vector<16xf32>
      %get3A_1769 = arith.constant 40 : i32
      %get3A_1770 = arith.index_cast %get3A_1769 : i32 to index
      %get3A_1771 = arith.constant 16 : index
      %get3A_1772 = tpu.vector_load %arg14[%get3A_1770, %get3A_1771] {strides = array<i32>} : memref<80x128xf32, #tpu.memory_space<vmem>>, vector<16xf32>,
      %mul3A_1773 = arith.mulf %get3A_1772, %get3A_1723 : vector<16xf32>
      %add3A_1774 = arith.addf %mul3A_1768, %mul3A_1773 : vector<16xf32>
      %get3A_1775 = arith.constant 40 : i32
      %get3A_1776 = arith.index_cast %get3A_1775 : i32 to index
      %get3A_1777 = arith.constant 32 : index
      %get3A_1778 = tpu.vector_load %arg14[%get3A_1776, %get3A_1777] {strides = array<i32>} : memref<80x128xf32, #tpu.memory_space<vmem>>, vector<16xf32>,
      %mul3A_1779 = arith.mulf %get3A_1778, %get3A_1727 : vector<16xf32>
      %add3A_1780 = arith.addf %add3A_1774, %mul3A_1779 : vector<16xf32>
      %get3A_1781 = arith.constant 40 : i32
      %get3A_1782 = arith.index_cast %get3A_1781 : i32 to index
      %get3A_1783 = arith.constant 48 : index
      %get3A_1784 = tpu.vector_load %arg14[%get3A_1782, %get3A_1783] {strides = array<i32>} : memref<80x128xf32, #tpu.memory_space<vmem>>, vector<16xf32>,
      %mul3A_1785 = arith.mulf %get3A_1784, %get3A_1731 : vector<16xf32>
      %add3A_1786 = arith.addf %add3A_1780, %mul3A_1785 : vector<16xf32>
      %eq3A_1787 = arith.constant 8 : i32
      %eq3A_1788 = vector.broadcast %eq3A_1787 : i32 to vector<16xi32>
      %eq3A_1789 = arith.cmpi eq, %iota3A, %eq3A_1788 : vector<16xi32>
      %reduce_sum3A_1790 = arith.constant true
      %reduce_sum3A_1791 = vector.broadcast %reduce_sum3A_1790 : i1 to vector<16xi1>
      %reduce_sum3A_1792 = tpu.scan <sum>, %add3A_1786 masked %reduce_sum3A_1791 : vector<16xf32>, vector<16xi1> -> vector<16xf32>
      %reduce_sum3A_1793 = vector.extract %reduce_sum3A_1792[15] : f32 from vector<16xf32>
      %broadcast_in_dim3A_1794 = vector.broadcast %reduce_sum3A_1793 : f32 to vector<16xf32>
      %select_n3A_1795 = arith.select %eq3A_1789, %broadcast_in_dim3A_1794, %select_n3A_1587 : vector<16xi1>, vector<16xf32>
      %get3A_1796 = arith.constant 41 : i32
      %get3A_1797 = arith.index_cast %get3A_1796 : i32 to index
      %get3A_1798 = arith.constant 0 : index
      %get3A_1799 = tpu.vector_load %arg14[%get3A_1797, %get3A_1798] {strides = array<i32>} : memref<80x128xf32, #tpu.memory_space<vmem>>, vector<16xf32>,
      %mul3A_1800 = arith.mulf %get3A_1799, %get3A_1719 : vector<16xf32>
      %get3A_1801 = arith.constant 41 : i32
      %get3A_1802 = arith.index_cast %get3A_1801 : i32 to index
      %get3A_1803 = arith.constant 16 : index
      %get3A_1804 = tpu.vector_load %arg14[%get3A_1802, %get3A_1803] {strides = array<i32>} : memref<80x128xf32, #tpu.memory_space<vmem>>, vector<16xf32>,
      %mul3A_1805 = arith.mulf %get3A_1804, %get3A_1723 : vector<16xf32>
      %add3A_1806 = arith.addf %mul3A_1800, %mul3A_1805 : vector<16xf32>
      %get3A_1807 = arith.constant 41 : i32
      %get3A_1808 = arith.index_cast %get3A_1807 : i32 to index
      %get3A_1809 = arith.constant 32 : index
      %get3A_1810 = tpu.vector_load %arg14[%get3A_1808, %get3A_1809] {strides = array<i32>} : memref<80x128xf32, #tpu.memory_space<vmem>>, vector<16xf32>,
      %mul3A_1811 = arith.mulf %get3A_1810, %get3A_1727 : vector<16xf32>
      %add3A_1812 = arith.addf %add3A_1806, %mul3A_1811 : vector<16xf32>
      %get3A_1813 = arith.constant 41 : i32
      %get3A_1814 = arith.index_cast %get3A_1813 : i32 to index
      %get3A_1815 = arith.constant 48 : index
      %get3A_1816 = tpu.vector_load %arg14[%get3A_1814, %get3A_1815] {strides = array<i32>} : memref<80x128xf32, #tpu.memory_space<vmem>>, vector<16xf32>,
      %mul3A_1817 = arith.mulf %get3A_1816, %get3A_1731 : vector<16xf32>
      %add3A_1818 = arith.addf %add3A_1812, %mul3A_1817 : vector<16xf32>
      %eq3A_1819 = arith.constant 8 : i32
      %eq3A_1820 = vector.broadcast %eq3A_1819 : i32 to vector<16xi32>
      %eq3A_1821 = arith.cmpi eq, %iota3A, %eq3A_1820 : vector<16xi32>
      %reduce_sum3A_1822 = arith.constant true
      %reduce_sum3A_1823 = vector.broadcast %reduce_sum3A_1822 : i1 to vector<16xi1>
      %reduce_sum3A_1824 = tpu.scan <sum>, %add3A_1818 masked %reduce_sum3A_1823 : vector<16xf32>, vector<16xi1> -> vector<16xf32>
      %reduce_sum3A_1825 = vector.extract %reduce_sum3A_1824[15] : f32 from vector<16xf32>
      %broadcast_in_dim3A_1826 = vector.broadcast %reduce_sum3A_1825 : f32 to vector<16xf32>
      %select_n3A_1827 = arith.select %eq3A_1821, %broadcast_in_dim3A_1826, %select_n3A_1619 : vector<16xi1>, vector<16xf32>
      %get3A_1828 = arith.constant 42 : i32
      %get3A_1829 = arith.index_cast %get3A_1828 : i32 to index
      %get3A_1830 = arith.constant 0 : index
      %get3A_1831 = tpu.vector_load %arg14[%get3A_1829, %get3A_1830] {strides = array<i32>} : memref<80x128xf32, #tpu.memory_space<vmem>>, vector<16xf32>,
      %mul3A_1832 = arith.mulf %get3A_1831, %get3A_1719 : vector<16xf32>
      %get3A_1833 = arith.constant 42 : i32
      %get3A_1834 = arith.index_cast %get3A_1833 : i32 to index
      %get3A_1835 = arith.constant 16 : index
      %get3A_1836 = tpu.vector_load %arg14[%get3A_1834, %get3A_1835] {strides = array<i32>} : memref<80x128xf32, #tpu.memory_space<vmem>>, vector<16xf32>,
      %mul3A_1837 = arith.mulf %get3A_1836, %get3A_1723 : vector<16xf32>
      %add3A_1838 = arith.addf %mul3A_1832, %mul3A_1837 : vector<16xf32>
      %get3A_1839 = arith.constant 42 : i32
      %get3A_1840 = arith.index_cast %get3A_1839 : i32 to index
      %get3A_1841 = arith.constant 32 : index
      %get3A_1842 = tpu.vector_load %arg14[%get3A_1840, %get3A_1841] {strides = array<i32>} : memref<80x128xf32, #tpu.memory_space<vmem>>, vector<16xf32>,
      %mul3A_1843 = arith.mulf %get3A_1842, %get3A_1727 : vector<16xf32>
      %add3A_1844 = arith.addf %add3A_1838, %mul3A_1843 : vector<16xf32>
      %get3A_1845 = arith.constant 42 : i32
      %get3A_1846 = arith.index_cast %get3A_1845 : i32 to index
      %get3A_1847 = arith.constant 48 : index
      %get3A_1848 = tpu.vector_load %arg14[%get3A_1846, %get3A_1847] {strides = array<i32>} : memref<80x128xf32, #tpu.memory_space<vmem>>, vector<16xf32>,
      %mul3A_1849 = arith.mulf %get3A_1848, %get3A_1731 : vector<16xf32>
      %add3A_1850 = arith.addf %add3A_1844, %mul3A_1849 : vector<16xf32>
      %eq3A_1851 = arith.constant 8 : i32
      %eq3A_1852 = vector.broadcast %eq3A_1851 : i32 to vector<16xi32>
      %eq3A_1853 = arith.cmpi eq, %iota3A, %eq3A_1852 : vector<16xi32>
      %reduce_sum3A_1854 = arith.constant true
      %reduce_sum3A_1855 = vector.broadcast %reduce_sum3A_1854 : i1 to vector<16xi1>
      %reduce_sum3A_1856 = tpu.scan <sum>, %add3A_1850 masked %reduce_sum3A_1855 : vector<16xf32>, vector<16xi1> -> vector<16xf32>
      %reduce_sum3A_1857 = vector.extract %reduce_sum3A_1856[15] : f32 from vector<16xf32>
      %broadcast_in_dim3A_1858 = vector.broadcast %reduce_sum3A_1857 : f32 to vector<16xf32>
      %select_n3A_1859 = arith.select %eq3A_1853, %broadcast_in_dim3A_1858, %select_n3A_1651 : vector<16xi1>, vector<16xf32>
      %get3A_1860 = arith.constant 43 : i32
      %get3A_1861 = arith.index_cast %get3A_1860 : i32 to index
      %get3A_1862 = arith.constant 0 : index
      %get3A_1863 = tpu.vector_load %arg14[%get3A_1861, %get3A_1862] {strides = array<i32>} : memref<80x128xf32, #tpu.memory_space<vmem>>, vector<16xf32>,
      %mul3A_1864 = arith.mulf %get3A_1863, %get3A_1719 : vector<16xf32>
      %get3A_1865 = arith.constant 43 : i32
      %get3A_1866 = arith.index_cast %get3A_1865 : i32 to index
      %get3A_1867 = arith.constant 16 : index
      %get3A_1868 = tpu.vector_load %arg14[%get3A_1866, %get3A_1867] {strides = array<i32>} : memref<80x128xf32, #tpu.memory_space<vmem>>, vector<16xf32>,
      %mul3A_1869 = arith.mulf %get3A_1868, %get3A_1723 : vector<16xf32>
      %add3A_1870 = arith.addf %mul3A_1864, %mul3A_1869 : vector<16xf32>
      %get3A_1871 = arith.constant 43 : i32
      %get3A_1872 = arith.index_cast %get3A_1871 : i32 to index
      %get3A_1873 = arith.constant 32 : index
      %get3A_1874 = tpu.vector_load %arg14[%get3A_1872, %get3A_1873] {strides = array<i32>} : memref<80x128xf32, #tpu.memory_space<vmem>>, vector<16xf32>,
      %mul3A_1875 = arith.mulf %get3A_1874, %get3A_1727 : vector<16xf32>
      %add3A_1876 = arith.addf %add3A_1870, %mul3A_1875 : vector<16xf32>
      %get3A_1877 = arith.constant 43 : i32
      %get3A_1878 = arith.index_cast %get3A_1877 : i32 to index
      %get3A_1879 = arith.constant 48 : index
      %get3A_1880 = tpu.vector_load %arg14[%get3A_1878, %get3A_1879] {strides = array<i32>} : memref<80x128xf32, #tpu.memory_space<vmem>>, vector<16xf32>,
      %mul3A_1881 = arith.mulf %get3A_1880, %get3A_1731 : vector<16xf32>
      %add3A_1882 = arith.addf %add3A_1876, %mul3A_1881 : vector<16xf32>
      %eq3A_1883 = arith.constant 8 : i32
      %eq3A_1884 = vector.broadcast %eq3A_1883 : i32 to vector<16xi32>
      %eq3A_1885 = arith.cmpi eq, %iota3A, %eq3A_1884 : vector<16xi32>
      %reduce_sum3A_1886 = arith.constant true
      %reduce_sum3A_1887 = vector.broadcast %reduce_sum3A_1886 : i1 to vector<16xi1>
      %reduce_sum3A_1888 = tpu.scan <sum>, %add3A_1882 masked %reduce_sum3A_1887 : vector<16xf32>, vector<16xi1> -> vector<16xf32>
      %reduce_sum3A_1889 = vector.extract %reduce_sum3A_1888[15] : f32 from vector<16xf32>
      %broadcast_in_dim3A_1890 = vector.broadcast %reduce_sum3A_1889 : f32 to vector<16xf32>
      %select_n3A_1891 = arith.select %eq3A_1885, %broadcast_in_dim3A_1890, %select_n3A_1683 : vector<16xi1>, vector<16xf32>
      %get3A_1892 = arith.constant 44 : i32
      %get3A_1893 = arith.index_cast %get3A_1892 : i32 to index
      %get3A_1894 = arith.constant 0 : index
      %get3A_1895 = tpu.vector_load %arg14[%get3A_1893, %get3A_1894] {strides = array<i32>} : memref<80x128xf32, #tpu.memory_space<vmem>>, vector<16xf32>,
      %mul3A_1896 = arith.mulf %get3A_1895, %get3A_1719 : vector<16xf32>
      %get3A_1897 = arith.constant 44 : i32
      %get3A_1898 = arith.index_cast %get3A_1897 : i32 to index
      %get3A_1899 = arith.constant 16 : index
      %get3A_1900 = tpu.vector_load %arg14[%get3A_1898, %get3A_1899] {strides = array<i32>} : memref<80x128xf32, #tpu.memory_space<vmem>>, vector<16xf32>,
      %mul3A_1901 = arith.mulf %get3A_1900, %get3A_1723 : vector<16xf32>
      %add3A_1902 = arith.addf %mul3A_1896, %mul3A_1901 : vector<16xf32>
      %get3A_1903 = arith.constant 44 : i32
      %get3A_1904 = arith.index_cast %get3A_1903 : i32 to index
      %get3A_1905 = arith.constant 32 : index
      %get3A_1906 = tpu.vector_load %arg14[%get3A_1904, %get3A_1905] {strides = array<i32>} : memref<80x128xf32, #tpu.memory_space<vmem>>, vector<16xf32>,
      %mul3A_1907 = arith.mulf %get3A_1906, %get3A_1727 : vector<16xf32>
      %add3A_1908 = arith.addf %add3A_1902, %mul3A_1907 : vector<16xf32>
      %get3A_1909 = arith.constant 44 : i32
      %get3A_1910 = arith.index_cast %get3A_1909 : i32 to index
      %get3A_1911 = arith.constant 48 : index
      %get3A_1912 = tpu.vector_load %arg14[%get3A_1910, %get3A_1911] {strides = array<i32>} : memref<80x128xf32, #tpu.memory_space<vmem>>, vector<16xf32>,
      %mul3A_1913 = arith.mulf %get3A_1912, %get3A_1731 : vector<16xf32>
      %add3A_1914 = arith.addf %add3A_1908, %mul3A_1913 : vector<16xf32>
      %eq3A_1915 = arith.constant 8 : i32
      %eq3A_1916 = vector.broadcast %eq3A_1915 : i32 to vector<16xi32>
      %eq3A_1917 = arith.cmpi eq, %iota3A, %eq3A_1916 : vector<16xi32>
      %reduce_sum3A_1918 = arith.constant true
      %reduce_sum3A_1919 = vector.broadcast %reduce_sum3A_1918 : i1 to vector<16xi1>
      %reduce_sum3A_1920 = tpu.scan <sum>, %add3A_1914 masked %reduce_sum3A_1919 : vector<16xf32>, vector<16xi1> -> vector<16xf32>
      %reduce_sum3A_1921 = vector.extract %reduce_sum3A_1920[15] : f32 from vector<16xf32>
      %broadcast_in_dim3A_1922 = vector.broadcast %reduce_sum3A_1921 : f32 to vector<16xf32>
      %select_n3A_1923 = arith.select %eq3A_1917, %broadcast_in_dim3A_1922, %select_n3A_1715 : vector<16xi1>, vector<16xf32>
      %get3A_1924 = arith.constant 9 : i32
      %get3A_1925 = arith.index_cast %get3A_1924 : i32 to index
      %get3A_1926 = arith.constant 0 : index
      %get3A_1927 = tpu.vector_load %arg13[%get3A_1925, %get3A_1926] {strides = array<i32>} : memref<16x128xf32, #tpu.memory_space<vmem>>, vector<16xf32>,
      %get3A_1928 = arith.constant 9 : i32
      %get3A_1929 = arith.index_cast %get3A_1928 : i32 to index
      %get3A_1930 = arith.constant 16 : index
      %get3A_1931 = tpu.vector_load %arg13[%get3A_1929, %get3A_1930] {strides = array<i32>} : memref<16x128xf32, #tpu.memory_space<vmem>>, vector<16xf32>,
      %get3A_1932 = arith.constant 9 : i32
      %get3A_1933 = arith.index_cast %get3A_1932 : i32 to index
      %get3A_1934 = arith.constant 32 : index
      %get3A_1935 = tpu.vector_load %arg13[%get3A_1933, %get3A_1934] {strides = array<i32>} : memref<16x128xf32, #tpu.memory_space<vmem>>, vector<16xf32>,
      %get3A_1936 = arith.constant 9 : i32
      %get3A_1937 = arith.index_cast %get3A_1936 : i32 to index
      %get3A_1938 = arith.constant 48 : index
      %get3A_1939 = tpu.vector_load %arg13[%get3A_1937, %get3A_1938] {strides = array<i32>} : memref<16x128xf32, #tpu.memory_space<vmem>>, vector<16xf32>,
      %get3A_1940 = arith.constant 9 : i32
      %get3A_1941 = arith.index_cast %get3A_1940 : i32 to index
      %get3A_1942 = arith.constant 0 : index
      %get3A_1943 = tpu.vector_load %arg12[%get3A_1941, %get3A_1942] {strides = array<i32>} : memref<16x128xf32, #tpu.memory_space<vmem>>, vector<16xf32>,
      %mul3A_1944 = arith.mulf %get3A_1943, %get3A_1927 : vector<16xf32>
      %get3A_1945 = arith.constant 9 : i32
      %get3A_1946 = arith.index_cast %get3A_1945 : i32 to index
      %get3A_1947 = arith.constant 16 : index
      %get3A_1948 = tpu.vector_load %arg12[%get3A_1946, %get3A_1947] {strides = array<i32>} : memref<16x128xf32, #tpu.memory_space<vmem>>, vector<16xf32>,
      %mul3A_1949 = arith.mulf %get3A_1948, %get3A_1931 : vector<16xf32>
      %add3A_1950 = arith.addf %mul3A_1944, %mul3A_1949 : vector<16xf32>
      %get3A_1951 = arith.constant 9 : i32
      %get3A_1952 = arith.index_cast %get3A_1951 : i32 to index
      %get3A_1953 = arith.constant 32 : index
      %get3A_1954 = tpu.vector_load %arg12[%get3A_1952, %get3A_1953] {strides = array<i32>} : memref<16x128xf32, #tpu.memory_space<vmem>>, vector<16xf32>,
      %mul3A_1955 = arith.mulf %get3A_1954, %get3A_1935 : vector<16xf32>
      %add3A_1956 = arith.addf %add3A_1950, %mul3A_1955 : vector<16xf32>
      %get3A_1957 = arith.constant 9 : i32
      %get3A_1958 = arith.index_cast %get3A_1957 : i32 to index
      %get3A_1959 = arith.constant 48 : index
      %get3A_1960 = tpu.vector_load %arg12[%get3A_1958, %get3A_1959] {strides = array<i32>} : memref<16x128xf32, #tpu.memory_space<vmem>>, vector<16xf32>,
      %mul3A_1961 = arith.mulf %get3A_1960, %get3A_1939 : vector<16xf32>
      %add3A_1962 = arith.addf %add3A_1956, %mul3A_1961 : vector<16xf32>
      %eq3A_1963 = arith.constant 9 : i32
      %eq3A_1964 = vector.broadcast %eq3A_1963 : i32 to vector<16xi32>
      %eq3A_1965 = arith.cmpi eq, %iota3A, %eq3A_1964 : vector<16xi32>
      %reduce_sum3A_1966 = arith.constant true
      %reduce_sum3A_1967 = vector.broadcast %reduce_sum3A_1966 : i1 to vector<16xi1>
      %reduce_sum3A_1968 = tpu.scan <sum>, %add3A_1962 masked %reduce_sum3A_1967 : vector<16xf32>, vector<16xi1> -> vector<16xf32>
      %reduce_sum3A_1969 = vector.extract %reduce_sum3A_1968[15] : f32 from vector<16xf32>
      %broadcast_in_dim3A_1970 = vector.broadcast %reduce_sum3A_1969 : f32 to vector<16xf32>
      %select_n3A_1971 = arith.select %eq3A_1965, %broadcast_in_dim3A_1970, %select_n3A_1763 : vector<16xi1>, vector<16xf32>
      %get3A_1972 = arith.constant 45 : i32
      %get3A_1973 = arith.index_cast %get3A_1972 : i32 to index
      %get3A_1974 = arith.constant 0 : index
      %get3A_1975 = tpu.vector_load %arg14[%get3A_1973, %get3A_1974] {strides = array<i32>} : memref<80x128xf32, #tpu.memory_space<vmem>>, vector<16xf32>,
      %mul3A_1976 = arith.mulf %get3A_1975, %get3A_1927 : vector<16xf32>
      %get3A_1977 = arith.constant 45 : i32
      %get3A_1978 = arith.index_cast %get3A_1977 : i32 to index
      %get3A_1979 = arith.constant 16 : index
      %get3A_1980 = tpu.vector_load %arg14[%get3A_1978, %get3A_1979] {strides = array<i32>} : memref<80x128xf32, #tpu.memory_space<vmem>>, vector<16xf32>,
      %mul3A_1981 = arith.mulf %get3A_1980, %get3A_1931 : vector<16xf32>
      %add3A_1982 = arith.addf %mul3A_1976, %mul3A_1981 : vector<16xf32>
      %get3A_1983 = arith.constant 45 : i32
      %get3A_1984 = arith.index_cast %get3A_1983 : i32 to index
      %get3A_1985 = arith.constant 32 : index
      %get3A_1986 = tpu.vector_load %arg14[%get3A_1984, %get3A_1985] {strides = array<i32>} : memref<80x128xf32, #tpu.memory_space<vmem>>, vector<16xf32>,
      %mul3A_1987 = arith.mulf %get3A_1986, %get3A_1935 : vector<16xf32>
      %add3A_1988 = arith.addf %add3A_1982, %mul3A_1987 : vector<16xf32>
      %get3A_1989 = arith.constant 45 : i32
      %get3A_1990 = arith.index_cast %get3A_1989 : i32 to index
      %get3A_1991 = arith.constant 48 : index
      %get3A_1992 = tpu.vector_load %arg14[%get3A_1990, %get3A_1991] {strides = array<i32>} : memref<80x128xf32, #tpu.memory_space<vmem>>, vector<16xf32>,
      %mul3A_1993 = arith.mulf %get3A_1992, %get3A_1939 : vector<16xf32>
      %add3A_1994 = arith.addf %add3A_1988, %mul3A_1993 : vector<16xf32>
      %eq3A_1995 = arith.constant 9 : i32
      %eq3A_1996 = vector.broadcast %eq3A_1995 : i32 to vector<16xi32>
      %eq3A_1997 = arith.cmpi eq, %iota3A, %eq3A_1996 : vector<16xi32>
      %reduce_sum3A_1998 = arith.constant true
      %reduce_sum3A_1999 = vector.broadcast %reduce_sum3A_1998 : i1 to vector<16xi1>
      %reduce_sum3A_2000 = tpu.scan <sum>, %add3A_1994 masked %reduce_sum3A_1999 : vector<16xf32>, vector<16xi1> -> vector<16xf32>
      %reduce_sum3A_2001 = vector.extract %reduce_sum3A_2000[15] : f32 from vector<16xf32>
      %broadcast_in_dim3A_2002 = vector.broadcast %reduce_sum3A_2001 : f32 to vector<16xf32>
      %select_n3A_2003 = arith.select %eq3A_1997, %broadcast_in_dim3A_2002, %select_n3A_1795 : vector<16xi1>, vector<16xf32>
      %get3A_2004 = arith.constant 46 : i32
      %get3A_2005 = arith.index_cast %get3A_2004 : i32 to index
      %get3A_2006 = arith.constant 0 : index
      %get3A_2007 = tpu.vector_load %arg14[%get3A_2005, %get3A_2006] {strides = array<i32>} : memref<80x128xf32, #tpu.memory_space<vmem>>, vector<16xf32>,
      %mul3A_2008 = arith.mulf %get3A_2007, %get3A_1927 : vector<16xf32>
      %get3A_2009 = arith.constant 46 : i32
      %get3A_2010 = arith.index_cast %get3A_2009 : i32 to index
      %get3A_2011 = arith.constant 16 : index
      %get3A_2012 = tpu.vector_load %arg14[%get3A_2010, %get3A_2011] {strides = array<i32>} : memref<80x128xf32, #tpu.memory_space<vmem>>, vector<16xf32>,
      %mul3A_2013 = arith.mulf %get3A_2012, %get3A_1931 : vector<16xf32>
      %add3A_2014 = arith.addf %mul3A_2008, %mul3A_2013 : vector<16xf32>
      %get3A_2015 = arith.constant 46 : i32
      %get3A_2016 = arith.index_cast %get3A_2015 : i32 to index
      %get3A_2017 = arith.constant 32 : index
      %get3A_2018 = tpu.vector_load %arg14[%get3A_2016, %get3A_2017] {strides = array<i32>} : memref<80x128xf32, #tpu.memory_space<vmem>>, vector<16xf32>,
      %mul3A_2019 = arith.mulf %get3A_2018, %get3A_1935 : vector<16xf32>
      %add3A_2020 = arith.addf %add3A_2014, %mul3A_2019 : vector<16xf32>
      %get3A_2021 = arith.constant 46 : i32
      %get3A_2022 = arith.index_cast %get3A_2021 : i32 to index
      %get3A_2023 = arith.constant 48 : index
      %get3A_2024 = tpu.vector_load %arg14[%get3A_2022, %get3A_2023] {strides = array<i32>} : memref<80x128xf32, #tpu.memory_space<vmem>>, vector<16xf32>,
      %mul3A_2025 = arith.mulf %get3A_2024, %get3A_1939 : vector<16xf32>
      %add3A_2026 = arith.addf %add3A_2020, %mul3A_2025 : vector<16xf32>
      %eq3A_2027 = arith.constant 9 : i32
      %eq3A_2028 = vector.broadcast %eq3A_2027 : i32 to vector<16xi32>
      %eq3A_2029 = arith.cmpi eq, %iota3A, %eq3A_2028 : vector<16xi32>
      %reduce_sum3A_2030 = arith.constant true
      %reduce_sum3A_2031 = vector.broadcast %reduce_sum3A_2030 : i1 to vector<16xi1>
      %reduce_sum3A_2032 = tpu.scan <sum>, %add3A_2026 masked %reduce_sum3A_2031 : vector<16xf32>, vector<16xi1> -> vector<16xf32>
      %reduce_sum3A_2033 = vector.extract %reduce_sum3A_2032[15] : f32 from vector<16xf32>
      %broadcast_in_dim3A_2034 = vector.broadcast %reduce_sum3A_2033 : f32 to vector<16xf32>
      %select_n3A_2035 = arith.select %eq3A_2029, %broadcast_in_dim3A_2034, %select_n3A_1827 : vector<16xi1>, vector<16xf32>
      %get3A_2036 = arith.constant 47 : i32
      %get3A_2037 = arith.index_cast %get3A_2036 : i32 to index
      %get3A_2038 = arith.constant 0 : index
      %get3A_2039 = tpu.vector_load %arg14[%get3A_2037, %get3A_2038] {strides = array<i32>} : memref<80x128xf32, #tpu.memory_space<vmem>>, vector<16xf32>,
      %mul3A_2040 = arith.mulf %get3A_2039, %get3A_1927 : vector<16xf32>
      %get3A_2041 = arith.constant 47 : i32
      %get3A_2042 = arith.index_cast %get3A_2041 : i32 to index
      %get3A_2043 = arith.constant 16 : index
      %get3A_2044 = tpu.vector_load %arg14[%get3A_2042, %get3A_2043] {strides = array<i32>} : memref<80x128xf32, #tpu.memory_space<vmem>>, vector<16xf32>,
      %mul3A_2045 = arith.mulf %get3A_2044, %get3A_1931 : vector<16xf32>
      %add3A_2046 = arith.addf %mul3A_2040, %mul3A_2045 : vector<16xf32>
      %get3A_2047 = arith.constant 47 : i32
      %get3A_2048 = arith.index_cast %get3A_2047 : i32 to index
      %get3A_2049 = arith.constant 32 : index
      %get3A_2050 = tpu.vector_load %arg14[%get3A_2048, %get3A_2049] {strides = array<i32>} : memref<80x128xf32, #tpu.memory_space<vmem>>, vector<16xf32>,
      %mul3A_2051 = arith.mulf %get3A_2050, %get3A_1935 : vector<16xf32>
      %add3A_2052 = arith.addf %add3A_2046, %mul3A_2051 : vector<16xf32>
      %get3A_2053 = arith.constant 47 : i32
      %get3A_2054 = arith.index_cast %get3A_2053 : i32 to index
      %get3A_2055 = arith.constant 48 : index
      %get3A_2056 = tpu.vector_load %arg14[%get3A_2054, %get3A_2055] {strides = array<i32>} : memref<80x128xf32, #tpu.memory_space<vmem>>, vector<16xf32>,
      %mul3A_2057 = arith.mulf %get3A_2056, %get3A_1939 : vector<16xf32>
      %add3A_2058 = arith.addf %add3A_2052, %mul3A_2057 : vector<16xf32>
      %eq3A_2059 = arith.constant 9 : i32
      %eq3A_2060 = vector.broadcast %eq3A_2059 : i32 to vector<16xi32>
      %eq3A_2061 = arith.cmpi eq, %iota3A, %eq3A_2060 : vector<16xi32>
      %reduce_sum3A_2062 = arith.constant true
      %reduce_sum3A_2063 = vector.broadcast %reduce_sum3A_2062 : i1 to vector<16xi1>
      %reduce_sum3A_2064 = tpu.scan <sum>, %add3A_2058 masked %reduce_sum3A_2063 : vector<16xf32>, vector<16xi1> -> vector<16xf32>
      %reduce_sum3A_2065 = vector.extract %reduce_sum3A_2064[15] : f32 from vector<16xf32>
      %broadcast_in_dim3A_2066 = vector.broadcast %reduce_sum3A_2065 : f32 to vector<16xf32>
      %select_n3A_2067 = arith.select %eq3A_2061, %broadcast_in_dim3A_2066, %select_n3A_1859 : vector<16xi1>, vector<16xf32>
      %get3A_2068 = arith.constant 48 : i32
      %get3A_2069 = arith.index_cast %get3A_2068 : i32 to index
      %get3A_2070 = arith.constant 0 : index
      %get3A_2071 = tpu.vector_load %arg14[%get3A_2069, %get3A_2070] {strides = array<i32>} : memref<80x128xf32, #tpu.memory_space<vmem>>, vector<16xf32>,
      %mul3A_2072 = arith.mulf %get3A_2071, %get3A_1927 : vector<16xf32>
      %get3A_2073 = arith.constant 48 : i32
      %get3A_2074 = arith.index_cast %get3A_2073 : i32 to index
      %get3A_2075 = arith.constant 16 : index
      %get3A_2076 = tpu.vector_load %arg14[%get3A_2074, %get3A_2075] {strides = array<i32>} : memref<80x128xf32, #tpu.memory_space<vmem>>, vector<16xf32>,
      %mul3A_2077 = arith.mulf %get3A_2076, %get3A_1931 : vector<16xf32>
      %add3A_2078 = arith.addf %mul3A_2072, %mul3A_2077 : vector<16xf32>
      %get3A_2079 = arith.constant 48 : i32
      %get3A_2080 = arith.index_cast %get3A_2079 : i32 to index
      %get3A_2081 = arith.constant 32 : index
      %get3A_2082 = tpu.vector_load %arg14[%get3A_2080, %get3A_2081] {strides = array<i32>} : memref<80x128xf32, #tpu.memory_space<vmem>>, vector<16xf32>,
      %mul3A_2083 = arith.mulf %get3A_2082, %get3A_1935 : vector<16xf32>
      %add3A_2084 = arith.addf %add3A_2078, %mul3A_2083 : vector<16xf32>
      %get3A_2085 = arith.constant 48 : i32
      %get3A_2086 = arith.index_cast %get3A_2085 : i32 to index
      %get3A_2087 = arith.constant 48 : index
      %get3A_2088 = tpu.vector_load %arg14[%get3A_2086, %get3A_2087] {strides = array<i32>} : memref<80x128xf32, #tpu.memory_space<vmem>>, vector<16xf32>,
      %mul3A_2089 = arith.mulf %get3A_2088, %get3A_1939 : vector<16xf32>
      %add3A_2090 = arith.addf %add3A_2084, %mul3A_2089 : vector<16xf32>
      %eq3A_2091 = arith.constant 9 : i32
      %eq3A_2092 = vector.broadcast %eq3A_2091 : i32 to vector<16xi32>
      %eq3A_2093 = arith.cmpi eq, %iota3A, %eq3A_2092 : vector<16xi32>
      %reduce_sum3A_2094 = arith.constant true
      %reduce_sum3A_2095 = vector.broadcast %reduce_sum3A_2094 : i1 to vector<16xi1>
      %reduce_sum3A_2096 = tpu.scan <sum>, %add3A_2090 masked %reduce_sum3A_2095 : vector<16xf32>, vector<16xi1> -> vector<16xf32>
      %reduce_sum3A_2097 = vector.extract %reduce_sum3A_2096[15] : f32 from vector<16xf32>
      %broadcast_in_dim3A_2098 = vector.broadcast %reduce_sum3A_2097 : f32 to vector<16xf32>
      %select_n3A_2099 = arith.select %eq3A_2093, %broadcast_in_dim3A_2098, %select_n3A_1891 : vector<16xi1>, vector<16xf32>
      %get3A_2100 = arith.constant 49 : i32
      %get3A_2101 = arith.index_cast %get3A_2100 : i32 to index
      %get3A_2102 = arith.constant 0 : index
      %get3A_2103 = tpu.vector_load %arg14[%get3A_2101, %get3A_2102] {strides = array<i32>} : memref<80x128xf32, #tpu.memory_space<vmem>>, vector<16xf32>,
      %mul3A_2104 = arith.mulf %get3A_2103, %get3A_1927 : vector<16xf32>
      %get3A_2105 = arith.constant 49 : i32
      %get3A_2106 = arith.index_cast %get3A_2105 : i32 to index
      %get3A_2107 = arith.constant 16 : index
      %get3A_2108 = tpu.vector_load %arg14[%get3A_2106, %get3A_2107] {strides = array<i32>} : memref<80x128xf32, #tpu.memory_space<vmem>>, vector<16xf32>,
      %mul3A_2109 = arith.mulf %get3A_2108, %get3A_1931 : vector<16xf32>
      %add3A_2110 = arith.addf %mul3A_2104, %mul3A_2109 : vector<16xf32>
      %get3A_2111 = arith.constant 49 : i32
      %get3A_2112 = arith.index_cast %get3A_2111 : i32 to index
      %get3A_2113 = arith.constant 32 : index
      %get3A_2114 = tpu.vector_load %arg14[%get3A_2112, %get3A_2113] {strides = array<i32>} : memref<80x128xf32, #tpu.memory_space<vmem>>, vector<16xf32>,
      %mul3A_2115 = arith.mulf %get3A_2114, %get3A_1935 : vector<16xf32>
      %add3A_2116 = arith.addf %add3A_2110, %mul3A_2115 : vector<16xf32>
      %get3A_2117 = arith.constant 49 : i32
      %get3A_2118 = arith.index_cast %get3A_2117 : i32 to index
      %get3A_2119 = arith.constant 48 : index
      %get3A_2120 = tpu.vector_load %arg14[%get3A_2118, %get3A_2119] {strides = array<i32>} : memref<80x128xf32, #tpu.memory_space<vmem>>, vector<16xf32>,
      %mul3A_2121 = arith.mulf %get3A_2120, %get3A_1939 : vector<16xf32>
      %add3A_2122 = arith.addf %add3A_2116, %mul3A_2121 : vector<16xf32>
      %eq3A_2123 = arith.constant 9 : i32
      %eq3A_2124 = vector.broadcast %eq3A_2123 : i32 to vector<16xi32>
      %eq3A_2125 = arith.cmpi eq, %iota3A, %eq3A_2124 : vector<16xi32>
      %reduce_sum3A_2126 = arith.constant true
      %reduce_sum3A_2127 = vector.broadcast %reduce_sum3A_2126 : i1 to vector<16xi1>
      %reduce_sum3A_2128 = tpu.scan <sum>, %add3A_2122 masked %reduce_sum3A_2127 : vector<16xf32>, vector<16xi1> -> vector<16xf32>
      %reduce_sum3A_2129 = vector.extract %reduce_sum3A_2128[15] : f32 from vector<16xf32>
      %broadcast_in_dim3A_2130 = vector.broadcast %reduce_sum3A_2129 : f32 to vector<16xf32>
      %select_n3A_2131 = arith.select %eq3A_2125, %broadcast_in_dim3A_2130, %select_n3A_1923 : vector<16xi1>, vector<16xf32>
      %get3A_2132 = arith.constant 10 : i32
      %get3A_2133 = arith.index_cast %get3A_2132 : i32 to index
      %get3A_2134 = arith.constant 0 : index
      %get3A_2135 = tpu.vector_load %arg13[%get3A_2133, %get3A_2134] {strides = array<i32>} : memref<16x128xf32, #tpu.memory_space<vmem>>, vector<16xf32>,
      %get3A_2136 = arith.constant 10 : i32
      %get3A_2137 = arith.index_cast %get3A_2136 : i32 to index
      %get3A_2138 = arith.constant 16 : index
      %get3A_2139 = tpu.vector_load %arg13[%get3A_2137, %get3A_2138] {strides = array<i32>} : memref<16x128xf32, #tpu.memory_space<vmem>>, vector<16xf32>,
      %get3A_2140 = arith.constant 10 : i32
      %get3A_2141 = arith.index_cast %get3A_2140 : i32 to index
      %get3A_2142 = arith.constant 32 : index
      %get3A_2143 = tpu.vector_load %arg13[%get3A_2141, %get3A_2142] {strides = array<i32>} : memref<16x128xf32, #tpu.memory_space<vmem>>, vector<16xf32>,
      %get3A_2144 = arith.constant 10 : i32
      %get3A_2145 = arith.index_cast %get3A_2144 : i32 to index
      %get3A_2146 = arith.constant 48 : index
      %get3A_2147 = tpu.vector_load %arg13[%get3A_2145, %get3A_2146] {strides = array<i32>} : memref<16x128xf32, #tpu.memory_space<vmem>>, vector<16xf32>,
      %get3A_2148 = arith.constant 10 : i32
      %get3A_2149 = arith.index_cast %get3A_2148 : i32 to index
      %get3A_2150 = arith.constant 0 : index
      %get3A_2151 = tpu.vector_load %arg12[%get3A_2149, %get3A_2150] {strides = array<i32>} : memref<16x128xf32, #tpu.memory_space<vmem>>, vector<16xf32>,
      %mul3A_2152 = arith.mulf %get3A_2151, %get3A_2135 : vector<16xf32>
      %get3A_2153 = arith.constant 10 : i32
      %get3A_2154 = arith.index_cast %get3A_2153 : i32 to index
      %get3A_2155 = arith.constant 16 : index
      %get3A_2156 = tpu.vector_load %arg12[%get3A_2154, %get3A_2155] {strides = array<i32>} : memref<16x128xf32, #tpu.memory_space<vmem>>, vector<16xf32>,
      %mul3A_2157 = arith.mulf %get3A_2156, %get3A_2139 : vector<16xf32>
      %add3A_2158 = arith.addf %mul3A_2152, %mul3A_2157 : vector<16xf32>
      %get3A_2159 = arith.constant 10 : i32
      %get3A_2160 = arith.index_cast %get3A_2159 : i32 to index
      %get3A_2161 = arith.constant 32 : index
      %get3A_2162 = tpu.vector_load %arg12[%get3A_2160, %get3A_2161] {strides = array<i32>} : memref<16x128xf32, #tpu.memory_space<vmem>>, vector<16xf32>,
      %mul3A_2163 = arith.mulf %get3A_2162, %get3A_2143 : vector<16xf32>
      %add3A_2164 = arith.addf %add3A_2158, %mul3A_2163 : vector<16xf32>
      %get3A_2165 = arith.constant 10 : i32
      %get3A_2166 = arith.index_cast %get3A_2165 : i32 to index
      %get3A_2167 = arith.constant 48 : index
      %get3A_2168 = tpu.vector_load %arg12[%get3A_2166, %get3A_2167] {strides = array<i32>} : memref<16x128xf32, #tpu.memory_space<vmem>>, vector<16xf32>,
      %mul3A_2169 = arith.mulf %get3A_2168, %get3A_2147 : vector<16xf32>
      %add3A_2170 = arith.addf %add3A_2164, %mul3A_2169 : vector<16xf32>
      %eq3A_2171 = arith.constant 10 : i32
      %eq3A_2172 = vector.broadcast %eq3A_2171 : i32 to vector<16xi32>
      %eq3A_2173 = arith.cmpi eq, %iota3A, %eq3A_2172 : vector<16xi32>
      %reduce_sum3A_2174 = arith.constant true
      %reduce_sum3A_2175 = vector.broadcast %reduce_sum3A_2174 : i1 to vector<16xi1>
      %reduce_sum3A_2176 = tpu.scan <sum>, %add3A_2170 masked %reduce_sum3A_2175 : vector<16xf32>, vector<16xi1> -> vector<16xf32>
      %reduce_sum3A_2177 = vector.extract %reduce_sum3A_2176[15] : f32 from vector<16xf32>
      %broadcast_in_dim3A_2178 = vector.broadcast %reduce_sum3A_2177 : f32 to vector<16xf32>
      %select_n3A_2179 = arith.select %eq3A_2173, %broadcast_in_dim3A_2178, %select_n3A_1971 : vector<16xi1>, vector<16xf32>
      %get3A_2180 = arith.constant 50 : i32
      %get3A_2181 = arith.index_cast %get3A_2180 : i32 to index
      %get3A_2182 = arith.constant 0 : index
      %get3A_2183 = tpu.vector_load %arg14[%get3A_2181, %get3A_2182] {strides = array<i32>} : memref<80x128xf32, #tpu.memory_space<vmem>>, vector<16xf32>,
      %mul3A_2184 = arith.mulf %get3A_2183, %get3A_2135 : vector<16xf32>
      %get3A_2185 = arith.constant 50 : i32
      %get3A_2186 = arith.index_cast %get3A_2185 : i32 to index
      %get3A_2187 = arith.constant 16 : index
      %get3A_2188 = tpu.vector_load %arg14[%get3A_2186, %get3A_2187] {strides = array<i32>} : memref<80x128xf32, #tpu.memory_space<vmem>>, vector<16xf32>,
      %mul3A_2189 = arith.mulf %get3A_2188, %get3A_2139 : vector<16xf32>
      %add3A_2190 = arith.addf %mul3A_2184, %mul3A_2189 : vector<16xf32>
      %get3A_2191 = arith.constant 50 : i32
      %get3A_2192 = arith.index_cast %get3A_2191 : i32 to index
      %get3A_2193 = arith.constant 32 : index
      %get3A_2194 = tpu.vector_load %arg14[%get3A_2192, %get3A_2193] {strides = array<i32>} : memref<80x128xf32, #tpu.memory_space<vmem>>, vector<16xf32>,
      %mul3A_2195 = arith.mulf %get3A_2194, %get3A_2143 : vector<16xf32>
      %add3A_2196 = arith.addf %add3A_2190, %mul3A_2195 : vector<16xf32>
      %get3A_2197 = arith.constant 50 : i32
      %get3A_2198 = arith.index_cast %get3A_2197 : i32 to index
      %get3A_2199 = arith.constant 48 : index
      %get3A_2200 = tpu.vector_load %arg14[%get3A_2198, %get3A_2199] {strides = array<i32>} : memref<80x128xf32, #tpu.memory_space<vmem>>, vector<16xf32>,
      %mul3A_2201 = arith.mulf %get3A_2200, %get3A_2147 : vector<16xf32>
      %add3A_2202 = arith.addf %add3A_2196, %mul3A_2201 : vector<16xf32>
      %eq3A_2203 = arith.constant 10 : i32
      %eq3A_2204 = vector.broadcast %eq3A_2203 : i32 to vector<16xi32>
      %eq3A_2205 = arith.cmpi eq, %iota3A, %eq3A_2204 : vector<16xi32>
      %reduce_sum3A_2206 = arith.constant true
      %reduce_sum3A_2207 = vector.broadcast %reduce_sum3A_2206 : i1 to vector<16xi1>
      %reduce_sum3A_2208 = tpu.scan <sum>, %add3A_2202 masked %reduce_sum3A_2207 : vector<16xf32>, vector<16xi1> -> vector<16xf32>
      %reduce_sum3A_2209 = vector.extract %reduce_sum3A_2208[15] : f32 from vector<16xf32>
      %broadcast_in_dim3A_2210 = vector.broadcast %reduce_sum3A_2209 : f32 to vector<16xf32>
      %select_n3A_2211 = arith.select %eq3A_2205, %broadcast_in_dim3A_2210, %select_n3A_2003 : vector<16xi1>, vector<16xf32>
      %get3A_2212 = arith.constant 51 : i32
      %get3A_2213 = arith.index_cast %get3A_2212 : i32 to index
      %get3A_2214 = arith.constant 0 : index
      %get3A_2215 = tpu.vector_load %arg14[%get3A_2213, %get3A_2214] {strides = array<i32>} : memref<80x128xf32, #tpu.memory_space<vmem>>, vector<16xf32>,
      %mul3A_2216 = arith.mulf %get3A_2215, %get3A_2135 : vector<16xf32>
      %get3A_2217 = arith.constant 51 : i32
      %get3A_2218 = arith.index_cast %get3A_2217 : i32 to index
      %get3A_2219 = arith.constant 16 : index
      %get3A_2220 = tpu.vector_load %arg14[%get3A_2218, %get3A_2219] {strides = array<i32>} : memref<80x128xf32, #tpu.memory_space<vmem>>, vector<16xf32>,
      %mul3A_2221 = arith.mulf %get3A_2220, %get3A_2139 : vector<16xf32>
      %add3A_2222 = arith.addf %mul3A_2216, %mul3A_2221 : vector<16xf32>
      %get3A_2223 = arith.constant 51 : i32
      %get3A_2224 = arith.index_cast %get3A_2223 : i32 to index
      %get3A_2225 = arith.constant 32 : index
      %get3A_2226 = tpu.vector_load %arg14[%get3A_2224, %get3A_2225] {strides = array<i32>} : memref<80x128xf32, #tpu.memory_space<vmem>>, vector<16xf32>,
      %mul3A_2227 = arith.mulf %get3A_2226, %get3A_2143 : vector<16xf32>
      %add3A_2228 = arith.addf %add3A_2222, %mul3A_2227 : vector<16xf32>
      %get3A_2229 = arith.constant 51 : i32
      %get3A_2230 = arith.index_cast %get3A_2229 : i32 to index
      %get3A_2231 = arith.constant 48 : index
      %get3A_2232 = tpu.vector_load %arg14[%get3A_2230, %get3A_2231] {strides = array<i32>} : memref<80x128xf32, #tpu.memory_space<vmem>>, vector<16xf32>,
      %mul3A_2233 = arith.mulf %get3A_2232, %get3A_2147 : vector<16xf32>
      %add3A_2234 = arith.addf %add3A_2228, %mul3A_2233 : vector<16xf32>
      %eq3A_2235 = arith.constant 10 : i32
      %eq3A_2236 = vector.broadcast %eq3A_2235 : i32 to vector<16xi32>
      %eq3A_2237 = arith.cmpi eq, %iota3A, %eq3A_2236 : vector<16xi32>
      %reduce_sum3A_2238 = arith.constant true
      %reduce_sum3A_2239 = vector.broadcast %reduce_sum3A_2238 : i1 to vector<16xi1>
      %reduce_sum3A_2240 = tpu.scan <sum>, %add3A_2234 masked %reduce_sum3A_2239 : vector<16xf32>, vector<16xi1> -> vector<16xf32>
      %reduce_sum3A_2241 = vector.extract %reduce_sum3A_2240[15] : f32 from vector<16xf32>
      %broadcast_in_dim3A_2242 = vector.broadcast %reduce_sum3A_2241 : f32 to vector<16xf32>
      %select_n3A_2243 = arith.select %eq3A_2237, %broadcast_in_dim3A_2242, %select_n3A_2035 : vector<16xi1>, vector<16xf32>
      %get3A_2244 = arith.constant 52 : i32
      %get3A_2245 = arith.index_cast %get3A_2244 : i32 to index
      %get3A_2246 = arith.constant 0 : index
      %get3A_2247 = tpu.vector_load %arg14[%get3A_2245, %get3A_2246] {strides = array<i32>} : memref<80x128xf32, #tpu.memory_space<vmem>>, vector<16xf32>,
      %mul3A_2248 = arith.mulf %get3A_2247, %get3A_2135 : vector<16xf32>
      %get3A_2249 = arith.constant 52 : i32
      %get3A_2250 = arith.index_cast %get3A_2249 : i32 to index
      %get3A_2251 = arith.constant 16 : index
      %get3A_2252 = tpu.vector_load %arg14[%get3A_2250, %get3A_2251] {strides = array<i32>} : memref<80x128xf32, #tpu.memory_space<vmem>>, vector<16xf32>,
      %mul3A_2253 = arith.mulf %get3A_2252, %get3A_2139 : vector<16xf32>
      %add3A_2254 = arith.addf %mul3A_2248, %mul3A_2253 : vector<16xf32>
      %get3A_2255 = arith.constant 52 : i32
      %get3A_2256 = arith.index_cast %get3A_2255 : i32 to index
      %get3A_2257 = arith.constant 32 : index
      %get3A_2258 = tpu.vector_load %arg14[%get3A_2256, %get3A_2257] {strides = array<i32>} : memref<80x128xf32, #tpu.memory_space<vmem>>, vector<16xf32>,
      %mul3A_2259 = arith.mulf %get3A_2258, %get3A_2143 : vector<16xf32>
      %add3A_2260 = arith.addf %add3A_2254, %mul3A_2259 : vector<16xf32>
      %get3A_2261 = arith.constant 52 : i32
      %get3A_2262 = arith.index_cast %get3A_2261 : i32 to index
      %get3A_2263 = arith.constant 48 : index
      %get3A_2264 = tpu.vector_load %arg14[%get3A_2262, %get3A_2263] {strides = array<i32>} : memref<80x128xf32, #tpu.memory_space<vmem>>, vector<16xf32>,
      %mul3A_2265 = arith.mulf %get3A_2264, %get3A_2147 : vector<16xf32>
      %add3A_2266 = arith.addf %add3A_2260, %mul3A_2265 : vector<16xf32>
      %eq3A_2267 = arith.constant 10 : i32
      %eq3A_2268 = vector.broadcast %eq3A_2267 : i32 to vector<16xi32>
      %eq3A_2269 = arith.cmpi eq, %iota3A, %eq3A_2268 : vector<16xi32>
      %reduce_sum3A_2270 = arith.constant true
      %reduce_sum3A_2271 = vector.broadcast %reduce_sum3A_2270 : i1 to vector<16xi1>
      %reduce_sum3A_2272 = tpu.scan <sum>, %add3A_2266 masked %reduce_sum3A_2271 : vector<16xf32>, vector<16xi1> -> vector<16xf32>
      %reduce_sum3A_2273 = vector.extract %reduce_sum3A_2272[15] : f32 from vector<16xf32>
      %broadcast_in_dim3A_2274 = vector.broadcast %reduce_sum3A_2273 : f32 to vector<16xf32>
      %select_n3A_2275 = arith.select %eq3A_2269, %broadcast_in_dim3A_2274, %select_n3A_2067 : vector<16xi1>, vector<16xf32>
      %get3A_2276 = arith.constant 53 : i32
      %get3A_2277 = arith.index_cast %get3A_2276 : i32 to index
      %get3A_2278 = arith.constant 0 : index
      %get3A_2279 = tpu.vector_load %arg14[%get3A_2277, %get3A_2278] {strides = array<i32>} : memref<80x128xf32, #tpu.memory_space<vmem>>, vector<16xf32>,
      %mul3A_2280 = arith.mulf %get3A_2279, %get3A_2135 : vector<16xf32>
      %get3A_2281 = arith.constant 53 : i32
      %get3A_2282 = arith.index_cast %get3A_2281 : i32 to index
      %get3A_2283 = arith.constant 16 : index
      %get3A_2284 = tpu.vector_load %arg14[%get3A_2282, %get3A_2283] {strides = array<i32>} : memref<80x128xf32, #tpu.memory_space<vmem>>, vector<16xf32>,
      %mul3A_2285 = arith.mulf %get3A_2284, %get3A_2139 : vector<16xf32>
      %add3A_2286 = arith.addf %mul3A_2280, %mul3A_2285 : vector<16xf32>
      %get3A_2287 = arith.constant 53 : i32
      %get3A_2288 = arith.index_cast %get3A_2287 : i32 to index
      %get3A_2289 = arith.constant 32 : index
      %get3A_2290 = tpu.vector_load %arg14[%get3A_2288, %get3A_2289] {strides = array<i32>} : memref<80x128xf32, #tpu.memory_space<vmem>>, vector<16xf32>,
      %mul3A_2291 = arith.mulf %get3A_2290, %get3A_2143 : vector<16xf32>
      %add3A_2292 = arith.addf %add3A_2286, %mul3A_2291 : vector<16xf32>
      %get3A_2293 = arith.constant 53 : i32
      %get3A_2294 = arith.index_cast %get3A_2293 : i32 to index
      %get3A_2295 = arith.constant 48 : index
      %get3A_2296 = tpu.vector_load %arg14[%get3A_2294, %get3A_2295] {strides = array<i32>} : memref<80x128xf32, #tpu.memory_space<vmem>>, vector<16xf32>,
      %mul3A_2297 = arith.mulf %get3A_2296, %get3A_2147 : vector<16xf32>
      %add3A_2298 = arith.addf %add3A_2292, %mul3A_2297 : vector<16xf32>
      %eq3A_2299 = arith.constant 10 : i32
      %eq3A_2300 = vector.broadcast %eq3A_2299 : i32 to vector<16xi32>
      %eq3A_2301 = arith.cmpi eq, %iota3A, %eq3A_2300 : vector<16xi32>
      %reduce_sum3A_2302 = arith.constant true
      %reduce_sum3A_2303 = vector.broadcast %reduce_sum3A_2302 : i1 to vector<16xi1>
      %reduce_sum3A_2304 = tpu.scan <sum>, %add3A_2298 masked %reduce_sum3A_2303 : vector<16xf32>, vector<16xi1> -> vector<16xf32>
      %reduce_sum3A_2305 = vector.extract %reduce_sum3A_2304[15] : f32 from vector<16xf32>
      %broadcast_in_dim3A_2306 = vector.broadcast %reduce_sum3A_2305 : f32 to vector<16xf32>
      %select_n3A_2307 = arith.select %eq3A_2301, %broadcast_in_dim3A_2306, %select_n3A_2099 : vector<16xi1>, vector<16xf32>
      %get3A_2308 = arith.constant 54 : i32
      %get3A_2309 = arith.index_cast %get3A_2308 : i32 to index
      %get3A_2310 = arith.constant 0 : index
      %get3A_2311 = tpu.vector_load %arg14[%get3A_2309, %get3A_2310] {strides = array<i32>} : memref<80x128xf32, #tpu.memory_space<vmem>>, vector<16xf32>,
      %mul3A_2312 = arith.mulf %get3A_2311, %get3A_2135 : vector<16xf32>
      %get3A_2313 = arith.constant 54 : i32
      %get3A_2314 = arith.index_cast %get3A_2313 : i32 to index
      %get3A_2315 = arith.constant 16 : index
      %get3A_2316 = tpu.vector_load %arg14[%get3A_2314, %get3A_2315] {strides = array<i32>} : memref<80x128xf32, #tpu.memory_space<vmem>>, vector<16xf32>,
      %mul3A_2317 = arith.mulf %get3A_2316, %get3A_2139 : vector<16xf32>
      %add3A_2318 = arith.addf %mul3A_2312, %mul3A_2317 : vector<16xf32>
      %get3A_2319 = arith.constant 54 : i32
      %get3A_2320 = arith.index_cast %get3A_2319 : i32 to index
      %get3A_2321 = arith.constant 32 : index
      %get3A_2322 = tpu.vector_load %arg14[%get3A_2320, %get3A_2321] {strides = array<i32>} : memref<80x128xf32, #tpu.memory_space<vmem>>, vector<16xf32>,
      %mul3A_2323 = arith.mulf %get3A_2322, %get3A_2143 : vector<16xf32>
      %add3A_2324 = arith.addf %add3A_2318, %mul3A_2323 : vector<16xf32>
      %get3A_2325 = arith.constant 54 : i32
      %get3A_2326 = arith.index_cast %get3A_2325 : i32 to index
      %get3A_2327 = arith.constant 48 : index
      %get3A_2328 = tpu.vector_load %arg14[%get3A_2326, %get3A_2327] {strides = array<i32>} : memref<80x128xf32, #tpu.memory_space<vmem>>, vector<16xf32>,
      %mul3A_2329 = arith.mulf %get3A_2328, %get3A_2147 : vector<16xf32>
      %add3A_2330 = arith.addf %add3A_2324, %mul3A_2329 : vector<16xf32>
      %eq3A_2331 = arith.constant 10 : i32
      %eq3A_2332 = vector.broadcast %eq3A_2331 : i32 to vector<16xi32>
      %eq3A_2333 = arith.cmpi eq, %iota3A, %eq3A_2332 : vector<16xi32>
      %reduce_sum3A_2334 = arith.constant true
      %reduce_sum3A_2335 = vector.broadcast %reduce_sum3A_2334 : i1 to vector<16xi1>
      %reduce_sum3A_2336 = tpu.scan <sum>, %add3A_2330 masked %reduce_sum3A_2335 : vector<16xf32>, vector<16xi1> -> vector<16xf32>
      %reduce_sum3A_2337 = vector.extract %reduce_sum3A_2336[15] : f32 from vector<16xf32>
      %broadcast_in_dim3A_2338 = vector.broadcast %reduce_sum3A_2337 : f32 to vector<16xf32>
      %select_n3A_2339 = arith.select %eq3A_2333, %broadcast_in_dim3A_2338, %select_n3A_2131 : vector<16xi1>, vector<16xf32>
      %get3A_2340 = arith.constant 11 : i32
      %get3A_2341 = arith.index_cast %get3A_2340 : i32 to index
      %get3A_2342 = arith.constant 0 : index
      %get3A_2343 = tpu.vector_load %arg13[%get3A_2341, %get3A_2342] {strides = array<i32>} : memref<16x128xf32, #tpu.memory_space<vmem>>, vector<16xf32>,
      %get3A_2344 = arith.constant 11 : i32
      %get3A_2345 = arith.index_cast %get3A_2344 : i32 to index
      %get3A_2346 = arith.constant 16 : index
      %get3A_2347 = tpu.vector_load %arg13[%get3A_2345, %get3A_2346] {strides = array<i32>} : memref<16x128xf32, #tpu.memory_space<vmem>>, vector<16xf32>,
      %get3A_2348 = arith.constant 11 : i32
      %get3A_2349 = arith.index_cast %get3A_2348 : i32 to index
      %get3A_2350 = arith.constant 32 : index
      %get3A_2351 = tpu.vector_load %arg13[%get3A_2349, %get3A_2350] {strides = array<i32>} : memref<16x128xf32, #tpu.memory_space<vmem>>, vector<16xf32>,
      %get3A_2352 = arith.constant 11 : i32
      %get3A_2353 = arith.index_cast %get3A_2352 : i32 to index
      %get3A_2354 = arith.constant 48 : index
      %get3A_2355 = tpu.vector_load %arg13[%get3A_2353, %get3A_2354] {strides = array<i32>} : memref<16x128xf32, #tpu.memory_space<vmem>>, vector<16xf32>,
      %get3A_2356 = arith.constant 11 : i32
      %get3A_2357 = arith.index_cast %get3A_2356 : i32 to index
      %get3A_2358 = arith.constant 0 : index
      %get3A_2359 = tpu.vector_load %arg12[%get3A_2357, %get3A_2358] {strides = array<i32>} : memref<16x128xf32, #tpu.memory_space<vmem>>, vector<16xf32>,
      %mul3A_2360 = arith.mulf %get3A_2359, %get3A_2343 : vector<16xf32>
      %get3A_2361 = arith.constant 11 : i32
      %get3A_2362 = arith.index_cast %get3A_2361 : i32 to index
      %get3A_2363 = arith.constant 16 : index
      %get3A_2364 = tpu.vector_load %arg12[%get3A_2362, %get3A_2363] {strides = array<i32>} : memref<16x128xf32, #tpu.memory_space<vmem>>, vector<16xf32>,
      %mul3A_2365 = arith.mulf %get3A_2364, %get3A_2347 : vector<16xf32>
      %add3A_2366 = arith.addf %mul3A_2360, %mul3A_2365 : vector<16xf32>
      %get3A_2367 = arith.constant 11 : i32
      %get3A_2368 = arith.index_cast %get3A_2367 : i32 to index
      %get3A_2369 = arith.constant 32 : index
      %get3A_2370 = tpu.vector_load %arg12[%get3A_2368, %get3A_2369] {strides = array<i32>} : memref<16x128xf32, #tpu.memory_space<vmem>>, vector<16xf32>,
      %mul3A_2371 = arith.mulf %get3A_2370, %get3A_2351 : vector<16xf32>
      %add3A_2372 = arith.addf %add3A_2366, %mul3A_2371 : vector<16xf32>
      %get3A_2373 = arith.constant 11 : i32
      %get3A_2374 = arith.index_cast %get3A_2373 : i32 to index
      %get3A_2375 = arith.constant 48 : index
      %get3A_2376 = tpu.vector_load %arg12[%get3A_2374, %get3A_2375] {strides = array<i32>} : memref<16x128xf32, #tpu.memory_space<vmem>>, vector<16xf32>,
      %mul3A_2377 = arith.mulf %get3A_2376, %get3A_2355 : vector<16xf32>
      %add3A_2378 = arith.addf %add3A_2372, %mul3A_2377 : vector<16xf32>
      %eq3A_2379 = arith.constant 11 : i32
      %eq3A_2380 = vector.broadcast %eq3A_2379 : i32 to vector<16xi32>
      %eq3A_2381 = arith.cmpi eq, %iota3A, %eq3A_2380 : vector<16xi32>
      %reduce_sum3A_2382 = arith.constant true
      %reduce_sum3A_2383 = vector.broadcast %reduce_sum3A_2382 : i1 to vector<16xi1>
      %reduce_sum3A_2384 = tpu.scan <sum>, %add3A_2378 masked %reduce_sum3A_2383 : vector<16xf32>, vector<16xi1> -> vector<16xf32>
      %reduce_sum3A_2385 = vector.extract %reduce_sum3A_2384[15] : f32 from vector<16xf32>
      %broadcast_in_dim3A_2386 = vector.broadcast %reduce_sum3A_2385 : f32 to vector<16xf32>
      %select_n3A_2387 = arith.select %eq3A_2381, %broadcast_in_dim3A_2386, %select_n3A_2179 : vector<16xi1>, vector<16xf32>
      %get3A_2388 = arith.constant 55 : i32
      %get3A_2389 = arith.index_cast %get3A_2388 : i32 to index
      %get3A_2390 = arith.constant 0 : index
      %get3A_2391 = tpu.vector_load %arg14[%get3A_2389, %get3A_2390] {strides = array<i32>} : memref<80x128xf32, #tpu.memory_space<vmem>>, vector<16xf32>,
      %mul3A_2392 = arith.mulf %get3A_2391, %get3A_2343 : vector<16xf32>
      %get3A_2393 = arith.constant 55 : i32
      %get3A_2394 = arith.index_cast %get3A_2393 : i32 to index
      %get3A_2395 = arith.constant 16 : index
      %get3A_2396 = tpu.vector_load %arg14[%get3A_2394, %get3A_2395] {strides = array<i32>} : memref<80x128xf32, #tpu.memory_space<vmem>>, vector<16xf32>,
      %mul3A_2397 = arith.mulf %get3A_2396, %get3A_2347 : vector<16xf32>
      %add3A_2398 = arith.addf %mul3A_2392, %mul3A_2397 : vector<16xf32>
      %get3A_2399 = arith.constant 55 : i32
      %get3A_2400 = arith.index_cast %get3A_2399 : i32 to index
      %get3A_2401 = arith.constant 32 : index
      %get3A_2402 = tpu.vector_load %arg14[%get3A_2400, %get3A_2401] {strides = array<i32>} : memref<80x128xf32, #tpu.memory_space<vmem>>, vector<16xf32>,
      %mul3A_2403 = arith.mulf %get3A_2402, %get3A_2351 : vector<16xf32>
      %add3A_2404 = arith.addf %add3A_2398, %mul3A_2403 : vector<16xf32>
      %get3A_2405 = arith.constant 55 : i32
      %get3A_2406 = arith.index_cast %get3A_2405 : i32 to index
      %get3A_2407 = arith.constant 48 : index
      %get3A_2408 = tpu.vector_load %arg14[%get3A_2406, %get3A_2407] {strides = array<i32>} : memref<80x128xf32, #tpu.memory_space<vmem>>, vector<16xf32>,
      %mul3A_2409 = arith.mulf %get3A_2408, %get3A_2355 : vector<16xf32>
      %add3A_2410 = arith.addf %add3A_2404, %mul3A_2409 : vector<16xf32>
      %eq3A_2411 = arith.constant 11 : i32
      %eq3A_2412 = vector.broadcast %eq3A_2411 : i32 to vector<16xi32>
      %eq3A_2413 = arith.cmpi eq, %iota3A, %eq3A_2412 : vector<16xi32>
      %reduce_sum3A_2414 = arith.constant true
      %reduce_sum3A_2415 = vector.broadcast %reduce_sum3A_2414 : i1 to vector<16xi1>
      %reduce_sum3A_2416 = tpu.scan <sum>, %add3A_2410 masked %reduce_sum3A_2415 : vector<16xf32>, vector<16xi1> -> vector<16xf32>
      %reduce_sum3A_2417 = vector.extract %reduce_sum3A_2416[15] : f32 from vector<16xf32>
      %broadcast_in_dim3A_2418 = vector.broadcast %reduce_sum3A_2417 : f32 to vector<16xf32>
      %select_n3A_2419 = arith.select %eq3A_2413, %broadcast_in_dim3A_2418, %select_n3A_2211 : vector<16xi1>, vector<16xf32>
      %get3A_2420 = arith.constant 56 : i32
      %get3A_2421 = arith.index_cast %get3A_2420 : i32 to index
      %get3A_2422 = arith.constant 0 : index
      %get3A_2423 = tpu.vector_load %arg14[%get3A_2421, %get3A_2422] {strides = array<i32>} : memref<80x128xf32, #tpu.memory_space<vmem>>, vector<16xf32>,
      %mul3A_2424 = arith.mulf %get3A_2423, %get3A_2343 : vector<16xf32>
      %get3A_2425 = arith.constant 56 : i32
      %get3A_2426 = arith.index_cast %get3A_2425 : i32 to index
      %get3A_2427 = arith.constant 16 : index
      %get3A_2428 = tpu.vector_load %arg14[%get3A_2426, %get3A_2427] {strides = array<i32>} : memref<80x128xf32, #tpu.memory_space<vmem>>, vector<16xf32>,
      %mul3A_2429 = arith.mulf %get3A_2428, %get3A_2347 : vector<16xf32>
      %add3A_2430 = arith.addf %mul3A_2424, %mul3A_2429 : vector<16xf32>
      %get3A_2431 = arith.constant 56 : i32
      %get3A_2432 = arith.index_cast %get3A_2431 : i32 to index
      %get3A_2433 = arith.constant 32 : index
      %get3A_2434 = tpu.vector_load %arg14[%get3A_2432, %get3A_2433] {strides = array<i32>} : memref<80x128xf32, #tpu.memory_space<vmem>>, vector<16xf32>,
      %mul3A_2435 = arith.mulf %get3A_2434, %get3A_2351 : vector<16xf32>
      %add3A_2436 = arith.addf %add3A_2430, %mul3A_2435 : vector<16xf32>
      %get3A_2437 = arith.constant 56 : i32
      %get3A_2438 = arith.index_cast %get3A_2437 : i32 to index
      %get3A_2439 = arith.constant 48 : index
      %get3A_2440 = tpu.vector_load %arg14[%get3A_2438, %get3A_2439] {strides = array<i32>} : memref<80x128xf32, #tpu.memory_space<vmem>>, vector<16xf32>,
      %mul3A_2441 = arith.mulf %get3A_2440, %get3A_2355 : vector<16xf32>
      %add3A_2442 = arith.addf %add3A_2436, %mul3A_2441 : vector<16xf32>
      %eq3A_2443 = arith.constant 11 : i32
      %eq3A_2444 = vector.broadcast %eq3A_2443 : i32 to vector<16xi32>
      %eq3A_2445 = arith.cmpi eq, %iota3A, %eq3A_2444 : vector<16xi32>
      %reduce_sum3A_2446 = arith.constant true
      %reduce_sum3A_2447 = vector.broadcast %reduce_sum3A_2446 : i1 to vector<16xi1>
      %reduce_sum3A_2448 = tpu.scan <sum>, %add3A_2442 masked %reduce_sum3A_2447 : vector<16xf32>, vector<16xi1> -> vector<16xf32>
      %reduce_sum3A_2449 = vector.extract %reduce_sum3A_2448[15] : f32 from vector<16xf32>
      %broadcast_in_dim3A_2450 = vector.broadcast %reduce_sum3A_2449 : f32 to vector<16xf32>
      %select_n3A_2451 = arith.select %eq3A_2445, %broadcast_in_dim3A_2450, %select_n3A_2243 : vector<16xi1>, vector<16xf32>
      %get3A_2452 = arith.constant 57 : i32
      %get3A_2453 = arith.index_cast %get3A_2452 : i32 to index
      %get3A_2454 = arith.constant 0 : index
      %get3A_2455 = tpu.vector_load %arg14[%get3A_2453, %get3A_2454] {strides = array<i32>} : memref<80x128xf32, #tpu.memory_space<vmem>>, vector<16xf32>,
      %mul3A_2456 = arith.mulf %get3A_2455, %get3A_2343 : vector<16xf32>
      %get3A_2457 = arith.constant 57 : i32
      %get3A_2458 = arith.index_cast %get3A_2457 : i32 to index
      %get3A_2459 = arith.constant 16 : index
      %get3A_2460 = tpu.vector_load %arg14[%get3A_2458, %get3A_2459] {strides = array<i32>} : memref<80x128xf32, #tpu.memory_space<vmem>>, vector<16xf32>,
      %mul3A_2461 = arith.mulf %get3A_2460, %get3A_2347 : vector<16xf32>
      %add3A_2462 = arith.addf %mul3A_2456, %mul3A_2461 : vector<16xf32>
      %get3A_2463 = arith.constant 57 : i32
      %get3A_2464 = arith.index_cast %get3A_2463 : i32 to index
      %get3A_2465 = arith.constant 32 : index
      %get3A_2466 = tpu.vector_load %arg14[%get3A_2464, %get3A_2465] {strides = array<i32>} : memref<80x128xf32, #tpu.memory_space<vmem>>, vector<16xf32>,
      %mul3A_2467 = arith.mulf %get3A_2466, %get3A_2351 : vector<16xf32>
      %add3A_2468 = arith.addf %add3A_2462, %mul3A_2467 : vector<16xf32>
      %get3A_2469 = arith.constant 57 : i32
      %get3A_2470 = arith.index_cast %get3A_2469 : i32 to index
      %get3A_2471 = arith.constant 48 : index
      %get3A_2472 = tpu.vector_load %arg14[%get3A_2470, %get3A_2471] {strides = array<i32>} : memref<80x128xf32, #tpu.memory_space<vmem>>, vector<16xf32>,
      %mul3A_2473 = arith.mulf %get3A_2472, %get3A_2355 : vector<16xf32>
      %add3A_2474 = arith.addf %add3A_2468, %mul3A_2473 : vector<16xf32>
      %eq3A_2475 = arith.constant 11 : i32
      %eq3A_2476 = vector.broadcast %eq3A_2475 : i32 to vector<16xi32>
      %eq3A_2477 = arith.cmpi eq, %iota3A, %eq3A_2476 : vector<16xi32>
      %reduce_sum3A_2478 = arith.constant true
      %reduce_sum3A_2479 = vector.broadcast %reduce_sum3A_2478 : i1 to vector<16xi1>
      %reduce_sum3A_2480 = tpu.scan <sum>, %add3A_2474 masked %reduce_sum3A_2479 : vector<16xf32>, vector<16xi1> -> vector<16xf32>
      %reduce_sum3A_2481 = vector.extract %reduce_sum3A_2480[15] : f32 from vector<16xf32>
      %broadcast_in_dim3A_2482 = vector.broadcast %reduce_sum3A_2481 : f32 to vector<16xf32>
      %select_n3A_2483 = arith.select %eq3A_2477, %broadcast_in_dim3A_2482, %select_n3A_2275 : vector<16xi1>, vector<16xf32>
      %get3A_2484 = arith.constant 58 : i32
      %get3A_2485 = arith.index_cast %get3A_2484 : i32 to index
      %get3A_2486 = arith.constant 0 : index
      %get3A_2487 = tpu.vector_load %arg14[%get3A_2485, %get3A_2486] {strides = array<i32>} : memref<80x128xf32, #tpu.memory_space<vmem>>, vector<16xf32>,
      %mul3A_2488 = arith.mulf %get3A_2487, %get3A_2343 : vector<16xf32>
      %get3A_2489 = arith.constant 58 : i32
      %get3A_2490 = arith.index_cast %get3A_2489 : i32 to index
      %get3A_2491 = arith.constant 16 : index
      %get3A_2492 = tpu.vector_load %arg14[%get3A_2490, %get3A_2491] {strides = array<i32>} : memref<80x128xf32, #tpu.memory_space<vmem>>, vector<16xf32>,
      %mul3A_2493 = arith.mulf %get3A_2492, %get3A_2347 : vector<16xf32>
      %add3A_2494 = arith.addf %mul3A_2488, %mul3A_2493 : vector<16xf32>
      %get3A_2495 = arith.constant 58 : i32
      %get3A_2496 = arith.index_cast %get3A_2495 : i32 to index
      %get3A_2497 = arith.constant 32 : index
      %get3A_2498 = tpu.vector_load %arg14[%get3A_2496, %get3A_2497] {strides = array<i32>} : memref<80x128xf32, #tpu.memory_space<vmem>>, vector<16xf32>,
      %mul3A_2499 = arith.mulf %get3A_2498, %get3A_2351 : vector<16xf32>
      %add3A_2500 = arith.addf %add3A_2494, %mul3A_2499 : vector<16xf32>
      %get3A_2501 = arith.constant 58 : i32
      %get3A_2502 = arith.index_cast %get3A_2501 : i32 to index
      %get3A_2503 = arith.constant 48 : index
      %get3A_2504 = tpu.vector_load %arg14[%get3A_2502, %get3A_2503] {strides = array<i32>} : memref<80x128xf32, #tpu.memory_space<vmem>>, vector<16xf32>,
      %mul3A_2505 = arith.mulf %get3A_2504, %get3A_2355 : vector<16xf32>
      %add3A_2506 = arith.addf %add3A_2500, %mul3A_2505 : vector<16xf32>
      %eq3A_2507 = arith.constant 11 : i32
      %eq3A_2508 = vector.broadcast %eq3A_2507 : i32 to vector<16xi32>
      %eq3A_2509 = arith.cmpi eq, %iota3A, %eq3A_2508 : vector<16xi32>
      %reduce_sum3A_2510 = arith.constant true
      %reduce_sum3A_2511 = vector.broadcast %reduce_sum3A_2510 : i1 to vector<16xi1>
      %reduce_sum3A_2512 = tpu.scan <sum>, %add3A_2506 masked %reduce_sum3A_2511 : vector<16xf32>, vector<16xi1> -> vector<16xf32>
      %reduce_sum3A_2513 = vector.extract %reduce_sum3A_2512[15] : f32 from vector<16xf32>
      %broadcast_in_dim3A_2514 = vector.broadcast %reduce_sum3A_2513 : f32 to vector<16xf32>
      %select_n3A_2515 = arith.select %eq3A_2509, %broadcast_in_dim3A_2514, %select_n3A_2307 : vector<16xi1>, vector<16xf32>
      %get3A_2516 = arith.constant 59 : i32
      %get3A_2517 = arith.index_cast %get3A_2516 : i32 to index
      %get3A_2518 = arith.constant 0 : index
      %get3A_2519 = tpu.vector_load %arg14[%get3A_2517, %get3A_2518] {strides = array<i32>} : memref<80x128xf32, #tpu.memory_space<vmem>>, vector<16xf32>,
      %mul3A_2520 = arith.mulf %get3A_2519, %get3A_2343 : vector<16xf32>
      %get3A_2521 = arith.constant 59 : i32
      %get3A_2522 = arith.index_cast %get3A_2521 : i32 to index
      %get3A_2523 = arith.constant 16 : index
      %get3A_2524 = tpu.vector_load %arg14[%get3A_2522, %get3A_2523] {strides = array<i32>} : memref<80x128xf32, #tpu.memory_space<vmem>>, vector<16xf32>,
      %mul3A_2525 = arith.mulf %get3A_2524, %get3A_2347 : vector<16xf32>
      %add3A_2526 = arith.addf %mul3A_2520, %mul3A_2525 : vector<16xf32>
      %get3A_2527 = arith.constant 59 : i32
      %get3A_2528 = arith.index_cast %get3A_2527 : i32 to index
      %get3A_2529 = arith.constant 32 : index
      %get3A_2530 = tpu.vector_load %arg14[%get3A_2528, %get3A_2529] {strides = array<i32>} : memref<80x128xf32, #tpu.memory_space<vmem>>, vector<16xf32>,
      %mul3A_2531 = arith.mulf %get3A_2530, %get3A_2351 : vector<16xf32>
      %add3A_2532 = arith.addf %add3A_2526, %mul3A_2531 : vector<16xf32>
      %get3A_2533 = arith.constant 59 : i32
      %get3A_2534 = arith.index_cast %get3A_2533 : i32 to index
      %get3A_2535 = arith.constant 48 : index
      %get3A_2536 = tpu.vector_load %arg14[%get3A_2534, %get3A_2535] {strides = array<i32>} : memref<80x128xf32, #tpu.memory_space<vmem>>, vector<16xf32>,
      %mul3A_2537 = arith.mulf %get3A_2536, %get3A_2355 : vector<16xf32>
      %add3A_2538 = arith.addf %add3A_2532, %mul3A_2537 : vector<16xf32>
      %eq3A_2539 = arith.constant 11 : i32
      %eq3A_2540 = vector.broadcast %eq3A_2539 : i32 to vector<16xi32>
      %eq3A_2541 = arith.cmpi eq, %iota3A, %eq3A_2540 : vector<16xi32>
      %reduce_sum3A_2542 = arith.constant true
      %reduce_sum3A_2543 = vector.broadcast %reduce_sum3A_2542 : i1 to vector<16xi1>
      %reduce_sum3A_2544 = tpu.scan <sum>, %add3A_2538 masked %reduce_sum3A_2543 : vector<16xf32>, vector<16xi1> -> vector<16xf32>
      %reduce_sum3A_2545 = vector.extract %reduce_sum3A_2544[15] : f32 from vector<16xf32>
      %broadcast_in_dim3A_2546 = vector.broadcast %reduce_sum3A_2545 : f32 to vector<16xf32>
      %select_n3A_2547 = arith.select %eq3A_2541, %broadcast_in_dim3A_2546, %select_n3A_2339 : vector<16xi1>, vector<16xf32>
      %get3A_2548 = arith.constant 12 : i32
      %get3A_2549 = arith.index_cast %get3A_2548 : i32 to index
      %get3A_2550 = arith.constant 0 : index
      %get3A_2551 = tpu.vector_load %arg13[%get3A_2549, %get3A_2550] {strides = array<i32>} : memref<16x128xf32, #tpu.memory_space<vmem>>, vector<16xf32>,
      %get3A_2552 = arith.constant 12 : i32
      %get3A_2553 = arith.index_cast %get3A_2552 : i32 to index
      %get3A_2554 = arith.constant 16 : index
      %get3A_2555 = tpu.vector_load %arg13[%get3A_2553, %get3A_2554] {strides = array<i32>} : memref<16x128xf32, #tpu.memory_space<vmem>>, vector<16xf32>,
      %get3A_2556 = arith.constant 12 : i32
      %get3A_2557 = arith.index_cast %get3A_2556 : i32 to index
      %get3A_2558 = arith.constant 32 : index
      %get3A_2559 = tpu.vector_load %arg13[%get3A_2557, %get3A_2558] {strides = array<i32>} : memref<16x128xf32, #tpu.memory_space<vmem>>, vector<16xf32>,
      %get3A_2560 = arith.constant 12 : i32
      %get3A_2561 = arith.index_cast %get3A_2560 : i32 to index
      %get3A_2562 = arith.constant 48 : index
      %get3A_2563 = tpu.vector_load %arg13[%get3A_2561, %get3A_2562] {strides = array<i32>} : memref<16x128xf32, #tpu.memory_space<vmem>>, vector<16xf32>,
      %get3A_2564 = arith.constant 12 : i32
      %get3A_2565 = arith.index_cast %get3A_2564 : i32 to index
      %get3A_2566 = arith.constant 0 : index
      %get3A_2567 = tpu.vector_load %arg12[%get3A_2565, %get3A_2566] {strides = array<i32>} : memref<16x128xf32, #tpu.memory_space<vmem>>, vector<16xf32>,
      %mul3A_2568 = arith.mulf %get3A_2567, %get3A_2551 : vector<16xf32>
      %get3A_2569 = arith.constant 12 : i32
      %get3A_2570 = arith.index_cast %get3A_2569 : i32 to index
      %get3A_2571 = arith.constant 16 : index
      %get3A_2572 = tpu.vector_load %arg12[%get3A_2570, %get3A_2571] {strides = array<i32>} : memref<16x128xf32, #tpu.memory_space<vmem>>, vector<16xf32>,
      %mul3A_2573 = arith.mulf %get3A_2572, %get3A_2555 : vector<16xf32>
      %add3A_2574 = arith.addf %mul3A_2568, %mul3A_2573 : vector<16xf32>
      %get3A_2575 = arith.constant 12 : i32
      %get3A_2576 = arith.index_cast %get3A_2575 : i32 to index
      %get3A_2577 = arith.constant 32 : index
      %get3A_2578 = tpu.vector_load %arg12[%get3A_2576, %get3A_2577] {strides = array<i32>} : memref<16x128xf32, #tpu.memory_space<vmem>>, vector<16xf32>,
      %mul3A_2579 = arith.mulf %get3A_2578, %get3A_2559 : vector<16xf32>
      %add3A_2580 = arith.addf %add3A_2574, %mul3A_2579 : vector<16xf32>
      %get3A_2581 = arith.constant 12 : i32
      %get3A_2582 = arith.index_cast %get3A_2581 : i32 to index
      %get3A_2583 = arith.constant 48 : index
      %get3A_2584 = tpu.vector_load %arg12[%get3A_2582, %get3A_2583] {strides = array<i32>} : memref<16x128xf32, #tpu.memory_space<vmem>>, vector<16xf32>,
      %mul3A_2585 = arith.mulf %get3A_2584, %get3A_2563 : vector<16xf32>
      %add3A_2586 = arith.addf %add3A_2580, %mul3A_2585 : vector<16xf32>
      %eq3A_2587 = arith.constant 12 : i32
      %eq3A_2588 = vector.broadcast %eq3A_2587 : i32 to vector<16xi32>
      %eq3A_2589 = arith.cmpi eq, %iota3A, %eq3A_2588 : vector<16xi32>
      %reduce_sum3A_2590 = arith.constant true
      %reduce_sum3A_2591 = vector.broadcast %reduce_sum3A_2590 : i1 to vector<16xi1>
      %reduce_sum3A_2592 = tpu.scan <sum>, %add3A_2586 masked %reduce_sum3A_2591 : vector<16xf32>, vector<16xi1> -> vector<16xf32>
      %reduce_sum3A_2593 = vector.extract %reduce_sum3A_2592[15] : f32 from vector<16xf32>
      %broadcast_in_dim3A_2594 = vector.broadcast %reduce_sum3A_2593 : f32 to vector<16xf32>
      %select_n3A_2595 = arith.select %eq3A_2589, %broadcast_in_dim3A_2594, %select_n3A_2387 : vector<16xi1>, vector<16xf32>
      %get3A_2596 = arith.constant 60 : i32
      %get3A_2597 = arith.index_cast %get3A_2596 : i32 to index
      %get3A_2598 = arith.constant 0 : index
      %get3A_2599 = tpu.vector_load %arg14[%get3A_2597, %get3A_2598] {strides = array<i32>} : memref<80x128xf32, #tpu.memory_space<vmem>>, vector<16xf32>,
      %mul3A_2600 = arith.mulf %get3A_2599, %get3A_2551 : vector<16xf32>
      %get3A_2601 = arith.constant 60 : i32
      %get3A_2602 = arith.index_cast %get3A_2601 : i32 to index
      %get3A_2603 = arith.constant 16 : index
      %get3A_2604 = tpu.vector_load %arg14[%get3A_2602, %get3A_2603] {strides = array<i32>} : memref<80x128xf32, #tpu.memory_space<vmem>>, vector<16xf32>,
      %mul3A_2605 = arith.mulf %get3A_2604, %get3A_2555 : vector<16xf32>
      %add3A_2606 = arith.addf %mul3A_2600, %mul3A_2605 : vector<16xf32>
      %get3A_2607 = arith.constant 60 : i32
      %get3A_2608 = arith.index_cast %get3A_2607 : i32 to index
      %get3A_2609 = arith.constant 32 : index
      %get3A_2610 = tpu.vector_load %arg14[%get3A_2608, %get3A_2609] {strides = array<i32>} : memref<80x128xf32, #tpu.memory_space<vmem>>, vector<16xf32>,
      %mul3A_2611 = arith.mulf %get3A_2610, %get3A_2559 : vector<16xf32>
      %add3A_2612 = arith.addf %add3A_2606, %mul3A_2611 : vector<16xf32>
      %get3A_2613 = arith.constant 60 : i32
      %get3A_2614 = arith.index_cast %get3A_2613 : i32 to index
      %get3A_2615 = arith.constant 48 : index
      %get3A_2616 = tpu.vector_load %arg14[%get3A_2614, %get3A_2615] {strides = array<i32>} : memref<80x128xf32, #tpu.memory_space<vmem>>, vector<16xf32>,
      %mul3A_2617 = arith.mulf %get3A_2616, %get3A_2563 : vector<16xf32>
      %add3A_2618 = arith.addf %add3A_2612, %mul3A_2617 : vector<16xf32>
      %eq3A_2619 = arith.constant 12 : i32
      %eq3A_2620 = vector.broadcast %eq3A_2619 : i32 to vector<16xi32>
      %eq3A_2621 = arith.cmpi eq, %iota3A, %eq3A_2620 : vector<16xi32>
      %reduce_sum3A_2622 = arith.constant true
      %reduce_sum3A_2623 = vector.broadcast %reduce_sum3A_2622 : i1 to vector<16xi1>
      %reduce_sum3A_2624 = tpu.scan <sum>, %add3A_2618 masked %reduce_sum3A_2623 : vector<16xf32>, vector<16xi1> -> vector<16xf32>
      %reduce_sum3A_2625 = vector.extract %reduce_sum3A_2624[15] : f32 from vector<16xf32>
      %broadcast_in_dim3A_2626 = vector.broadcast %reduce_sum3A_2625 : f32 to vector<16xf32>
      %select_n3A_2627 = arith.select %eq3A_2621, %broadcast_in_dim3A_2626, %select_n3A_2419 : vector<16xi1>, vector<16xf32>
      %get3A_2628 = arith.constant 61 : i32
      %get3A_2629 = arith.index_cast %get3A_2628 : i32 to index
      %get3A_2630 = arith.constant 0 : index
      %get3A_2631 = tpu.vector_load %arg14[%get3A_2629, %get3A_2630] {strides = array<i32>} : memref<80x128xf32, #tpu.memory_space<vmem>>, vector<16xf32>,
      %mul3A_2632 = arith.mulf %get3A_2631, %get3A_2551 : vector<16xf32>
      %get3A_2633 = arith.constant 61 : i32
      %get3A_2634 = arith.index_cast %get3A_2633 : i32 to index
      %get3A_2635 = arith.constant 16 : index
      %get3A_2636 = tpu.vector_load %arg14[%get3A_2634, %get3A_2635] {strides = array<i32>} : memref<80x128xf32, #tpu.memory_space<vmem>>, vector<16xf32>,
      %mul3A_2637 = arith.mulf %get3A_2636, %get3A_2555 : vector<16xf32>
      %add3A_2638 = arith.addf %mul3A_2632, %mul3A_2637 : vector<16xf32>
      %get3A_2639 = arith.constant 61 : i32
      %get3A_2640 = arith.index_cast %get3A_2639 : i32 to index
      %get3A_2641 = arith.constant 32 : index
      %get3A_2642 = tpu.vector_load %arg14[%get3A_2640, %get3A_2641] {strides = array<i32>} : memref<80x128xf32, #tpu.memory_space<vmem>>, vector<16xf32>,
      %mul3A_2643 = arith.mulf %get3A_2642, %get3A_2559 : vector<16xf32>
      %add3A_2644 = arith.addf %add3A_2638, %mul3A_2643 : vector<16xf32>
      %get3A_2645 = arith.constant 61 : i32
      %get3A_2646 = arith.index_cast %get3A_2645 : i32 to index
      %get3A_2647 = arith.constant 48 : index
      %get3A_2648 = tpu.vector_load %arg14[%get3A_2646, %get3A_2647] {strides = array<i32>} : memref<80x128xf32, #tpu.memory_space<vmem>>, vector<16xf32>,
      %mul3A_2649 = arith.mulf %get3A_2648, %get3A_2563 : vector<16xf32>
      %add3A_2650 = arith.addf %add3A_2644, %mul3A_2649 : vector<16xf32>
      %eq3A_2651 = arith.constant 12 : i32
      %eq3A_2652 = vector.broadcast %eq3A_2651 : i32 to vector<16xi32>
      %eq3A_2653 = arith.cmpi eq, %iota3A, %eq3A_2652 : vector<16xi32>
      %reduce_sum3A_2654 = arith.constant true
      %reduce_sum3A_2655 = vector.broadcast %reduce_sum3A_2654 : i1 to vector<16xi1>
      %reduce_sum3A_2656 = tpu.scan <sum>, %add3A_2650 masked %reduce_sum3A_2655 : vector<16xf32>, vector<16xi1> -> vector<16xf32>
      %reduce_sum3A_2657 = vector.extract %reduce_sum3A_2656[15] : f32 from vector<16xf32>
      %broadcast_in_dim3A_2658 = vector.broadcast %reduce_sum3A_2657 : f32 to vector<16xf32>
      %select_n3A_2659 = arith.select %eq3A_2653, %broadcast_in_dim3A_2658, %select_n3A_2451 : vector<16xi1>, vector<16xf32>
      %get3A_2660 = arith.constant 62 : i32
      %get3A_2661 = arith.index_cast %get3A_2660 : i32 to index
      %get3A_2662 = arith.constant 0 : index
      %get3A_2663 = tpu.vector_load %arg14[%get3A_2661, %get3A_2662] {strides = array<i32>} : memref<80x128xf32, #tpu.memory_space<vmem>>, vector<16xf32>,
      %mul3A_2664 = arith.mulf %get3A_2663, %get3A_2551 : vector<16xf32>
      %get3A_2665 = arith.constant 62 : i32
      %get3A_2666 = arith.index_cast %get3A_2665 : i32 to index
      %get3A_2667 = arith.constant 16 : index
      %get3A_2668 = tpu.vector_load %arg14[%get3A_2666, %get3A_2667] {strides = array<i32>} : memref<80x128xf32, #tpu.memory_space<vmem>>, vector<16xf32>,
      %mul3A_2669 = arith.mulf %get3A_2668, %get3A_2555 : vector<16xf32>
      %add3A_2670 = arith.addf %mul3A_2664, %mul3A_2669 : vector<16xf32>
      %get3A_2671 = arith.constant 62 : i32
      %get3A_2672 = arith.index_cast %get3A_2671 : i32 to index
      %get3A_2673 = arith.constant 32 : index
      %get3A_2674 = tpu.vector_load %arg14[%get3A_2672, %get3A_2673] {strides = array<i32>} : memref<80x128xf32, #tpu.memory_space<vmem>>, vector<16xf32>,
      %mul3A_2675 = arith.mulf %get3A_2674, %get3A_2559 : vector<16xf32>
      %add3A_2676 = arith.addf %add3A_2670, %mul3A_2675 : vector<16xf32>
      %get3A_2677 = arith.constant 62 : i32
      %get3A_2678 = arith.index_cast %get3A_2677 : i32 to index
      %get3A_2679 = arith.constant 48 : index
      %get3A_2680 = tpu.vector_load %arg14[%get3A_2678, %get3A_2679] {strides = array<i32>} : memref<80x128xf32, #tpu.memory_space<vmem>>, vector<16xf32>,
      %mul3A_2681 = arith.mulf %get3A_2680, %get3A_2563 : vector<16xf32>
      %add3A_2682 = arith.addf %add3A_2676, %mul3A_2681 : vector<16xf32>
      %eq3A_2683 = arith.constant 12 : i32
      %eq3A_2684 = vector.broadcast %eq3A_2683 : i32 to vector<16xi32>
      %eq3A_2685 = arith.cmpi eq, %iota3A, %eq3A_2684 : vector<16xi32>
      %reduce_sum3A_2686 = arith.constant true
      %reduce_sum3A_2687 = vector.broadcast %reduce_sum3A_2686 : i1 to vector<16xi1>
      %reduce_sum3A_2688 = tpu.scan <sum>, %add3A_2682 masked %reduce_sum3A_2687 : vector<16xf32>, vector<16xi1> -> vector<16xf32>
      %reduce_sum3A_2689 = vector.extract %reduce_sum3A_2688[15] : f32 from vector<16xf32>
      %broadcast_in_dim3A_2690 = vector.broadcast %reduce_sum3A_2689 : f32 to vector<16xf32>
      %select_n3A_2691 = arith.select %eq3A_2685, %broadcast_in_dim3A_2690, %select_n3A_2483 : vector<16xi1>, vector<16xf32>
      %get3A_2692 = arith.constant 63 : i32
      %get3A_2693 = arith.index_cast %get3A_2692 : i32 to index
      %get3A_2694 = arith.constant 0 : index
      %get3A_2695 = tpu.vector_load %arg14[%get3A_2693, %get3A_2694] {strides = array<i32>} : memref<80x128xf32, #tpu.memory_space<vmem>>, vector<16xf32>,
      %mul3A_2696 = arith.mulf %get3A_2695, %get3A_2551 : vector<16xf32>
      %get3A_2697 = arith.constant 63 : i32
      %get3A_2698 = arith.index_cast %get3A_2697 : i32 to index
      %get3A_2699 = arith.constant 16 : index
      %get3A_2700 = tpu.vector_load %arg14[%get3A_2698, %get3A_2699] {strides = array<i32>} : memref<80x128xf32, #tpu.memory_space<vmem>>, vector<16xf32>,
      %mul3A_2701 = arith.mulf %get3A_2700, %get3A_2555 : vector<16xf32>
      %add3A_2702 = arith.addf %mul3A_2696, %mul3A_2701 : vector<16xf32>
      %get3A_2703 = arith.constant 63 : i32
      %get3A_2704 = arith.index_cast %get3A_2703 : i32 to index
      %get3A_2705 = arith.constant 32 : index
      %get3A_2706 = tpu.vector_load %arg14[%get3A_2704, %get3A_2705] {strides = array<i32>} : memref<80x128xf32, #tpu.memory_space<vmem>>, vector<16xf32>,
      %mul3A_2707 = arith.mulf %get3A_2706, %get3A_2559 : vector<16xf32>
      %add3A_2708 = arith.addf %add3A_2702, %mul3A_2707 : vector<16xf32>
      %get3A_2709 = arith.constant 63 : i32
      %get3A_2710 = arith.index_cast %get3A_2709 : i32 to index
      %get3A_2711 = arith.constant 48 : index
      %get3A_2712 = tpu.vector_load %arg14[%get3A_2710, %get3A_2711] {strides = array<i32>} : memref<80x128xf32, #tpu.memory_space<vmem>>, vector<16xf32>,
      %mul3A_2713 = arith.mulf %get3A_2712, %get3A_2563 : vector<16xf32>
      %add3A_2714 = arith.addf %add3A_2708, %mul3A_2713 : vector<16xf32>
      %eq3A_2715 = arith.constant 12 : i32
      %eq3A_2716 = vector.broadcast %eq3A_2715 : i32 to vector<16xi32>
      %eq3A_2717 = arith.cmpi eq, %iota3A, %eq3A_2716 : vector<16xi32>
      %reduce_sum3A_2718 = arith.constant true
      %reduce_sum3A_2719 = vector.broadcast %reduce_sum3A_2718 : i1 to vector<16xi1>
      %reduce_sum3A_2720 = tpu.scan <sum>, %add3A_2714 masked %reduce_sum3A_2719 : vector<16xf32>, vector<16xi1> -> vector<16xf32>
      %reduce_sum3A_2721 = vector.extract %reduce_sum3A_2720[15] : f32 from vector<16xf32>
      %broadcast_in_dim3A_2722 = vector.broadcast %reduce_sum3A_2721 : f32 to vector<16xf32>
      %select_n3A_2723 = arith.select %eq3A_2717, %broadcast_in_dim3A_2722, %select_n3A_2515 : vector<16xi1>, vector<16xf32>
      %get3A_2724 = arith.constant 64 : i32
      %get3A_2725 = arith.index_cast %get3A_2724 : i32 to index
      %get3A_2726 = arith.constant 0 : index
      %get3A_2727 = tpu.vector_load %arg14[%get3A_2725, %get3A_2726] {strides = array<i32>} : memref<80x128xf32, #tpu.memory_space<vmem>>, vector<16xf32>,
      %mul3A_2728 = arith.mulf %get3A_2727, %get3A_2551 : vector<16xf32>
      %get3A_2729 = arith.constant 64 : i32
      %get3A_2730 = arith.index_cast %get3A_2729 : i32 to index
      %get3A_2731 = arith.constant 16 : index
      %get3A_2732 = tpu.vector_load %arg14[%get3A_2730, %get3A_2731] {strides = array<i32>} : memref<80x128xf32, #tpu.memory_space<vmem>>, vector<16xf32>,
      %mul3A_2733 = arith.mulf %get3A_2732, %get3A_2555 : vector<16xf32>
      %add3A_2734 = arith.addf %mul3A_2728, %mul3A_2733 : vector<16xf32>
      %get3A_2735 = arith.constant 64 : i32
      %get3A_2736 = arith.index_cast %get3A_2735 : i32 to index
      %get3A_2737 = arith.constant 32 : index
      %get3A_2738 = tpu.vector_load %arg14[%get3A_2736, %get3A_2737] {strides = array<i32>} : memref<80x128xf32, #tpu.memory_space<vmem>>, vector<16xf32>,
      %mul3A_2739 = arith.mulf %get3A_2738, %get3A_2559 : vector<16xf32>
      %add3A_2740 = arith.addf %add3A_2734, %mul3A_2739 : vector<16xf32>
      %get3A_2741 = arith.constant 64 : i32
      %get3A_2742 = arith.index_cast %get3A_2741 : i32 to index
      %get3A_2743 = arith.constant 48 : index
      %get3A_2744 = tpu.vector_load %arg14[%get3A_2742, %get3A_2743] {strides = array<i32>} : memref<80x128xf32, #tpu.memory_space<vmem>>, vector<16xf32>,
      %mul3A_2745 = arith.mulf %get3A_2744, %get3A_2563 : vector<16xf32>
      %add3A_2746 = arith.addf %add3A_2740, %mul3A_2745 : vector<16xf32>
      %eq3A_2747 = arith.constant 12 : i32
      %eq3A_2748 = vector.broadcast %eq3A_2747 : i32 to vector<16xi32>
      %eq3A_2749 = arith.cmpi eq, %iota3A, %eq3A_2748 : vector<16xi32>
      %reduce_sum3A_2750 = arith.constant true
      %reduce_sum3A_2751 = vector.broadcast %reduce_sum3A_2750 : i1 to vector<16xi1>
      %reduce_sum3A_2752 = tpu.scan <sum>, %add3A_2746 masked %reduce_sum3A_2751 : vector<16xf32>, vector<16xi1> -> vector<16xf32>
      %reduce_sum3A_2753 = vector.extract %reduce_sum3A_2752[15] : f32 from vector<16xf32>
      %broadcast_in_dim3A_2754 = vector.broadcast %reduce_sum3A_2753 : f32 to vector<16xf32>
      %select_n3A_2755 = arith.select %eq3A_2749, %broadcast_in_dim3A_2754, %select_n3A_2547 : vector<16xi1>, vector<16xf32>
      %get3A_2756 = arith.constant 13 : i32
      %get3A_2757 = arith.index_cast %get3A_2756 : i32 to index
      %get3A_2758 = arith.constant 0 : index
      %get3A_2759 = tpu.vector_load %arg13[%get3A_2757, %get3A_2758] {strides = array<i32>} : memref<16x128xf32, #tpu.memory_space<vmem>>, vector<16xf32>,
      %get3A_2760 = arith.constant 13 : i32
      %get3A_2761 = arith.index_cast %get3A_2760 : i32 to index
      %get3A_2762 = arith.constant 16 : index
      %get3A_2763 = tpu.vector_load %arg13[%get3A_2761, %get3A_2762] {strides = array<i32>} : memref<16x128xf32, #tpu.memory_space<vmem>>, vector<16xf32>,
      %get3A_2764 = arith.constant 13 : i32
      %get3A_2765 = arith.index_cast %get3A_2764 : i32 to index
      %get3A_2766 = arith.constant 32 : index
      %get3A_2767 = tpu.vector_load %arg13[%get3A_2765, %get3A_2766] {strides = array<i32>} : memref<16x128xf32, #tpu.memory_space<vmem>>, vector<16xf32>,
      %get3A_2768 = arith.constant 13 : i32
      %get3A_2769 = arith.index_cast %get3A_2768 : i32 to index
      %get3A_2770 = arith.constant 48 : index
      %get3A_2771 = tpu.vector_load %arg13[%get3A_2769, %get3A_2770] {strides = array<i32>} : memref<16x128xf32, #tpu.memory_space<vmem>>, vector<16xf32>,
      %get3A_2772 = arith.constant 13 : i32
      %get3A_2773 = arith.index_cast %get3A_2772 : i32 to index
      %get3A_2774 = arith.constant 0 : index
      %get3A_2775 = tpu.vector_load %arg12[%get3A_2773, %get3A_2774] {strides = array<i32>} : memref<16x128xf32, #tpu.memory_space<vmem>>, vector<16xf32>,
      %mul3A_2776 = arith.mulf %get3A_2775, %get3A_2759 : vector<16xf32>
      %get3A_2777 = arith.constant 13 : i32
      %get3A_2778 = arith.index_cast %get3A_2777 : i32 to index
      %get3A_2779 = arith.constant 16 : index
      %get3A_2780 = tpu.vector_load %arg12[%get3A_2778, %get3A_2779] {strides = array<i32>} : memref<16x128xf32, #tpu.memory_space<vmem>>, vector<16xf32>,
      %mul3A_2781 = arith.mulf %get3A_2780, %get3A_2763 : vector<16xf32>
      %add3A_2782 = arith.addf %mul3A_2776, %mul3A_2781 : vector<16xf32>
      %get3A_2783 = arith.constant 13 : i32
      %get3A_2784 = arith.index_cast %get3A_2783 : i32 to index
      %get3A_2785 = arith.constant 32 : index
      %get3A_2786 = tpu.vector_load %arg12[%get3A_2784, %get3A_2785] {strides = array<i32>} : memref<16x128xf32, #tpu.memory_space<vmem>>, vector<16xf32>,
      %mul3A_2787 = arith.mulf %get3A_2786, %get3A_2767 : vector<16xf32>
      %add3A_2788 = arith.addf %add3A_2782, %mul3A_2787 : vector<16xf32>
      %get3A_2789 = arith.constant 13 : i32
      %get3A_2790 = arith.index_cast %get3A_2789 : i32 to index
      %get3A_2791 = arith.constant 48 : index
      %get3A_2792 = tpu.vector_load %arg12[%get3A_2790, %get3A_2791] {strides = array<i32>} : memref<16x128xf32, #tpu.memory_space<vmem>>, vector<16xf32>,
      %mul3A_2793 = arith.mulf %get3A_2792, %get3A_2771 : vector<16xf32>
      %add3A_2794 = arith.addf %add3A_2788, %mul3A_2793 : vector<16xf32>
      %eq3A_2795 = arith.constant 13 : i32
      %eq3A_2796 = vector.broadcast %eq3A_2795 : i32 to vector<16xi32>
      %eq3A_2797 = arith.cmpi eq, %iota3A, %eq3A_2796 : vector<16xi32>
      %reduce_sum3A_2798 = arith.constant true
      %reduce_sum3A_2799 = vector.broadcast %reduce_sum3A_2798 : i1 to vector<16xi1>
      %reduce_sum3A_2800 = tpu.scan <sum>, %add3A_2794 masked %reduce_sum3A_2799 : vector<16xf32>, vector<16xi1> -> vector<16xf32>
      %reduce_sum3A_2801 = vector.extract %reduce_sum3A_2800[15] : f32 from vector<16xf32>
      %broadcast_in_dim3A_2802 = vector.broadcast %reduce_sum3A_2801 : f32 to vector<16xf32>
      %select_n3A_2803 = arith.select %eq3A_2797, %broadcast_in_dim3A_2802, %select_n3A_2595 : vector<16xi1>, vector<16xf32>
      %get3A_2804 = arith.constant 65 : i32
      %get3A_2805 = arith.index_cast %get3A_2804 : i32 to index
      %get3A_2806 = arith.constant 0 : index
      %get3A_2807 = tpu.vector_load %arg14[%get3A_2805, %get3A_2806] {strides = array<i32>} : memref<80x128xf32, #tpu.memory_space<vmem>>, vector<16xf32>,
      %mul3A_2808 = arith.mulf %get3A_2807, %get3A_2759 : vector<16xf32>
      %get3A_2809 = arith.constant 65 : i32
      %get3A_2810 = arith.index_cast %get3A_2809 : i32 to index
      %get3A_2811 = arith.constant 16 : index
      %get3A_2812 = tpu.vector_load %arg14[%get3A_2810, %get3A_2811] {strides = array<i32>} : memref<80x128xf32, #tpu.memory_space<vmem>>, vector<16xf32>,
      %mul3A_2813 = arith.mulf %get3A_2812, %get3A_2763 : vector<16xf32>
      %add3A_2814 = arith.addf %mul3A_2808, %mul3A_2813 : vector<16xf32>
      %get3A_2815 = arith.constant 65 : i32
      %get3A_2816 = arith.index_cast %get3A_2815 : i32 to index
      %get3A_2817 = arith.constant 32 : index
      %get3A_2818 = tpu.vector_load %arg14[%get3A_2816, %get3A_2817] {strides = array<i32>} : memref<80x128xf32, #tpu.memory_space<vmem>>, vector<16xf32>,
      %mul3A_2819 = arith.mulf %get3A_2818, %get3A_2767 : vector<16xf32>
      %add3A_2820 = arith.addf %add3A_2814, %mul3A_2819 : vector<16xf32>
      %get3A_2821 = arith.constant 65 : i32
      %get3A_2822 = arith.index_cast %get3A_2821 : i32 to index
      %get3A_2823 = arith.constant 48 : index
      %get3A_2824 = tpu.vector_load %arg14[%get3A_2822, %get3A_2823] {strides = array<i32>} : memref<80x128xf32, #tpu.memory_space<vmem>>, vector<16xf32>,
      %mul3A_2825 = arith.mulf %get3A_2824, %get3A_2771 : vector<16xf32>
      %add3A_2826 = arith.addf %add3A_2820, %mul3A_2825 : vector<16xf32>
      %eq3A_2827 = arith.constant 13 : i32
      %eq3A_2828 = vector.broadcast %eq3A_2827 : i32 to vector<16xi32>
      %eq3A_2829 = arith.cmpi eq, %iota3A, %eq3A_2828 : vector<16xi32>
      %reduce_sum3A_2830 = arith.constant true
      %reduce_sum3A_2831 = vector.broadcast %reduce_sum3A_2830 : i1 to vector<16xi1>
      %reduce_sum3A_2832 = tpu.scan <sum>, %add3A_2826 masked %reduce_sum3A_2831 : vector<16xf32>, vector<16xi1> -> vector<16xf32>
      %reduce_sum3A_2833 = vector.extract %reduce_sum3A_2832[15] : f32 from vector<16xf32>
      %broadcast_in_dim3A_2834 = vector.broadcast %reduce_sum3A_2833 : f32 to vector<16xf32>
      %select_n3A_2835 = arith.select %eq3A_2829, %broadcast_in_dim3A_2834, %select_n3A_2627 : vector<16xi1>, vector<16xf32>
      %get3A_2836 = arith.constant 66 : i32
      %get3A_2837 = arith.index_cast %get3A_2836 : i32 to index
      %get3A_2838 = arith.constant 0 : index
      %get3A_2839 = tpu.vector_load %arg14[%get3A_2837, %get3A_2838] {strides = array<i32>} : memref<80x128xf32, #tpu.memory_space<vmem>>, vector<16xf32>,
      %mul3A_2840 = arith.mulf %get3A_2839, %get3A_2759 : vector<16xf32>
      %get3A_2841 = arith.constant 66 : i32
      %get3A_2842 = arith.index_cast %get3A_2841 : i32 to index
      %get3A_2843 = arith.constant 16 : index
      %get3A_2844 = tpu.vector_load %arg14[%get3A_2842, %get3A_2843] {strides = array<i32>} : memref<80x128xf32, #tpu.memory_space<vmem>>, vector<16xf32>,
      %mul3A_2845 = arith.mulf %get3A_2844, %get3A_2763 : vector<16xf32>
      %add3A_2846 = arith.addf %mul3A_2840, %mul3A_2845 : vector<16xf32>
      %get3A_2847 = arith.constant 66 : i32
      %get3A_2848 = arith.index_cast %get3A_2847 : i32 to index
      %get3A_2849 = arith.constant 32 : index
      %get3A_2850 = tpu.vector_load %arg14[%get3A_2848, %get3A_2849] {strides = array<i32>} : memref<80x128xf32, #tpu.memory_space<vmem>>, vector<16xf32>,
      %mul3A_2851 = arith.mulf %get3A_2850, %get3A_2767 : vector<16xf32>
      %add3A_2852 = arith.addf %add3A_2846, %mul3A_2851 : vector<16xf32>
      %get3A_2853 = arith.constant 66 : i32
      %get3A_2854 = arith.index_cast %get3A_2853 : i32 to index
      %get3A_2855 = arith.constant 48 : index
      %get3A_2856 = tpu.vector_load %arg14[%get3A_2854, %get3A_2855] {strides = array<i32>} : memref<80x128xf32, #tpu.memory_space<vmem>>, vector<16xf32>,
      %mul3A_2857 = arith.mulf %get3A_2856, %get3A_2771 : vector<16xf32>
      %add3A_2858 = arith.addf %add3A_2852, %mul3A_2857 : vector<16xf32>
      %eq3A_2859 = arith.constant 13 : i32
      %eq3A_2860 = vector.broadcast %eq3A_2859 : i32 to vector<16xi32>
      %eq3A_2861 = arith.cmpi eq, %iota3A, %eq3A_2860 : vector<16xi32>
      %reduce_sum3A_2862 = arith.constant true
      %reduce_sum3A_2863 = vector.broadcast %reduce_sum3A_2862 : i1 to vector<16xi1>
      %reduce_sum3A_2864 = tpu.scan <sum>, %add3A_2858 masked %reduce_sum3A_2863 : vector<16xf32>, vector<16xi1> -> vector<16xf32>
      %reduce_sum3A_2865 = vector.extract %reduce_sum3A_2864[15] : f32 from vector<16xf32>
      %broadcast_in_dim3A_2866 = vector.broadcast %reduce_sum3A_2865 : f32 to vector<16xf32>
      %select_n3A_2867 = arith.select %eq3A_2861, %broadcast_in_dim3A_2866, %select_n3A_2659 : vector<16xi1>, vector<16xf32>
      %get3A_2868 = arith.constant 67 : i32
      %get3A_2869 = arith.index_cast %get3A_2868 : i32 to index
      %get3A_2870 = arith.constant 0 : index
      %get3A_2871 = tpu.vector_load %arg14[%get3A_2869, %get3A_2870] {strides = array<i32>} : memref<80x128xf32, #tpu.memory_space<vmem>>, vector<16xf32>,
      %mul3A_2872 = arith.mulf %get3A_2871, %get3A_2759 : vector<16xf32>
      %get3A_2873 = arith.constant 67 : i32
      %get3A_2874 = arith.index_cast %get3A_2873 : i32 to index
      %get3A_2875 = arith.constant 16 : index
      %get3A_2876 = tpu.vector_load %arg14[%get3A_2874, %get3A_2875] {strides = array<i32>} : memref<80x128xf32, #tpu.memory_space<vmem>>, vector<16xf32>,
      %mul3A_2877 = arith.mulf %get3A_2876, %get3A_2763 : vector<16xf32>
      %add3A_2878 = arith.addf %mul3A_2872, %mul3A_2877 : vector<16xf32>
      %get3A_2879 = arith.constant 67 : i32
      %get3A_2880 = arith.index_cast %get3A_2879 : i32 to index
      %get3A_2881 = arith.constant 32 : index
      %get3A_2882 = tpu.vector_load %arg14[%get3A_2880, %get3A_2881] {strides = array<i32>} : memref<80x128xf32, #tpu.memory_space<vmem>>, vector<16xf32>,
      %mul3A_2883 = arith.mulf %get3A_2882, %get3A_2767 : vector<16xf32>
      %add3A_2884 = arith.addf %add3A_2878, %mul3A_2883 : vector<16xf32>
      %get3A_2885 = arith.constant 67 : i32
      %get3A_2886 = arith.index_cast %get3A_2885 : i32 to index
      %get3A_2887 = arith.constant 48 : index
      %get3A_2888 = tpu.vector_load %arg14[%get3A_2886, %get3A_2887] {strides = array<i32>} : memref<80x128xf32, #tpu.memory_space<vmem>>, vector<16xf32>,
      %mul3A_2889 = arith.mulf %get3A_2888, %get3A_2771 : vector<16xf32>
      %add3A_2890 = arith.addf %add3A_2884, %mul3A_2889 : vector<16xf32>
      %eq3A_2891 = arith.constant 13 : i32
      %eq3A_2892 = vector.broadcast %eq3A_2891 : i32 to vector<16xi32>
      %eq3A_2893 = arith.cmpi eq, %iota3A, %eq3A_2892 : vector<16xi32>
      %reduce_sum3A_2894 = arith.constant true
      %reduce_sum3A_2895 = vector.broadcast %reduce_sum3A_2894 : i1 to vector<16xi1>
      %reduce_sum3A_2896 = tpu.scan <sum>, %add3A_2890 masked %reduce_sum3A_2895 : vector<16xf32>, vector<16xi1> -> vector<16xf32>
      %reduce_sum3A_2897 = vector.extract %reduce_sum3A_2896[15] : f32 from vector<16xf32>
      %broadcast_in_dim3A_2898 = vector.broadcast %reduce_sum3A_2897 : f32 to vector<16xf32>
      %select_n3A_2899 = arith.select %eq3A_2893, %broadcast_in_dim3A_2898, %select_n3A_2691 : vector<16xi1>, vector<16xf32>
      %get3A_2900 = arith.constant 68 : i32
      %get3A_2901 = arith.index_cast %get3A_2900 : i32 to index
      %get3A_2902 = arith.constant 0 : index
      %get3A_2903 = tpu.vector_load %arg14[%get3A_2901, %get3A_2902] {strides = array<i32>} : memref<80x128xf32, #tpu.memory_space<vmem>>, vector<16xf32>,
      %mul3A_2904 = arith.mulf %get3A_2903, %get3A_2759 : vector<16xf32>
      %get3A_2905 = arith.constant 68 : i32
      %get3A_2906 = arith.index_cast %get3A_2905 : i32 to index
      %get3A_2907 = arith.constant 16 : index
      %get3A_2908 = tpu.vector_load %arg14[%get3A_2906, %get3A_2907] {strides = array<i32>} : memref<80x128xf32, #tpu.memory_space<vmem>>, vector<16xf32>,
      %mul3A_2909 = arith.mulf %get3A_2908, %get3A_2763 : vector<16xf32>
      %add3A_2910 = arith.addf %mul3A_2904, %mul3A_2909 : vector<16xf32>
      %get3A_2911 = arith.constant 68 : i32
      %get3A_2912 = arith.index_cast %get3A_2911 : i32 to index
      %get3A_2913 = arith.constant 32 : index
      %get3A_2914 = tpu.vector_load %arg14[%get3A_2912, %get3A_2913] {strides = array<i32>} : memref<80x128xf32, #tpu.memory_space<vmem>>, vector<16xf32>,
      %mul3A_2915 = arith.mulf %get3A_2914, %get3A_2767 : vector<16xf32>
      %add3A_2916 = arith.addf %add3A_2910, %mul3A_2915 : vector<16xf32>
      %get3A_2917 = arith.constant 68 : i32
      %get3A_2918 = arith.index_cast %get3A_2917 : i32 to index
      %get3A_2919 = arith.constant 48 : index
      %get3A_2920 = tpu.vector_load %arg14[%get3A_2918, %get3A_2919] {strides = array<i32>} : memref<80x128xf32, #tpu.memory_space<vmem>>, vector<16xf32>,
      %mul3A_2921 = arith.mulf %get3A_2920, %get3A_2771 : vector<16xf32>
      %add3A_2922 = arith.addf %add3A_2916, %mul3A_2921 : vector<16xf32>
      %eq3A_2923 = arith.constant 13 : i32
      %eq3A_2924 = vector.broadcast %eq3A_2923 : i32 to vector<16xi32>
      %eq3A_2925 = arith.cmpi eq, %iota3A, %eq3A_2924 : vector<16xi32>
      %reduce_sum3A_2926 = arith.constant true
      %reduce_sum3A_2927 = vector.broadcast %reduce_sum3A_2926 : i1 to vector<16xi1>
      %reduce_sum3A_2928 = tpu.scan <sum>, %add3A_2922 masked %reduce_sum3A_2927 : vector<16xf32>, vector<16xi1> -> vector<16xf32>
      %reduce_sum3A_2929 = vector.extract %reduce_sum3A_2928[15] : f32 from vector<16xf32>
      %broadcast_in_dim3A_2930 = vector.broadcast %reduce_sum3A_2929 : f32 to vector<16xf32>
      %select_n3A_2931 = arith.select %eq3A_2925, %broadcast_in_dim3A_2930, %select_n3A_2723 : vector<16xi1>, vector<16xf32>
      %get3A_2932 = arith.constant 69 : i32
      %get3A_2933 = arith.index_cast %get3A_2932 : i32 to index
      %get3A_2934 = arith.constant 0 : index
      %get3A_2935 = tpu.vector_load %arg14[%get3A_2933, %get3A_2934] {strides = array<i32>} : memref<80x128xf32, #tpu.memory_space<vmem>>, vector<16xf32>,
      %mul3A_2936 = arith.mulf %get3A_2935, %get3A_2759 : vector<16xf32>
      %get3A_2937 = arith.constant 69 : i32
      %get3A_2938 = arith.index_cast %get3A_2937 : i32 to index
      %get3A_2939 = arith.constant 16 : index
      %get3A_2940 = tpu.vector_load %arg14[%get3A_2938, %get3A_2939] {strides = array<i32>} : memref<80x128xf32, #tpu.memory_space<vmem>>, vector<16xf32>,
      %mul3A_2941 = arith.mulf %get3A_2940, %get3A_2763 : vector<16xf32>
      %add3A_2942 = arith.addf %mul3A_2936, %mul3A_2941 : vector<16xf32>
      %get3A_2943 = arith.constant 69 : i32
      %get3A_2944 = arith.index_cast %get3A_2943 : i32 to index
      %get3A_2945 = arith.constant 32 : index
      %get3A_2946 = tpu.vector_load %arg14[%get3A_2944, %get3A_2945] {strides = array<i32>} : memref<80x128xf32, #tpu.memory_space<vmem>>, vector<16xf32>,
      %mul3A_2947 = arith.mulf %get3A_2946, %get3A_2767 : vector<16xf32>
      %add3A_2948 = arith.addf %add3A_2942, %mul3A_2947 : vector<16xf32>
      %get3A_2949 = arith.constant 69 : i32
      %get3A_2950 = arith.index_cast %get3A_2949 : i32 to index
      %get3A_2951 = arith.constant 48 : index
      %get3A_2952 = tpu.vector_load %arg14[%get3A_2950, %get3A_2951] {strides = array<i32>} : memref<80x128xf32, #tpu.memory_space<vmem>>, vector<16xf32>,
      %mul3A_2953 = arith.mulf %get3A_2952, %get3A_2771 : vector<16xf32>
      %add3A_2954 = arith.addf %add3A_2948, %mul3A_2953 : vector<16xf32>
      %eq3A_2955 = arith.constant 13 : i32
      %eq3A_2956 = vector.broadcast %eq3A_2955 : i32 to vector<16xi32>
      %eq3A_2957 = arith.cmpi eq, %iota3A, %eq3A_2956 : vector<16xi32>
      %reduce_sum3A_2958 = arith.constant true
      %reduce_sum3A_2959 = vector.broadcast %reduce_sum3A_2958 : i1 to vector<16xi1>
      %reduce_sum3A_2960 = tpu.scan <sum>, %add3A_2954 masked %reduce_sum3A_2959 : vector<16xf32>, vector<16xi1> -> vector<16xf32>
      %reduce_sum3A_2961 = vector.extract %reduce_sum3A_2960[15] : f32 from vector<16xf32>
      %broadcast_in_dim3A_2962 = vector.broadcast %reduce_sum3A_2961 : f32 to vector<16xf32>
      %select_n3A_2963 = arith.select %eq3A_2957, %broadcast_in_dim3A_2962, %select_n3A_2755 : vector<16xi1>, vector<16xf32>
      %get3A_2964 = arith.constant 14 : i32
      %get3A_2965 = arith.index_cast %get3A_2964 : i32 to index
      %get3A_2966 = arith.constant 0 : index
      %get3A_2967 = tpu.vector_load %arg13[%get3A_2965, %get3A_2966] {strides = array<i32>} : memref<16x128xf32, #tpu.memory_space<vmem>>, vector<16xf32>,
      %get3A_2968 = arith.constant 14 : i32
      %get3A_2969 = arith.index_cast %get3A_2968 : i32 to index
      %get3A_2970 = arith.constant 16 : index
      %get3A_2971 = tpu.vector_load %arg13[%get3A_2969, %get3A_2970] {strides = array<i32>} : memref<16x128xf32, #tpu.memory_space<vmem>>, vector<16xf32>,
      %get3A_2972 = arith.constant 14 : i32
      %get3A_2973 = arith.index_cast %get3A_2972 : i32 to index
      %get3A_2974 = arith.constant 32 : index
      %get3A_2975 = tpu.vector_load %arg13[%get3A_2973, %get3A_2974] {strides = array<i32>} : memref<16x128xf32, #tpu.memory_space<vmem>>, vector<16xf32>,
      %get3A_2976 = arith.constant 14 : i32
      %get3A_2977 = arith.index_cast %get3A_2976 : i32 to index
      %get3A_2978 = arith.constant 48 : index
      %get3A_2979 = tpu.vector_load %arg13[%get3A_2977, %get3A_2978] {strides = array<i32>} : memref<16x128xf32, #tpu.memory_space<vmem>>, vector<16xf32>,
      %get3A_2980 = arith.constant 14 : i32
      %get3A_2981 = arith.index_cast %get3A_2980 : i32 to index
      %get3A_2982 = arith.constant 0 : index
      %get3A_2983 = tpu.vector_load %arg12[%get3A_2981, %get3A_2982] {strides = array<i32>} : memref<16x128xf32, #tpu.memory_space<vmem>>, vector<16xf32>,
      %mul3A_2984 = arith.mulf %get3A_2983, %get3A_2967 : vector<16xf32>
      %get3A_2985 = arith.constant 14 : i32
      %get3A_2986 = arith.index_cast %get3A_2985 : i32 to index
      %get3A_2987 = arith.constant 16 : index
      %get3A_2988 = tpu.vector_load %arg12[%get3A_2986, %get3A_2987] {strides = array<i32>} : memref<16x128xf32, #tpu.memory_space<vmem>>, vector<16xf32>,
      %mul3A_2989 = arith.mulf %get3A_2988, %get3A_2971 : vector<16xf32>
      %add3A_2990 = arith.addf %mul3A_2984, %mul3A_2989 : vector<16xf32>
      %get3A_2991 = arith.constant 14 : i32
      %get3A_2992 = arith.index_cast %get3A_2991 : i32 to index
      %get3A_2993 = arith.constant 32 : index
      %get3A_2994 = tpu.vector_load %arg12[%get3A_2992, %get3A_2993] {strides = array<i32>} : memref<16x128xf32, #tpu.memory_space<vmem>>, vector<16xf32>,
      %mul3A_2995 = arith.mulf %get3A_2994, %get3A_2975 : vector<16xf32>
      %add3A_2996 = arith.addf %add3A_2990, %mul3A_2995 : vector<16xf32>
      %get3A_2997 = arith.constant 14 : i32
      %get3A_2998 = arith.index_cast %get3A_2997 : i32 to index
      %get3A_2999 = arith.constant 48 : index
      %get3A_3000 = tpu.vector_load %arg12[%get3A_2998, %get3A_2999] {strides = array<i32>} : memref<16x128xf32, #tpu.memory_space<vmem>>, vector<16xf32>,
      %mul3A_3001 = arith.mulf %get3A_3000, %get3A_2979 : vector<16xf32>
      %add3A_3002 = arith.addf %add3A_2996, %mul3A_3001 : vector<16xf32>
      %eq3A_3003 = arith.constant 14 : i32
      %eq3A_3004 = vector.broadcast %eq3A_3003 : i32 to vector<16xi32>
      %eq3A_3005 = arith.cmpi eq, %iota3A, %eq3A_3004 : vector<16xi32>
      %reduce_sum3A_3006 = arith.constant true
      %reduce_sum3A_3007 = vector.broadcast %reduce_sum3A_3006 : i1 to vector<16xi1>
      %reduce_sum3A_3008 = tpu.scan <sum>, %add3A_3002 masked %reduce_sum3A_3007 : vector<16xf32>, vector<16xi1> -> vector<16xf32>
      %reduce_sum3A_3009 = vector.extract %reduce_sum3A_3008[15] : f32 from vector<16xf32>
      %broadcast_in_dim3A_3010 = vector.broadcast %reduce_sum3A_3009 : f32 to vector<16xf32>
      %select_n3A_3011 = arith.select %eq3A_3005, %broadcast_in_dim3A_3010, %select_n3A_2803 : vector<16xi1>, vector<16xf32>
      %get3A_3012 = arith.constant 70 : i32
      %get3A_3013 = arith.index_cast %get3A_3012 : i32 to index
      %get3A_3014 = arith.constant 0 : index
      %get3A_3015 = tpu.vector_load %arg14[%get3A_3013, %get3A_3014] {strides = array<i32>} : memref<80x128xf32, #tpu.memory_space<vmem>>, vector<16xf32>,
      %mul3A_3016 = arith.mulf %get3A_3015, %get3A_2967 : vector<16xf32>
      %get3A_3017 = arith.constant 70 : i32
      %get3A_3018 = arith.index_cast %get3A_3017 : i32 to index
      %get3A_3019 = arith.constant 16 : index
      %get3A_3020 = tpu.vector_load %arg14[%get3A_3018, %get3A_3019] {strides = array<i32>} : memref<80x128xf32, #tpu.memory_space<vmem>>, vector<16xf32>,
      %mul3A_3021 = arith.mulf %get3A_3020, %get3A_2971 : vector<16xf32>
      %add3A_3022 = arith.addf %mul3A_3016, %mul3A_3021 : vector<16xf32>
      %get3A_3023 = arith.constant 70 : i32
      %get3A_3024 = arith.index_cast %get3A_3023 : i32 to index
      %get3A_3025 = arith.constant 32 : index
      %get3A_3026 = tpu.vector_load %arg14[%get3A_3024, %get3A_3025] {strides = array<i32>} : memref<80x128xf32, #tpu.memory_space<vmem>>, vector<16xf32>,
      %mul3A_3027 = arith.mulf %get3A_3026, %get3A_2975 : vector<16xf32>
      %add3A_3028 = arith.addf %add3A_3022, %mul3A_3027 : vector<16xf32>
      %get3A_3029 = arith.constant 70 : i32
      %get3A_3030 = arith.index_cast %get3A_3029 : i32 to index
      %get3A_3031 = arith.constant 48 : index
      %get3A_3032 = tpu.vector_load %arg14[%get3A_3030, %get3A_3031] {strides = array<i32>} : memref<80x128xf32, #tpu.memory_space<vmem>>, vector<16xf32>,
      %mul3A_3033 = arith.mulf %get3A_3032, %get3A_2979 : vector<16xf32>
      %add3A_3034 = arith.addf %add3A_3028, %mul3A_3033 : vector<16xf32>
      %eq3A_3035 = arith.constant 14 : i32
      %eq3A_3036 = vector.broadcast %eq3A_3035 : i32 to vector<16xi32>
      %eq3A_3037 = arith.cmpi eq, %iota3A, %eq3A_3036 : vector<16xi32>
      %reduce_sum3A_3038 = arith.constant true
      %reduce_sum3A_3039 = vector.broadcast %reduce_sum3A_3038 : i1 to vector<16xi1>
      %reduce_sum3A_3040 = tpu.scan <sum>, %add3A_3034 masked %reduce_sum3A_3039 : vector<16xf32>, vector<16xi1> -> vector<16xf32>
      %reduce_sum3A_3041 = vector.extract %reduce_sum3A_3040[15] : f32 from vector<16xf32>
      %broadcast_in_dim3A_3042 = vector.broadcast %reduce_sum3A_3041 : f32 to vector<16xf32>
      %select_n3A_3043 = arith.select %eq3A_3037, %broadcast_in_dim3A_3042, %select_n3A_2835 : vector<16xi1>, vector<16xf32>
      %get3A_3044 = arith.constant 71 : i32
      %get3A_3045 = arith.index_cast %get3A_3044 : i32 to index
      %get3A_3046 = arith.constant 0 : index
      %get3A_3047 = tpu.vector_load %arg14[%get3A_3045, %get3A_3046] {strides = array<i32>} : memref<80x128xf32, #tpu.memory_space<vmem>>, vector<16xf32>,
      %mul3A_3048 = arith.mulf %get3A_3047, %get3A_2967 : vector<16xf32>
      %get3A_3049 = arith.constant 71 : i32
      %get3A_3050 = arith.index_cast %get3A_3049 : i32 to index
      %get3A_3051 = arith.constant 16 : index
      %get3A_3052 = tpu.vector_load %arg14[%get3A_3050, %get3A_3051] {strides = array<i32>} : memref<80x128xf32, #tpu.memory_space<vmem>>, vector<16xf32>,
      %mul3A_3053 = arith.mulf %get3A_3052, %get3A_2971 : vector<16xf32>
      %add3A_3054 = arith.addf %mul3A_3048, %mul3A_3053 : vector<16xf32>
      %get3A_3055 = arith.constant 71 : i32
      %get3A_3056 = arith.index_cast %get3A_3055 : i32 to index
      %get3A_3057 = arith.constant 32 : index
      %get3A_3058 = tpu.vector_load %arg14[%get3A_3056, %get3A_3057] {strides = array<i32>} : memref<80x128xf32, #tpu.memory_space<vmem>>, vector<16xf32>,
      %mul3A_3059 = arith.mulf %get3A_3058, %get3A_2975 : vector<16xf32>
      %add3A_3060 = arith.addf %add3A_3054, %mul3A_3059 : vector<16xf32>
      %get3A_3061 = arith.constant 71 : i32
      %get3A_3062 = arith.index_cast %get3A_3061 : i32 to index
      %get3A_3063 = arith.constant 48 : index
      %get3A_3064 = tpu.vector_load %arg14[%get3A_3062, %get3A_3063] {strides = array<i32>} : memref<80x128xf32, #tpu.memory_space<vmem>>, vector<16xf32>,
      %mul3A_3065 = arith.mulf %get3A_3064, %get3A_2979 : vector<16xf32>
      %add3A_3066 = arith.addf %add3A_3060, %mul3A_3065 : vector<16xf32>
      %eq3A_3067 = arith.constant 14 : i32
      %eq3A_3068 = vector.broadcast %eq3A_3067 : i32 to vector<16xi32>
      %eq3A_3069 = arith.cmpi eq, %iota3A, %eq3A_3068 : vector<16xi32>
      %reduce_sum3A_3070 = arith.constant true
      %reduce_sum3A_3071 = vector.broadcast %reduce_sum3A_3070 : i1 to vector<16xi1>
      %reduce_sum3A_3072 = tpu.scan <sum>, %add3A_3066 masked %reduce_sum3A_3071 : vector<16xf32>, vector<16xi1> -> vector<16xf32>
      %reduce_sum3A_3073 = vector.extract %reduce_sum3A_3072[15] : f32 from vector<16xf32>
      %broadcast_in_dim3A_3074 = vector.broadcast %reduce_sum3A_3073 : f32 to vector<16xf32>
      %select_n3A_3075 = arith.select %eq3A_3069, %broadcast_in_dim3A_3074, %select_n3A_2867 : vector<16xi1>, vector<16xf32>
      %get3A_3076 = arith.constant 72 : i32
      %get3A_3077 = arith.index_cast %get3A_3076 : i32 to index
      %get3A_3078 = arith.constant 0 : index
      %get3A_3079 = tpu.vector_load %arg14[%get3A_3077, %get3A_3078] {strides = array<i32>} : memref<80x128xf32, #tpu.memory_space<vmem>>, vector<16xf32>,
      %mul3A_3080 = arith.mulf %get3A_3079, %get3A_2967 : vector<16xf32>
      %get3A_3081 = arith.constant 72 : i32
      %get3A_3082 = arith.index_cast %get3A_3081 : i32 to index
      %get3A_3083 = arith.constant 16 : index
      %get3A_3084 = tpu.vector_load %arg14[%get3A_3082, %get3A_3083] {strides = array<i32>} : memref<80x128xf32, #tpu.memory_space<vmem>>, vector<16xf32>,
      %mul3A_3085 = arith.mulf %get3A_3084, %get3A_2971 : vector<16xf32>
      %add3A_3086 = arith.addf %mul3A_3080, %mul3A_3085 : vector<16xf32>
      %get3A_3087 = arith.constant 72 : i32
      %get3A_3088 = arith.index_cast %get3A_3087 : i32 to index
      %get3A_3089 = arith.constant 32 : index
      %get3A_3090 = tpu.vector_load %arg14[%get3A_3088, %get3A_3089] {strides = array<i32>} : memref<80x128xf32, #tpu.memory_space<vmem>>, vector<16xf32>,
      %mul3A_3091 = arith.mulf %get3A_3090, %get3A_2975 : vector<16xf32>
      %add3A_3092 = arith.addf %add3A_3086, %mul3A_3091 : vector<16xf32>
      %get3A_3093 = arith.constant 72 : i32
      %get3A_3094 = arith.index_cast %get3A_3093 : i32 to index
      %get3A_3095 = arith.constant 48 : index
      %get3A_3096 = tpu.vector_load %arg14[%get3A_3094, %get3A_3095] {strides = array<i32>} : memref<80x128xf32, #tpu.memory_space<vmem>>, vector<16xf32>,
      %mul3A_3097 = arith.mulf %get3A_3096, %get3A_2979 : vector<16xf32>
      %add3A_3098 = arith.addf %add3A_3092, %mul3A_3097 : vector<16xf32>
      %eq3A_3099 = arith.constant 14 : i32
      %eq3A_3100 = vector.broadcast %eq3A_3099 : i32 to vector<16xi32>
      %eq3A_3101 = arith.cmpi eq, %iota3A, %eq3A_3100 : vector<16xi32>
      %reduce_sum3A_3102 = arith.constant true
      %reduce_sum3A_3103 = vector.broadcast %reduce_sum3A_3102 : i1 to vector<16xi1>
      %reduce_sum3A_3104 = tpu.scan <sum>, %add3A_3098 masked %reduce_sum3A_3103 : vector<16xf32>, vector<16xi1> -> vector<16xf32>
      %reduce_sum3A_3105 = vector.extract %reduce_sum3A_3104[15] : f32 from vector<16xf32>
      %broadcast_in_dim3A_3106 = vector.broadcast %reduce_sum3A_3105 : f32 to vector<16xf32>
      %select_n3A_3107 = arith.select %eq3A_3101, %broadcast_in_dim3A_3106, %select_n3A_2899 : vector<16xi1>, vector<16xf32>
      %get3A_3108 = arith.constant 73 : i32
      %get3A_3109 = arith.index_cast %get3A_3108 : i32 to index
      %get3A_3110 = arith.constant 0 : index
      %get3A_3111 = tpu.vector_load %arg14[%get3A_3109, %get3A_3110] {strides = array<i32>} : memref<80x128xf32, #tpu.memory_space<vmem>>, vector<16xf32>,
      %mul3A_3112 = arith.mulf %get3A_3111, %get3A_2967 : vector<16xf32>
      %get3A_3113 = arith.constant 73 : i32
      %get3A_3114 = arith.index_cast %get3A_3113 : i32 to index
      %get3A_3115 = arith.constant 16 : index
      %get3A_3116 = tpu.vector_load %arg14[%get3A_3114, %get3A_3115] {strides = array<i32>} : memref<80x128xf32, #tpu.memory_space<vmem>>, vector<16xf32>,
      %mul3A_3117 = arith.mulf %get3A_3116, %get3A_2971 : vector<16xf32>
      %add3A_3118 = arith.addf %mul3A_3112, %mul3A_3117 : vector<16xf32>
      %get3A_3119 = arith.constant 73 : i32
      %get3A_3120 = arith.index_cast %get3A_3119 : i32 to index
      %get3A_3121 = arith.constant 32 : index
      %get3A_3122 = tpu.vector_load %arg14[%get3A_3120, %get3A_3121] {strides = array<i32>} : memref<80x128xf32, #tpu.memory_space<vmem>>, vector<16xf32>,
      %mul3A_3123 = arith.mulf %get3A_3122, %get3A_2975 : vector<16xf32>
      %add3A_3124 = arith.addf %add3A_3118, %mul3A_3123 : vector<16xf32>
      %get3A_3125 = arith.constant 73 : i32
      %get3A_3126 = arith.index_cast %get3A_3125 : i32 to index
      %get3A_3127 = arith.constant 48 : index
      %get3A_3128 = tpu.vector_load %arg14[%get3A_3126, %get3A_3127] {strides = array<i32>} : memref<80x128xf32, #tpu.memory_space<vmem>>, vector<16xf32>,
      %mul3A_3129 = arith.mulf %get3A_3128, %get3A_2979 : vector<16xf32>
      %add3A_3130 = arith.addf %add3A_3124, %mul3A_3129 : vector<16xf32>
      %eq3A_3131 = arith.constant 14 : i32
      %eq3A_3132 = vector.broadcast %eq3A_3131 : i32 to vector<16xi32>
      %eq3A_3133 = arith.cmpi eq, %iota3A, %eq3A_3132 : vector<16xi32>
      %reduce_sum3A_3134 = arith.constant true
      %reduce_sum3A_3135 = vector.broadcast %reduce_sum3A_3134 : i1 to vector<16xi1>
      %reduce_sum3A_3136 = tpu.scan <sum>, %add3A_3130 masked %reduce_sum3A_3135 : vector<16xf32>, vector<16xi1> -> vector<16xf32>
      %reduce_sum3A_3137 = vector.extract %reduce_sum3A_3136[15] : f32 from vector<16xf32>
      %broadcast_in_dim3A_3138 = vector.broadcast %reduce_sum3A_3137 : f32 to vector<16xf32>
      %select_n3A_3139 = arith.select %eq3A_3133, %broadcast_in_dim3A_3138, %select_n3A_2931 : vector<16xi1>, vector<16xf32>
      %get3A_3140 = arith.constant 74 : i32
      %get3A_3141 = arith.index_cast %get3A_3140 : i32 to index
      %get3A_3142 = arith.constant 0 : index
      %get3A_3143 = tpu.vector_load %arg14[%get3A_3141, %get3A_3142] {strides = array<i32>} : memref<80x128xf32, #tpu.memory_space<vmem>>, vector<16xf32>,
      %mul3A_3144 = arith.mulf %get3A_3143, %get3A_2967 : vector<16xf32>
      %get3A_3145 = arith.constant 74 : i32
      %get3A_3146 = arith.index_cast %get3A_3145 : i32 to index
      %get3A_3147 = arith.constant 16 : index
      %get3A_3148 = tpu.vector_load %arg14[%get3A_3146, %get3A_3147] {strides = array<i32>} : memref<80x128xf32, #tpu.memory_space<vmem>>, vector<16xf32>,
      %mul3A_3149 = arith.mulf %get3A_3148, %get3A_2971 : vector<16xf32>
      %add3A_3150 = arith.addf %mul3A_3144, %mul3A_3149 : vector<16xf32>
      %get3A_3151 = arith.constant 74 : i32
      %get3A_3152 = arith.index_cast %get3A_3151 : i32 to index
      %get3A_3153 = arith.constant 32 : index
      %get3A_3154 = tpu.vector_load %arg14[%get3A_3152, %get3A_3153] {strides = array<i32>} : memref<80x128xf32, #tpu.memory_space<vmem>>, vector<16xf32>,
      %mul3A_3155 = arith.mulf %get3A_3154, %get3A_2975 : vector<16xf32>
      %add3A_3156 = arith.addf %add3A_3150, %mul3A_3155 : vector<16xf32>
      %get3A_3157 = arith.constant 74 : i32
      %get3A_3158 = arith.index_cast %get3A_3157 : i32 to index
      %get3A_3159 = arith.constant 48 : index
      %get3A_3160 = tpu.vector_load %arg14[%get3A_3158, %get3A_3159] {strides = array<i32>} : memref<80x128xf32, #tpu.memory_space<vmem>>, vector<16xf32>,
      %mul3A_3161 = arith.mulf %get3A_3160, %get3A_2979 : vector<16xf32>
      %add3A_3162 = arith.addf %add3A_3156, %mul3A_3161 : vector<16xf32>
      %eq3A_3163 = arith.constant 14 : i32
      %eq3A_3164 = vector.broadcast %eq3A_3163 : i32 to vector<16xi32>
      %eq3A_3165 = arith.cmpi eq, %iota3A, %eq3A_3164 : vector<16xi32>
      %reduce_sum3A_3166 = arith.constant true
      %reduce_sum3A_3167 = vector.broadcast %reduce_sum3A_3166 : i1 to vector<16xi1>
      %reduce_sum3A_3168 = tpu.scan <sum>, %add3A_3162 masked %reduce_sum3A_3167 : vector<16xf32>, vector<16xi1> -> vector<16xf32>
      %reduce_sum3A_3169 = vector.extract %reduce_sum3A_3168[15] : f32 from vector<16xf32>
      %broadcast_in_dim3A_3170 = vector.broadcast %reduce_sum3A_3169 : f32 to vector<16xf32>
      %select_n3A_3171 = arith.select %eq3A_3165, %broadcast_in_dim3A_3170, %select_n3A_2963 : vector<16xi1>, vector<16xf32>
      %get3A_3172 = arith.constant 15 : i32
      %get3A_3173 = arith.index_cast %get3A_3172 : i32 to index
      %get3A_3174 = arith.constant 0 : index
      %get3A_3175 = tpu.vector_load %arg13[%get3A_3173, %get3A_3174] {strides = array<i32>} : memref<16x128xf32, #tpu.memory_space<vmem>>, vector<16xf32>,
      %get3A_3176 = arith.constant 15 : i32
      %get3A_3177 = arith.index_cast %get3A_3176 : i32 to index
      %get3A_3178 = arith.constant 16 : index
      %get3A_3179 = tpu.vector_load %arg13[%get3A_3177, %get3A_3178] {strides = array<i32>} : memref<16x128xf32, #tpu.memory_space<vmem>>, vector<16xf32>,
      %get3A_3180 = arith.constant 15 : i32
      %get3A_3181 = arith.index_cast %get3A_3180 : i32 to index
      %get3A_3182 = arith.constant 32 : index
      %get3A_3183 = tpu.vector_load %arg13[%get3A_3181, %get3A_3182] {strides = array<i32>} : memref<16x128xf32, #tpu.memory_space<vmem>>, vector<16xf32>,
      %get3A_3184 = arith.constant 15 : i32
      %get3A_3185 = arith.index_cast %get3A_3184 : i32 to index
      %get3A_3186 = arith.constant 48 : index
      %get3A_3187 = tpu.vector_load %arg13[%get3A_3185, %get3A_3186] {strides = array<i32>} : memref<16x128xf32, #tpu.memory_space<vmem>>, vector<16xf32>,
      %get3A_3188 = arith.constant 15 : i32
      %get3A_3189 = arith.index_cast %get3A_3188 : i32 to index
      %get3A_3190 = arith.constant 0 : index
      %get3A_3191 = tpu.vector_load %arg12[%get3A_3189, %get3A_3190] {strides = array<i32>} : memref<16x128xf32, #tpu.memory_space<vmem>>, vector<16xf32>,
      %mul3A_3192 = arith.mulf %get3A_3191, %get3A_3175 : vector<16xf32>
      %get3A_3193 = arith.constant 15 : i32
      %get3A_3194 = arith.index_cast %get3A_3193 : i32 to index
      %get3A_3195 = arith.constant 16 : index
      %get3A_3196 = tpu.vector_load %arg12[%get3A_3194, %get3A_3195] {strides = array<i32>} : memref<16x128xf32, #tpu.memory_space<vmem>>, vector<16xf32>,
      %mul3A_3197 = arith.mulf %get3A_3196, %get3A_3179 : vector<16xf32>
      %add3A_3198 = arith.addf %mul3A_3192, %mul3A_3197 : vector<16xf32>
      %get3A_3199 = arith.constant 15 : i32
      %get3A_3200 = arith.index_cast %get3A_3199 : i32 to index
      %get3A_3201 = arith.constant 32 : index
      %get3A_3202 = tpu.vector_load %arg12[%get3A_3200, %get3A_3201] {strides = array<i32>} : memref<16x128xf32, #tpu.memory_space<vmem>>, vector<16xf32>,
      %mul3A_3203 = arith.mulf %get3A_3202, %get3A_3183 : vector<16xf32>
      %add3A_3204 = arith.addf %add3A_3198, %mul3A_3203 : vector<16xf32>
      %get3A_3205 = arith.constant 15 : i32
      %get3A_3206 = arith.index_cast %get3A_3205 : i32 to index
      %get3A_3207 = arith.constant 48 : index
      %get3A_3208 = tpu.vector_load %arg12[%get3A_3206, %get3A_3207] {strides = array<i32>} : memref<16x128xf32, #tpu.memory_space<vmem>>, vector<16xf32>,
      %mul3A_3209 = arith.mulf %get3A_3208, %get3A_3187 : vector<16xf32>
      %add3A_3210 = arith.addf %add3A_3204, %mul3A_3209 : vector<16xf32>
      %eq3A_3211 = arith.constant 15 : i32
      %eq3A_3212 = vector.broadcast %eq3A_3211 : i32 to vector<16xi32>
      %eq3A_3213 = arith.cmpi eq, %iota3A, %eq3A_3212 : vector<16xi32>
      %reduce_sum3A_3214 = arith.constant true
      %reduce_sum3A_3215 = vector.broadcast %reduce_sum3A_3214 : i1 to vector<16xi1>
      %reduce_sum3A_3216 = tpu.scan <sum>, %add3A_3210 masked %reduce_sum3A_3215 : vector<16xf32>, vector<16xi1> -> vector<16xf32>
      %reduce_sum3A_3217 = vector.extract %reduce_sum3A_3216[15] : f32 from vector<16xf32>
      %broadcast_in_dim3A_3218 = vector.broadcast %reduce_sum3A_3217 : f32 to vector<16xf32>
      %select_n3A_3219 = arith.select %eq3A_3213, %broadcast_in_dim3A_3218, %select_n3A_3011 : vector<16xi1>, vector<16xf32>
      %get3A_3220 = arith.constant 75 : i32
      %get3A_3221 = arith.index_cast %get3A_3220 : i32 to index
      %get3A_3222 = arith.constant 0 : index
      %get3A_3223 = tpu.vector_load %arg14[%get3A_3221, %get3A_3222] {strides = array<i32>} : memref<80x128xf32, #tpu.memory_space<vmem>>, vector<16xf32>,
      %mul3A_3224 = arith.mulf %get3A_3223, %get3A_3175 : vector<16xf32>
      %get3A_3225 = arith.constant 75 : i32
      %get3A_3226 = arith.index_cast %get3A_3225 : i32 to index
      %get3A_3227 = arith.constant 16 : index
      %get3A_3228 = tpu.vector_load %arg14[%get3A_3226, %get3A_3227] {strides = array<i32>} : memref<80x128xf32, #tpu.memory_space<vmem>>, vector<16xf32>,
      %mul3A_3229 = arith.mulf %get3A_3228, %get3A_3179 : vector<16xf32>
      %add3A_3230 = arith.addf %mul3A_3224, %mul3A_3229 : vector<16xf32>
      %get3A_3231 = arith.constant 75 : i32
      %get3A_3232 = arith.index_cast %get3A_3231 : i32 to index
      %get3A_3233 = arith.constant 32 : index
      %get3A_3234 = tpu.vector_load %arg14[%get3A_3232, %get3A_3233] {strides = array<i32>} : memref<80x128xf32, #tpu.memory_space<vmem>>, vector<16xf32>,
      %mul3A_3235 = arith.mulf %get3A_3234, %get3A_3183 : vector<16xf32>
      %add3A_3236 = arith.addf %add3A_3230, %mul3A_3235 : vector<16xf32>
      %get3A_3237 = arith.constant 75 : i32
      %get3A_3238 = arith.index_cast %get3A_3237 : i32 to index
      %get3A_3239 = arith.constant 48 : index
      %get3A_3240 = tpu.vector_load %arg14[%get3A_3238, %get3A_3239] {strides = array<i32>} : memref<80x128xf32, #tpu.memory_space<vmem>>, vector<16xf32>,
      %mul3A_3241 = arith.mulf %get3A_3240, %get3A_3187 : vector<16xf32>
      %add3A_3242 = arith.addf %add3A_3236, %mul3A_3241 : vector<16xf32>
      %eq3A_3243 = arith.constant 15 : i32
      %eq3A_3244 = vector.broadcast %eq3A_3243 : i32 to vector<16xi32>
      %eq3A_3245 = arith.cmpi eq, %iota3A, %eq3A_3244 : vector<16xi32>
      %reduce_sum3A_3246 = arith.constant true
      %reduce_sum3A_3247 = vector.broadcast %reduce_sum3A_3246 : i1 to vector<16xi1>
      %reduce_sum3A_3248 = tpu.scan <sum>, %add3A_3242 masked %reduce_sum3A_3247 : vector<16xf32>, vector<16xi1> -> vector<16xf32>
      %reduce_sum3A_3249 = vector.extract %reduce_sum3A_3248[15] : f32 from vector<16xf32>
      %broadcast_in_dim3A_3250 = vector.broadcast %reduce_sum3A_3249 : f32 to vector<16xf32>
      %select_n3A_3251 = arith.select %eq3A_3245, %broadcast_in_dim3A_3250, %select_n3A_3043 : vector<16xi1>, vector<16xf32>
      %get3A_3252 = arith.constant 76 : i32
      %get3A_3253 = arith.index_cast %get3A_3252 : i32 to index
      %get3A_3254 = arith.constant 0 : index
      %get3A_3255 = tpu.vector_load %arg14[%get3A_3253, %get3A_3254] {strides = array<i32>} : memref<80x128xf32, #tpu.memory_space<vmem>>, vector<16xf32>,
      %mul3A_3256 = arith.mulf %get3A_3255, %get3A_3175 : vector<16xf32>
      %get3A_3257 = arith.constant 76 : i32
      %get3A_3258 = arith.index_cast %get3A_3257 : i32 to index
      %get3A_3259 = arith.constant 16 : index
      %get3A_3260 = tpu.vector_load %arg14[%get3A_3258, %get3A_3259] {strides = array<i32>} : memref<80x128xf32, #tpu.memory_space<vmem>>, vector<16xf32>,
      %mul3A_3261 = arith.mulf %get3A_3260, %get3A_3179 : vector<16xf32>
      %add3A_3262 = arith.addf %mul3A_3256, %mul3A_3261 : vector<16xf32>
      %get3A_3263 = arith.constant 76 : i32
      %get3A_3264 = arith.index_cast %get3A_3263 : i32 to index
      %get3A_3265 = arith.constant 32 : index
      %get3A_3266 = tpu.vector_load %arg14[%get3A_3264, %get3A_3265] {strides = array<i32>} : memref<80x128xf32, #tpu.memory_space<vmem>>, vector<16xf32>,
      %mul3A_3267 = arith.mulf %get3A_3266, %get3A_3183 : vector<16xf32>
      %add3A_3268 = arith.addf %add3A_3262, %mul3A_3267 : vector<16xf32>
      %get3A_3269 = arith.constant 76 : i32
      %get3A_3270 = arith.index_cast %get3A_3269 : i32 to index
      %get3A_3271 = arith.constant 48 : index
      %get3A_3272 = tpu.vector_load %arg14[%get3A_3270, %get3A_3271] {strides = array<i32>} : memref<80x128xf32, #tpu.memory_space<vmem>>, vector<16xf32>,
      %mul3A_3273 = arith.mulf %get3A_3272, %get3A_3187 : vector<16xf32>
      %add3A_3274 = arith.addf %add3A_3268, %mul3A_3273 : vector<16xf32>
      %eq3A_3275 = arith.constant 15 : i32
      %eq3A_3276 = vector.broadcast %eq3A_3275 : i32 to vector<16xi32>
      %eq3A_3277 = arith.cmpi eq, %iota3A, %eq3A_3276 : vector<16xi32>
      %reduce_sum3A_3278 = arith.constant true
      %reduce_sum3A_3279 = vector.broadcast %reduce_sum3A_3278 : i1 to vector<16xi1>
      %reduce_sum3A_3280 = tpu.scan <sum>, %add3A_3274 masked %reduce_sum3A_3279 : vector<16xf32>, vector<16xi1> -> vector<16xf32>
      %reduce_sum3A_3281 = vector.extract %reduce_sum3A_3280[15] : f32 from vector<16xf32>
      %broadcast_in_dim3A_3282 = vector.broadcast %reduce_sum3A_3281 : f32 to vector<16xf32>
      %select_n3A_3283 = arith.select %eq3A_3277, %broadcast_in_dim3A_3282, %select_n3A_3075 : vector<16xi1>, vector<16xf32>
      %get3A_3284 = arith.constant 77 : i32
      %get3A_3285 = arith.index_cast %get3A_3284 : i32 to index
      %get3A_3286 = arith.constant 0 : index
      %get3A_3287 = tpu.vector_load %arg14[%get3A_3285, %get3A_3286] {strides = array<i32>} : memref<80x128xf32, #tpu.memory_space<vmem>>, vector<16xf32>,
      %mul3A_3288 = arith.mulf %get3A_3287, %get3A_3175 : vector<16xf32>
      %get3A_3289 = arith.constant 77 : i32
      %get3A_3290 = arith.index_cast %get3A_3289 : i32 to index
      %get3A_3291 = arith.constant 16 : index
      %get3A_3292 = tpu.vector_load %arg14[%get3A_3290, %get3A_3291] {strides = array<i32>} : memref<80x128xf32, #tpu.memory_space<vmem>>, vector<16xf32>,
      %mul3A_3293 = arith.mulf %get3A_3292, %get3A_3179 : vector<16xf32>
      %add3A_3294 = arith.addf %mul3A_3288, %mul3A_3293 : vector<16xf32>
      %get3A_3295 = arith.constant 77 : i32
      %get3A_3296 = arith.index_cast %get3A_3295 : i32 to index
      %get3A_3297 = arith.constant 32 : index
      %get3A_3298 = tpu.vector_load %arg14[%get3A_3296, %get3A_3297] {strides = array<i32>} : memref<80x128xf32, #tpu.memory_space<vmem>>, vector<16xf32>,
      %mul3A_3299 = arith.mulf %get3A_3298, %get3A_3183 : vector<16xf32>
      %add3A_3300 = arith.addf %add3A_3294, %mul3A_3299 : vector<16xf32>
      %get3A_3301 = arith.constant 77 : i32
      %get3A_3302 = arith.index_cast %get3A_3301 : i32 to index
      %get3A_3303 = arith.constant 48 : index
      %get3A_3304 = tpu.vector_load %arg14[%get3A_3302, %get3A_3303] {strides = array<i32>} : memref<80x128xf32, #tpu.memory_space<vmem>>, vector<16xf32>,
      %mul3A_3305 = arith.mulf %get3A_3304, %get3A_3187 : vector<16xf32>
      %add3A_3306 = arith.addf %add3A_3300, %mul3A_3305 : vector<16xf32>
      %eq3A_3307 = arith.constant 15 : i32
      %eq3A_3308 = vector.broadcast %eq3A_3307 : i32 to vector<16xi32>
      %eq3A_3309 = arith.cmpi eq, %iota3A, %eq3A_3308 : vector<16xi32>
      %reduce_sum3A_3310 = arith.constant true
      %reduce_sum3A_3311 = vector.broadcast %reduce_sum3A_3310 : i1 to vector<16xi1>
      %reduce_sum3A_3312 = tpu.scan <sum>, %add3A_3306 masked %reduce_sum3A_3311 : vector<16xf32>, vector<16xi1> -> vector<16xf32>
      %reduce_sum3A_3313 = vector.extract %reduce_sum3A_3312[15] : f32 from vector<16xf32>
      %broadcast_in_dim3A_3314 = vector.broadcast %reduce_sum3A_3313 : f32 to vector<16xf32>
      %select_n3A_3315 = arith.select %eq3A_3309, %broadcast_in_dim3A_3314, %select_n3A_3107 : vector<16xi1>, vector<16xf32>
      %get3A_3316 = arith.constant 78 : i32
      %get3A_3317 = arith.index_cast %get3A_3316 : i32 to index
      %get3A_3318 = arith.constant 0 : index
      %get3A_3319 = tpu.vector_load %arg14[%get3A_3317, %get3A_3318] {strides = array<i32>} : memref<80x128xf32, #tpu.memory_space<vmem>>, vector<16xf32>,
      %mul3A_3320 = arith.mulf %get3A_3319, %get3A_3175 : vector<16xf32>
      %get3A_3321 = arith.constant 78 : i32
      %get3A_3322 = arith.index_cast %get3A_3321 : i32 to index
      %get3A_3323 = arith.constant 16 : index
      %get3A_3324 = tpu.vector_load %arg14[%get3A_3322, %get3A_3323] {strides = array<i32>} : memref<80x128xf32, #tpu.memory_space<vmem>>, vector<16xf32>,
      %mul3A_3325 = arith.mulf %get3A_3324, %get3A_3179 : vector<16xf32>
      %add3A_3326 = arith.addf %mul3A_3320, %mul3A_3325 : vector<16xf32>
      %get3A_3327 = arith.constant 78 : i32
      %get3A_3328 = arith.index_cast %get3A_3327 : i32 to index
      %get3A_3329 = arith.constant 32 : index
      %get3A_3330 = tpu.vector_load %arg14[%get3A_3328, %get3A_3329] {strides = array<i32>} : memref<80x128xf32, #tpu.memory_space<vmem>>, vector<16xf32>,
      %mul3A_3331 = arith.mulf %get3A_3330, %get3A_3183 : vector<16xf32>
      %add3A_3332 = arith.addf %add3A_3326, %mul3A_3331 : vector<16xf32>
      %get3A_3333 = arith.constant 78 : i32
      %get3A_3334 = arith.index_cast %get3A_3333 : i32 to index
      %get3A_3335 = arith.constant 48 : index
      %get3A_3336 = tpu.vector_load %arg14[%get3A_3334, %get3A_3335] {strides = array<i32>} : memref<80x128xf32, #tpu.memory_space<vmem>>, vector<16xf32>,
      %mul3A_3337 = arith.mulf %get3A_3336, %get3A_3187 : vector<16xf32>
      %add3A_3338 = arith.addf %add3A_3332, %mul3A_3337 : vector<16xf32>
      %eq3A_3339 = arith.constant 15 : i32
      %eq3A_3340 = vector.broadcast %eq3A_3339 : i32 to vector<16xi32>
      %eq3A_3341 = arith.cmpi eq, %iota3A, %eq3A_3340 : vector<16xi32>
      %reduce_sum3A_3342 = arith.constant true
      %reduce_sum3A_3343 = vector.broadcast %reduce_sum3A_3342 : i1 to vector<16xi1>
      %reduce_sum3A_3344 = tpu.scan <sum>, %add3A_3338 masked %reduce_sum3A_3343 : vector<16xf32>, vector<16xi1> -> vector<16xf32>
      %reduce_sum3A_3345 = vector.extract %reduce_sum3A_3344[15] : f32 from vector<16xf32>
      %broadcast_in_dim3A_3346 = vector.broadcast %reduce_sum3A_3345 : f32 to vector<16xf32>
      %select_n3A_3347 = arith.select %eq3A_3341, %broadcast_in_dim3A_3346, %select_n3A_3139 : vector<16xi1>, vector<16xf32>
      %get3A_3348 = arith.constant 79 : i32
      %get3A_3349 = arith.index_cast %get3A_3348 : i32 to index
      %get3A_3350 = arith.constant 0 : index
      %get3A_3351 = tpu.vector_load %arg14[%get3A_3349, %get3A_3350] {strides = array<i32>} : memref<80x128xf32, #tpu.memory_space<vmem>>, vector<16xf32>,
      %mul3A_3352 = arith.mulf %get3A_3351, %get3A_3175 : vector<16xf32>
      %get3A_3353 = arith.constant 79 : i32
      %get3A_3354 = arith.index_cast %get3A_3353 : i32 to index
      %get3A_3355 = arith.constant 16 : index
      %get3A_3356 = tpu.vector_load %arg14[%get3A_3354, %get3A_3355] {strides = array<i32>} : memref<80x128xf32, #tpu.memory_space<vmem>>, vector<16xf32>,
      %mul3A_3357 = arith.mulf %get3A_3356, %get3A_3179 : vector<16xf32>
      %add3A_3358 = arith.addf %mul3A_3352, %mul3A_3357 : vector<16xf32>
      %get3A_3359 = arith.constant 79 : i32
      %get3A_3360 = arith.index_cast %get3A_3359 : i32 to index
      %get3A_3361 = arith.constant 32 : index
      %get3A_3362 = tpu.vector_load %arg14[%get3A_3360, %get3A_3361] {strides = array<i32>} : memref<80x128xf32, #tpu.memory_space<vmem>>, vector<16xf32>,
      %mul3A_3363 = arith.mulf %get3A_3362, %get3A_3183 : vector<16xf32>
      %add3A_3364 = arith.addf %add3A_3358, %mul3A_3363 : vector<16xf32>
      %get3A_3365 = arith.constant 79 : i32
      %get3A_3366 = arith.index_cast %get3A_3365 : i32 to index
      %get3A_3367 = arith.constant 48 : index
      %get3A_3368 = tpu.vector_load %arg14[%get3A_3366, %get3A_3367] {strides = array<i32>} : memref<80x128xf32, #tpu.memory_space<vmem>>, vector<16xf32>,
      %mul3A_3369 = arith.mulf %get3A_3368, %get3A_3187 : vector<16xf32>
      %add3A_3370 = arith.addf %add3A_3364, %mul3A_3369 : vector<16xf32>
      %eq3A_3371 = arith.constant 15 : i32
      %eq3A_3372 = vector.broadcast %eq3A_3371 : i32 to vector<16xi32>
      %eq3A_3373 = arith.cmpi eq, %iota3A, %eq3A_3372 : vector<16xi32>
      %reduce_sum3A_3374 = arith.constant true
      %reduce_sum3A_3375 = vector.broadcast %reduce_sum3A_3374 : i1 to vector<16xi1>
      %reduce_sum3A_3376 = tpu.scan <sum>, %add3A_3370 masked %reduce_sum3A_3375 : vector<16xf32>, vector<16xi1> -> vector<16xf32>
      %reduce_sum3A_3377 = vector.extract %reduce_sum3A_3376[15] : f32 from vector<16xf32>
      %broadcast_in_dim3A_3378 = vector.broadcast %reduce_sum3A_3377 : f32 to vector<16xf32>
      %select_n3A_3379 = arith.select %eq3A_3373, %broadcast_in_dim3A_3378, %select_n3A_3171 : vector<16xi1>, vector<16xf32>
      %mul3A_3380 = arith.constant 16 : i32
      %mul3A_3381 = arith.muli %scan3A_13, %mul3A_3380 : i32
      %swap3A = arith.index_cast %mul3A_3381 : i32 to index
      %swap3A_3382 = tpu.vector_load %arg15[%swap3A] {strides = array<i32>} : memref<512xf32, #tpu.memory_space<vmem>>, vector<16xf32>,
      tpu.vector_store %arg15[%swap3A], %select_n3A_3219 {strides = array<i32>} : memref<512xf32, #tpu.memory_space<vmem>>, vector<16xf32>,
      %mul3A_3383 = arith.constant 16 : i32
      %mul3A_3384 = arith.muli %scan3A_13, %mul3A_3383 : i32
      %add3A_3385 = arith.constant 0 : i32
      %add3A_3386 = arith.addi %add3A_3385, %mul3A_3384 : i32
      %swap3A_3387 = arith.index_cast %add3A_3386 : i32 to index
      %swap3A_3388 = tpu.vector_load %arg16[%swap3A_3387] {strides = array<i32>} : memref<2560xf32, #tpu.memory_space<vmem>>, vector<16xf32>,
      tpu.vector_store %arg16[%swap3A_3387], %select_n3A_3251 {strides = array<i32>} : memref<2560xf32, #tpu.memory_space<vmem>>, vector<16xf32>,
      %mul3A_3389 = arith.constant 16 : i32
      %mul3A_3390 = arith.muli %scan3A_13, %mul3A_3389 : i32
      %add3A_3391 = arith.constant 512 : i32
      %add3A_3392 = arith.addi %add3A_3391, %mul3A_3390 : i32
      %swap3A_3393 = arith.index_cast %add3A_3392 : i32 to index
      %swap3A_3394 = tpu.vector_load %arg16[%swap3A_3393] {strides = array<i32>} : memref<2560xf32, #tpu.memory_space<vmem>>, vector<16xf32>,
      tpu.vector_store %arg16[%swap3A_3393], %select_n3A_3283 {strides = array<i32>} : memref<2560xf32, #tpu.memory_space<vmem>>, vector<16xf32>,
      %mul3A_3395 = arith.constant 16 : i32
      %mul3A_3396 = arith.muli %scan3A_13, %mul3A_3395 : i32
      %add3A_3397 = arith.constant 1024 : i32
      %add3A_3398 = arith.addi %add3A_3397, %mul3A_3396 : i32
      %swap3A_3399 = arith.index_cast %add3A_3398 : i32 to index
      %swap3A_3400 = tpu.vector_load %arg16[%swap3A_3399] {strides = array<i32>} : memref<2560xf32, #tpu.memory_space<vmem>>, vector<16xf32>,
      tpu.vector_store %arg16[%swap3A_3399], %select_n3A_3315 {strides = array<i32>} : memref<2560xf32, #tpu.memory_space<vmem>>, vector<16xf32>,
      %mul3A_3401 = arith.constant 16 : i32
      %mul3A_3402 = arith.muli %scan3A_13, %mul3A_3401 : i32
      %add3A_3403 = arith.constant 1536 : i32
      %add3A_3404 = arith.addi %add3A_3403, %mul3A_3402 : i32
      %swap3A_3405 = arith.index_cast %add3A_3404 : i32 to index
      %swap3A_3406 = tpu.vector_load %arg16[%swap3A_3405] {strides = array<i32>} : memref<2560xf32, #tpu.memory_space<vmem>>, vector<16xf32>,
      tpu.vector_store %arg16[%swap3A_3405], %select_n3A_3347 {strides = array<i32>} : memref<2560xf32, #tpu.memory_space<vmem>>, vector<16xf32>,
      %mul3A_3407 = arith.constant 16 : i32
      %mul3A_3408 = arith.muli %scan3A_13, %mul3A_3407 : i32
      %add3A_3409 = arith.constant 2048 : i32
      %add3A_3410 = arith.addi %add3A_3409, %mul3A_3408 : i32
      %swap3A_3411 = arith.index_cast %add3A_3410 : i32 to index
      %swap3A_3412 = tpu.vector_load %arg16[%swap3A_3411] {strides = array<i32>} : memref<2560xf32, #tpu.memory_space<vmem>>, vector<16xf32>,
      tpu.vector_store %arg16[%swap3A_3411], %select_n3A_3379 {strides = array<i32>} : memref<2560xf32, #tpu.memory_space<vmem>>, vector<16xf32>,
      %scan3A_3413 = arith.constant 0 : i32
      scf.yield %scan3A_3413 : i32
    }
    %scan3A_12 = arith.constant 32 : i32
    "tpu.region"() ({
      %run_scoped3A = tpu.sem_alloc : memref<!tpu.dma_semaphore, #tpu.memory_space<semaphore_mem>>
      %dma_start3A = tpu.memref_slice %arg7[%mul3A_2] : memref<16384xf32, #tpu.memory_space<hbm>> -> memref<512xf32, #tpu.memory_space<hbm>>
      %dma_start3A_13 = tpu.memref_slice %arg7[%mul3A_2] : memref<16384xf32, #tpu.memory_space<hbm>> -> memref<512xf32, #tpu.memory_space<hbm>>
      tpu.enqueue_dma source(%arg15 : memref<512xf32, #tpu.memory_space<vmem>>) target(%dma_start3A_13 : memref<512xf32, #tpu.memory_space<hbm>>) target_semaphore(%run_scoped3A : memref<!tpu.dma_semaphore, #tpu.memory_space<semaphore_mem>>)
      %dma_wait3A = tpu.memref_slice %arg7[%mul3A_2] : memref<16384xf32, #tpu.memory_space<hbm>> -> memref<512xf32, #tpu.memory_space<hbm>>
      %dma_wait3A_14 = tpu.memref_slice %arg7[%mul3A_2] : memref<16384xf32, #tpu.memory_space<hbm>> -> memref<512xf32, #tpu.memory_space<hbm>>
      tpu.wait_dma2 semaphore(%run_scoped3A : memref<!tpu.dma_semaphore, #tpu.memory_space<semaphore_mem>>) src(%arg15 : memref<512xf32, #tpu.memory_space<vmem>>) dst(%dma_wait3A_14 : memref<512xf32, #tpu.memory_space<hbm>>)
      tpu.yield
    }) : () -> ()
    "tpu.region"() ({
      %run_scoped3A = tpu.sem_alloc : memref<!tpu.dma_semaphore, #tpu.memory_space<semaphore_mem>>
      %dma_start3A = tpu.memref_slice %arg8[%mul3A_6] : memref<81920xf32, #tpu.memory_space<hbm>> -> memref<2560xf32, #tpu.memory_space<hbm>>
      %dma_start3A_13 = tpu.memref_slice %arg8[%mul3A_6] : memref<81920xf32, #tpu.memory_space<hbm>> -> memref<2560xf32, #tpu.memory_space<hbm>>
      tpu.enqueue_dma source(%arg16 : memref<2560xf32, #tpu.memory_space<vmem>>) target(%dma_start3A_13 : memref<2560xf32, #tpu.memory_space<hbm>>) target_semaphore(%run_scoped3A : memref<!tpu.dma_semaphore, #tpu.memory_space<semaphore_mem>>)
      %dma_wait3A = tpu.memref_slice %arg8[%mul3A_6] : memref<81920xf32, #tpu.memory_space<hbm>> -> memref<2560xf32, #tpu.memory_space<hbm>>
      %dma_wait3A_14 = tpu.memref_slice %arg8[%mul3A_6] : memref<81920xf32, #tpu.memory_space<hbm>> -> memref<2560xf32, #tpu.memory_space<hbm>>
      tpu.wait_dma2 semaphore(%run_scoped3A : memref<!tpu.dma_semaphore, #tpu.memory_space<semaphore_mem>>) src(%arg16 : memref<2560xf32, #tpu.memory_space<vmem>>) dst(%dma_wait3A_14 : memref<2560xf32, #tpu.memory_space<hbm>>)
      tpu.yield
    }) : () -> ()
    return
  }
}

module attributes {stable_mosaic.version = 14 : i64} {
  func.func @_tc_transpad_body(%arg0: i32, %arg1: memref<64x4096xf32, #tpu.memory_space<vmem>>, %arg2: memref<4096x128xf32, #tpu.memory_space<vmem>>) attributes {dimension_semantics = [#tpu.dimension_semantics<arbitrary>], iteration_bounds = array<i64: 245>, scalar_prefetch = 0 : i64, scratch_operands = 0 : i64, tpu.core_type = #tpu.core_type<tc>, window_params = [{transform_indices = @transform_0, window_bounds = array<i64: 64, 4096>}, {transform_indices = @transform_1, window_bounds = array<i64: 4096, 128>}]} {
    %get3A = arith.constant 0 : index
    %get3A_0 = arith.constant 0 : index
    %get3A_1 = vector.load %arg1[%get3A, %get3A_0] : memref<64x4096xf32, #tpu.memory_space<vmem>>, vector<64x4096xf32>
    %transpose3A = tpu.transpose %get3A_1, [1, 0] : vector<64x4096xf32> -> vector<4096x64xf32>
    %swap3A = arith.constant 0 : index
    %swap3A_2 = arith.constant 0 : index
    %swap3A_3 = vector.load %arg2[%swap3A, %swap3A_2] : memref<4096x128xf32, #tpu.memory_space<vmem>>, vector<4096x64xf32>
    tpu.vector_store %arg2[%swap3A, %swap3A_2], %transpose3A {strides = array<i32>} : memref<4096x128xf32, #tpu.memory_space<vmem>>, vector<4096x64xf32>,
    %broadcast_in_dim3A = arith.constant 0.000000e+00 : f32
    %broadcast_in_dim3A_4 = vector.broadcast %broadcast_in_dim3A : f32 to vector<4096x64xf32>
    %swap3A_5 = arith.constant 0 : index
    %swap3A_6 = arith.constant 64 : index
    %swap3A_7 = vector.load %arg2[%swap3A_5, %swap3A_6] : memref<4096x128xf32, #tpu.memory_space<vmem>>, vector<4096x64xf32>
    tpu.vector_store %arg2[%swap3A_5, %swap3A_6], %broadcast_in_dim3A_4 {strides = array<i32>} : memref<4096x128xf32, #tpu.memory_space<vmem>>, vector<4096x64xf32>,
    return
  }
  func.func @transform_0(%arg0: i32) -> (i32, i32) {
    %c0_i32 = arith.constant 0 : i32
    %c0_i32_0 = arith.constant 0 : i32
    return %c0_i32, %arg0 : i32, i32
  }
  func.func @transform_1(%arg0: i32) -> (i32, i32) {
    %c0_i32 = arith.constant 0 : i32
    %c0_i32_0 = arith.constant 0 : i32
    return %arg0, %c0_i32 : i32, i32
  }
}

module attributes {stable_mosaic.version = 14 : i64} {
  func.func @_tc_loss_body(%arg0: memref<128x128xf32, #tpu.memory_space<vmem>>, %arg1: memref<640x128xf32, #tpu.memory_space<vmem>>, %arg2: memref<1x1xf32, #tpu.memory_space<smem>>) attributes {dimension_semantics = [], scalar_prefetch = 0 : i64, scratch_operands = 0 : i64, tpu.core_type = #tpu.core_type<tc>} {
    %get3A = arith.constant 0 : index
    %get3A_0 = arith.constant 0 : index
    %get3A_1 = vector.load %arg0[%get3A, %get3A_0] : memref<128x128xf32, #tpu.memory_space<vmem>>, vector<128x128xf32>
    %get3A_2 = arith.constant 0 : index
    %get3A_3 = arith.constant 0 : index
    %get3A_4 = vector.load %arg1[%get3A_2, %get3A_3] : memref<640x128xf32, #tpu.memory_space<vmem>>, vector<640x128xf32>
    %neg3A = arith.constant 0.000000e+00 : f32
    %neg3A_5 = vector.broadcast %neg3A : f32 to vector<640x128xf32>
    %neg3A_6 = arith.subf %neg3A_5, %get3A_4 : vector<640x128xf32>
    %min3A = arith.constant 0.000000e+00 : f32
    %min3A_7 = vector.broadcast %min3A : f32 to vector<128x128xf32>
    %min3A_8 = arith.minimumf %get3A_1, %min3A_7 : vector<128x128xf32>
    %abs3A = math.absf %get3A_1 : vector<128x128xf32>
    %neg3A_9 = arith.constant 0.000000e+00 : f32
    %neg3A_10 = vector.broadcast %neg3A_9 : f32 to vector<128x128xf32>
    %neg3A_11 = arith.subf %neg3A_10, %abs3A : vector<128x128xf32>
    %exp3A = math.exp %neg3A_11 : vector<128x128xf32>
    %log1p3A = math.log1p %exp3A : vector<128x128xf32>
    %sub3A = arith.subf %min3A_8, %log1p3A : vector<128x128xf32>
    %min3A_12 = arith.constant 0.000000e+00 : f32
    %min3A_13 = vector.broadcast %min3A_12 : f32 to vector<640x128xf32>
    %min3A_14 = arith.minimumf %neg3A_6, %min3A_13 : vector<640x128xf32>
    %abs3A_15 = math.absf %neg3A_6 : vector<640x128xf32>
    %neg3A_16 = arith.constant 0.000000e+00 : f32
    %neg3A_17 = vector.broadcast %neg3A_16 : f32 to vector<640x128xf32>
    %neg3A_18 = arith.subf %neg3A_17, %abs3A_15 : vector<640x128xf32>
    %exp3A_19 = math.exp %neg3A_18 : vector<640x128xf32>
    %log1p3A_20 = math.log1p %exp3A_19 : vector<640x128xf32>
    %sub3A_21 = arith.subf %min3A_14, %log1p3A_20 : vector<640x128xf32>
    %reduce_sum3A = vector.shape_cast %sub3A : vector<128x128xf32> to vector<1x128x128xf32>
    %reduce_sum3A_22 = arith.constant dense<0.000000e+00> : vector<1xf32>
    %reduce_sum3A_23 = vector.multi_reduction <add>, %reduce_sum3A, %reduce_sum3A_22 [1, 2] : vector<1x128x128xf32> to vector<1xf32>
    %reduce_sum3A_24 = vector.shape_cast %reduce_sum3A_23 : vector<1xf32> to vector<1x1x1xf32>
    %reduce_sum3A_25 = vector.extract %reduce_sum3A_24[0, 0, 0] : f32 from vector<1x1x1xf32>
    %reduce_sum3A_26 = vector.shape_cast %sub3A_21 : vector<640x128xf32> to vector<1x640x128xf32>
    %reduce_sum3A_27 = arith.constant dense<0.000000e+00> : vector<1xf32>
    %reduce_sum3A_28 = vector.multi_reduction <add>, %reduce_sum3A_26, %reduce_sum3A_27 [1, 2] : vector<1x640x128xf32> to vector<1xf32>
    %reduce_sum3A_29 = vector.shape_cast %reduce_sum3A_28 : vector<1xf32> to vector<1x1x1xf32>
    %reduce_sum3A_30 = vector.extract %reduce_sum3A_29[0, 0, 0] : f32 from vector<1x1x1xf32>
    %add3A = arith.addf %reduce_sum3A_25, %reduce_sum3A_30 : f32
    %neg3A_31 = arith.constant 0.000000e+00 : f32
    %neg3A_32 = arith.subf %neg3A_31, %add3A : f32
    %swap3A = arith.constant 0 : index
    %swap3A_33 = arith.constant 0 : index
    %swap3A_34 = memref.load %arg2[%swap3A, %swap3A_33] : memref<1x1xf32, #tpu.memory_space<smem>>
    memref.store %neg3A_32, %arg2[%swap3A, %swap3A_33] : memref<1x1xf32, #tpu.memory_space<smem>>
    return
  }
}

</mosaic_0001>

<sc_bundles>
// kernel: kernel.5.cloned.1.call-start
scs
__scs_entry_jumppad:
0x0: {  	(pc) =	sbr.rel $0x88, $3  }
0x1: {  	(tag) =	ssettag $0x0;
	lr =	simm.s32 $0x1  }
0x2: {  	[smem:$0x3F9C] =	sst lr;
	_ =	strace $0xD0000000  }
0x3: {  	_ = 	snop  }
0x4: {  	_ = 	snop  }
0x5: {  	_ = 	snop  }
0x6: {  	_ = 	snop  }
0x7: {  	_ = 	snop  }
__scs_overlays_trampoline_lowered:
0x8: {  	[smem:$0x3FAB] =	sst s0  }
0x9: {  	[smem:$0x3FAC] =	sst s1  }
0xa: {  	[smem:$0x3FAD] =	sst s2  }
0xb: {  	[smem:$0x3FAE] =	sst s3  }
0xc: {  	[smem:$0x3FAF] =	sst s4  }
0xd: {  	[smem:$0x3FB0] =	sst s5  }
0xe: {  	[smem:$0x3FB1] =	sst s6  }
0xf: {  	[smem:$0x3FB2] =	sst s7  }
0x10: {  	[smem:$0x3FB3] =	sst s8  }
0x11: {  	[smem:$0x3FB4] =	sst s9;
	s0 =	simm.s32 @!p0 $0x0  }
0x12: {  	s1 =	sld [smem:$0x3F9A];
	s0 =	simm.s32 @p0 $0x1  }
0x13: {  	[smem:$0x3FB5] =	sst s0;
	s0 =	simm.s32 @!p1 $0x0  }
0x14: {  	s2 =	sld [smem:$0x3F99];
	s0 =	simm.s32 @p1 $0x1  }
0x15: {  	[smem:$0x3FB6] =	sst s0;
	s0 =	simm.s32 @!p2 $0x0  }
0x16: {  	s3 =	sld [smem:$0x3FDB];
	s0 =	simm.s32 @p2 $0x1  }
0x17: {  	s4 =	simm.s32 $0x1BF5;
	[smem:$0x3FB8] =	sst s0  }
0x18: {  	s0 =	sld [smem:$0x3F9B];
	_ =	swait.ge [sflag:s4], $0x0  }
0x19: {  	s7 =	sld [smem:$0x3F9C]  }
0x1a: {  	s8 =	sadd.s32 $0xFFFFE003, lr  }
0x1b: {  	s9 =	sadd.s32 $0xFFFFFEF7, lr;
	s5 =	simm.s32 $0xFFFFFFFF;
	p2 =	slt.u32 s8, $0xFFFFF086  }
0x1c: {  	p1 =	slt.u32 s9, $0xF7A;
	s5 =	simm.s32 @!p2 $0x0  }
0x1d: {  	s5 =	simm.s32 @p1 $0x1;
	p0 =	seq.s32 s7, s2  }
0x1e: {  	s7 =	smul.u32 @!p0 $0xF7A, s2;
	p2 =	seq.s32 @!p0 s5, $0x0  }
0x1f: {  	s9 =	smul.u32 $0xF7A, s1;
	s8 =	simm.s32 @!p0 $0x1BF5;
	p2 =	por !p2, p0  }
0x20: {  	[sflag:s8] =	ssyncset.s32 @!p0 $0xFFFFF086;
	s6 =	sadd.s32 @!p0 s3, s7;
	s7 =	simm.s32 @!p0 $0x108  }
0x21: {  	s3 =	sadd.s32 s3, s9;
	s6 =	sadd.s32 @!p0 $0x88, s6;
	s7 =	simm.s32 @p2 $0x1082  }
0x22: {  	[simem:s7], [sflag:s8] =	dma.local @!p0 [hbm:s6], $0xF7A  }
0x23: {  	s9 =	sor.u32 $0xD0000000, s2;
	s6 =	simm.s32 $0x108;
	_ =	swait.ge @!p0 [sflag:s8], $0x0  }
0x24: {  	s3 =	sadd.s32 $0x88, s3;
	s6 =	simm.s32 @!p1 $0x1082;
	[sflag:s4] =	ssyncset.s32 $0xFFFFF086  }
0x25: {  	[simem:s6], [sflag:s4] =	dma.local [hbm:s3], $0xF7A  }
0x26: {  	[smem:$0x3F9C] =	sst s1;
	(tag) =	ssettag s2;
	_ =	strace s9  }
0x27: {  	s1 =	sld [smem:$0x3FAC]  }
0x28: {  	s2 =	sld [smem:$0x3FAD]  }
0x29: {  	s4 =	sld [smem:$0x3FAF]  }
0x2a: {  	p0 =	seq.s32 s5, $0x0;
	s5 =	sld [smem:$0x3FB0]  }
0x2b: {  	s6 =	sld [smem:$0x3FB1]  }
0x2c: {  	s7 =	sld [smem:$0x3FB2]  }
0x2d: {  	s3 =	simm.s32 $0x108;
	s8 =	sld [smem:$0x3FB3]  }
0x2e: {  	s3 =	simm.s32 @!p0 $0x1082;
	s9 =	sld [smem:$0x3FB4]  }
0x2f: {  	lr =	sadd.s32 s0, s3;
	s0 =	sld [smem:$0x3FAB]  }
0x30: {  	s3 =	sld [smem:$0x3FAE]  }
0x31: {  	[smem:$0x3FB7] =	sst s10  }
0x32: {  	s10 =	sld [smem:$0x3FB5];
	_ =	sdelay $0x3  }
0x33: {  	p0 =	seq.s32 s10, $0x1;
	s10 =	sld [smem:$0x3FB7];
	_ =	sdelay $0x3  }
0x34: {  	[smem:$0x3FB7] =	sst s10  }
0x35: {  	s10 =	sld [smem:$0x3FB6];
	_ =	sdelay $0x3  }
0x36: {  	p1 =	seq.s32 s10, $0x1;
	s10 =	sld [smem:$0x3FB7];
	_ =	sdelay $0x3  }
0x37: {  	[smem:$0x3FB7] =	sst s10  }
0x38: {  	s10 =	sld [smem:$0x3FB8]  }
0x39: {  	_ = 	snop;
	(pc) =	sbr.ind lr, $3  }
0x3a: {  	_ = 	snop  }
0x3b: {  	_ = 	snop  }
0x3c: {  	p2 =	seq.s32 s10, $0x1;
	s10 =	sld [smem:$0x3FB7]  }
0x3d: {  	_ =	shalt  }
0x3e: {  	_ =	shalt  }
0x3f: {  	_ =	shalt  }
0x40: {  	_ =	shalt  }
0x41: {  	_ =	shalt  }
0x42: {  	_ =	shalt  }
0x43: {  	_ =	shalt  }
0x44: {  	_ =	shalt  }
0x45: {  	_ =	shalt  }
0x46: {  	_ =	shalt  }
0x47: {  	_ =	shalt  }
0x48: {  	_ =	shalt  }
0x49: {  	_ =	shalt  }
0x4a: {  	_ =	shalt  }
0x4b: {  	_ =	shalt  }
0x4c: {  	_ =	shalt  }
0x4d: {  	_ =	shalt  }
0x4e: {  	_ =	shalt  }
0x4f: {  	_ =	shalt  }
0x50: {  	_ =	shalt  }
0x51: {  	_ =	shalt  }
0x52: {  	_ =	shalt  }
0x53: {  	_ =	shalt  }
0x54: {  	_ =	shalt  }
0x55: {  	_ =	shalt  }
0x56: {  	_ =	shalt  }
0x57: {  	_ =	shalt  }
0x58: {  	_ =	shalt  }
0x59: {  	_ =	shalt  }
0x5a: {  	_ =	shalt  }
0x5b: {  	_ =	shalt  }
0x5c: {  	_ =	shalt  }
0x5d: {  	_ =	shalt  }
0x5e: {  	_ =	shalt  }
0x5f: {  	_ =	shalt  }
0x60: {  	_ =	shalt  }
0x61: {  	_ =	shalt  }
0x62: {  	_ =	shalt  }
0x63: {  	_ =	shalt  }
0x64: {  	_ =	shalt  }
0x65: {  	_ =	shalt  }
0x66: {  	_ =	shalt  }
0x67: {  	_ =	shalt  }
0x68: {  	_ =	shalt  }
0x69: {  	_ =	shalt  }
0x6a: {  	_ =	shalt  }
0x6b: {  	_ =	shalt  }
0x6c: {  	_ =	shalt  }
0x6d: {  	_ =	shalt  }
0x6e: {  	_ =	shalt  }
0x6f: {  	_ =	shalt  }
0x70: {  	_ =	shalt  }
0x71: {  	_ =	shalt  }
0x72: {  	_ =	shalt  }
0x73: {  	_ =	shalt  }
0x74: {  	_ =	shalt  }
0x75: {  	_ =	shalt  }
0x76: {  	_ =	shalt  }
0x77: {  	_ =	shalt  }
0x78: {  	_ =	shalt  }
0x79: {  	_ =	shalt  }
0x7a: {  	_ =	shalt  }
0x7b: {  	_ =	shalt  }
0x7c: {  	_ =	shalt  }
0x7d: {  	_ =	shalt  }
0x7e: {  	_ =	shalt  }
0x7f: {  	_ =	shalt  }
0x80: {  	_ =	shalt  }
0x81: {  	_ =	shalt  }
0x82: {  	_ =	shalt  }
0x83: {  	_ =	shalt  }
0x84: {  	_ =	shalt  }
0x85: {  	_ =	shalt  }
0x86: {  	_ =	shalt  }
0x87: {  	_ =	shalt  }
.Lfunc_end0:
.L_simem_size_0:
called_computation_lowered:
.L_overlay_start_0:
0x88: {  	s2 =	sld [smem:$0x3FD9]  }
0x89: {  	s3 =	sld [smem:$0x3FFE];
	_ =	sdelay $0x1  }
0x8a: {  	s1 =	srdreg.scid  }
0x8b: {  	s0 =	sand.u32 $0x1, s1  }
0x8c: {  	s17 =	sshll.u32 s0, $0xA;
	s2 =	sadd.s32 s3, s2  }
0x8d: {  	s2 =	sadd.s32 s2, s17  }
0x8e: {  	[smem:$0x3FC3] =	sst s2  }
0x8f: {  	_ = 	snop  }
0x90: {  	s2 =	sld [smem:$0x3FC9]  }
0x91: {  	s18 =	sld [smem:$0x3FC8];
	(tm) =	ssettm $0x1  }
0x92: {  	s4 =	sld [smem:$0x3FFB];
	_ =	sdelay $0x3  }
0x93: {  	_ =	strace s4  }
0x94: {  	s4 =	sld [smem:$0x3FFC];
	_ =	sdelay $0x3  }
0x95: {  	_ =	strace s4  }
0x96: {  	s4 =	sld [smem:$0x3FFD];
	_ =	sdelay $0x3  }
0x97: {  	_ =	strace s4  }
0x98: {  	_ =	strace $0x8FFFFFFF  }
0x99: {  	s19 =	sld [smem:$0x3FDB];
	_ =	sdelay $0x1  }
0x9a: {  	s5 =	simm.s32 $_scs_section_size  }
0x9b: {  	s6 =	simm.s32 $_size__tile_overlayer_lowered;
	s7 =	simm.s32 $_tile_overlayer_lowered  }
0x9c: {  	s22 =	simm.s32 $0x1BFF;
	s21 =	sshll.u32 s7, $0x1;
	s4 =	sadd.s32 s5, s19  }
0x9d: {  	s8 =	simm.s32 $0x0;
	s20 =	sshll.u32 s6, $0x1;
	s6 =	sadd.s32 s21, s4  }
0x9e: {  	[timem:s8], [sflag:s22] =	dma.local [hbm:s6], s20  }
0x9f: {  	_ =	swait.ge [sflag:s22], s20  }
0xa0: {  	s5 =	ssub.s32 $0x0, s20;
	[sflag:s22] =	ssyncset.done $0x0  }
0xa1: {  	[sflag:s22] =	ssyncadd.s32 s5;
	_ =	sdelay $0x1  }
0xa2: {  	s23 =	simm.s32 $0x1B8B  }
0xa3: {  	_ =	swait.ge [sflag:s23], $0x1  }
0xa4: {  	[sflag:s23] =	ssyncset.done $0x0  }
0xa5: {  	s25 =	simm.s32 $0x1B8E;
	s24 =	sld [smem:$0x3FFE];
	[sflag:s23] =	ssyncadd.s32 $0xFFFFFFFF  }
0xa6: {  	s26 =	simm.s32 $execute0_lowered;
	[smem:$0x3FD2] =	sst s25  }
0xa7: {  	s6 =	sshll.u32 s26, $0x1;
	_ =	strace $0x80000046;
	[dreg:$0x1] =	wrdreg $0xFFFFFFFF  }
0xa8: {  	s28 =	simm.s32 $_size_execute0_lowered;
	s4 =	sadd.s32 s4, s6;
	[dreg:$0x0] =	wrdreg $0x0  }
0xa9: {  	s6 =	sshll.u32 s28, $0x1;
	[dreg:$0x2] =	wrdreg s4  }
0xaa: {  	[dreg:$0x3] =	wrdreg s6  }
0xab: {  	[dreg:$0x4] =	wrdreg $0xC0  }
0xac: {  	_ =	task [dreg:s8], $0x5FFFF  }
0xad: {  	[dreg:$0x1] =	wrdreg $0xFFFFFFFF  }
0xae: {  	[dreg:$0x0] =	wrdreg $0x60  }
0xaf: {  	[dreg:$0x2] =	wrdreg s2  }
0xb0: {  	[dreg:$0x3] =	wrdreg s18  }
0xb1: {  	[dreg:$0x4] =	wrdreg s24  }
0xb2: {  	[dreg:$0x5] =	wrdreg $0x9  }
0xb3: {  	_ =	task.clear_ibuf [dreg:s8], $0x6FFFF;
	_ =	strace $0x90000046  }
0xb4: {  	s29 =	simm.s32 $0x9;
	_ =	strace $0x80000048  }
0xb5: {  	_ =	swait.ge [sflag:s29], $0x1  }
0xb6: {  	[sflag:s29] =	ssyncadd.s32 $0xFFFFFFFF  }
0xb7: {  	_ =	strace $0x90000048  }
0xb8: {  	_ =	sfence  }
0xb9: {  	s30 =	sld [smem:$0x0];
	_ =	sdelay $0x2  }
0xba: {  	s31 =	sshll.u32 s1, $0xD;
	s1 =	sshrl.u32 s1, $0x2  }
0xbb: {  	s3 =	sand.u32 $0x4000, s31;
	s1 =	sadd.s32 s1, s30  }
0xbc: {  	s0 =	sor.u32 s3, s0;
	s1 =	sshll.u32 s1, $0x11  }
0xbd: {  	s0 =	sor.u32 s1, s0  }
0xbe: {  	s0 =	sadd.s32 $0x8F2B, s0  }
0xbf: {  	[sflag:s0] =	ssyncadd.remote.s32 $0x1  }
0xc0: {  	_ =	sfence.sel $0xFFFF  }
0xc1: {  	[dreg:$0x0] =	wrdreg $0xFFFFFFFF;
	(pc) =	sbr.abs _section_cstart, $3  }
0xc2: {  	[dreg:$0x1] =	wrdreg $0xFFFFFFFF  }
0xc3: {  	_ =	task.clear_ibuf [dreg:s8], $0x2FFFF;
	_ =	strace $0x9FFFFFFF  }
0xc4: {  	(tm) =	ssettm $0x7FFFFFFF  }
0xc5: {  	_ =	shalt  }
tec
execute0_lowered:
.L_overlay_start_1:
0x0: {  	(tag) =	ssettag $0x1  }
0x1: {  	s5 =	rddreg [dreg:$0x0]  }
0x2: {  	s6 =	rddreg [dreg:$0x1]  }
0x3: {  	s7 =	rddreg [dreg:$0x2]  }
0x4: {  	s0 =	rddreg [dreg:$0x3];
	s2 =	simm.s32 $0x0;
	s3 =	srdreg.scid  }
0x5: {  	s1 =	stileid.u32;
	s13 =	simm.s32 $0xE00;
	s14 =	simm.s32 $0x1600  }
0x6: {  	s15 =	simm.s32 $0x50;
	s16 =	simm.s32 $0x1E00;
	s17 =	simm.s32 $0x1  }
0x7: {  	s18 =	simm.s32 $0x2;
	s19 =	simm.s32 $0x3;
	s20 =	simm.s32 $0x4600  }
0x8: {  	s21 =	simm.s32 $0x4800;
	s22 =	simm.s32 $0x0;
	[smem:$0x7FF] =	sst s2  }
0x9: {  	s4 =	sand.u32 $0x1, s3;
	s31 =	sshll.u32 s1, $0x1;
	s3 =	sadd.s32 $0x1E87C00, s7  }
0xa: {  	_ =	strace $0x80000047;
	s8 =	sor.u32 s4, s31;
	s10 =	ssub.s32 $0x2, s4  }
0xb: {  	vm0 =	vmmov $0x1;
	vm1 =	vmmov $0x3;
	vm2 =	vmmov $0x7;
	s9 =	smul.u32 $0x140, s8;
	s8 =	sshll.u32 s8, $0x6;
	s11 =	sshrl.u32 s10, $0x1  }
0xc: {  	vm3 =	vmmov $0xf;
	vm4 =	vmmov $0x1f;
	vm5 =	vmmov $0x3f;
	s4 =	sadd.s32 $0xF45800, s7;
	s12 =	sadd.s32 s8, s7;
	s10 =	ssub.s32 s10, s11  }
0xd: {  	vm6 =	vmmov $0x7f;
	vm7 =	vmmov $0xff;
	vm8 =	vmmov $0x1ff;
	s5 =	sadd.s32 s5, s8;
	s6 =	sadd.s32 s6, s8;
	s11 =	simm.s32 $0x4  }
0xe: {  	vm9 =	vmmov $0x3ff;
	vm10 =	vmmov $0x7ff;
	vm11 =	vmmov $0xfff;
	s9 =	sadd.s32 s9, s7;
	s8 =	sadd.s32 $0x5C00, s12;
	s10 =	smax.u32 s10, $0x1  }
0xf: {  	vm12 =	vmmov $0x1fff;
	vm13 =	vmmov $0x3fff;
	vm14 =	vmmov $0x7fff;
	s12 =	simm.s32 $0x10;
	s7 =	sadd.s32 $0xC00, s9;
	s9 =	sadd.s32 $0x3400, s9  }
.LBB2_1:
0x10: {  	[tilespmem:s2], [sflag:$0x4] =	stream.linear.gather [hbm4b:s5+s2], $0x200, $0x38;
	[tilespmem:$0x5200] =	vst v63  }
0x11: {  	_ =	swait.ge [sflag:s11], $0x200  }
0x12: {  	[sflag:s11] =	ssyncset.done $0x0  }
0x13: {  	s23 =	simm.s32 $0x200;
	[sflag:s11] =	ssyncadd.s32 $0xFFFFFE00  }
0x14: {  	[tilespmem:s23], [sflag:$0x4] =	stream.linear.gather [hbm4b:s6+s2], $0x200, $0x38;
	[tilespmem:$0x5200] =	vst v63  }
0x15: {  	_ =	swait.ge [sflag:s11], $0x200  }
0x16: {  	[sflag:s11] =	ssyncset.done $0x0  }
0x17: {  	s24 =	simm.s32 $0x400;
	[sflag:s11] =	ssyncadd.s32 $0xFFFFFE00  }
0x18: {  	[tilespmem:s24], [sflag:$0x4] =	stream.linear.gather [hbm4b:s7+s2], $0xA00, $0x38;
	[tilespmem:$0x5200] =	vst v63  }
0x19: {  	_ =	swait.ge [sflag:s11], $0xA00  }
0x1a: {  	s25 =	simm.s32 $0x0;
	s26 =	simm.s32 $0x4800;
	[sflag:s11] =	ssyncset.done $0x0  }
0x1b: {  	s28 =	simm.s32 $0x4600;
	s29 =	simm.s32 $0x0;
	[sflag:s11] =	ssyncadd.s32 $0xFFFFF600  }
.LBB2_2:
0x1c: {  	[tilespmem:s13], [sflag:$0x1] =	stream.indirect.gather [hbm4b:s3+s12], $0x80, s25, s12, $0xb8;
	[tilespmem:$0x5200] =	vst v63  }
0x1d: {  	_ = 	snop  }
0x1e: {  	[tilespmem:s14], [sflag:$0x2] =	stream.indirect.gather [hbm4b:s4+s12], $0x80, s23, s12, $0xb8;
	[tilespmem:$0x5200] =	vst v63  }
0x1f: {  	_ = 	snop  }
0x20: {  	[tilespmem:s16], [sflag:$0x3] =	stream.indirect.gather [hbm4b:s4+s15], $0x80, s24, s15, $0xb8;
	[tilespmem:$0x5200] =	vst v63  }
0x21: {  	_ =	swait.ge [sflag:s17], $0x800  }
0x22: {  	[sflag:s17] =	ssyncset.done $0x0  }
0x23: {  	[sflag:s17] =	ssyncadd.s32 $0xFFFFF800  }
0x24: {  	_ =	swait.ge [sflag:s18], $0x800  }
0x25: {  	[sflag:s18] =	ssyncset.done $0x0  }
0x26: {  	[sflag:s18] =	ssyncadd.s32 $0xFFFFF800  }
0x27: {  	_ =	swait.ge [sflag:s19], $0x2800  }
0x28: {  	[sflag:s19] =	ssyncset.done $0x0  }
0x29: {  	[sflag:s19] =	ssyncadd.s32 $0xFFFFD800  }
0x2a: {  	v6 =	vld [tilespmem:$0x1600]  }
0x2b: {  	v7 =	vld [tilespmem:$0x1610]  }
0x2c: {  	v8 =	vld [tilespmem:$0x1620]  }
0x2d: {  	v9 =	vld [tilespmem:$0x1630]  }
0x2e: {  	v0 =	vld [tilespmem:$0xE00]  }
0x2f: {  	v1 =	vld [tilespmem:$0xE10]  }
0x30: {  	v2 =	vld [tilespmem:$0xE20]  }
0x31: {  	v3 =	vld [tilespmem:$0xE30]  }
0x32: {  	v10 =	vld [tilespmem:$0x1E00]  }
0x33: {  	v11 =	vld [tilespmem:$0x1E10]  }
0x34: {  	v12 =	vld [tilespmem:$0x1E20]  }
0x35: {  	v13 =	vld [tilespmem:$0x1E30]  }
0x36: {  	v14 =	vld [tilespmem:$0x1E80]  }
0x37: {  	v15 =	vld [tilespmem:$0x1E90]  }
0x38: {  	v16 =	vld [tilespmem:$0x1EA0]  }
0x39: {  	v17 =	vld [tilespmem:$0x1EB0]  }
0x3a: {  	v18 =	vld [tilespmem:$0x1F00]  }
0x3b: {  	v19 =	vld [tilespmem:$0x1F10]  }
0x3c: {  	v20 =	vld [tilespmem:$0x1F20]  }
0x3d: {  	v21 =	vld [tilespmem:$0x1F30]  }
0x3e: {  	v22 =	vld [tilespmem:$0x1F80]  }
0x3f: {  	v23 =	vld [tilespmem:$0x1F90]  }
0x40: {  	v24 =	vld [tilespmem:$0x1FA0]  }
0x41: {  	v25 =	vld [tilespmem:$0x1FB0]  }
0x42: {  	v26 =	vld [tilespmem:$0x2000]  }
0x43: {  	v27 =	vld [tilespmem:$0x2010]  }
0x44: {  	v28 =	vld [tilespmem:$0x2020]  }
0x45: {  	v29 =	vld [tilespmem:$0x2030]  }
0x46: {  	v30 =	vld [tilespmem:$0x1680]  }
0x47: {  	v31 =	vld [tilespmem:$0x1690]  }
0x48: {  	v5 =	vld [tilespmem:$0x16A0]  }
0x49: {  	v4 =	vld [tilespmem:$0x16B0]  }
0x4a: {  	v32 =	vld [tilespmem:$0xE80]  }
0x4b: {  	v33 =	vld [tilespmem:$0xE90]  }
0x4c: {  	v34 =	vld [tilespmem:$0xEA0]  }
0x4d: {  	v35 =	vld [tilespmem:$0xEB0]  }
0x4e: {  	v36 =	vld [tilespmem:$0x2080]  }
0x4f: {  	v37 =	vld [tilespmem:$0x2090]  }
0x50: {  	v38 =	vld [tilespmem:$0x20A0]  }
0x51: {  	v39 =	vld [tilespmem:$0x20B0]  }
0x52: {  	v40 =	vld [tilespmem:$0x2100]  }
0x53: {  	v41 =	vld [tilespmem:$0x2110]  }
0x54: {  	v42 =	vld [tilespmem:$0x2120]  }
0x55: {  	v43 =	vld [tilespmem:$0x2130]  }
0x56: {  	v44 =	vld [tilespmem:$0x2180]  }
0x57: {  	v45 =	vld [tilespmem:$0x2190]  }
0x58: {  	v46 =	vld [tilespmem:$0x21A0]  }
0x59: {  	v47 =	vld [tilespmem:$0x21B0]  }
0x5a: {  	v48 =	vld [tilespmem:$0x2200]  }
0x5b: {  	v49 =	vld [tilespmem:$0x2210]  }
0x5c: {  	v50 =	vld [tilespmem:$0x2220]  }
0x5d: {  	v51 =	vld [tilespmem:$0x2230]  }
0x5e: {  	v52 =	vld [tilespmem:$0x2280]  }
0x5f: {  	v53 =	vld [tilespmem:$0x2290]  }
0x60: {  	v54 =	vld [tilespmem:$0x22A0]  }
0x61: {  	v55 =	vld [tilespmem:$0x22B0]  }
0x62: {  	v0 =	vmul.f32 v0, v6;
	v56 =	vmul.f32 v2, v8;
	v2 =	vld [tilespmem:$0x1700]  }
0x63: {  	v1 =	vmul.f32 v1, v7;
	v57 =	vmul.f32 v3, v9;
	v3 =	vld [tilespmem:$0x1720]  }
0x64: {  	v10 =	vmul.f32 v10, v6;
	v62 =	vmul.f32 v12, v8;
	v12 =	vld [tilespmem:$0xF00]  }
0x65: {  	v11 =	vmul.f32 v11, v7;
	v63 =	vmul.f32 v16, v8;
	v16 =	vld [tilespmem:$0xF10]  }
0x66: {  	v14 =	vmul.f32 v14, v6;
	v58 =	vmul.f32 v19, v7;
	v19 =	vld [tilespmem:$0xF20]  }
0x67: {  	v15 =	vmul.f32 v15, v7;
	v60 =	vmul.f32 v23, v7;
	v23 =	vld [tilespmem:$0xF30]  }
0x68: {  	v13 =	vmul.f32 v13, v9;
	v61 =	vmul.f32 v20, v8;
	v20 =	vld [tilespmem:$0x2300]  }
0x69: {  	v59 =	vmul.f32 v22, v6;
	v17 =	vmul.f32 v17, v9;
	v22 =	vld [tilespmem:$0x2310]  }
0x6a: {  	v25 =	vmul.f32 v25, v9;
	v7 =	vmul.f32 v27, v7;
	v27 =	vld [tilespmem:$0x2410];
	v0 =	vadd.f32 v1, v0  }
0x6b: {  	v32 =	vmul.f32 v32, v30;
	v43 =	vmul.f32 v43, v4;
	v1 =	vld [tilespmem:$0x1710];
	v14 =	vadd.f32 v15, v14  }
0x6c: {  	v44 =	vmul.f32 v44, v30;
	v10 =	vadd.f32 v11, v10;
	v56 =	vadd.f32 v56, v0;
	v0 =	vld [tilespmem:$0x1730]  }
0x6d: {  	v14 =	vadd.f32 v63, v14;
	v63 =	vmul.f32 v24, v8;
	v24 =	vmul.f32 v21, v9;
	v21 =	vld [tilespmem:$0x2330]  }
0x6e: {  	v45 =	vmul.f32 v45, v31;
	v10 =	vadd.f32 v62, v10;
	v8 =	vmul.f32 v28, v8;
	v28 =	vld [tilespmem:$0x23B0]  }
0x6f: {  	v62 =	vadd.f32 v60, v59;
	v59 =	vmul.f32 v34, v5;
	v60 =	vmul.f32 v36, v30;
	v34 =	vld [tilespmem:$0x2420]  }
0x70: {  	v56 =	vadd.f32 v57, v56;
	v57 =	vmul.f32 v18, v6;
	v13 =	vadd.f32 v13, v10;
	v18 =	vld [tilespmem:$0x2320]  }
0x71: {  	v20 =	vmul.f32 v20, v2;
	v14 =	vadd.f32 v17, v14;
	v10 =	vadd.f32 v63, v62;
	v17 =	vld [tilespmem:$0x2380]  }
0x72: {  	v6 =	vmul.f32 v26, v6;
	v26 =	vld [tilespmem:$0x23A0];
	v62 =	vmul.f32 v40, v30  }
0x73: {  	v11 =	vadd.f32 v58, v57;
	v15 =	vadd.f32 v25, v10;
	v57 =	vmul.f32 v33, v31;
	v25 =	vld [tilespmem:$0x2390]  }
0x74: {  	v63 =	vmul.f32 v41, v31;
	v40 =	vmul.f32 v42, v5;
	v33 =	vld [tilespmem:$0x2480]  }
0x75: {  	v42 =	vmul.f32 v39, v4;
	v6 =	vadd.f32 v7, v6;
	v10 =	vadd.f32 v57, v32;
	v32 =	vld [tilespmem:$0x2400]  }
0x76: {  	v22 =	vmul.f32 v22, v1;
	v58 =	vmul.f32 v29, v9;
	v57 =	vld [tilespmem:$0x2490]  }
0x77: {  	v6 =	vadd.f32 v8, v6;
	v8 =	vadd.f32 v63, v62;
	v63 =	vmul.f32 v51, v4;
	v51 =	vld [tilespmem:$0xF80]  }
0x78: {  	v11 =	vadd.f32 v61, v11;
	v62 =	vmul.f32 v50, v5;
	v50 =	vadd.f32 v22, v20;
	v20 =	vld [tilespmem:$0x2710]  }
0x79: {  	v61 =	vmul.f32 v37, v31;
	v37 =	vmul.f32 v38, v5;
	v22 =	vld [tilespmem:$0x2A00]  }
0x7a: {  	v38 =	vmul.f32 v35, v4;
	v11 =	vadd.f32 v24, v11;
	v9 =	vadd.f32 v59, v10;
	v24 =	vld [tilespmem:$0x2430]  }
0x7b: {  	v36 =	vadd.f32 v61, v60;
	v8 =	vadd.f32 v40, v8;
	v59 =	vmul.f32 v49, v31;
	v40 =	vld [tilespmem:$0x24B0]  }
0x7c: {  	v7 =	vadd.f32 v58, v6;
	v60 =	vmul.f32 v46, v5;
	v46 =	vmul.f32 v53, v31;
	v31 =	vld [tilespmem:$0x2510]  }
0x7d: {  	v58 =	vmul.f32 v48, v30;
	v6 =	vadd.f32 v45, v44;
	v45 =	vmul.f32 v52, v30;
	v30 =	vld [tilespmem:$0x2530]  }
0x7e: {  	v61 =	vmul.f32 v47, v4;
	v4 =	vmul.f32 v55, v4;
	v55 =	vld [tilespmem:$0xFB0]  }
0x7f: {  	v12 =	vmul.f32 v12, v2;
	v47 =	vmul.f32 v19, v3;
	v19 =	vld [tilespmem:$0x2700]  }
0x80: {  	v16 =	vmul.f32 v16, v1;
	v48 =	vmul.f32 v23, v0;
	v23 =	vld [tilespmem:$0x27A0]  }
0x81: {  	v49 =	vmul.f32 v25, v1;
	v25 =	vld [tilespmem:$0x2A10]  }
0x82: {  	v12 =	vadd.f32 v16, v12;
	v9 =	vadd.f32 v38, v9;
	v38 =	vld [tilespmem:$0x24A0]  }
0x83: {  	v41 =	vadd.f32 v37, v36;
	v37 =	vld [tilespmem:$0x2520]  }
0x84: {  	v16 =	vadd.f32 v47, v12;
	v12 =	vld [tilespmem:$0x17A0]  }
0x85: {  	v8 =	vadd.f32 v43, v8;
	v43 =	vld [tilespmem:$0xF90]  }
0x86: {  	v47 =	vld [tilespmem:$0xFA0]  }
0x87: {  	v29 =	vadd.f32 v59, v58;
	v58 =	vld [tilespmem:$0x2580]  }
0x88: {  	v36 =	vld [tilespmem:$0x25A0]  }
0x89: {  	v5 =	vmul.f32 v54, v5;
	v10 =	vadd.f32 v46, v45;
	v45 =	vmul.f32 v32, v2;
	v32 =	vld [tilespmem:$0x2600]  }
0x8a: {  	v54 =	vmul.f32 v57, v1;
	v57 =	vmul.f32 v34, v3;
	v34 =	vld [tilespmem:$0x2610]  }
0x8b: {  	(xrf2) =	vadd.scan.msk.f32 $0xffff, v56;
	v6 =	vadd.f32 v60, v6;
	[tilespmem:$0x1F5E0] =	vst v22;
	v22 =	vld [tilespmem:$0x2B00]  }
0x8c: {  	(xrf2) =	vadd.scan.msk.f32 $0xffff, v13;
	v35 =	vadd.f32 v42, v41;
	v42 =	vld [tilespmem:$0x2500]  }
0x8d: {  	(xrf2) =	vadd.scan.msk.f32 $0xffff, v14;
	v39 =	vadd.f32 v61, v6;
	v6 =	vld [tilespmem:$0x1780]  }
0x8e: {  	(xrf2) =	vadd.scan.msk.f32 $0xffff, v11;
	v5 =	vadd.f32 v5, v10;
	v10 =	vld [tilespmem:$0x1790]  }
0x8f: {  	(xrf2) =	vadd.scan.msk.f32 $0xffff, v15;
	v29 =	vadd.f32 v62, v29;
	v62 =	vld [tilespmem:$0x2590]  }
0x90: {  	v18 =	vmul.f32 v18, v3;
	v46 =	vmul.f32 v27, v1;
	(xrf2) =	vadd.scan.msk.f32 $0xffff, v7;
	v7 =	vld [tilespmem:$0x2690]  }
0x91: {  	v41 =	vmul.f32 v26, v3;
	v26 =	vld [tilespmem:$0x1000]  }
0x92: {  	v44 =	vadd.f32 v18, v50;
	v18 =	vadd.f32 v46, v45;
	v46 =	vld [tilespmem:$0x2630]  }
0x93: {  	v17 =	vmul.f32 v17, v2;
	(xrf2) =	vadd.scan.msk.f32 $0xffff, v9;
	v9 =	vld [tilespmem:$0x26B0]  }
0x94: {  	v56 =	vmul.f32 v28, v0;
	v28 =	vmul.f32 v24, v0;
	v24 =	vld [tilespmem:$0x2720]  }
0x95: {  	v17 =	vadd.f32 v49, v17;
	v1 =	vmul.f32 v31, v1;
	v31 =	vld [tilespmem:$0x2880]  }
0x96: {  	v5 =	vadd.f32 v4, v5;
	v4 =	vld [tilespmem:$0x17B0]  }
0x97: {  	v53 =	vmul.f32 v33, v2;
	v33 =	vmul.f32 v40, v0;
	v52 =	vadd.f32 v41, v17;
	v41 =	vld [tilespmem:$0x25B0]  }
0x98: {  	v29 =	vadd.f32 v63, v29;
	v63 =	vmul.f32 v21, v0;
	v0 =	vmul.f32 v30, v0;
	v30 =	vld [tilespmem:$0x1020]  }
0x99: {  	v17 =	vld [tilespmem:$0x29A0]  }
0x9a: {  	v21 =	vld [tilespmem:$0x29B0]  }
0x9b: {  	(xrf2) =	vadd.scan.msk.f32 $0xffff, v35;
	[tilespmem:$0x1F5F0] =	vst v25;
	v25 =	vld [tilespmem:$0x1890]  }
0x9c: {  	(xrf2) =	vadd.scan.msk.f32 $0xffff, v8;
	v8 =	vld [tilespmem:$0x26A0]  }
0x9d: {  	v27 =	vadd.f32 v57, v18;
	v18 =	vld [tilespmem:$0x2790]  }
0x9e: {  	v60 =	vadd.f32 v54, v53;
	v53 =	vmul.f32 v36, v12;
	v36 =	vld [tilespmem:$0x28A0]  }
0x9f: {  	(xrf2) =	vadd.scan.msk.f32 $0xffff, v39;
	v39 =	vld [tilespmem:$0x2620]  }
0xa0: {  	[tilespmem:$0x1F6A0] =	vst v22;
	v22 =	vld [tilespmem:$0x2C30]  }
0xa1: {  	v45 =	vmul.f32 v62, v10;
	v62 =	vld [tilespmem:$0x2680]  }
0xa2: {  	(xrf2) =	vadd.scan.msk.f32 $0xffff, v29;
	v29 =	vld [tilespmem:$0x2730]  }
0xa3: {  	v35 =	vadd.f32 v28, v27;
	v27 =	vld [tilespmem:$0x1830]  }
0xa4: {  	v28 =	vld [tilespmem:$0x1010]  }
0xa5: {  	v49, _, _ =	vpop (xrf2);
	v61 =	vmul.f32 v38, v3;
	v50 =	vmul.f32 v34, v10;
	v34 =	vld [tilespmem:$0x2810]  }
0xa6: {  	v16 =	vadd.f32 v48, v16;
	v2 =	vmul.f32 v42, v2;
	v42, _, _ =	vpop (xrf2);
	v48 =	vmul.f32 v32, v6;
	v32 =	vld [tilespmem:$0x2890]  }
0xa7: {  	v59 =	vadd.f32 v63, v44;
	v44 =	vmul.f32 v58, v6;
	[tilespmem:$0x1F550] =	vst v42;
	v42 =	vld [tilespmem:$0x2900]  }
0xa8: {  	v3 =	vmul.f32 v37, v3;
	v63 =	vadd.f32 v56, v52;
	v13 =	vadd.f32 v61, v60;
	(xrf2) =	vadd.scan.msk.f32 $0xffff, v5;
	v5 =	vld [tilespmem:$0x1900]  }
0xa9: {  	v37 =	vmul.f32 v51, v6;
	v38 =	vmul.f32 v43, v10;
	v52 =	vadd.f32 v45, v44;
	v44 =	vld [tilespmem:$0x1030]  }
0xaa: {  	v13 =	vadd.f32 v33, v13;
	v33 =	vld [tilespmem:$0x2800]  }
0xab: {  	v43 =	vadd.f32 v38, v37;
	v38 =	vld [tilespmem:$0x2820]  }
0xac: {  	v45 =	vld [tilespmem:$0x28B0]  }
0xad: {  	v40 =	vmul.f32 v47, v12;
	v47, _, _ =	vpop (xrf2);
	v60 =	vmul.f32 v46, v4;
	v46 =	vld [tilespmem:$0x2920]  }
0xae: {  	[tilespmem:$0x1F560] =	vst v47;
	v47 =	vld [tilespmem:$0x2930]  }
0xaf: {  	v37 =	vld [tilespmem:$0x2A20]  }
0xb0: {  	[tilespmem:$0x1F630] =	vst v21;
	v21 =	vld [tilespmem:$0x1880]  }
0xb1: {  	(xrf2) =	vadd.scan.msk.f32 $0xffff, v16;
	[tilespmem:$0x1F5D0] =	vst v17;
	v17 =	vld [tilespmem:$0x18A0]  }
0xb2: {  	v51, _, _ =	vpop (xrf2);
	(xrf2) =	vadd.scan.msk.f32 $0xffff, v59;
	v59 =	vmul.f32 v41, v4;
	v41 =	vld [tilespmem:$0x1080]  }
0xb3: {  	v1 =	vadd.f32 v1, v2;
	v2 =	vadd.f32 v40, v43;
	v43 =	vld [tilespmem:$0x2830]  }
0xb4: {  	v56 =	vmul.f32 v39, v12;
	v39 =	vld [tilespmem:$0x2910]  }
0xb5: {  	v40 =	vld [tilespmem:$0x2A30]  }
0xb6: {  	v54, _, _ =	vpop (xrf2);
	(xrf2) =	vadd.scan.msk.f32 $0xffff, v63;
	[tilespmem:$0x1F7B0] =	vst v22;
	v22 =	vld [tilespmem:$0x1130]  }
0xb7: {  	v55 =	vmul.f32 v55, v4;
	v57, _, _ =	vpop (xrf2);
	(xrf2) =	vadd.scan.msk.f32 $0xffff, v35;
	v35 =	vld [tilespmem:$0x27B0]  }
0xb8: {  	v58 =	vadd.f32 v53, v52;
	[tilespmem:$0x1F580] =	vst v54;
	v54 =	vld [tilespmem:$0x2980]  }
0xb9: {  	v1 =	vadd.f32 v3, v1;
	v2 =	vadd.f32 v55, v2;
	v55 =	vld [tilespmem:$0x2990]  }
0xba: {  	v3 =	vadd.f32 v50, v48;
	v61 =	vadd.f32 v59, v58;
	v58 =	vld [tilespmem:$0x1090]  }
0xbb: {  	v0 =	vadd.f32 v0, v1;
	v1 =	vmul.f32 v62, v6;
	v62 =	vld [tilespmem:$0x10A0]  }
0xbc: {  	v48, _, _ =	vpop (xrf2);
	(xrf2) =	vadd.scan.msk.f32 $0xffff, v13;
	v3 =	vadd.f32 v56, v3;
	v13 =	vmul.f32 v9, v4;
	v9 =	vld [tilespmem:$0x2A90]  }
0xbd: {  	[tilespmem:$0x1F620] =	vst v37;
	v37 =	vld [tilespmem:$0x2B10]  }
0xbe: {  	v63 =	vadd.f32 v60, v3;
	v3 =	vmul.f32 v7, v10;
	v7 =	vld [tilespmem:$0x10B0]  }
0xbf: {  	v50, _, _ =	vpop (xrf2);
	(xrf2) =	vadd.scan.msk.f32 $0xffff, v0;
	v0 =	vmul.f32 v8, v12;
	v8 =	vld [tilespmem:$0x2A80]  }
0xc0: {  	[tilespmem:$0x1F600] =	vst v41;
	v41 =	vld [tilespmem:$0x2B30]  }
0xc1: {  	[tilespmem:$0x1F650] =	vst v62;
	v62 =	vld [tilespmem:$0x2B90]  }
0xc2: {  	[tilespmem:$0x1F570] =	vst v51;
	v51, _, _ =	vpop (xrf2);
	(xrf2) =	vadd.scan.msk.f32 $0xffff, v2;
	v2 =	vld [tilespmem:$0x1820]  }
0xc3: {  	[tilespmem:$0x1F640] =	vst v40;
	v40 =	vld [tilespmem:$0x2B20]  }
0xc4: {  	[tilespmem:$0x1F800] =	vst v22;
	v22 =	vld [tilespmem:$0x2DB0]  }
0xc5: {  	v1 =	vadd.f32 v3, v1;
	v3 =	vld [tilespmem:$0x1910]  }
0xc6: {  	[tilespmem:$0x1F6D0] =	vst v62;
	v62 =	vld [tilespmem:$0x1100]  }
0xc7: {  	[tilespmem:$0x1F610] =	vst v58;
	v58 =	vld [tilespmem:$0x2B80]  }
0xc8: {  	[tilespmem:$0x1F670] =	vst v9;
	v9 =	vld [tilespmem:$0x2C00]  }
0xc9: {  	v0 =	vadd.f32 v0, v1;
	v1 =	vld [tilespmem:$0x1810]  }
0xca: {  	[tilespmem:$0x1F6B0] =	vst v37;
	v37 =	vld [tilespmem:$0x2C80]  }
0xcb: {  	[tilespmem:$0x1F780] =	vst v62;
	v62 =	vld [tilespmem:$0x2D80]  }
0xcc: {  	[tilespmem:$0x1F680] =	vst v7;
	v7 =	vld [tilespmem:$0x2BA0]  }
0xcd: {  	[tilespmem:$0x1F660] =	vst v8;
	v8 =	vld [tilespmem:$0x2BB0]  }
0xce: {  	v52, _, _ =	vpop (xrf2);
	[tilespmem:$0x1F700] =	vst v41;
	v41 =	vld [tilespmem:$0x2CA0]  }
0xcf: {  	[tilespmem:$0x1F590] =	vst v57;
	v56, _, _ =	vpop (xrf2);
	v0 =	vadd.f32 v13, v0;
	v13 =	vld [tilespmem:$0x2AA0]  }
0xd0: {  	v16, _, _ =	vpop (xrf2);
	[tilespmem:$0x1F820] =	vst v62;
	v62 =	vld [tilespmem:$0x2E80]  }
0xd1: {  	(xrf2) =	vadd.scan.msk.f32 $0xffff, v61;
	v57, _, _ =	vpop (xrf2);
	[tilespmem:$0x1F6F0] =	vst v40;
	v40 =	vld [tilespmem:$0x2C90]  }
0xd2: {  	(xrf2) =	vadd.scan.msk.f32 $0xffff, v63;
	v59, _, _ =	vpop (xrf2);
	[tilespmem:$0x1F880] =	vst v22;
	v22 =	vld [tilespmem:$0x2EB0]  }
0xd3: {  	v53, _, _ =	vpop (xrf2);
	(xrf2) =	vadd.scan.msk.f32 $0xffff, v0;
	v0 =	vld [tilespmem:$0x1800]  }
0xd4: {  	[tilespmem:$0x1F6C0] =	vst v58;
	v58 =	vld [tilespmem:$0x2CB0]  }
0xd5: {  	[tilespmem:$0x1F8A0] =	vst v62;
	v62 =	vld [tilespmem:$0x1180]  }
0xd6: {  	[tilespmem:$0x1F720] =	vst v9;
	v9 =	vld [tilespmem:$0x1A00]  }
0xd7: {  	[tilespmem:$0x1F760] =	vst v37;
	v37 =	vld [tilespmem:$0x2D00]  }
0xd8: {  	[tilespmem:$0x1F710] =	vst v7;
	v7 =	vld [tilespmem:$0x1920]  }
0xd9: {  	v60, _, _ =	vpop (xrf2);
	[tilespmem:$0x1F740] =	vst v8;
	v8 =	vld [tilespmem:$0x1930]  }
0xda: {  	v61, _, _ =	vpop (xrf2);
	[tilespmem:$0x1F900] =	vst v62;
	v62 =	vld [tilespmem:$0x2F80]  }
0xdb: {  	v11, _, _ =	vpop (xrf2);
	[tilespmem:$0x1F7A0] =	vst v41;
	v41 =	vld [tilespmem:$0x2D20]  }
0xdc: {  	[tilespmem:$0x1F5A0] =	vst v11;
	v11 =	vld [tilespmem:$0x2780]  }
0xdd: {  	[tilespmem:$0x1F690] =	vst v13;
	v13 =	vld [tilespmem:$0x2C10]  }
0xde: {  	[tilespmem:$0x1F770] =	vst v40;
	v40 =	vld [tilespmem:$0x2D10]  }
0xdf: {  	v63, _, _ =	vpop (xrf2);
	[tilespmem:$0x1F960] =	vst v62;
	v62 =	vld [tilespmem:$0x3000]  }
0xe0: {  	[tilespmem:$0x1F930] =	vst v22;
	v22 =	vld [tilespmem:$0x19B0];
	v14, _, _ =	vpop (xrf2)  }
0xe1: {  	[tilespmem:$0x1F5B0] =	vst v14;
	v14 =	vld [tilespmem:$0x18B0]  }
0xe2: {  	v15, _, _ =	vpop (xrf2);
	[tilespmem:$0x1F7C0] =	vst v58;
	v58 =	vld [tilespmem:$0x2D30]  }
0xe3: {  	[tilespmem:$0x1F5C0] =	vst v15;
	v15 =	vld [tilespmem:$0x2AB0]  }
0xe4: {  	[tilespmem:$0x1F9A0] =	vst v62;
	v62 =	vld [tilespmem:$0x3080]  }
0xe5: {  	[tilespmem:$0x1F7E0] =	vst v37;
	v37 =	vld [tilespmem:$0x2E00]  }
0xe6: {  	[tilespmem:$0x1F810] =	vst v41;
	v41 =	vld [tilespmem:$0x2E20]  }
0xe7: {  	[tilespmem:$0x1F730] =	vst v13;
	v13 =	vld [tilespmem:$0x1110]  }
0xe8: {  	v19 =	vmul.f32 v19, v6;
	[tilespmem:$0x1F7F0] =	vst v40;
	v40 =	vld [tilespmem:$0x2E10]  }
0xe9: {  	v6 =	vmul.f32 v11, v6;
	v11 =	vmul.f32 v20, v10;
	[tilespmem:$0x1F9C0] =	vst v62;
	v62 =	vld [tilespmem:$0x3100]  }
0xea: {  	v10 =	vmul.f32 v18, v10;
	v18 =	vmul.f32 v24, v12;
	v24 =	vld [tilespmem:$0x3280]  }
0xeb: {  	v20 =	vmul.f32 v29, v4;
	v29 =	vld [tilespmem:$0x32A0]  }
0xec: {  	[tilespmem:$0x1F6E0] =	vst v15;
	v15 =	vld [tilespmem:$0x2C20]  }
0xed: {  	v4 =	vmul.f32 v35, v4;
	v35 =	vmul.f32 v43, v27;
	v43 =	vld [tilespmem:$0x3380]  }
0xee: {  	[tilespmem:$0x1FA20] =	vst v62;
	v62 =	vld [tilespmem:$0x3180]  }
0xef: {  	[tilespmem:$0x1F860] =	vst v58;
	v58 =	vld [tilespmem:$0x2E30]  }
0xf0: {  	v11 =	vadd.f32 v11, v19;
	v19 =	vbroadcast v49, $0xF;
	v49 =	vld [tilespmem:$0x3290]  }
0xf1: {  	[tilespmem:$0x1F750] =	vst v15;
	v15 =	vld [tilespmem:$0x1120]  }
0xf2: {  	[tilespmem:$0x1F840] =	vst v37;
	v37 =	vld [tilespmem:$0x2F00]  }
0xf3: {  	[tilespmem:$0x1FA60] =	vst v62;
	v62 =	vld [tilespmem:$0x1200]  }
0xf4: {  	[tilespmem:$0x1F890] =	vst v41;
	v41 =	vld [tilespmem:$0x2F20]  }
0xf5: {  	[tilespmem:$0x1F790] =	vst v13;
	v13 =	vld [tilespmem:$0x2D90]  }
0xf6: {  	[tilespmem:$0x1F7D0] =	vst v15;
	v15 =	vld [tilespmem:$0x2DA0]  }
0xf7: {  	[tilespmem:$0x1F850] =	vst v40;
	v40 =	vld [tilespmem:$0x2F10]  }
0xf8: {  	[tilespmem:$0x1FAA0] =	vst v62;
	v62 =	vld [tilespmem:$0x1210]  }
0xf9: {  	[tilespmem:$0x1F8C0] =	vst v58;
	v58 =	vld [tilespmem:$0x2F30]  }
0xfa: {  	[tilespmem:$0x1F830] =	vst v13;
	v13 =	vld [tilespmem:$0x2E90]  }
0xfb: {  	[tilespmem:$0x1F870] =	vst v15;
	v15 =	vld [tilespmem:$0x2EA0]  }
0xfc: {  	[tilespmem:$0x1FB10] =	vst v24;
	v24 =	vld [tilespmem:$0x3300]  }
0xfd: {  	[tilespmem:$0x1FAB0] =	vst v62;
	v62 =	vld [tilespmem:$0x1220]  }
0xfe: {  	[tilespmem:$0x1F940] =	vst v58;
	v58 =	vld [tilespmem:$0x11B0]  }
0xff: {  	[tilespmem:$0x1F8B0] =	vst v13;
	v13 =	vld [tilespmem:$0x1190]  }
0x100: {  	[tilespmem:$0x1F8D0] =	vst v15;
	v15 =	vld [tilespmem:$0x11A0]  }
0x101: {  	[tilespmem:$0x1FB50] =	vst v29;
	v29 =	vld [tilespmem:$0x3310]  }
0x102: {  	[tilespmem:$0x1FAE0] =	vst v62;
	v62 =	vld [tilespmem:$0x1230]  }
0x103: {  	[tilespmem:$0x1F980] =	vst v58;
	v58 =	vld [tilespmem:$0x2FB0]  }
0x104: {  	[tilespmem:$0x1F910] =	vst v13;
	v13 =	vld [tilespmem:$0x2F90]  }
0x105: {  	[tilespmem:$0x1F950] =	vst v15;
	v15 =	vld [tilespmem:$0x2FA0]  }
0x106: {  	[tilespmem:$0x1FB20] =	vst v49;
	v49 =	vld [tilespmem:$0x32B0]  }
0x107: {  	[tilespmem:$0x1FB30] =	vst v62;
	v62 =	vld [tilespmem:$0x3200]  }
0x108: {  	[tilespmem:$0x1F9E0] =	vst v58;
	v58 =	vld [tilespmem:$0x3030]  }
0x109: {  	[tilespmem:$0x1F970] =	vst v13;
	v13 =	vld [tilespmem:$0x3010]  }
0x10a: {  	[tilespmem:$0x1F990] =	vst v15;
	v15 =	vld [tilespmem:$0x3020]  }
0x10b: {  	[tilespmem:$0x1F8E0] =	vst v37;
	v37 =	vld [tilespmem:$0x19A0]  }
0x10c: {  	[tilespmem:$0x1FAC0] =	vst v62;
	v62 =	vld [tilespmem:$0x3210]  }
0x10d: {  	[tilespmem:$0x1FA00] =	vst v58;
	v58 =	vld [tilespmem:$0x30B0]  }
0x10e: {  	[tilespmem:$0x1F9B0] =	vst v13;
	v13 =	vld [tilespmem:$0x3090]  }
0x10f: {  	v12 =	vmul.f32 v23, v12;
	v6 =	vadd.f32 v10, v6;
	[tilespmem:$0x1F9F0] =	vst v15;
	v15 =	vld [tilespmem:$0x30A0]  }
0x110: {  	v11 =	vadd.f32 v18, v11;
	[tilespmem:$0x1F920] =	vst v41;
	v41 =	vld [tilespmem:$0x1990]  }
0x111: {  	v6 =	vadd.f32 v12, v6;
	[tilespmem:$0x1FAD0] =	vst v62;
	v62 =	vld [tilespmem:$0x3220]  }
0x112: {  	v10 =	vadd.f32 v20, v11;
	[tilespmem:$0x1FA40] =	vst v58;
	v58 =	vld [tilespmem:$0x3130]  }
0x113: {  	v4 =	vadd.f32 v4, v6;
	[tilespmem:$0x1F9D0] =	vst v13;
	v13 =	vld [tilespmem:$0x3110]  }
0x114: {  	(xrf2) =	vadd.scan.msk.f32 $0xffff, v10;
	[tilespmem:$0x1FA10] =	vst v15;
	v15 =	vld [tilespmem:$0x3120]  }
0x115: {  	(xrf2) =	vadd.scan.msk.f32 $0xffff, v4;
	v4 =	vld [tilespmem:$0x1AA0];
	[tilespmem:$0x1F8F0] =	vst v40  }
0x116: {  	[tilespmem:$0x1FB00] =	vst v62;
	v62 =	vld [tilespmem:$0x3230]  }
0x117: {  	[tilespmem:$0x1FA90] =	vst v58;
	v58 =	vld [tilespmem:$0x31B0]  }
0x118: {  	[tilespmem:$0x1FA30] =	vst v13;
	v13 =	vld [tilespmem:$0x3190]  }
0x119: {  	v48 =	vbroadcast v48, $0xF;
	[tilespmem:$0x1FA50] =	vst v15;
	v15 =	vld [tilespmem:$0x31A0]  }
0x11a: {  	v28 =	vmul.f32 v28, v1;
	v40 =	vld [tilespmem:$0x1980];
	[tilespmem:$0x1FB70] =	vst v29;
	v29 =	vmul.f32 v45, v27  }
0x11b: {  	v45 =	vbroadcast v51, $0xF;
	v51 =	vld [tilespmem:$0x1F580];
	[tilespmem:$0x1FB40] =	vst v62;
	v62 =	vmul.f32 v26, v0  }
0x11c: {  	[tilespmem:$0x1FAF0] =	vst v58;
	v58 =	vld [tilespmem:$0x1A30]  }
0x11d: {  	v19 =	vsel vm0, v19, v48;
	[tilespmem:$0x1FA70] =	vst v13;
	v13 =	vld [tilespmem:$0x1A10];
	v48 =	vadd.f32 v28, v62;
	v62 =	vmul.f32 v30, v2  }
0x11e: {  	[tilespmem:$0x1FA80] =	vst v15;
	v15 =	vld [tilespmem:$0x1A20];
	v28 =	vmul.f32 v34, v1;
	v30 =	vmul.f32 v31, v0  }
0x11f: {  	v31 =	vmul.f32 v32, v1;
	v32 =	vld [tilespmem:$0x3320];
	v34 =	vmul.f32 v38, v2  }
0x120: {  	v38 =	vmul.f32 v36, v2;
	v36 =	vbroadcast v50, $0xF;
	v50 =	vld [tilespmem:$0x3400]  }
0x121: {  	v42 =	vmul.f32 v42, v0;
	v26 =	vmul.f32 v33, v0;
	v11 =	vadd.f32 v62, v48;
	v48 =	vld [tilespmem:$0x3330]  }
0x122: {  	v33 =	vmul.f32 v44, v27;
	v44 =	vmul.f32 v39, v1;
	v62 =	vld [tilespmem:$0x3390]  }
0x123: {  	v12 =	vadd.f32 v31, v30;
	v30 =	vld [tilespmem:$0x33A0]  }
0x124: {  	v31 =	vadd.f32 v44, v42;
	v42 =	vld [tilespmem:$0x3410]  }
0x125: {  	v6 =	vadd.f32 v28, v26;
	v44 =	vld [tilespmem:$0x1F570]  }
0x126: {  	v11 =	vadd.f32 v33, v11;
	v33 =	vld [tilespmem:$0x33B0]  }
0x127: {  	v6 =	vadd.f32 v34, v6;
	v12 =	vadd.f32 v38, v12;
	v38 =	vld [tilespmem:$0x1F560]  }
0x128: {  	[tilespmem:$0x1FB80] =	vst v32;
	v32 =	vmul.f32 v46, v2;
	v46 =	vld [tilespmem:$0x3420]  }
0x129: {  	v6 =	vadd.f32 v35, v6;
	v35 =	vld [tilespmem:$0x1F550]  }
0x12a: {  	v10 =	vadd.f32 v32, v31;
	v31 =	vld [tilespmem:$0x3430]  }
0x12b: {  	v39 =	vmul.f32 v47, v27;
	(xrf2) =	vadd.scan.msk.f32 $0xffff, v11;
	v32 =	vld [tilespmem:$0x1F590]  }
0x12c: {  	(xrf2) =	vadd.scan.msk.f32 $0xffff, v6;
	v6 =	vbroadcast v44, $0xF;
	v44 =	vbroadcast v61, $0xF;
	v61 =	vld [tilespmem:$0x1F5C0]  }
0x12d: {  	v47 =	vadd.f32 v39, v10;
	v10 =	vld [tilespmem:$0x1A80]  }
0x12e: {  	[tilespmem:$0x1FBB0] =	vst v30;
	v30 =	vbroadcast v52, $0xF;
	v39 =	vbroadcast v53, $0xF;
	v53 =	vld [tilespmem:$0x1280]  }
0x12f: {  	v34 =	vadd.f32 v29, v12;
	v11 =	vbroadcast v38, $0xF;
	v38 =	vbroadcast v59, $0xF;
	v59 =	vld [tilespmem:$0x1F5B0]  }
0x130: {  	[tilespmem:$0x1FB90] =	vst v62;
	v23 =	vsel vm0, v6, v30;
	v6 =	vld [tilespmem:$0x1A90]  }
0x131: {  	v62 =	vbroadcast v51, $0xF;
	(xrf2) =	vadd.scan.msk.f32 $0xffff, v34;
	v34 =	vbroadcast v56, $0xF;
	v11 =	vsel vm0, v11, v45;
	v45 =	vld [tilespmem:$0x1AB0]  }
0x132: {  	[tilespmem:$0x1FBA0] =	vst v42;
	(xrf2) =	vadd.scan.msk.f32 $0xffff, v47;
	v47 =	vld [tilespmem:$0x1F5A0]  }
0x133: {  	v42 =	vbroadcast v60, $0xF;
	[tilespmem:$0x1FBC0] =	vst v46;
	v46, _, _ =	vpop (xrf2);
	v20 =	vsel vm0, v62, v34;
	v34 =	vld [tilespmem:$0x1F600]  }
0x134: {  	v12 =	vbroadcast v35, $0xF;
	v56, _, _ =	vpop (xrf2);
	v11 =	vsel vm1, v11, v39;
	v39 =	vld [tilespmem:$0x12B0]  }
0x135: {  	v35 =	vbroadcast v16, $0xF;
	v23 =	vsel vm1, v23, v42;
	v42 =	vbroadcast v56, $0xF;
	v56 =	vld [tilespmem:$0x34A0]  }
0x136: {  	[tilespmem:$0x1FBD0] =	vst v33;
	v33 =	vbroadcast v32, $0xF;
	v18 =	vsel vm0, v12, v36;
	v36 =	vbroadcast v57, $0xF;
	v57 =	vld [tilespmem:$0x1290]  }
0x137: {  	v62 =	vbroadcast v61, $0xF;
	v61 =	vld [tilespmem:$0x34B0]  }
0x138: {  	v26 =	vsel vm0, v33, v35;
	v35 =	vld [tilespmem:$0x12A0]  }
0x139: {  	v20 =	vsel vm1, v20, v44;
	v33 =	vld [tilespmem:$0x3520]  }
0x13a: {  	v52 =	vbroadcast v63, $0xF;
	v30 =	vsel vm2, v20, v42;
	v42 =	vld [tilespmem:$0x1F620]  }
0x13b: {  	v60 =	vbroadcast v59, $0xF;
	v59 =	vmul.f32 v55, v1;
	v55 =	vld [tilespmem:$0x3590]  }
0x13c: {  	v19 =	vsel vm1, v19, v36;
	v36 =	vbroadcast v46, $0xF;
	v46 =	vld [tilespmem:$0x3480]  }
0x13d: {  	v19 =	vsel vm2, v19, v52;
	v52 =	vld [tilespmem:$0x3490]  }
0x13e: {  	v23 =	vsel vm2, v23, v36;
	v36 =	vld [tilespmem:$0x1F610]  }
0x13f: {  	[tilespmem:$0x1FC40] =	vst v39;
	v39 =	vld [tilespmem:$0x3530]  }
0x140: {  	v63, _, _ =	vpop (xrf2);
	v51 =	vbroadcast v47, $0xF;
	[tilespmem:$0x1FC50] =	vst v56;
	v56 =	vld [tilespmem:$0x1F660]  }
0x141: {  	v18 =	vsel vm1, v18, v38;
	v38, _, _ =	vpop (xrf2);
	v47 =	vbroadcast v63, $0xF;
	[tilespmem:$0x1FBE0] =	vst v57;
	v57 =	vmul.f32 v54, v0;
	v54 =	vld [tilespmem:$0x3500]  }
0x142: {  	v29 =	vbroadcast v38, $0xF;
	v26 =	vsel vm1, v26, v51;
	[tilespmem:$0x1FC60] =	vst v61;
	v61 =	vld [tilespmem:$0x1F6F0]  }
0x143: {  	[tilespmem:$0x1FB60] =	vst v24;
	v24 =	vsel vm2, v18, v60;
	v18 =	vsel vm2, v26, v47;
	v26 =	vld [tilespmem:$0x1F5D0]  }
0x144: {  	v44, _, _ =	vpop (xrf2);
	v20 =	vsel vm3, v19, v29;
	v29 =	vld [tilespmem:$0x3510]  }
0x145: {  	[tilespmem:$0x1FBF0] =	vst v31;
	v31 =	vbroadcast v44, $0xF;
	v44 =	vld [tilespmem:$0x1F630]  }
0x146: {  	v47 =	vld [tilespmem:$0x1F640]  }
0x147: {  	[tilespmem:$0x1FC70] =	vst v33;
	v33 =	vld [tilespmem:$0x1F680]  }
0x148: {  	[tilespmem:$0x1FC90] =	vst v55;
	v55 =	vld [tilespmem:$0x1F6D0]  }
0x149: {  	[tilespmem:$0x1FC10] =	vst v46;
	v51, _, _ =	vpop (xrf2);
	v46 =	vld [tilespmem:$0x3580]  }
0x14a: {  	v63 =	vadd.f32 v59, v57;
	v57 =	vld [tilespmem:$0x1F670];
	v32 =	vbroadcast v51, $0xF  }
0x14b: {  	v11 =	vsel vm2, v11, v62;
	v16 =	vsel vm3, v24, v31;
	v31 =	vld [tilespmem:$0x1F5E0]  }
0x14c: {  	v60, _, _ =	vpop (xrf2);
	v19 =	vsel vm3, v11, v32;
	v32 =	vld [tilespmem:$0x1F5F0]  }
0x14d: {  	[tilespmem:$0x1FC00] =	vst v35;
	v51 =	vld [tilespmem:$0x1F650];
	v62 =	vbroadcast v60, $0xF  }
0x14e: {  	v35 =	vmul.f32 v34, v21;
	v38 =	vmul.f32 v36, v25;
	[tilespmem:$0x1FCA0] =	vst v39;
	v39 =	vld [tilespmem:$0x1F6A0]  }
0x14f: {  	v24 =	vsel vm3, v23, v62;
	v62 =	vld [tilespmem:$0x35B0]  }
0x150: {  	v23 =	vadd.f32 v38, v35;
	v35 =	vld [tilespmem:$0x1F690]  }
0x151: {  	v38 =	vld [tilespmem:$0x3600];
	v0 =	vmul.f32 v31, v0;
	v1 =	vmul.f32 v32, v1  }
0x152: {  	v28 =	vmul.f32 v26, v2;
	v59 =	vmul.f32 v57, v25;
	v57 =	vld [tilespmem:$0x3620]  }
0x153: {  	v0 =	vadd.f32 v1, v0;
	v1 =	vmul.f32 v42, v2;
	v2 =	vmul.f32 v44, v27;
	v44 =	vld [tilespmem:$0x1F6B0]  }
0x154: {  	v31 =	vld [tilespmem:$0x35A0]  }
0x155: {  	[tilespmem:$0x1FC20] =	vst v52;
	v52 =	vmul.f32 v51, v17;
	v51 =	vld [tilespmem:$0x1F6C0]  }
0x156: {  	[tilespmem:$0x1FC30] =	vst v29;
	v36 =	vmul.f32 v35, v17;
	v35 =	vld [tilespmem:$0x3630]  }
0x157: {  	[tilespmem:$0x1FC80] =	vst v46;
	v27 =	vmul.f32 v47, v27;
	v47 =	vld [tilespmem:$0x3610]  }
0x158: {  	[tilespmem:$0x1FCC0] =	vst v38;
	v0 =	vadd.f32 v1, v0;
	v1 =	vmul.f32 v56, v21;
	v46 =	vmul.f32 v44, v25;
	v44 =	vld [tilespmem:$0x3680]  }
0x159: {  	v42 =	vmul.f32 v39, v21;
	[tilespmem:$0x1FD00] =	vst v57;
	v39 =	vld [tilespmem:$0x1F710]  }
0x15a: {  	v32 =	vadd.f32 v52, v23;
	[tilespmem:$0x1FCB0] =	vst v31;
	v52 =	vmul.f32 v51, v21;
	v51 =	vld [tilespmem:$0x1F730];
	v1 =	vadd.f32 v59, v1  }
0x15b: {  	v59 =	vld [tilespmem:$0x1F6E0];
	[tilespmem:$0x1FD20] =	vst v35  }
0x15c: {  	[tilespmem:$0x1FCD0] =	vst v47;
	v1 =	vadd.f32 v36, v1;
	v36 =	vld [tilespmem:$0x1F700]  }
0x15d: {  	v56 =	vmul.f32 v55, v25;
	v23 =	vadd.f32 v46, v42;
	v46 =	vld [tilespmem:$0x1F720];
	[tilespmem:$0x1FCE0] =	vst v44  }
0x15e: {  	v55 =	vld [tilespmem:$0x3690]  }
0x15f: {  	v26 =	vadd.f32 v56, v52;
	v56 =	vld [tilespmem:$0x1F740]  }
0x160: {  	v60 =	vmul.f32 v59, v14;
	v59 =	vld [tilespmem:$0x36A0]  }
0x161: {  	v34 =	vmul.f32 v33, v14;
	v11 =	vadd.f32 v28, v63;
	v63 =	vmul.f32 v61, v17;
	v61 =	vld [tilespmem:$0x1F750]  }
0x162: {  	v33 =	vld [tilespmem:$0x36B0]  }
0x163: {  	v2 =	vadd.f32 v2, v11;
	v11 =	vadd.f32 v34, v32;
	v34 =	vld [tilespmem:$0x1F760]  }
0x164: {  	v42 =	vmul.f32 v39, v17;
	v35 =	vld [tilespmem:$0x1F770]  }
0x165: {  	v29 =	vld [tilespmem:$0x1B00]  }
0x166: {  	v26 =	vadd.f32 v42, v26;
	v42 =	vld [tilespmem:$0x1F790]  }
0x167: {  	v0 =	vadd.f32 v27, v0;
	v27 =	vld [tilespmem:$0x1B10]  }
0x168: {  	v23 =	vadd.f32 v63, v23;
	v38 =	vmul.f32 v36, v14;
	v28 =	vld [tilespmem:$0x1B20]  }
0x169: {  	v52 =	vmul.f32 v51, v25;
	v47 =	vmul.f32 v46, v21;
	v46 =	vld [tilespmem:$0x1F7A0]  }
0x16a: {  	v23 =	vadd.f32 v38, v23;
	v38 =	vld [tilespmem:$0x1F780]  }
0x16b: {  	v1 =	vadd.f32 v60, v1;
	v60 =	vadd.f32 v52, v47;
	v47 =	vld [tilespmem:$0x1F7B0]  }
0x16c: {  	v52 =	vld [tilespmem:$0x1F7C0]  }
0x16d: {  	[tilespmem:$0x1FCF0] =	vst v55;
	v55 =	vld [tilespmem:$0x1F7D0]  }
0x16e: {  	v57 =	vmul.f32 v56, v14;
	v36 =	vmul.f32 v35, v25;
	v35 =	vld [tilespmem:$0x1310]  }
0x16f: {  	v63 =	vmul.f32 v61, v17;
	v17 =	vmul.f32 v46, v17;
	v46 =	vld [tilespmem:$0x1320]  }
0x170: {  	v26 =	vadd.f32 v57, v26;
	v57 =	vld [tilespmem:$0x1F7E0]  }
0x171: {  	v21 =	vmul.f32 v34, v21;
	v31 =	vadd.f32 v63, v60;
	v60 =	vld [tilespmem:$0x1F7F0]  }
0x172: {  	v63 =	vld [tilespmem:$0x1300]  }
0x173: {  	v44 =	vmul.f32 v42, v3;
	v32 =	vadd.f32 v36, v21;
	v21 =	vld [tilespmem:$0x1F800]  }
0x174: {  	v39 =	vmul.f32 v38, v5;
	v51 =	vmul.f32 v47, v14;
	v47 =	vld [tilespmem:$0x1F820]  }
0x175: {  	v14 =	vmul.f32 v52, v14;
	v52 =	vld [tilespmem:$0x1F830]  }
0x176: {  	[tilespmem:$0x1FD50] =	vst v33;
	v33 =	vadd.f32 v44, v39;
	v44 =	vld [tilespmem:$0x1B30]  }
0x177: {  	v39 =	vld [tilespmem:$0x1F810];
	v56 =	vmul.f32 v55, v7  }
0x178: {  	[tilespmem:$0x1FD60] =	vst v46;
	v46 =	vld [tilespmem:$0x3710]  }
0x179: {  	v33 =	vadd.f32 v56, v33;
	v56 =	vld [tilespmem:$0x1330]  }
0x17a: {  	[tilespmem:$0x1FD10] =	vst v59;
	v59 =	vmul.f32 v57, v5;
	v57 =	vld [tilespmem:$0x1F840]  }
0x17b: {  	v61 =	vmul.f32 v60, v3;
	v60 =	vld [tilespmem:$0x1F850]  }
0x17c: {  	[tilespmem:$0x1FD30] =	vst v63;
	v63 =	vld [tilespmem:$0x3700]  }
0x17d: {  	v25 =	vmul.f32 v21, v8;
	v21 =	vld [tilespmem:$0x1F860]  }
0x17e: {  	v31 =	vadd.f32 v51, v31;
	v51 =	vmul.f32 v47, v5;
	v47 =	vld [tilespmem:$0x1F880]  }
0x17f: {  	v55 =	vmul.f32 v52, v3;
	v52 =	vld [tilespmem:$0x1F890]  }
0x180: {  	v17 =	vadd.f32 v17, v32;
	v38 =	vadd.f32 v61, v59;
	v42 =	vmul.f32 v39, v7;
	v39 =	vld [tilespmem:$0x1F870]  }
0x181: {  	[tilespmem:$0x1FD80] =	vst v46;
	v46 =	vld [tilespmem:$0x1F8D0]  }
0x182: {  	v14 =	vadd.f32 v14, v17;
	v17 =	vadd.f32 v42, v38;
	v38 =	vld [tilespmem:$0x1F9C0]  }
0x183: {  	[tilespmem:$0x1FDB0] =	vst v56;
	v56 =	vld [tilespmem:$0x3720]  }
0x184: {  	v59 =	vmul.f32 v57, v5;
	v57 =	vld [tilespmem:$0x1F8A0]  }
0x185: {  	v61 =	vmul.f32 v60, v3;
	v60 =	vld [tilespmem:$0x1F8B0]  }
0x186: {  	[tilespmem:$0x1FD70] =	vst v63;
	v63 =	vld [tilespmem:$0x3730]  }
0x187: {  	v33 =	vadd.f32 v25, v33;
	v25 =	vmul.f32 v21, v8;
	v21 =	vld [tilespmem:$0x1F8C0]  }
0x188: {  	v34 =	vadd.f32 v55, v51;
	v55 =	vmul.f32 v52, v7;
	v52 =	vld [tilespmem:$0x1F8E0];
	v32 =	vadd.f32 v61, v59  }
0x189: {  	(xrf2) =	vadd.scan.msk.f32 $0xffff, v2;
	v42 =	vmul.f32 v39, v7;
	v39 =	vld [tilespmem:$0x3780]  }
0x18a: {  	(xrf2) =	vadd.scan.msk.f32 $0xffff, v0;
	v32 =	vadd.f32 v55, v32;
	v55 =	vld [tilespmem:$0x1F8F0]  }
0x18b: {  	(xrf2) =	vadd.scan.msk.f32 $0xffff, v11;
	v51 =	vmul.f32 v47, v8;
	v47 =	vmul.f32 v46, v7;
	v46 =	vld [tilespmem:$0x1F950]  }
0x18c: {  	(xrf2) =	vadd.scan.msk.f32 $0xffff, v1;
	v1 =	vmul.f32 v38, v40;
	v38 =	vld [tilespmem:$0x3910]  }
0x18d: {  	[tilespmem:$0x1FDC0] =	vst v56;
	v56 =	vld [tilespmem:$0x37A0]  }
0x18e: {  	v59 =	vmul.f32 v57, v5;
	v57 =	vld [tilespmem:$0x1F900]  }
0x18f: {  	v61 =	vmul.f32 v60, v3;
	v60 =	vld [tilespmem:$0x1F910]  }
0x190: {  	(xrf2) =	vadd.scan.msk.f32 $0xffff, v23;
	v34 =	vadd.f32 v42, v34;
	[tilespmem:$0x1FDD0] =	vst v63;
	v63 =	vld [tilespmem:$0x37B0]  }
0x191: {  	(xrf2) =	vadd.scan.msk.f32 $0xffff, v26;
	v17 =	vadd.f32 v25, v17;
	v25 =	vmul.f32 v21, v8;
	v21 =	vld [tilespmem:$0x1F920]  }
0x192: {  	(xrf2) =	vadd.scan.msk.f32 $0xffff, v31;
	v34 =	vadd.f32 v51, v34;
	v51 =	vld [tilespmem:$0x3790]  }
0x193: {  	(xrf2) =	vadd.scan.msk.f32 $0xffff, v14;
	v5 =	vmul.f32 v52, v5;
	v52 =	vld [tilespmem:$0x1F960]  }
0x194: {  	(xrf2) =	vadd.scan.msk.f32 $0xffff, v33;
	v32 =	vadd.f32 v25, v32;
	v25 =	vld [tilespmem:$0x1F930]  }
0x195: {  	(xrf2) =	vadd.scan.msk.f32 $0xffff, v17;
	[tilespmem:$0x1FD90] =	vst v39;
	v42 =	vadd.f32 v61, v59;
	v39 =	vld [tilespmem:$0x3800]  }
0x196: {  	(xrf2) =	vadd.scan.msk.f32 $0xffff, v34;
	v34 =	vld [tilespmem:$0x1FB00]  }
0x197: {  	[tilespmem:$0x1FD40] =	vst v35;
	v35 =	vadd.f32 v47, v42;
	v42 =	vld [tilespmem:$0x1F940]  }
0x198: {  	v3 =	vmul.f32 v55, v3;
	v55 =	vld [tilespmem:$0x1F970]  }
0x199: {  	v47 =	vmul.f32 v46, v37;
	v46 =	vld [tilespmem:$0x1F9E0]  }
0x19a: {  	[tilespmem:$0x1FE50] =	vst v38;
	v38 =	vld [tilespmem:$0x1BB0]  }
0x19b: {  	v59 =	vmul.f32 v57, v40;
	v57 =	vld [tilespmem:$0x3820]  }
0x19c: {  	v61 =	vmul.f32 v60, v41;
	v60 =	vld [tilespmem:$0x1F980]  }
0x19d: {  	[tilespmem:$0x1FE10] =	vst v63;
	v63 =	vld [tilespmem:$0x3830]  }
0x19e: {  	[tilespmem:$0x1FDA0] =	vst v51;
	v51 =	vld [tilespmem:$0x3810]  }
0x19f: {  	v3 =	vadd.f32 v3, v5;
	v5 =	vmul.f32 v21, v7;
	v21 =	vld [tilespmem:$0x1F990];
	v7 =	vmul.f32 v25, v8  }
0x1a0: {  	[tilespmem:$0x1FDF0] =	vst v39;
	v36 =	vadd.f32 v61, v59;
	v39 =	vld [tilespmem:$0x1F9D0]  }
0x1a1: {  	v2 =	vadd.f32 v7, v35;
	v35 =	vld [tilespmem:$0x1F9A0]  }
0x1a2: {  	v59 =	vadd.f32 v47, v36;
	v36 =	vld [tilespmem:$0x1F9B0]  }
0x1a3: {  	v3 =	vadd.f32 v5, v3;
	v5 =	vmul.f32 v52, v40;
	v52 =	vld [tilespmem:$0x38B0]  }
0x1a4: {  	v8 =	vmul.f32 v42, v8;
	v47 =	vld [tilespmem:$0x1F9F0]  }
0x1a5: {  	v42 =	vld [tilespmem:$0x38A0];
	v61 =	vmul.f32 v60, v22  }
0x1a6: {  	[tilespmem:$0x1FDE0] =	vst v56;
	v56 =	vmul.f32 v55, v41;
	v55 =	vld [tilespmem:$0x1FA00];
	v3 =	vadd.f32 v8, v3  }
0x1a7: {  	v7 =	vadd.f32 v61, v59;
	v61 =	vld [tilespmem:$0x1FA20];
	v8 =	vmul.f32 v35, v40;
	v11 =	vmul.f32 v36, v41  }
0x1a8: {  	v35 =	vld [tilespmem:$0x1FA30]  }
0x1a9: {  	[tilespmem:$0x1FE00] =	vst v51;
	v59 =	vld [tilespmem:$0x3900];
	v51 =	vmul.f32 v47, v37;
	v8 =	vadd.f32 v11, v8  }
0x1aa: {  	v12 =	vadd.f32 v56, v5;
	v5 =	vmul.f32 v21, v37;
	v47 =	vld [tilespmem:$0x1FA50]  }
0x1ab: {  	[tilespmem:$0x1FE20] =	vst v57;
	v57 =	vld [tilespmem:$0x1FA10];
	v56 =	vmul.f32 v55, v22;
	v8 =	vadd.f32 v51, v8  }
0x1ac: {  	v0 =	vadd.f32 v5, v12;
	[tilespmem:$0x1FE80] =	vst v52;
	v52 =	vld [tilespmem:$0x1FA60];
	v11 =	vmul.f32 v46, v22  }
0x1ad: {  	[tilespmem:$0x1FE70] =	vst v63;
	v63 =	vmul.f32 v61, v40;
	v36 =	vmul.f32 v35, v41;
	v26 =	vadd.f32 v56, v8;
	v56 =	vld [tilespmem:$0x1FA70]  }
0x1ae: {  	[tilespmem:$0x1FE60] =	vst v42;
	v42 =	vld [tilespmem:$0x1FA40]  }
0x1af: {  	[tilespmem:$0x1FE40] =	vst v59;
	v59 =	vld [tilespmem:$0x1FA80];
	v14 =	vadd.f32 v11, v0;
	v11 =	vmul.f32 v47, v37;
	v46 =	vadd.f32 v36, v63  }
0x1b0: {  	v5 =	vmul.f32 v39, v41;
	v51 =	vld [tilespmem:$0x3930]  }
0x1b1: {  	v31 =	vadd.f32 v11, v46;
	v11 =	vld [tilespmem:$0x1FAA0]  }
0x1b2: {  	v1 =	vadd.f32 v5, v1;
	v5 =	vmul.f32 v57, v37;
	v57 =	vmul.f32 v56, v41;
	v41 =	vld [tilespmem:$0x1FAB0]  }
0x1b3: {  	v25 =	vld [tilespmem:$0x3880]  }
0x1b4: {  	v46 =	vld [tilespmem:$0x1FAC0]  }
0x1b5: {  	v55 =	vmul.f32 v52, v40;
	[tilespmem:$0x1FEB0] =	vst v51;
	v51 =	vld [tilespmem:$0x1FAD0]  }
0x1b6: {  	v39 =	vadd.f32 v5, v1;
	v1 =	vmul.f32 v42, v22;
	v63 =	vld [tilespmem:$0x1FA90];
	v61 =	vmul.f32 v59, v37  }
0x1b7: {  	v59 =	vld [tilespmem:$0x1380];
	v12 =	vmul.f32 v11, v9;
	v42 =	vmul.f32 v41, v13  }
0x1b8: {  	v35, _, _ =	vpop (xrf2);
	(xrf2) =	vadd.scan.msk.f32 $0xffff, v32;
	v56 =	vld [tilespmem:$0x1FAE0];
	v17 =	vadd.f32 v57, v55  }
0x1b9: {  	v1 =	vadd.f32 v1, v39;
	v36, _, _ =	vpop (xrf2);
	(xrf2) =	vadd.scan.msk.f32 $0xffff, v2;
	v55 =	vadd.f32 v42, v12;
	v42 =	vld [tilespmem:$0x1FB10]  }
0x1ba: {  	v39, _, _ =	vpop (xrf2);
	(xrf2) =	vadd.scan.msk.f32 $0xffff, v3;
	v47 =	vmul.f32 v46, v9;
	v52 =	vmul.f32 v51, v13;
	v3 =	vadd.f32 v61, v17;
	v61 =	vld [tilespmem:$0x1FAF0]  }
0x1bb: {  	v41 =	vld [tilespmem:$0x1390]  }
0x1bc: {  	v11 =	vadd.f32 v52, v47;
	v47 =	vld [tilespmem:$0x1FB20]  }
0x1bd: {  	v57 =	vmul.f32 v56, v15;
	v52 =	vld [tilespmem:$0x13A0]  }
0x1be: {  	v40 =	vmul.f32 v34, v15;
	v32, _, _ =	vpop (xrf2);
	(xrf2) =	vadd.scan.msk.f32 $0xffff, v7;
	v46 =	vmul.f32 v42, v9;
	v42 =	vld [tilespmem:$0x1FB50]  }
0x1bf: {  	v33, _, _ =	vpop (xrf2);
	(xrf2) =	vadd.scan.msk.f32 $0xffff, v14;
	v14 =	vadd.f32 v57, v55;
	v55 =	vld [tilespmem:$0x1FB30]  }
0x1c0: {  	v8 =	vmul.f32 v63, v22;
	v57 =	vld [tilespmem:$0x1FB40]  }
0x1c1: {  	v60 =	vld [tilespmem:$0x3890];
	[tilespmem:$0x1FE30] =	vst v25;
	v34, _, _ =	vpop (xrf2);
	(xrf2) =	vadd.scan.msk.f32 $0xffff, v26;
	v63 =	vmul.f32 v61, v22;
	v51 =	vmul.f32 v47, v13  }
0x1c2: {  	v21 =	vld [tilespmem:$0x1B90];
	[tilespmem:$0x1FE90] =	vst v59;
	v2 =	vadd.f32 v8, v31;
	v22 =	vadd.f32 v40, v11;
	v40, _, _ =	vpop (xrf2);
	(xrf2) =	vadd.scan.msk.f32 $0xffff, v1  }
0x1c3: {  	v25 =	vld [tilespmem:$0x1B80];
	[tilespmem:$0x1FEA0] =	vst v41;
	v11 =	vadd.f32 v63, v3;
	v41 =	vadd.f32 v51, v46;
	v46 =	vmul.f32 v42, v15  }
0x1c4: {  	v8 =	vld [tilespmem:$0x13B0];
	[tilespmem:$0x1FEC0] =	vst v52;
	v17, _, _ =	vpop (xrf2);
	(xrf2) =	vadd.scan.msk.f32 $0xffff, v2;
	v52 =	vbroadcast v35, $0xF;
	v56 =	vmul.f32 v55, v58  }
0x1c5: {  	v5 =	vld [tilespmem:$0x3920];
	v35 =	vmul.f32 v49, v58;
	v26, _, _ =	vpop (xrf2);
	(xrf2) =	vadd.scan.msk.f32 $0xffff, v11;
	v59 =	vmul.f32 v57, v58;
	v11 =	vadd.f32 v46, v41  }
0x1c6: {  	v37 =	vld [tilespmem:$0x1BA0];
	v12 =	vbroadcast v36, $0xF;
	v47 =	vadd.f32 v56, v14  }
0x1c7: {  	v31 =	vld [tilespmem:$0x3A90];
	v36, _, _ =	vpop (xrf2);
	v51 =	vadd.f32 v59, v22;
	v1 =	vadd.f32 v35, v11;
	v11 =	vbroadcast v33, $0xF  }
0x1c8: {  	v61 =	vld [tilespmem:$0x3980];
	v42, _, _ =	vpop (xrf2);
	(xrf2) =	vadd.scan.msk.f32 $0xffff, v47  }
0x1c9: {  	v39 =	vbroadcast v39, $0xF;
	[tilespmem:$0x1FED0] =	vst v8;
	v8 =	vbroadcast v40, $0xF;
	v49 =	vld [tilespmem:$0x3A20];
	v14, _, _ =	vpop (xrf2);
	(xrf2) =	vadd.scan.msk.f32 $0xffff, v51  }
0x1ca: {  	v40 =	vld [tilespmem:$0x1FB70];
	v17 =	vbroadcast v17, $0xF;
	v57 =	vbroadcast v34, $0xF;
	v34, _, _ =	vpop (xrf2)  }
0x1cb: {  	v2 =	vsel vm4, v20, v39;
	v39 =	vld [tilespmem:$0x3BA0];
	v3 =	vsel vm3, v18, v12;
	v7 =	vsel vm4, v19, v11;
	(xrf2) =	vadd.scan.msk.f32 $0xffff, v1;
	v11, _, _ =	vpop (xrf2)  }
0x1cc: {  	v63 =	vld [tilespmem:$0x39A0];
	v3 =	vsel vm4, v3, v17;
	v41 =	vbroadcast v32, $0xF;
	v32 =	vbroadcast v26, $0xF;
	v35, _, _ =	vpop (xrf2)  }
0x1cd: {  	v55 =	vld [tilespmem:$0x3A30];
	v22 =	vsel vm3, v30, v52;
	v46 =	vbroadcast v42, $0xF;
	v14 =	vbroadcast v14, $0xF;
	v52, _, _ =	vpop (xrf2)  }
0x1ce: {  	v56 =	vld [tilespmem:$0x3990];
	v24 =	vsel vm4, v24, v57;
	v0 =	vbroadcast v34, $0xF;
	v33 =	vbroadcast v36, $0xF;
	v57, _, _ =	vpop (xrf2)  }
0x1cf: {  	v59 =	vld [tilespmem:$0x39B0];
	v1 =	vsel vm4, v22, v8;
	v19 =	vbroadcast v11, $0xF;
	v11 =	vbroadcast v35, $0xF;
	v8, _, _ =	vpop (xrf2)  }
0x1d0: {  	v47 =	vld [tilespmem:$0x3A10];
	v12 =	vsel vm4, v16, v41;
	v2 =	vsel vm5, v2, v32;
	v14 =	vsel vm5, v24, v14;
	v22, _, _ =	vpop (xrf2)  }
0x1d1: {  	v51 =	vld [tilespmem:$0x3A00];
	v18 =	vsel vm5, v12, v33;
	v7 =	vsel vm5, v7, v46;
	v12 =	vbroadcast v52, $0xF;
	v41, _, _ =	vpop (xrf2)  }
0x1d2: {  	v42 =	vld [tilespmem:$0x3A80];
	v1 =	vsel vm5, v1, v0;
	v3 =	vsel vm5, v3, v19;
	v23 =	vbroadcast v57, $0xF;
	v57, _, _ =	vpop (xrf2)  }
0x1d3: {  	v34 =	vld [tilespmem:$0x3B10];
	v2 =	vsel vm6, v2, v11;
	v24 =	vsel vm6, v18, v12;
	v30 =	vbroadcast v8, $0xF;
	v11, _, _ =	vpop (xrf2)  }
0x1d4: {  	v7 =	vsel vm6, v7, v23;
	v23 =	vld [tilespmem:$0x1FB60];
	v18 =	vbroadcast v57, $0xF;
	v20 =	vbroadcast v11, $0xF  }
0x1d5: {  	v32 =	vld [tilespmem:$0x3B80];
	v8 =	vbroadcast v22, $0xF;
	v19 =	vbroadcast v41, $0xF;
	v16 =	vsel vm6, v14, v30;
	v11, _, _ =	vpop (xrf2)  }
0x1d6: {  	[tilespmem:$0x1FEE0] =	vst v16;
	v16 =	vsel vm7, v2, v18;
	v17 =	vbroadcast v11, $0xF;
	v18 =	vsel vm7, v24, v20;
	v24 =	vld [tilespmem:$0x1FB90]  }
0x1d7: {  	v22 =	vsel vm6, v1, v8;
	v12 =	vsel vm6, v3, v19;
	v19 =	vld [tilespmem:$0x1FB80]  }
0x1d8: {  	v36 =	vmul.f32 v53, v10;
	[tilespmem:$0x1FEF0] =	vst v22;
	v22 =	vsel vm7, v7, v17;
	v17 =	vld [tilespmem:$0x1FBB0]  }
0x1d9: {  	v53 =	vld [tilespmem:$0x1FBE0];
	v8 =	vmul.f32 v40, v13;
	v26 =	vmul.f32 v23, v9  }
0x1da: {  	[tilespmem:$0x1FF30] =	vst v22;
	v22 =	vld [tilespmem:$0x1FBD0]  }
0x1db: {  	[tilespmem:$0x1FF10] =	vst v16;
	v23 =	vmul.f32 v43, v9;
	v16 =	vld [tilespmem:$0x1FBA0];
	v1 =	vadd.f32 v8, v26;
	v26 =	vmul.f32 v24, v13  }
0x1dc: {  	v20 =	vmul.f32 v19, v15;
	v19 =	vld [tilespmem:$0x1FBC0]  }
0x1dd: {  	v33 =	vld [tilespmem:$0x3B90];
	[tilespmem:$0x1FF20] =	vst v18;
	v18 =	vmul.f32 v17, v15;
	v7 =	vadd.f32 v26, v23  }
0x1de: {  	v46 =	vld [tilespmem:$0x3AA0];
	v30 =	vadd.f32 v20, v1  }
0x1df: {  	v35 =	vld [tilespmem:$0x3B00];
	v20 =	vmul.f32 v48, v58;
	v23 =	vmul.f32 v22, v58;
	v7 =	vadd.f32 v18, v7  }
0x1e0: {  	v50 =	vmul.f32 v50, v9;
	v52 =	vld [tilespmem:$0x3AB0];
	v13 =	vmul.f32 v16, v13  }
0x1e1: {  	v15 =	vmul.f32 v19, v15;
	v19 =	vadd.f32 v20, v30;
	v20 =	vadd.f32 v23, v7;
	v7 =	vld [tilespmem:$0x1FC00]  }
0x1e2: {  	v41 =	vld [tilespmem:$0x3B20]  }
0x1e3: {  	v8 =	vmul.f32 v53, v6;
	v53 =	vld [tilespmem:$0x1FBF0];
	v13 =	vadd.f32 v13, v50  }
0x1e4: {  	v18 =	vmul.f32 v54, v10;
	v54 =	vld [tilespmem:$0x1FC30]  }
0x1e5: {  	v30 =	vadd.f32 v15, v13;
	v13 =	vld [tilespmem:$0x1FC10]  }
0x1e6: {  	v36 =	vadd.f32 v8, v36;
	v15 =	vld [tilespmem:$0x1FC20];
	v8 =	vmul.f32 v7, v4  }
0x1e7: {  	v7 =	vld [tilespmem:$0x1FC40]  }
0x1e8: {  	v58 =	vmul.f32 v53, v58;
	v36 =	vadd.f32 v8, v36;
	v8 =	vld [tilespmem:$0x1FC50]  }
0x1e9: {  	v57 =	vld [tilespmem:$0x3B30]  }
0x1ea: {  	v40 =	vld [tilespmem:$0x3BB0];
	v22 =	vadd.f32 v58, v30;
	v58 =	vmul.f32 v54, v6  }
0x1eb: {  	v11 =	vld [tilespmem:$0x1C00];
	v14 =	vmul.f32 v13, v10;
	v17 =	vmul.f32 v15, v6  }
0x1ec: {  	v50 =	vmul.f32 v7, v45;
	v7 =	vld [tilespmem:$0x1FC70]  }
0x1ed: {  	v43 =	vadd.f32 v58, v18;
	v18 =	vld [tilespmem:$0x1FC90];
	v48 =	vadd.f32 v17, v14;
	v13 =	vmul.f32 v8, v4  }
0x1ee: {  	v14 =	vld [tilespmem:$0x3C00]  }
0x1ef: {  	v48 =	vadd.f32 v13, v48;
	v13 =	vld [tilespmem:$0x1FC80]  }
0x1f0: {  	v8 =	vld [tilespmem:$0x3C10]  }
0x1f1: {  	v0 =	vmul.f32 v7, v4;
	v7 =	vld [tilespmem:$0x1FCA0]  }
0x1f2: {  	[tilespmem:$0x1FF00] =	vst v12;
	v12 =	vld [tilespmem:$0x1C20]  }
0x1f3: {  	v54 =	vld [tilespmem:$0x1FCC0]  }
0x1f4: {  	v15 =	vld [tilespmem:$0x1FC60];
	v1 =	vmul.f32 v18, v6;
	[tilespmem:$0x1FF40] =	vst v14;
	v14 =	vmul.f32 v13, v10  }
0x1f5: {  	v58 =	vld [tilespmem:$0x3C20]  }
0x1f6: {  	[tilespmem:$0x1FF50] =	vst v8;
	v0 =	vadd.f32 v0, v43;
	v8 =	vmul.f32 v7, v45;
	v1 =	vadd.f32 v1, v14;
	v14 =	vld [tilespmem:$0x1FCB0]  }
0x1f7: {  	v13 =	vld [tilespmem:$0x3C30]  }
0x1f8: {  	v18 =	vadd.f32 v8, v0;
	v8 =	vld [tilespmem:$0x1FCD0]  }
0x1f9: {  	v53 =	vld [tilespmem:$0x3C80]  }
0x1fa: {  	[tilespmem:$0x1FF60] =	vst v58;
	v58 =	vmul.f32 v54, v10;
	v54 =	vld [tilespmem:$0x1FD00]  }
0x1fb: {  	v17 =	vmul.f32 v15, v45;
	v15 =	vmul.f32 v14, v4;
	v14 =	vld [tilespmem:$0x3C90]  }
0x1fc: {  	v9 =	vld [tilespmem:$0x1C10]  }
0x1fd: {  	v16 =	vld [tilespmem:$0x1C30];
	[tilespmem:$0x1FF70] =	vst v13;
	v13 =	vmul.f32 v8, v6  }
0x1fe: {  	v24 =	vld [tilespmem:$0x1400]  }
0x1ff: {  	[tilespmem:$0x1FF80] =	vst v53;
	v53 =	vld [tilespmem:$0x3CA0];
	v50 =	vadd.f32 v50, v36;
	v36 =	vadd.f32 v13, v58;
	v58 =	vmul.f32 v54, v4  }
0x200: {  	[tilespmem:$0x1FF90] =	vst v14;
	v14 =	vld [tilespmem:$0x1FD20]  }
0x201: {  	v36 =	vadd.f32 v58, v36;
	v58 =	vld [tilespmem:$0x1FD50]  }
0x202: {  	v43 =	vld [tilespmem:$0x1FCF0]  }
0x203: {  	v17 =	vadd.f32 v17, v48;
	v48 =	vld [tilespmem:$0x1FD40]  }
0x204: {  	v1 =	vadd.f32 v15, v1;
	v15 =	vld [tilespmem:$0x1FCE0]  }
0x205: {  	v8 =	vld [tilespmem:$0x3CB0];
	v13 =	vmul.f32 v62, v45  }
0x206: {  	[tilespmem:$0x1FFC0] =	vst v53;
	v53 =	vmul.f32 v14, v45;
	v62 =	vmul.f32 v58, v45;
	v45 =	vld [tilespmem:$0x1FD60]  }
0x207: {  	v6 =	vmul.f32 v43, v6;
	v43 =	vld [tilespmem:$0x1FD30]  }
0x208: {  	v54 =	vld [tilespmem:$0x3D10]  }
0x209: {  	v10 =	vmul.f32 v15, v10;
	v15 =	vld [tilespmem:$0x3D00]  }
0x20a: {  	v14 =	vadd.f32 v53, v36;
	v36 =	vld [tilespmem:$0x1FD90]  }
0x20b: {  	v0 =	vmul.f32 v48, v27;
	v48 =	vmul.f32 v45, v28;
	v45 =	vld [tilespmem:$0x1FDA0]  }
0x20c: {  	v7 =	vld [tilespmem:$0x1FD10];
	v43 =	vmul.f32 v43, v29  }
0x20d: {  	[tilespmem:$0x1FFE0] =	vst v8;
	v8 =	vld [tilespmem:$0x1FDC0]  }
0x20e: {  	[tilespmem:$0x1FFB0] =	vst v54;
	v0 =	vadd.f32 v0, v43;
	v54 =	vld [tilespmem:$0x1FD70]  }
0x20f: {  	v58 =	vld [tilespmem:$0x1FD80]  }
0x210: {  	[tilespmem:$0x1FFA0] =	vst v15;
	v15 =	vld [tilespmem:$0x3D20];
	v3 =	vadd.f32 v48, v0;
	v43 =	vmul.f32 v36, v29;
	v48 =	vmul.f32 v45, v27  }
0x211: {  	v4 =	vmul.f32 v7, v4;
	v6 =	vadd.f32 v6, v10;
	v36 =	vld [tilespmem:$0x1FDD0]  }
0x212: {  	v10 =	vadd.f32 v48, v43;
	v43 =	vld [tilespmem:$0x1FDE0]  }
0x213: {  	v26 =	vld [tilespmem:$0x1420];
	v4 =	vadd.f32 v4, v6  }
0x214: {  	v23 =	vld [tilespmem:$0x1410]  }
0x215: {  	v7 =	vld [tilespmem:$0x1FDB0];
	[tilespmem:$0x1FFD0] =	vst v15;
	v15 =	vadd.f32 v62, v4;
	v4 =	vmul.f32 v54, v29  }
0x216: {  	v62 =	vmul.f32 v58, v27;
	v0 =	vmul.f32 v8, v28;
	v8 =	vld [tilespmem:$0x1FE00]  }
0x217: {  	(xrf2) =	vadd.scan.msk.f32 $0xffff, v19;
	v45 =	vld [tilespmem:$0x1FDF0];
	v2 =	vmul.f32 v36, v44;
	v36 =	vmul.f32 v43, v28  }
0x218: {  	v30 =	vld [tilespmem:$0x1430];
	(xrf2) =	vadd.scan.msk.f32 $0xffff, v20;
	v4 =	vadd.f32 v62, v4  }
0x219: {  	(xrf2) =	vadd.scan.msk.f32 $0xffff, v22;
	v10 =	vadd.f32 v36, v10;
	v36 =	vld [tilespmem:$0x1FE10]  }
0x21a: {  	(xrf2) =	vadd.scan.msk.f32 $0xffff, v50;
	v50 =	vmul.f32 v56, v21;
	v56 =	vld [tilespmem:$0x14A0];
	v4 =	vadd.f32 v0, v4  }
0x21b: {  	v6 =	vmul.f32 v7, v44;
	v53 =	vld [tilespmem:$0x3D30]  }
0x21c: {  	v0 =	vmul.f32 v8, v27;
	v7 =	vadd.f32 v2, v4;
	v4 =	vld [tilespmem:$0x1FE30];
	v48 =	vmul.f32 v45, v29  }
0x21d: {  	v58 =	vld [tilespmem:$0x3D80]  }
0x21e: {  	v45 =	vadd.f32 v6, v3;
	v0 =	vadd.f32 v0, v48;
	v48 =	vld [tilespmem:$0x1FE20];
	v6 =	vmul.f32 v36, v44  }
0x21f: {  	v54 =	vld [tilespmem:$0x3D90]  }
0x220: {  	v8 =	vadd.f32 v6, v10;
	v6 =	vld [tilespmem:$0x1FE40]  }
0x221: {  	[tilespmem:$0x1FFF0] =	vst v53;
	v53 =	vld [tilespmem:$0x3DB0];
	v4 =	vmul.f32 v4, v29;
	v10 =	vmul.f32 v60, v27  }
0x222: {  	v62 =	vld [tilespmem:$0x3DA0]  }
0x223: {  	v13 =	vadd.f32 v13, v1;
	v1 =	vmul.f32 v48, v28;
	v4 =	vadd.f32 v10, v4;
	v10 =	vld [tilespmem:$0x1FE60]  }
0x224: {  	v43 =	vld [tilespmem:$0x3E00]  }
0x225: {  	v3 =	vadd.f32 v1, v0;
	v1 =	vmul.f32 v6, v29;
	v6 =	vld [tilespmem:$0x1FE50]  }
0x226: {  	v48 =	vld [tilespmem:$0x3E20]  }
0x227: {  	v36 =	vld [tilespmem:$0x3E10]  }
0x228: {  	v60 =	vld [tilespmem:$0x3E30];
	v29 =	vmul.f32 v10, v28  }
0x229: {  	v28 =	vmul.f32 v5, v28;
	v5 =	vld [tilespmem:$0x1FE80]  }
0x22a: {  	v19 =	vadd.f32 v29, v4;
	v29 =	vld [tilespmem:$0x1FE90];
	v27 =	vmul.f32 v6, v27  }
0x22b: {  	v4 =	vld [tilespmem:$0x1FEA0]  }
0x22c: {  	v1 =	vadd.f32 v27, v1;
	v27 =	vld [tilespmem:$0x1FE70]  }
0x22d: {  	v10 =	vld [tilespmem:$0x1C90]  }
0x22e: {  	v1 =	vadd.f32 v28, v1;
	v28 =	vld [tilespmem:$0x1FEB0]  }
0x22f: {  	v6 =	vld [tilespmem:$0x1C80];
	v2 =	vmul.f32 v5, v44  }
0x230: {  	v5 =	vld [tilespmem:$0x1CA0];
	v29 =	vmul.f32 v29, v25;
	v0 =	vmul.f32 v4, v21  }
0x231: {  	v4 =	vld [tilespmem:$0x1CB0];
	v27 =	vmul.f32 v27, v44  }
0x232: {  	v22 =	vadd.f32 v0, v29;
	v29 =	vld [tilespmem:$0x1FEC0]  }
0x233: {  	v0 =	vld [tilespmem:$0x1490];
	v20 =	vadd.f32 v27, v3;
	v3 =	vmul.f32 v28, v44  }
0x234: {  	v31 =	vmul.f32 v31, v21;
	v44 =	vld [tilespmem:$0x1480]  }
0x235: {  	(xrf2) =	vadd.scan.msk.f32 $0xffff, v17;
	v19 =	vadd.f32 v2, v19;
	v28 =	vld [tilespmem:$0x3E90];
	v2 =	vadd.f32 v3, v1;
	v1 =	vmul.f32 v61, v25  }
0x236: {  	v55 =	vmul.f32 v55, v38;
	v52 =	vmul.f32 v52, v38;
	(xrf2) =	vadd.scan.msk.f32 $0xffff, v18;
	v3 =	vld [tilespmem:$0x14B0]  }
0x237: {  	v23 =	vmul.f32 v23, v9;
	(xrf2) =	vadd.scan.msk.f32 $0xffff, v13;
	v27 =	vmul.f32 v29, v37;
	v1 =	vadd.f32 v50, v1;
	v50 =	vld [tilespmem:$0x1FED0]  }
0x238: {  	(xrf2) =	vadd.scan.msk.f32 $0xffff, v14;
	v61 =	vmul.f32 v47, v21;
	v47 =	vmul.f32 v42, v25;
	v29 =	vld [tilespmem:$0x3EB0]  }
0x239: {  	(xrf2) =	vadd.scan.msk.f32 $0xffff, v15;
	v42 =	vld [tilespmem:$0x4080];
	v17 =	vadd.f32 v27, v22;
	v22 =	vmul.f32 v51, v25;
	v51 =	vmul.f32 v63, v37  }
0x23a: {  	(xrf2) =	vadd.scan.msk.f32 $0xffff, v45;
	v27 =	vld [tilespmem:$0x3E80];
	v63 =	vmul.f32 v49, v37;
	v14 =	vadd.f32 v31, v47;
	v47 =	vmul.f32 v40, v38  }
0x23b: {  	(xrf2) =	vadd.scan.msk.f32 $0xffff, v7;
	v31 =	vld [tilespmem:$0x3F00];
	v13 =	vadd.f32 v61, v22;
	v61 =	vmul.f32 v59, v38;
	v59 =	vmul.f32 v46, v37  }
0x23c: {  	v49, _, _ =	vpop (xrf2);
	(xrf2) =	vadd.scan.msk.f32 $0xffff, v8;
	v8 =	vld [tilespmem:$0x3F30];
	v1 =	vadd.f32 v51, v1;
	v51 =	vmul.f32 v32, v25;
	v18 =	vmul.f32 v50, v38  }
0x23d: {  	v40 =	vld [tilespmem:$0x40B0];
	v13 =	vadd.f32 v63, v13;
	v63 =	vmul.f32 v34, v21;
	v14 =	vadd.f32 v59, v14  }
0x23e: {  	v32 =	vld [tilespmem:$0x3F80];
	v15 =	vadd.f32 v18, v17;
	v18 =	vadd.f32 v61, v1;
	v61 =	vmul.f32 v35, v25  }
0x23f: {  	v59 =	vmul.f32 v41, v37;
	v34 =	vld [tilespmem:$0x3F90];
	v7 =	vadd.f32 v55, v13;
	v55 =	vmul.f32 v33, v21  }
0x240: {  	v45, _, _ =	vpop (xrf2);
	v41 =	vmul.f32 v39, v37;
	v37 =	vld [tilespmem:$0x4000];
	v13 =	vadd.f32 v63, v61;
	v61 =	vmul.f32 v24, v11  }
0x241: {  	(xrf2) =	vadd.scan.msk.f32 $0xffff, v20;
	v39 =	vld [tilespmem:$0x4030];
	v21, _, _ =	vpop (xrf2);
	v14 =	vadd.f32 v52, v14;
	v52 =	vmul.f32 v26, v12;
	v24 =	vadd.f32 v55, v51  }
0x242: {  	v50 =	vld [tilespmem:$0x3EA0];
	(xrf2) =	vadd.scan.msk.f32 $0xffff, v19;
	v25, _, _ =	vpop (xrf2);
	v51 =	vmul.f32 v57, v38;
	v63 =	vadd.f32 v59, v13;
	v46 =	vadd.f32 v23, v61  }
0x243: {  	(xrf2) =	vadd.scan.msk.f32 $0xffff, v2;
	v20, _, _ =	vpop (xrf2);
	v13 =	vadd.f32 v41, v24;
	v59 =	vld [tilespmem:$0x1FEE0]  }
0x244: {  	(xrf2) =	vadd.scan.msk.f32 $0xffff, v15;
	v57 =	vmul.f32 v30, v16;
	v55, _, _ =	vpop (xrf2);
	v2 =	vadd.f32 v51, v63;
	v51 =	vadd.f32 v52, v46;
	v46 =	vld [tilespmem:$0x1FEF0]  }
0x245: {  	v49 =	vbroadcast v49, $0xF;
	(xrf2) =	vadd.scan.msk.f32 $0xffff, v18;
	v26, _, _ =	vpop (xrf2);
	v13 =	vadd.f32 v47, v13;
	v47 =	vbroadcast v55, $0xF;
	v55 =	vld [tilespmem:$0x1FF00]  }
0x246: {  	(xrf2) =	vadd.scan.msk.f32 $0xffff, v7;
	v61 =	vbroadcast v45, $0xF;
	v52, _, _ =	vpop (xrf2);
	v7 =	vadd.f32 v57, v51;
	v57 =	vld [tilespmem:$0x1FF10]  }
0x247: {  	v33 =	vld [tilespmem:$0x3FA0];
	v30 =	vbroadcast v25, $0xF;
	(xrf2) =	vadd.scan.msk.f32 $0xffff, v14;
	v14, _, _ =	vpop (xrf2)  }
0x248: {  	v1 =	vld [tilespmem:$0x3F10];
	v63 =	vbroadcast v21, $0xF;
	(xrf2) =	vadd.scan.msk.f32 $0xffff, v2;
	v2, _, _ =	vpop (xrf2)  }
0x249: {  	v18 =	vsel vm7, v59, v49;
	v59 =	vbroadcast v26, $0xF;
	v26 =	vld [tilespmem:$0x1FF30];
	v49, _, _ =	vpop (xrf2)  }
0x24a: {  	v15 =	vbroadcast v52, $0xF;
	v19 =	vsel vm7, v46, v61;
	(xrf2) =	vadd.scan.msk.f32 $0xffff, v13;
	v13 =	vsel vm7, v55, v63;
	v63 =	vld [tilespmem:$0x1FF20];
	v61, _, _ =	vpop (xrf2)  }
0x24b: {  	v35 =	vld [tilespmem:$0x3F20];
	v20 =	vbroadcast v20, $0xF;
	v14 =	vbroadcast v14, $0xF;
	v17 =	vsel vm8, v57, v30;
	v30, _, _ =	vpop (xrf2)  }
0x24c: {  	v24 =	vld [tilespmem:$0x3FB0];
	v18 =	vsel vm8, v18, v59;
	v2 =	vbroadcast v2, $0xF;
	v19 =	vsel vm8, v19, v15;
	v38, _, _ =	vpop (xrf2)  }
0x24d: {  	v45 =	vld [tilespmem:$0x4010];
	v49 =	vbroadcast v49, $0xF;
	v13 =	vsel vm8, v13, v14;
	v57 =	vbroadcast v30, $0xF;
	v55, _, _ =	vpop (xrf2)  }
0x24e: {  	v41 =	vld [tilespmem:$0x4020];
	v51 =	vbroadcast v61, $0xF;
	v2 =	vsel vm9, v17, v2;
	v61 =	vbroadcast v38, $0xF;
	v59, _, _ =	vpop (xrf2)  }
0x24f: {  	v23 =	vld [tilespmem:$0x1510];
	(xrf2) =	vadd.scan.msk.f32 $0xffff, v7;
	v7 =	vsel vm8, v63, v20;
	v20 =	vsel vm8, v26, v47;
	v14 =	vsel vm9, v18, v57;
	v63, _, _ =	vpop (xrf2)  }
0x250: {  	v52 =	vld [tilespmem:$0x4090];
	v38 =	vbroadcast v55, $0xF;
	v7 =	vsel vm9, v7, v49;
	v47, _, _ =	vpop (xrf2);
	v49 =	vbroadcast v63, $0xF  }
0x251: {  	v46 =	vld [tilespmem:$0x40A0];
	v22 =	vsel vm9, v20, v51;
	v17 =	vbroadcast v59, $0xF;
	v51 =	vbroadcast v47, $0xF;
	v55, _, _ =	vpop (xrf2)  }
0x252: {  	v25 =	vsel vm9, v19, v61;
	v57 =	vbroadcast v55, $0xF;
	v59, _, _ =	vpop (xrf2);
	v20 =	vsel vm10, v7, v49;
	v49 =	vld [tilespmem:$0x1FF40]  }
0x253: {  	v2 =	vsel vm10, v2, v17;
	v17 =	vsel vm10, v22, v51;
	v61 =	vbroadcast v59, $0xF;
	v51 =	vld [tilespmem:$0x1FF50]  }
0x254: {  	v21 =	vsel vm10, v14, v57;
	v57 =	vld [tilespmem:$0x1FF60]  }
0x255: {  	v63, _, _ =	vpop (xrf2);
	v7 =	vsel vm10, v25, v61;
	v61 =	vld [tilespmem:$0x1FF80]  }
0x256: {  	v22 =	vbroadcast v63, $0xF;
	v63 =	vld [tilespmem:$0x1FF90]  }
0x257: {  	v15 =	vld [tilespmem:$0x1D10]  }
0x258: {  	v30 =	vld [tilespmem:$0x1D00]  }
0x259: {  	v13 =	vsel vm9, v13, v38;
	v59 =	vld [tilespmem:$0x1FF70];
	v14 =	vmul.f32 v49, v11;
	v18 =	vmul.f32 v51, v9  }
0x25a: {  	v13 =	vsel vm10, v13, v22;
	v22 =	vmul.f32 v61, v11;
	v61 =	vld [tilespmem:$0x1FFA0]  }
0x25b: {  	v14 =	vadd.f32 v18, v14;
	v18 =	vmul.f32 v57, v12;
	v57 =	vmul.f32 v63, v9;
	v63 =	vld [tilespmem:$0x1FFB0]  }
0x25c: {  	v26 =	vld [tilespmem:$0x1D20];
	v55, _, _ =	vpop (xrf2)  }
0x25d: {  	v19 =	vld [tilespmem:$0x1D30];
	v25 =	vbroadcast v55, $0xF  }
0x25e: {  	v38 =	vld [tilespmem:$0x1500]  }
0x25f: {  	v25 =	vsel vm11, v2, v25;
	v51 =	vmul.f32 v59, v16;
	v2 =	vadd.f32 v57, v22;
	v57 =	vld [tilespmem:$0x1FFC0]  }
0x260: {  	v47 =	vld [tilespmem:$0x1530];
	v18 =	vadd.f32 v18, v14;
	v61 =	vmul.f32 v61, v11;
	v63 =	vmul.f32 v63, v9  }
0x261: {  	v55 =	vld [tilespmem:$0x4100]  }
0x262: {  	v18 =	vadd.f32 v51, v18;
	v51 =	vadd.f32 v63, v61;
	v61 =	vld [tilespmem:$0x1FFD0]  }
0x263: {  	v49 =	vld [tilespmem:$0x1520]  }
0x264: {  	v59 =	vld [tilespmem:$0x4110];
	v22 =	vmul.f32 v57, v12  }
0x265: {  	v54 =	vmul.f32 v54, v9;
	v14 =	vld [tilespmem:$0x4120]  }
0x266: {  	v9 =	vmul.f32 v36, v9;
	v36 =	vld [tilespmem:$0x41A0];
	v2 =	vadd.f32 v22, v2;
	v22 =	vmul.f32 v58, v11  }
0x267: {  	(xrf2) =	vadd.scan.msk.f32 $0xffff, v18;
	v18 =	vld [tilespmem:$0x4420];
	v61 =	vmul.f32 v61, v12  }
0x268: {  	v22 =	vadd.f32 v54, v22;
	v54 =	vmul.f32 v62, v12;
	v62 =	vld [tilespmem:$0x1FFF0]  }
0x269: {  	v0 =	vmul.f32 v0, v10;
	v51 =	vadd.f32 v61, v51;
	v61 =	vld [tilespmem:$0x1FFE0]  }
0x26a: {  	v3 =	vmul.f32 v3, v4;
	v29 =	vmul.f32 v29, v4;
	v57 =	vld [tilespmem:$0x4130]  }
0x26b: {  	v8 =	vmul.f32 v8, v4;
	v63 =	vld [tilespmem:$0x4180];
	v11 =	vmul.f32 v43, v11  }
0x26c: {  	v39 =	vmul.f32 v39, v4;
	v1 =	vmul.f32 v1, v10;
	v58 =	vld [tilespmem:$0x4190]  }
0x26d: {  	v9 =	vadd.f32 v9, v11;
	v12 =	vmul.f32 v48, v12;
	v48 =	vld [tilespmem:$0x4200];
	v11 =	vmul.f32 v62, v16  }
0x26e: {  	v62 =	vmul.f32 v53, v16;
	v53 =	vld [tilespmem:$0x4210];
	v43 =	vmul.f32 v61, v16  }
0x26f: {  	v9 =	vadd.f32 v12, v9;
	v11 =	vadd.f32 v11, v51;
	v51 =	vmul.f32 v60, v16;
	v61 =	vld [tilespmem:$0x41B0]  }
0x270: {  	v23 =	vmul.f32 v23, v15;
	v16 =	vld [tilespmem:$0x4220];
	v43 =	vadd.f32 v43, v2;
	v2 =	vadd.f32 v54, v22  }
0x271: {  	v14 =	vmul.f32 v14, v26;
	v9 =	vadd.f32 v51, v9;
	v51 =	vld [tilespmem:$0x4290];
	v54 =	vmul.f32 v44, v6  }
0x272: {  	v60 =	vmul.f32 v27, v6;
	v44 =	vld [tilespmem:$0x4230];
	v22 =	vadd.f32 v62, v2;
	v62 =	vmul.f32 v28, v10  }
0x273: {  	v36 =	vmul.f32 v36, v26;
	v28 =	vld [tilespmem:$0x4280];
	v0 =	vadd.f32 v0, v54;
	v54 =	vmul.f32 v56, v5  }
0x274: {  	v56 =	vmul.f32 v50, v5;
	v50 =	vld [tilespmem:$0x42A0];
	v12 =	vadd.f32 v62, v60;
	v60 =	vmul.f32 v31, v6  }
0x275: {  	v2 =	vld [tilespmem:$0x1DA0];
	v0 =	vadd.f32 v54, v0;
	v62 =	vmul.f32 v32, v6;
	v54 =	vmul.f32 v34, v10  }
0x276: {  	v16 =	vmul.f32 v16, v26;
	v31 =	vld [tilespmem:$0x42B0];
	v12 =	vadd.f32 v56, v12;
	v1 =	vadd.f32 v1, v60  }
0x277: {  	v34 =	vld [tilespmem:$0x4300];
	v56 =	vmul.f32 v35, v5;
	v60 =	vadd.f32 v54, v62;
	v62 =	vmul.f32 v33, v5  }
0x278: {  	v35 =	vld [tilespmem:$0x4310];
	v54 =	vmul.f32 v37, v6;
	v6 =	vmul.f32 v42, v6  }
0x279: {  	v0 =	vadd.f32 v3, v0;
	v33 =	vld [tilespmem:$0x4330];
	v42 =	vmul.f32 v38, v30;
	v28 =	vmul.f32 v28, v30  }
0x27a: {  	v3 =	vld [tilespmem:$0x1D80];
	v1 =	vadd.f32 v56, v1;
	v56 =	vmul.f32 v45, v10;
	v10 =	vmul.f32 v52, v10  }
0x27b: {  	v38 =	vld [tilespmem:$0x15A0];
	v27 =	vadd.f32 v62, v60;
	v60 =	vmul.f32 v41, v5;
	v62 =	vmul.f32 v24, v4  }
0x27c: {  	v12 =	vadd.f32 v29, v12;
	v29 =	vld [tilespmem:$0x4320];
	v5 =	vmul.f32 v46, v5;
	v4 =	vmul.f32 v40, v4  }
0x27d: {  	v41 =	vld [tilespmem:$0x1D90];
	v45 =	vmul.f32 v55, v30;
	v46 =	vmul.f32 v59, v15  }
0x27e: {  	v52 =	vmul.f32 v49, v26;
	v40 =	vld [tilespmem:$0x15B0];
	v55 =	vmul.f32 v57, v19  }
0x27f: {  	v23 =	vadd.f32 v23, v42;
	v42 =	vld [tilespmem:$0x4380];
	v57 =	vmul.f32 v58, v15;
	v58 =	vmul.f32 v48, v30  }
0x280: {  	v59 =	vmul.f32 v53, v15;
	v48 =	vld [tilespmem:$0x43A0];
	v32 =	vadd.f32 v56, v54;
	v6 =	vadd.f32 v10, v6  }
0x281: {  	v53 =	vld [tilespmem:$0x4490];
	v8 =	vadd.f32 v8, v1;
	v10 =	vadd.f32 v62, v27;
	v54 =	vmul.f32 v47, v19  }
0x282: {  	v1 =	vld [tilespmem:$0x1DB0];
	v23 =	vadd.f32 v52, v23;
	v56 =	vmul.f32 v63, v30;
	v62 =	vmul.f32 v34, v30  }
0x283: {  	v63 =	vmul.f32 v61, v19;
	v47 =	vmul.f32 v44, v19;
	v5 =	vadd.f32 v5, v6;
	v6 =	vld [tilespmem:$0x1580]  }
0x284: {  	v52 =	vmul.f32 v31, v19;
	v37 =	vadd.f32 v60, v32;
	v32 =	vld [tilespmem:$0x1590];
	v23 =	vadd.f32 v54, v23  }
0x285: {  	v27 =	vadd.f32 v57, v56;
	v60 =	vmul.f32 v51, v15;
	v54 =	vmul.f32 v33, v19;
	v19 =	vld [tilespmem:$0x44B0]  }
0x286: {  	v15 =	vmul.f32 v35, v15;
	v4 =	vadd.f32 v4, v5;
	v5 =	vadd.f32 v46, v45;
	v46 =	vld [tilespmem:$0x4390]  }
0x287: {  	v49 =	vmul.f32 v29, v26;
	v57 =	vmul.f32 v42, v3;
	v24 =	vadd.f32 v39, v37;
	v39 =	vld [tilespmem:$0x43B0]  }
0x288: {  	(xrf2) =	vadd.scan.msk.f32 $0xffff, v43;
	v37 =	vld [tilespmem:$0x4400];
	v27 =	vadd.f32 v36, v27;
	v28 =	vadd.f32 v60, v28;
	v36 =	vmul.f32 v50, v26  }
0x289: {  	(xrf2) =	vadd.scan.msk.f32 $0xffff, v11;
	v45 =	vld [tilespmem:$0x4410];
	v43 =	vadd.f32 v15, v62;
	v60 =	vmul.f32 v38, v2;
	v5 =	vadd.f32 v14, v5  }
0x28a: {  	(xrf2) =	vadd.scan.msk.f32 $0xffff, v22;
	v50 =	vld [tilespmem:$0x4480];
	v61 =	vmul.f32 v40, v1;
	v14 =	vadd.f32 v59, v58;
	v22 =	vadd.f32 v63, v27  }
0x28b: {  	(xrf2) =	vadd.scan.msk.f32 $0xffff, v9;
	v62 =	vld [tilespmem:$0x4510];
	v51 =	vadd.f32 v36, v28;
	v11 =	vadd.f32 v49, v43;
	v36 =	vmul.f32 v48, v2  }
0x28c: {  	(xrf2) =	vadd.scan.msk.f32 $0xffff, v0;
	v59 =	vld [tilespmem:$0x4500];
	v6 =	vmul.f32 v6, v3;
	v56 =	vmul.f32 v32, v41;
	v5 =	vadd.f32 v55, v5  }
0x28d: {  	(xrf2) =	vadd.scan.msk.f32 $0xffff, v12;
	v48 =	vld [tilespmem:$0x4520];
	v31 =	vmul.f32 v19, v1;
	v14 =	vadd.f32 v16, v14;
	v0 =	vadd.f32 v52, v51  }
0x28e: {  	(xrf2) =	vadd.scan.msk.f32 $0xffff, v8;
	v55 =	vld [tilespmem:$0x44A0];
	v11 =	vadd.f32 v54, v11;
	v58 =	vmul.f32 v46, v41;
	v38 =	vmul.f32 v39, v1  }
0x28f: {  	(xrf2) =	vadd.scan.msk.f32 $0xffff, v10;
	v43 =	vld [tilespmem:$0x4590];
	v6 =	vadd.f32 v56, v6;
	v40 =	vmul.f32 v37, v3;
	v42 =	vmul.f32 v45, v41  }
0x290: {  	(xrf2) =	vadd.scan.msk.f32 $0xffff, v24;
	v39 =	vld [tilespmem:$0x4580];
	v46 =	vmul.f32 v50, v3;
	v50 =	vmul.f32 v18, v2;
	v9 =	vadd.f32 v47, v14  }
0x291: {  	v44, _, _ =	vpop (xrf2);
	v35 =	vld [tilespmem:$0x4430];
	(xrf2) =	vadd.scan.msk.f32 $0xffff, v4;
	v47 =	vmul.f32 v53, v41;
	v63 =	vadd.f32 v58, v57;
	v6 =	vadd.f32 v60, v6  }
0x292: {  	v49, _, _ =	vpop (xrf2);
	(xrf2) =	vadd.scan.msk.f32 $0xffff, v23;
	v51 =	vld [tilespmem:$0x45A0];
	v8 =	vadd.f32 v42, v40;
	v57 =	vmul.f32 v59, v3;
	v58 =	vmul.f32 v62, v41  }
0x293: {  	v52, _, _ =	vpop (xrf2);
	(xrf2) =	vadd.scan.msk.f32 $0xffff, v5;
	v28 =	vmul.f32 v48, v2;
	v53 =	vadd.f32 v47, v46;
	v54 =	vmul.f32 v55, v2;
	v55 =	vld [tilespmem:$0x4530]  }
0x294: {  	v56, _, _ =	vpop (xrf2);
	(xrf2) =	vadd.scan.msk.f32 $0xffff, v22;
	v59 =	vld [tilespmem:$0x45B0];
	v40 =	vbroadcast v49, $0xF;
	v45 =	vadd.f32 v36, v63;
	v6 =	vadd.f32 v61, v6  }
0x295: {  	v60, _, _ =	vpop (xrf2);
	(xrf2) =	vadd.scan.msk.f32 $0xffff, v9;
	v8 =	vadd.f32 v50, v8;
	v61 =	vmul.f32 v43, v41;
	v3 =	vmul.f32 v39, v3  }
0x296: {  	v62, _, _ =	vpop (xrf2);
	(xrf2) =	vadd.scan.msk.f32 $0xffff, v0;
	v63 =	vmul.f32 v35, v1;
	v15 =	vadd.f32 v58, v57;
	v4 =	vadd.f32 v38, v45  }
0x297: {  	v2 =	vmul.f32 v51, v2;
	v30, _, _ =	vpop (xrf2);
	(xrf2) =	vadd.scan.msk.f32 $0xffff, v11;
	v5 =	vadd.f32 v54, v53;
	v3 =	vadd.f32 v61, v3  }
0x298: {  	v33, _, _ =	vpop (xrf2);
	(xrf2) =	vadd.scan.msk.f32 $0xffff, v6;
	v0 =	vadd.f32 v63, v8;
	v34 =	vadd.f32 v28, v15;
	v35 =	vmul.f32 v55, v1  }
0x299: {  	v36, _, _ =	vpop (xrf2);
	(xrf2) =	vadd.scan.msk.f32 $0xffff, v4;
	v37 =	vadd.f32 v31, v5;
	v2 =	vadd.f32 v2, v3;
	v1 =	vmul.f32 v59, v1  }
0x29a: {  	v42 =	vbroadcast v52, $0xF;
	v43 =	vbroadcast v56, $0xF;
	v38, _, _ =	vpop (xrf2);
	(xrf2) =	vadd.scan.msk.f32 $0xffff, v0;
	v6 =	vadd.f32 v35, v34  }
0x29b: {  	v39 =	vbroadcast v44, $0xF;
	v46 =	vbroadcast v62, $0xF;
	v41, _, _ =	vpop (xrf2);
	(xrf2) =	vadd.scan.msk.f32 $0xffff, v37;
	v1 =	vadd.f32 v1, v2  }
0x29c: {  	v45 =	vbroadcast v60, $0xF;
	v49 =	vbroadcast v30, $0xF;
	v44, _, _ =	vpop (xrf2);
	(xrf2) =	vadd.scan.msk.f32 $0xffff, v6  }
0x29d: {  	v11 =	vbroadcast v33, $0xF;
	v5 =	vsel vm11, v17, v40;
	v4 =	vsel vm11, v7, v43;
	v47, _, _ =	vpop (xrf2);
	(xrf2) =	vadd.scan.msk.f32 $0xffff, v1  }
0x29e: {  	v7 =	vsel vm12, v25, v46;
	v12 =	vbroadcast v36, $0xF;
	v0 =	vsel vm11, v20, v39;
	v48, _, _ =	vpop (xrf2)  }
0x29f: {  	v3 =	vbroadcast v38, $0xF;
	v5 =	vsel vm12, v5, v11;
	v0 =	vsel vm12, v0, v49;
	v50, _, _ =	vpop (xrf2)  }
0x2a0: {  	v8 =	vbroadcast v41, $0xF;
	v2 =	vsel vm11, v21, v42;
	v9 =	vbroadcast v44, $0xF;
	v51, _, _ =	vpop (xrf2)  }
0x2a1: {  	v3 =	vsel vm12, v4, v3;
	v10 =	vbroadcast v47, $0xF;
	v2 =	vsel vm12, v2, v12;
	v52, _, _ =	vpop (xrf2)  }
0x2a2: {  	v6 =	vsel vm11, v13, v45;
	v54 =	vsel vm13, v7, v9;
	v1 =	vbroadcast v48, $0xF;
	v53, _, _ =	vpop (xrf2)  }
0x2a3: {  	v0 =	vsel vm13, v0, v10;
	v56 =	vbroadcast v50, $0xF;
	v4 =	vsel vm14, v54, v53;
	v55, _, _ =	vpop (xrf2)  }
0x2a4: {  	p0 =	sne.s32 s29, $0x1F0;
	v58 =	vbroadcast v51, $0xF;
	v1 =	vsel vm13, v5, v1;
	[tilespmem:s28+$0x0] =	vst v4;
	v57, _, _ =	vpop (xrf2);
	v0 =	vsel vm14, v0, v55  }
.Ltmp0:
0x2a5: {  	s30 =	sand.u32 $0x1F0, s29;
	v2 =	vsel vm13, v2, v56;
	v60 =	vbroadcast v52, $0xF;
	v59, _, _ =	vpop (xrf2);
	v1 =	vsel vm14, v1, v57;
	[tilespmem:s26+$0x0] =	vst v0;
	(pc) =	sbr.rel @p0 .LBB2_2-.Ltmp0, $4  }
0x2a6: {  	v6 =	vsel vm12, v6, v8;
	v3 =	vsel vm13, v3, v58;
	v2 =	vsel vm14, v2, v59;
	[tilespmem:s30+$0x4A00] =	vst v1;
	v61, _, _ =	vpop (xrf2)  }
0x2a7: {  	v62 =	vsel vm13, v6, v60;
	[tilespmem:s30+$0x4C00] =	vst v2;
	v0 =	vsel vm14, v3, v61;
	v63, _, _ =	vpop (xrf2)  }
0x2a8: {  	s25 =	sadd.s32 $0x10, s25;
	s29 =	sadd.s32 $0x10, s29;
	s23 =	sadd.s32 $0x10, s23;
	v1 =	vsel vm14, v62, v63;
	[tilespmem:s30+$0x4E00] =	vst v0  }
0x2a9: {  	s24 =	sadd.s32 $0x50, s24;
	s28 =	sadd.s32 $0x10, s28;
	s26 =	sadd.s32 $0x10, s26;
	[tilespmem:s30+$0x5000] =	vst v1  }
0x2aa: {  	[hbm4b:s8+s2] =	stream.linear.scatter [tilespmem:s20], [sflag:$0x4], $0x200, $0x38;
	[tilespmem:$0x5200] =	vst v63  }
0x2ab: {  	s22 =	sadd.s32 $0x1, s22;
	_ =	swait.ge [sflag:s11], $0x200  }
0x2ac: {  	p0 =	sne.s32 s22, s10;
	[sflag:s11] =	ssyncset.done $0x0  }
.Ltmp1:
0x2ad: {  	[sflag:s11] =	ssyncadd.s32 $0xFFFFFE00;
	(pc) =	sbr.rel @p0 .LBB2_1-.Ltmp1, $4  }
0x2ae: {  	[hbm4b:s9+s2] =	stream.linear.scatter [tilespmem:s21], [sflag:$0x4], $0xA00, $0x38;
	[tilespmem:$0x5200] =	vst v63  }
0x2af: {  	_ =	swait.ge [sflag:s11], $0xA00  }
0x2b0: {  	[sflag:s11] =	ssyncset.done $0x0  }
0x2b1: {  	[sflag:s11] =	ssyncadd.s32 $0xFFFFF600  }
0x2b2: {  	_ =	sfence.sel $0x180000  }
0x2b3: {  	[bflag:$0x0] =	sbarrier.arrive $0xFFFF  }
0x2b4: {  	p0 =	sne.s32 s1, $0x0;
	_ =	strace $0x90000047  }
0x2b5: {  	s0 =	sadd.s32 @!p0 $0x100000, s0;
	[bflag:$0x2] =	sbarrier.arrive $0xFFFF  }
0x2b6: {  	[sflag:s0] =	ssyncadd.tile.s32 @!p0 $0x1;
	_ =	shalt  }
.Lfunc_end2:
_tile_overlayer_lowered:
.L_overlay_start_2:
0x2b7: {  	(tag) =	ssettag $0x2  }
0x2b8: {  	s0 =	rddreg [dreg:$0x0];
	s2 =	stileid.u32  }
0x2b9: {  	s1 =	rddreg [dreg:$0x1];
	p0 =	sne.s32 s2, $0x0  }
0x2ba: {  	s3 =	rddreg [dreg:$0x2];
	[bflag:$0x3] =	sbarrier.arrive $0xFFFF;
	s2 =	simm.s32 @!p0 $0x1C04  }
0x2bb: {  	[timem:s3], [sflag:s2] =	dma.local @!p0 [hbm:s0], s1  }
0x2bc: {  	s0 =	simm.s32 @!p0 $0x4  }
0x2bd: {  	_ =	swait.ge @!p0 [sflag:s0], s1  }
0x2be: {  	s1 =	ssub.s32 @!p0 $0x0, s1;
	[sflag:s0] =	ssyncset.done @!p0 $0x0  }
0x2bf: {  	[sflag:s0] =	ssyncadd.s32 @!p0 s1  }
0x2c0: {  	[bflag:$0x3] =	sbarrier.arrive $0xFFFF  }
0x2c1: {  	_ =	shalt  }

</sc_bundles>
